<compile_context>
chip_gen: v7x
topology: tpu7x:2x2x1
jax: 0.10.2.dev20260603
libtpu: 0.0.44.dev20260713+nightly
codegen_flags: <defaults>
</compile_context>

<pallas_src>
import jax
import jax.numpy as jnp
from jax import lax
from jax.experimental import pallas as pl
from jax.experimental.pallas import tpu as pltpu
from jax.experimental.pallas import tpu_sc as plsc

N_ENV_ = 64
BUF_ = 2048
N_OBS_ = 128
N_ACT_ = 32
N_COBS_ = 160
BATCH_ = 1024

NC_, NS_ = 2, 16
NW_ = NC_ * NS_
EPW_ = N_ENV_ // NW_
RPW_ = EPW_ * BATCH_
CH_ = 64
NCHUNK_ = RPW_ // CH_
NPAIR_ = NCHUNK_ // 2
FB_ = 8
L_ = 16


def _row_steps(tables, idx_glob, obase, g0, g1, w0, w1):

    def gstart(c, s, sem, wait=False):
        idxr = idx_glob.at[pl.ds(c * CH_, CH_)]
        for (h, bufs, _) in tables:
            dsc = pltpu.make_async_copy(h.at[idxr], bufs[s], sem)
            dsc.wait() if wait else dsc.start()

    def wstart(c, s, sem, wait=False):
        for (_, bufs, o) in tables:
            r0 = pl.multiple_of(obase + c * CH_, CH_)
            dsc = pltpu.make_async_copy(bufs[s], o.at[pl.ds(r0, CH_)], sem)
            dsc.wait() if wait else dsc.start()

    def prologue():
        gstart(0, 0, g0)

    def pair(k):
        a, b = 2 * k, 2 * k + 1

        @pl.when(k >= 1)
        def _():
            wstart(b - 2, 1, w1, wait=True)

        gstart(b, 1, g1)
        gstart(a, 0, g0, wait=True)
        wstart(a, 0, w0)

        @pl.when(k < NPAIR_ - 1)
        def _():
            wstart(a, 0, w0, wait=True)
            gstart(a + 2, 0, g0)

        gstart(b, 1, g1, wait=True)
        wstart(b, 1, w1)

    def epilogue():
        wstart(NCHUNK_ - 2, 0, w0, wait=True)
        wstart(NCHUNK_ - 1, 1, w1, wait=True)

    return prologue, pair, epilogue


def _gather_block(st, ob, idx8, rowl):

    def g(gi, carry):
        for u in range(2):
            o = gi * 2 * L_ + u * L_
            iv = idx8[rowl, pl.ds(o, L_)]
            for row in range(FB_):
                rv = jnp.full((L_,), row, jnp.int32)
                ob[row, pl.ds(o, L_)] = plsc.load_gather(st, [rv, iv])
        return carry

    lax.fori_loop(0, BATCH_ // (2 * L_), g, 0)


def _t_pipe(tbl, out_t, d, wid, idx8, sts, obs_b, ts, tw,
            extra=None, extra_off=0, extra_n=0):
    nblk = d // FB_
    nb2 = 2 * nblk
    st0, st1 = sts
    ob0, ob1 = obs_b
    ts0, ts1 = ts
    tw0, tw1 = tw

    def src(k):
        env = k // nblk
        blk = k - env * nblk
        r0 = pl.multiple_of((2 * wid + env) * d + blk * FB_, FB_)
        return tbl.at[pl.ds(r0, FB_)]

    def dstref(k):
        env = k // nblk
        blk = k - env * nblk
        f0 = pl.multiple_of(blk * FB_, FB_)
        c0 = pl.multiple_of((2 * wid + env) * BATCH_, BATCH_)
        return out_t.at[pl.ds(f0, FB_), pl.ds(c0, BATCH_)]

    def rowl(k):
        return 2 * (wid % 4) + k // nblk

    pltpu.make_async_copy(src(0), st0, ts0).start()

    def pair(p, carry):
        a, b = 2 * p, 2 * p + 1
        pltpu.make_async_copy(src(b), st1, ts1).start()
        pltpu.make_async_copy(src(a), st0, ts0).wait()

        @pl.when(p >= 1)
        def _():
            pltpu.make_async_copy(ob0, dstref(a - 2), tw0).wait()

        _gather_block(st0, ob0, idx8, rowl(a))
        plsc.subcore_barrier()
        pltpu.make_async_copy(ob0, dstref(a), tw0).start()

        if extra is not None:
            @pl.when(p < extra_n)
            def _():
                extra(extra_off + p)

        @pl.when(p < nblk - 1)
        def _():
            pltpu.make_async_copy(src(a + 2), st0, ts0).start()

        pltpu.make_async_copy(src(b), st1, ts1).wait()

        @pl.when(p >= 1)
        def _():
            pltpu.make_async_copy(ob1, dstref(b - 2), tw1).wait()

        _gather_block(st1, ob1, idx8, rowl(b))
        plsc.subcore_barrier()
        pltpu.make_async_copy(ob1, dstref(b), tw1).start()
        return carry

    lax.fori_loop(0, nblk, pair, 0)
    pltpu.make_async_copy(ob0, dstref(nb2 - 2), tw0).wait()
    pltpu.make_async_copy(ob1, dstref(nb2 - 1), tw1).wait()


def _body(obs, nobs, acts_t, cobs_t, ncobs_t, rew2, dn2, tr2, idx2,
          obs_o, nobs_o, acts_ot, cobs_ot, ncobs_ot, rew_o, dn_o, tr_o,
          idx8, idx_glob, int_st, rew_ob, dn_ob,
          st0, st1, ob0, ob1, ga0, ga1, gb0, gb1,
          g0, g1, w0, w1, ts0, ts1, tw0, tw1):
    wid = lax.axis_index("s") * NC_ + lax.axis_index("c")
    obase = wid * RPW_
    grp = pl.multiple_of((wid // 4) * 8, 8)

    pltpu.sync_copy(idx2.at[pl.ds(grp, 8)], idx8)
    pltpu.sync_copy(rew2.at[pl.ds(grp, 8)], st0)
    pltpu.sync_copy(dn2.at[pl.ds(grp, 8)], int_st)

    def scal(g, carry):
        e = g // (BATCH_ // L_)
        gp = g - e * (BATCH_ // L_)
        rowl = 2 * (wid % 4) + e
        rv = jnp.full((L_,), rowl, jnp.int32)
        iv = idx8[rowl, pl.ds(gp * L_, L_)]
        idx_glob[pl.ds(g * L_, L_)] = iv + (2 * wid + e) * BUF_
        rew_ob[pl.ds(g * L_, L_)] = plsc.load_gather(st0, [rv, iv])
        dn_ob[pl.ds(g * L_, L_)] = plsc.load_gather(int_st, [rv, iv])
        return carry

    lax.fori_loop(0, RPW_ // L_, scal, 0)
    plsc.subcore_barrier()
    pltpu.sync_copy(rew_ob, rew_o.at[pl.ds(obase, RPW_)])
    pltpu.sync_copy(dn_ob, dn_o.at[pl.ds(obase, RPW_)])

    pltpu.sync_copy(tr2.at[pl.ds(grp, 8)], int_st)

    def scal2(g, carry):
        e = g // (BATCH_ // L_)
        gp = g - e * (BATCH_ // L_)
        rowl = 2 * (wid % 4) + e
        rv = jnp.full((L_,), rowl, jnp.int32)
        iv = idx8[rowl, pl.ds(gp * L_, L_)]
        dn_ob[pl.ds(g * L_, L_)] = plsc.load_gather(int_st, [rv, iv])
        return carry

    lax.fori_loop(0, RPW_ // L_, scal2, 0)
    plsc.subcore_barrier()
    pltpu.sync_copy(dn_ob, tr_o.at[pl.ds(obase, RPW_)])

    rprologue, rpair, repilogue = _row_steps(
        ((obs, (ga0, ga1), obs_o), (nobs, (gb0, gb1), nobs_o)),
        idx_glob, obase, g0, g1, w0, w1)

    rprologue()
    _t_pipe(acts_t, acts_ot, N_ACT_, wid, idx8, (st0, st1), (ob0, ob1),
            (ts0, ts1), (tw0, tw1), extra=rpair, extra_off=0, extra_n=4)
    _t_pipe(cobs_t, cobs_ot, N_COBS_, wid, idx8, (st0, st1), (ob0, ob1),
            (ts0, ts1), (tw0, tw1), extra=rpair, extra_off=4,
            extra_n=NPAIR_ - 4)
    _t_pipe(ncobs_t, ncobs_ot, N_COBS_, wid, idx8, (st0, st1), (ob0, ob1),
            (ts0, ts1), (tw0, tw1))
    repilogue()


def kernel(observations, next_observations, actions, rewards, dones,
           truncations, critic_observations, next_critic_observations,
           indices):
    nb = N_ENV_ * BATCH_
    v = N_ENV_ * BUF_
    f32, i32 = jnp.float32, dones.dtype

    mesh = plsc.VectorSubcoreMesh(core_axis_name="c", subcore_axis_name="s",
                                  num_cores=NC_, num_subcores=NS_)
    params = pltpu.CompilerParams(needs_layout_passes=False,
                                  use_tc_tiling_on_sc=True)
    out_type = (
        jax.ShapeDtypeStruct((nb, N_OBS_), f32),
        jax.ShapeDtypeStruct((nb, N_OBS_), f32),
        jax.ShapeDtypeStruct((N_ACT_, nb), f32),
        jax.ShapeDtypeStruct((N_COBS_, nb), f32),
        jax.ShapeDtypeStruct((N_COBS_, nb), f32),
        jax.ShapeDtypeStruct((nb,), f32),
        jax.ShapeDtypeStruct((nb,), i32),
        jax.ShapeDtypeStruct((nb,), i32),
    )
    scratch = [
        pltpu.VMEM((8, BATCH_), jnp.int32),
        pltpu.VMEM((RPW_,), jnp.int32),
        pltpu.VMEM((8, BUF_), i32),
        pltpu.VMEM((RPW_,), f32),
        pltpu.VMEM((RPW_,), i32),
        pltpu.VMEM((FB_, BUF_), f32),
        pltpu.VMEM((FB_, BUF_), f32),
        pltpu.VMEM((FB_, BATCH_), f32),
        pltpu.VMEM((FB_, BATCH_), f32),
        pltpu.VMEM((CH_, N_OBS_), f32),
        pltpu.VMEM((CH_, N_OBS_), f32),
        pltpu.VMEM((CH_, N_OBS_), f32),
        pltpu.VMEM((CH_, N_OBS_), f32),
    ] + [pltpu.SemaphoreType.DMA] * 8

    run = pl.kernel(_body, out_type=out_type, mesh=mesh,
                    scratch_types=scratch, compiler_params=params)
    (obs_o, nobs_o, acts_ot, cobs_ot, ncobs_ot,
     rew_o, dn_o, tr_o) = run(
        observations.reshape(v, N_OBS_),
        next_observations.reshape(v, N_OBS_),
        actions.transpose(0, 2, 1).reshape(N_ENV_ * N_ACT_, BUF_),
        critic_observations.transpose(0, 2, 1).reshape(N_ENV_ * N_COBS_, BUF_),
        next_critic_observations.transpose(0, 2, 1).reshape(
            N_ENV_ * N_COBS_, BUF_),
        rewards, dones, truncations, indices)

    ens = jnp.ones((nb,), i32)
    return (obs_o, acts_ot.T, rew_o, dn_o, tr_o, ens,
            nobs_o, cobs_ot.T, ncobs_ot.T)

# --- scband reference (transcript-rebuilt; emitter-appended) ---
"""Pipeline reference for scband-simple-replay-buffer-85306640433721 (READ-ONLY COPY).

The authoritative reference and input builder live on the scoring server;
editing this copy changes nothing except your own understanding.
"""

import jax, jax.numpy as jnp
import numpy as np

N_ENV = 64
BUF = 2048
N_OBS = 128
N_ACT = 32
N_COBS = 160
BATCH = 1024


def setup_inputs(seed: int = 0) -> dict:
    key = jax.random.key(seed)
    ks = jax.random.split(key, 9)
    return {
        "observations": jax.random.normal(ks[0], (N_ENV, BUF, N_OBS), dtype=jnp.float32),
        "next_observations": jax.random.normal(ks[1], (N_ENV, BUF, N_OBS), dtype=jnp.float32),
        "actions": jax.random.normal(ks[2], (N_ENV, BUF, N_ACT), dtype=jnp.float32),
        "rewards": jax.random.normal(ks[3], (N_ENV, BUF), dtype=jnp.float32),
        "dones": jax.random.randint(ks[4], (N_ENV, BUF), 0, 2),
        "truncations": jax.random.randint(ks[5], (N_ENV, BUF), 0, 2),
        "critic_observations": jax.random.normal(ks[6], (N_ENV, BUF, N_COBS), dtype=jnp.float32),
        "next_critic_observations": jax.random.normal(ks[7], (N_ENV, BUF, N_COBS), dtype=jnp.float32),
        "indices": jax.random.randint(ks[8], (N_ENV, BATCH), 0, BUF),
    }


def _gather_feat(buf, idx):
    # buf: [n_env, buffer_size, d], idx: [n_env, batch] -> [n_env, batch, d]
    idxb = jnp.broadcast_to(idx[:, :, None], idx.shape + (buf.shape[-1],))
    return jnp.take_along_axis(buf, idxb, axis=1)


def reference(observations, next_observations, actions, rewards, dones, truncations,
              critic_observations, next_critic_observations, indices):
    # Faithful port of SimpleReplayBuffer.sample with n_steps == 1 (buffer full).
    n_env, batch = indices.shape
    nb = n_env * batch
    obs = _gather_feat(observations, indices).reshape(nb, -1)
    next_obs = _gather_feat(next_observations, indices).reshape(nb, -1)
    acts = _gather_feat(actions, indices).reshape(nb, -1)
    rew = jnp.take_along_axis(rewards, indices, axis=1).reshape(nb)
    dn = jnp.take_along_axis(dones, indices, axis=1).reshape(nb)
    tr = jnp.take_along_axis(truncations, indices, axis=1).reshape(nb)
    effective_n_steps = jnp.ones_like(dn)
    cobs = _gather_feat(critic_observations, indices).reshape(nb, -1)
    next_cobs = _gather_feat(next_critic_observations, indices).reshape(nb, -1)
    return (obs, acts, rew, dn, tr, effective_n_steps, next_obs, cobs, next_cobs)

if __name__ == "__main__":
    import jax
    _d = setup_inputs()
    print(jax.jit(kernel)(*tuple(_d.values())))

</pallas_src>

<mosaic_0001>
#map = affine_map<(d0, d1) -> (0, 0)>
#map1 = affine_map<(d0, d1) -> (0)>
module attributes {stable_mosaic.version = 14 : i64} {
  func.func @_body(%arg0: i32, %arg1: i32, %arg2: memref<131072x128xf32, #tpu.memory_space<hbm>>, %arg3: memref<131072x128xf32, #tpu.memory_space<hbm>>, %arg4: memref<2048x2048xf32, #tpu.memory_space<hbm>>, %arg5: memref<10240x2048xf32, #tpu.memory_space<hbm>>, %arg6: memref<10240x2048xf32, #tpu.memory_space<hbm>>, %arg7: memref<64x2048xf32, #tpu.memory_space<hbm>>, %arg8: memref<64x2048xi32, #tpu.memory_space<hbm>>, %arg9: memref<64x2048xi32, #tpu.memory_space<hbm>>, %arg10: memref<64x1024xi32, #tpu.memory_space<hbm>>, %arg11: memref<65536x128xf32, #tpu.memory_space<hbm>>, %arg12: memref<65536x128xf32, #tpu.memory_space<hbm>>, %arg13: memref<32x65536xf32, #tpu.memory_space<hbm>>, %arg14: memref<160x65536xf32, #tpu.memory_space<hbm>>, %arg15: memref<160x65536xf32, #tpu.memory_space<hbm>>, %arg16: memref<65536xf32, #tpu.memory_space<hbm>>, %arg17: memref<65536xi32, #tpu.memory_space<hbm>>, %arg18: memref<65536xi32, #tpu.memory_space<hbm>>, %arg19: memref<8x1024xi32, #tpu.memory_space<vmem>>, %arg20: memref<2048xi32, #tpu.memory_space<vmem>>, %arg21: memref<8x2048xi32, #tpu.memory_space<vmem>>, %arg22: memref<2048xf32, #tpu.memory_space<vmem>>, %arg23: memref<2048xi32, #tpu.memory_space<vmem>>, %arg24: memref<8x2048xf32, #tpu.memory_space<vmem>>, %arg25: memref<8x2048xf32, #tpu.memory_space<vmem>>, %arg26: memref<8x1024xf32, #tpu.memory_space<vmem>>, %arg27: memref<8x1024xf32, #tpu.memory_space<vmem>>, %arg28: memref<64x128xf32, #tpu.memory_space<vmem>>, %arg29: memref<64x128xf32, #tpu.memory_space<vmem>>, %arg30: memref<64x128xf32, #tpu.memory_space<vmem>>, %arg31: memref<64x128xf32, #tpu.memory_space<vmem>>, %arg32: memref<!tpu.dma_semaphore, #tpu.memory_space<semaphore_mem>>, %arg33: memref<!tpu.dma_semaphore, #tpu.memory_space<semaphore_mem>>, %arg34: memref<!tpu.dma_semaphore, #tpu.memory_space<semaphore_mem>>, %arg35: memref<!tpu.dma_semaphore, #tpu.memory_space<semaphore_mem>>, %arg36: memref<!tpu.dma_semaphore, #tpu.memory_space<semaphore_mem>>, %arg37: memref<!tpu.dma_semaphore, #tpu.memory_space<semaphore_mem>>, %arg38: memref<!tpu.dma_semaphore, #tpu.memory_space<semaphore_mem>>, %arg39: memref<!tpu.dma_semaphore, #tpu.memory_space<semaphore_mem>>) attributes {dimension_semantics = [#tpu.dimension_semantics<core_parallel>, #tpu.dimension_semantics<subcore_parallel>], iteration_bounds = array<i64: 2, 16>, scalar_prefetch = 0 : i64, scratch_operands = 21 : i64, tpu.core_type = #tpu.core_type<sc_vector_subcore>, window_params = [{transform_indices = #map}, {transform_indices = #map}, {transform_indices = #map}, {transform_indices = #map}, {transform_indices = #map}, {transform_indices = #map}, {transform_indices = #map}, {transform_indices = #map}, {transform_indices = #map}, {transform_indices = #map}, {transform_indices = #map}, {transform_indices = #map}, {transform_indices = #map}, {transform_indices = #map}, {transform_indices = #map1}, {transform_indices = #map1}, {transform_indices = #map1}]} {
    %mul3A = arith.constant 2 : i32
    %mul3A_0 = arith.muli %arg1, %mul3A : i32
    %add3A = arith.addi %mul3A_0, %arg0 : i32
    %mul3A_1 = arith.constant 2048 : i32
    %mul3A_2 = arith.muli %add3A, %mul3A_1 : i32
    %jit3A = arith.constant 4 : i32
    %div3A = arith.divsi %add3A, %jit3A : i32
    %sign3A = arith.constant 0 : i32
    %sign3A_3 = arith.cmpi sgt, %add3A, %sign3A : i32
    %sign3A_4 = arith.extui %sign3A_3 : i1 to i32
    %sign3A_5 = arith.constant 0 : i32
    %sign3A_6 = arith.cmpi slt, %add3A, %sign3A_5 : i32
    %sign3A_7 = arith.extui %sign3A_6 : i1 to i32
    %sign3A_8 = arith.subi %sign3A_4, %sign3A_7 : i32
    %sign3A_9 = arith.constant 0 : i32
    %sign3A_10 = arith.cmpi sgt, %jit3A, %sign3A_9 : i32
    %sign3A_11 = arith.extui %sign3A_10 : i1 to i32
    %sign3A_12 = arith.constant 0 : i32
    %sign3A_13 = arith.cmpi slt, %jit3A, %sign3A_12 : i32
    %sign3A_14 = arith.extui %sign3A_13 : i1 to i32
    %sign3A_15 = arith.subi %sign3A_11, %sign3A_14 : i32
    %ne3A = arith.cmpi ne, %sign3A_8, %sign3A_15 : i32
    %rem3A = arith.remsi %add3A, %jit3A : i32
    %ne3A_16 = arith.constant 0 : i32
    %ne3A_17 = arith.cmpi ne, %rem3A, %ne3A_16 : i32
    %and3A = arith.andi %ne3A, %ne3A_17 : i1
    %sub3A = arith.constant 1 : i32
    %sub3A_18 = arith.subi %div3A, %sub3A : i32
    %select_n3A = arith.select %and3A, %sub3A_18, %div3A : i32
    %mul3A_19 = arith.constant 8 : i32
    %mul3A_20 = arith.muli %select_n3A, %mul3A_19 : i32
    %multiple_of3A = tpu.assume_multiple %mul3A_20, 8 : i32
    "tpu.region"() ({
      %run_scoped3A = tpu.sem_alloc : memref<!tpu.dma_semaphore, #tpu.memory_space<semaphore_mem>>
      %dma_start3A_192 = arith.constant 0 : i32
      %dma_start3A_193 = tpu.memref_slice %arg10[%multiple_of3A, %dma_start3A_192] : memref<64x1024xi32, #tpu.memory_space<hbm>> -> memref<8x1024xi32, #tpu.memory_space<hbm>>
      %dma_start3A_194 = arith.constant 0 : i32
      %dma_start3A_195 = tpu.memref_slice %arg10[%multiple_of3A, %dma_start3A_194] : memref<64x1024xi32, #tpu.memory_space<hbm>> -> memref<8x1024xi32, #tpu.memory_space<hbm>>
      tpu.enqueue_dma source(%dma_start3A_195 : memref<8x1024xi32, #tpu.memory_space<hbm>>) target(%arg19 : memref<8x1024xi32, #tpu.memory_space<vmem>>) target_semaphore(%run_scoped3A : memref<!tpu.dma_semaphore, #tpu.memory_space<semaphore_mem>>)
      %dma_wait3A_196 = arith.constant 0 : i32
      %dma_wait3A_197 = tpu.memref_slice %arg10[%multiple_of3A, %dma_wait3A_196] : memref<64x1024xi32, #tpu.memory_space<hbm>> -> memref<8x1024xi32, #tpu.memory_space<hbm>>
      %dma_wait3A_198 = arith.constant 0 : i32
      %dma_wait3A_199 = tpu.memref_slice %arg10[%multiple_of3A, %dma_wait3A_198] : memref<64x1024xi32, #tpu.memory_space<hbm>> -> memref<8x1024xi32, #tpu.memory_space<hbm>>
      tpu.wait_dma2 semaphore(%run_scoped3A : memref<!tpu.dma_semaphore, #tpu.memory_space<semaphore_mem>>) src(%dma_wait3A_199 : memref<8x1024xi32, #tpu.memory_space<hbm>>) dst(%arg19 : memref<8x1024xi32, #tpu.memory_space<vmem>>)
      tpu.yield
    }) : () -> ()
    "tpu.region"() ({
      %run_scoped3A = tpu.sem_alloc : memref<!tpu.dma_semaphore, #tpu.memory_space<semaphore_mem>>
      %dma_start3A_192 = arith.constant 0 : i32
      %dma_start3A_193 = tpu.memref_slice %arg7[%multiple_of3A, %dma_start3A_192] : memref<64x2048xf32, #tpu.memory_space<hbm>> -> memref<8x2048xf32, #tpu.memory_space<hbm>>
      %dma_start3A_194 = arith.constant 0 : i32
      %dma_start3A_195 = tpu.memref_slice %arg7[%multiple_of3A, %dma_start3A_194] : memref<64x2048xf32, #tpu.memory_space<hbm>> -> memref<8x2048xf32, #tpu.memory_space<hbm>>
      tpu.enqueue_dma source(%dma_start3A_195 : memref<8x2048xf32, #tpu.memory_space<hbm>>) target(%arg24 : memref<8x2048xf32, #tpu.memory_space<vmem>>) target_semaphore(%run_scoped3A : memref<!tpu.dma_semaphore, #tpu.memory_space<semaphore_mem>>)
      %dma_wait3A_196 = arith.constant 0 : i32
      %dma_wait3A_197 = tpu.memref_slice %arg7[%multiple_of3A, %dma_wait3A_196] : memref<64x2048xf32, #tpu.memory_space<hbm>> -> memref<8x2048xf32, #tpu.memory_space<hbm>>
      %dma_wait3A_198 = arith.constant 0 : i32
      %dma_wait3A_199 = tpu.memref_slice %arg7[%multiple_of3A, %dma_wait3A_198] : memref<64x2048xf32, #tpu.memory_space<hbm>> -> memref<8x2048xf32, #tpu.memory_space<hbm>>
      tpu.wait_dma2 semaphore(%run_scoped3A : memref<!tpu.dma_semaphore, #tpu.memory_space<semaphore_mem>>) src(%dma_wait3A_199 : memref<8x2048xf32, #tpu.memory_space<hbm>>) dst(%arg24 : memref<8x2048xf32, #tpu.memory_space<vmem>>)
      tpu.yield
    }) : () -> ()
    "tpu.region"() ({
      %run_scoped3A = tpu.sem_alloc : memref<!tpu.dma_semaphore, #tpu.memory_space<semaphore_mem>>
      %dma_start3A_192 = arith.constant 0 : i32
      %dma_start3A_193 = tpu.memref_slice %arg8[%multiple_of3A, %dma_start3A_192] : memref<64x2048xi32, #tpu.memory_space<hbm>> -> memref<8x2048xi32, #tpu.memory_space<hbm>>
      %dma_start3A_194 = arith.constant 0 : i32
      %dma_start3A_195 = tpu.memref_slice %arg8[%multiple_of3A, %dma_start3A_194] : memref<64x2048xi32, #tpu.memory_space<hbm>> -> memref<8x2048xi32, #tpu.memory_space<hbm>>
      tpu.enqueue_dma source(%dma_start3A_195 : memref<8x2048xi32, #tpu.memory_space<hbm>>) target(%arg21 : memref<8x2048xi32, #tpu.memory_space<vmem>>) target_semaphore(%run_scoped3A : memref<!tpu.dma_semaphore, #tpu.memory_space<semaphore_mem>>)
      %dma_wait3A_196 = arith.constant 0 : i32
      %dma_wait3A_197 = tpu.memref_slice %arg8[%multiple_of3A, %dma_wait3A_196] : memref<64x2048xi32, #tpu.memory_space<hbm>> -> memref<8x2048xi32, #tpu.memory_space<hbm>>
      %dma_wait3A_198 = arith.constant 0 : i32
      %dma_wait3A_199 = tpu.memref_slice %arg8[%multiple_of3A, %dma_wait3A_198] : memref<64x2048xi32, #tpu.memory_space<hbm>> -> memref<8x2048xi32, #tpu.memory_space<hbm>>
      tpu.wait_dma2 semaphore(%run_scoped3A : memref<!tpu.dma_semaphore, #tpu.memory_space<semaphore_mem>>) src(%dma_wait3A_199 : memref<8x2048xi32, #tpu.memory_space<hbm>>) dst(%arg21 : memref<8x2048xi32, #tpu.memory_space<vmem>>)
      tpu.yield
    }) : () -> ()
    %scan3A = arith.constant 0 : i32
    %scan3A_21 = arith.constant 0 : i32
    %scan3A_22 = arith.constant 128 : i32
    %scan3A_23 = arith.addi %scan3A_21, %scan3A_22 : i32
    %scan3A_24 = arith.constant 1 : i32
    scf.for %scan3A_192 = %scan3A_21 to %scan3A_23 step %scan3A_24  : i32 {
      %jit3A_193 = arith.constant 64 : i32
      %div3A_194 = arith.divsi %scan3A_192, %jit3A_193 : i32
      %sign3A_195 = arith.constant 0 : i32
      %sign3A_196 = arith.cmpi sgt, %scan3A_192, %sign3A_195 : i32
      %sign3A_197 = arith.extui %sign3A_196 : i1 to i32
      %sign3A_198 = arith.constant 0 : i32
      %sign3A_199 = arith.cmpi slt, %scan3A_192, %sign3A_198 : i32
      %sign3A_200 = arith.extui %sign3A_199 : i1 to i32
      %sign3A_201 = arith.subi %sign3A_197, %sign3A_200 : i32
      %sign3A_202 = arith.constant 0 : i32
      %sign3A_203 = arith.cmpi sgt, %jit3A_193, %sign3A_202 : i32
      %sign3A_204 = arith.extui %sign3A_203 : i1 to i32
      %sign3A_205 = arith.constant 0 : i32
      %sign3A_206 = arith.cmpi slt, %jit3A_193, %sign3A_205 : i32
      %sign3A_207 = arith.extui %sign3A_206 : i1 to i32
      %sign3A_208 = arith.subi %sign3A_204, %sign3A_207 : i32
      %ne3A_209 = arith.cmpi ne, %sign3A_201, %sign3A_208 : i32
      %rem3A_210 = arith.remsi %scan3A_192, %jit3A_193 : i32
      %ne3A_211 = arith.constant 0 : i32
      %ne3A_212 = arith.cmpi ne, %rem3A_210, %ne3A_211 : i32
      %and3A_213 = arith.andi %ne3A_209, %ne3A_212 : i1
      %sub3A_214 = arith.constant 1 : i32
      %sub3A_215 = arith.subi %div3A_194, %sub3A_214 : i32
      %select_n3A_216 = arith.select %and3A_213, %sub3A_215, %div3A_194 : i32
      %mul3A_217 = arith.constant 64 : i32
      %mul3A_218 = arith.muli %select_n3A_216, %mul3A_217 : i32
      %sub3A_219 = arith.subi %scan3A_192, %mul3A_218 : i32
      %jit3A_220 = arith.constant 4 : i32
      %eq3A = arith.constant 0 : i32
      %eq3A_221 = arith.cmpi eq, %jit3A_220, %eq3A : i32
      %jit3A_222 = arith.constant 1 : i32
      %select_n3A_223 = arith.select %eq3A_221, %jit3A_222, %jit3A_220 : i32
      %rem3A_224 = arith.remsi %add3A, %select_n3A_223 : i32
      %ne3A_225 = arith.constant 0 : i32
      %ne3A_226 = arith.cmpi ne, %rem3A_224, %ne3A_225 : i32
      %lt3A = arith.constant 0 : i32
      %lt3A_227 = arith.cmpi slt, %rem3A_224, %lt3A : i32
      %lt3A_228 = arith.constant 0 : i32
      %lt3A_229 = arith.cmpi slt, %select_n3A_223, %lt3A_228 : i32
      %ne3A_230 = arith.xori %lt3A_227, %lt3A_229 : i1
      %and3A_231 = arith.andi %ne3A_230, %ne3A_226 : i1
      %add3A_232 = arith.addi %rem3A_224, %select_n3A_223 : i32
      %select_n3A_233 = arith.select %and3A_231, %add3A_232, %rem3A_224 : i32
      %mul3A_234 = arith.constant 2 : i32
      %mul3A_235 = arith.muli %mul3A_234, %select_n3A_233 : i32
      %add3A_236 = arith.addi %mul3A_235, %select_n3A_216 : i32
      %broadcast_in_dim3A = vector.broadcast %add3A_236 : i32 to vector<16xi32>
      %mul3A_237 = arith.constant 16 : i32
      %mul3A_238 = arith.muli %sub3A_219, %mul3A_237 : i32
      %get3A = arith.index_cast %add3A_236 : i32 to index
      %get3A_239 = arith.index_cast %mul3A_238 : i32 to index
      %get3A_240 = tpu.vector_load %arg19[%get3A, %get3A_239] {strides = array<i32>} : memref<8x1024xi32, #tpu.memory_space<vmem>>, vector<16xi32>,
      %mul3A_241 = arith.constant 2 : i32
      %mul3A_242 = arith.muli %mul3A_241, %add3A : i32
      %add3A_243 = arith.addi %mul3A_242, %select_n3A_216 : i32
      %mul3A_244 = arith.constant 2048 : i32
      %mul3A_245 = arith.muli %add3A_243, %mul3A_244 : i32
      %add3A_246 = vector.broadcast %mul3A_245 : i32 to vector<16xi32>
      %add3A_247 = arith.addi %get3A_240, %add3A_246 : vector<16xi32>
      %mul3A_248 = arith.constant 16 : i32
      %mul3A_249 = arith.muli %scan3A_192, %mul3A_248 : i32
      %swap3A = arith.index_cast %mul3A_249 : i32 to index
      %swap3A_250 = tpu.vector_load %arg20[%swap3A] {strides = array<i32>} : memref<2048xi32, #tpu.memory_space<vmem>>, vector<16xi32>,
      tpu.vector_store %arg20[%swap3A], %add3A_247 {strides = array<i32>} : memref<2048xi32, #tpu.memory_space<vmem>>, vector<16xi32>,
      %gather3A = tpu.vector_load_idx %arg24[%broadcast_in_dim3A, %get3A_240] : memref<8x2048xf32, #tpu.memory_space<vmem>>[vector<16xi32>, vector<16xi32>], vector<16xf32>,
      %mul3A_251 = arith.constant 16 : i32
      %mul3A_252 = arith.muli %scan3A_192, %mul3A_251 : i32
      %swap3A_253 = arith.index_cast %mul3A_252 : i32 to index
      %swap3A_254 = tpu.vector_load %arg22[%swap3A_253] {strides = array<i32>} : memref<2048xf32, #tpu.memory_space<vmem>>, vector<16xf32>,
      tpu.vector_store %arg22[%swap3A_253], %gather3A {strides = array<i32>} : memref<2048xf32, #tpu.memory_space<vmem>>, vector<16xf32>,
      %gather3A_255 = tpu.vector_load_idx %arg21[%broadcast_in_dim3A, %get3A_240] : memref<8x2048xi32, #tpu.memory_space<vmem>>[vector<16xi32>, vector<16xi32>], vector<16xi32>,
      %mul3A_256 = arith.constant 16 : i32
      %mul3A_257 = arith.muli %scan3A_192, %mul3A_256 : i32
      %swap3A_258 = arith.index_cast %mul3A_257 : i32 to index
      %swap3A_259 = tpu.vector_load %arg23[%swap3A_258] {strides = array<i32>} : memref<2048xi32, #tpu.memory_space<vmem>>, vector<16xi32>,
      tpu.vector_store %arg23[%swap3A_258], %gather3A_255 {strides = array<i32>} : memref<2048xi32, #tpu.memory_space<vmem>>, vector<16xi32>,
    }
    %scan3A_25 = arith.constant 128 : i32
    %barrier3A = arith.constant 0 : index
    tpu.barrier barrier_id(%barrier3A)
    "tpu.region"() ({
      %run_scoped3A = tpu.sem_alloc : memref<!tpu.dma_semaphore, #tpu.memory_space<semaphore_mem>>
      %dma_start3A_192 = tpu.memref_slice %arg16[%mul3A_2] : memref<65536xf32, #tpu.memory_space<hbm>> -> memref<2048xf32, #tpu.memory_space<hbm>>
      %dma_start3A_193 = tpu.memref_slice %arg16[%mul3A_2] : memref<65536xf32, #tpu.memory_space<hbm>> -> memref<2048xf32, #tpu.memory_space<hbm>>
      tpu.enqueue_dma source(%arg22 : memref<2048xf32, #tpu.memory_space<vmem>>) target(%dma_start3A_193 : memref<2048xf32, #tpu.memory_space<hbm>>) target_semaphore(%run_scoped3A : memref<!tpu.dma_semaphore, #tpu.memory_space<semaphore_mem>>)
      %dma_wait3A_194 = tpu.memref_slice %arg16[%mul3A_2] : memref<65536xf32, #tpu.memory_space<hbm>> -> memref<2048xf32, #tpu.memory_space<hbm>>
      %dma_wait3A_195 = tpu.memref_slice %arg16[%mul3A_2] : memref<65536xf32, #tpu.memory_space<hbm>> -> memref<2048xf32, #tpu.memory_space<hbm>>
      tpu.wait_dma2 semaphore(%run_scoped3A : memref<!tpu.dma_semaphore, #tpu.memory_space<semaphore_mem>>) src(%arg22 : memref<2048xf32, #tpu.memory_space<vmem>>) dst(%dma_wait3A_195 : memref<2048xf32, #tpu.memory_space<hbm>>)
      tpu.yield
    }) : () -> ()
    "tpu.region"() ({
      %run_scoped3A = tpu.sem_alloc : memref<!tpu.dma_semaphore, #tpu.memory_space<semaphore_mem>>
      %dma_start3A_192 = tpu.memref_slice %arg17[%mul3A_2] : memref<65536xi32, #tpu.memory_space<hbm>> -> memref<2048xi32, #tpu.memory_space<hbm>>
      %dma_start3A_193 = tpu.memref_slice %arg17[%mul3A_2] : memref<65536xi32, #tpu.memory_space<hbm>> -> memref<2048xi32, #tpu.memory_space<hbm>>
      tpu.enqueue_dma source(%arg23 : memref<2048xi32, #tpu.memory_space<vmem>>) target(%dma_start3A_193 : memref<2048xi32, #tpu.memory_space<hbm>>) target_semaphore(%run_scoped3A : memref<!tpu.dma_semaphore, #tpu.memory_space<semaphore_mem>>)
      %dma_wait3A_194 = tpu.memref_slice %arg17[%mul3A_2] : memref<65536xi32, #tpu.memory_space<hbm>> -> memref<2048xi32, #tpu.memory_space<hbm>>
      %dma_wait3A_195 = tpu.memref_slice %arg17[%mul3A_2] : memref<65536xi32, #tpu.memory_space<hbm>> -> memref<2048xi32, #tpu.memory_space<hbm>>
      tpu.wait_dma2 semaphore(%run_scoped3A : memref<!tpu.dma_semaphore, #tpu.memory_space<semaphore_mem>>) src(%arg23 : memref<2048xi32, #tpu.memory_space<vmem>>) dst(%dma_wait3A_195 : memref<2048xi32, #tpu.memory_space<hbm>>)
      tpu.yield
    }) : () -> ()
    "tpu.region"() ({
      %run_scoped3A = tpu.sem_alloc : memref<!tpu.dma_semaphore, #tpu.memory_space<semaphore_mem>>
      %dma_start3A_192 = arith.constant 0 : i32
      %dma_start3A_193 = tpu.memref_slice %arg9[%multiple_of3A, %dma_start3A_192] : memref<64x2048xi32, #tpu.memory_space<hbm>> -> memref<8x2048xi32, #tpu.memory_space<hbm>>
      %dma_start3A_194 = arith.constant 0 : i32
      %dma_start3A_195 = tpu.memref_slice %arg9[%multiple_of3A, %dma_start3A_194] : memref<64x2048xi32, #tpu.memory_space<hbm>> -> memref<8x2048xi32, #tpu.memory_space<hbm>>
      tpu.enqueue_dma source(%dma_start3A_195 : memref<8x2048xi32, #tpu.memory_space<hbm>>) target(%arg21 : memref<8x2048xi32, #tpu.memory_space<vmem>>) target_semaphore(%run_scoped3A : memref<!tpu.dma_semaphore, #tpu.memory_space<semaphore_mem>>)
      %dma_wait3A_196 = arith.constant 0 : i32
      %dma_wait3A_197 = tpu.memref_slice %arg9[%multiple_of3A, %dma_wait3A_196] : memref<64x2048xi32, #tpu.memory_space<hbm>> -> memref<8x2048xi32, #tpu.memory_space<hbm>>
      %dma_wait3A_198 = arith.constant 0 : i32
      %dma_wait3A_199 = tpu.memref_slice %arg9[%multiple_of3A, %dma_wait3A_198] : memref<64x2048xi32, #tpu.memory_space<hbm>> -> memref<8x2048xi32, #tpu.memory_space<hbm>>
      tpu.wait_dma2 semaphore(%run_scoped3A : memref<!tpu.dma_semaphore, #tpu.memory_space<semaphore_mem>>) src(%dma_wait3A_199 : memref<8x2048xi32, #tpu.memory_space<hbm>>) dst(%arg21 : memref<8x2048xi32, #tpu.memory_space<vmem>>)
      tpu.yield
    }) : () -> ()
    %scan3A_26 = arith.constant 0 : i32
    %scan3A_27 = arith.constant 0 : i32
    %scan3A_28 = arith.constant 128 : i32
    %scan3A_29 = arith.addi %scan3A_27, %scan3A_28 : i32
    %scan3A_30 = arith.constant 1 : i32
    scf.for %scan3A_192 = %scan3A_27 to %scan3A_29 step %scan3A_30  : i32 {
      %jit3A_193 = arith.constant 64 : i32
      %div3A_194 = arith.divsi %scan3A_192, %jit3A_193 : i32
      %sign3A_195 = arith.constant 0 : i32
      %sign3A_196 = arith.cmpi sgt, %scan3A_192, %sign3A_195 : i32
      %sign3A_197 = arith.extui %sign3A_196 : i1 to i32
      %sign3A_198 = arith.constant 0 : i32
      %sign3A_199 = arith.cmpi slt, %scan3A_192, %sign3A_198 : i32
      %sign3A_200 = arith.extui %sign3A_199 : i1 to i32
      %sign3A_201 = arith.subi %sign3A_197, %sign3A_200 : i32
      %sign3A_202 = arith.constant 0 : i32
      %sign3A_203 = arith.cmpi sgt, %jit3A_193, %sign3A_202 : i32
      %sign3A_204 = arith.extui %sign3A_203 : i1 to i32
      %sign3A_205 = arith.constant 0 : i32
      %sign3A_206 = arith.cmpi slt, %jit3A_193, %sign3A_205 : i32
      %sign3A_207 = arith.extui %sign3A_206 : i1 to i32
      %sign3A_208 = arith.subi %sign3A_204, %sign3A_207 : i32
      %ne3A_209 = arith.cmpi ne, %sign3A_201, %sign3A_208 : i32
      %rem3A_210 = arith.remsi %scan3A_192, %jit3A_193 : i32
      %ne3A_211 = arith.constant 0 : i32
      %ne3A_212 = arith.cmpi ne, %rem3A_210, %ne3A_211 : i32
      %and3A_213 = arith.andi %ne3A_209, %ne3A_212 : i1
      %sub3A_214 = arith.constant 1 : i32
      %sub3A_215 = arith.subi %div3A_194, %sub3A_214 : i32
      %select_n3A_216 = arith.select %and3A_213, %sub3A_215, %div3A_194 : i32
      %mul3A_217 = arith.constant 64 : i32
      %mul3A_218 = arith.muli %select_n3A_216, %mul3A_217 : i32
      %sub3A_219 = arith.subi %scan3A_192, %mul3A_218 : i32
      %jit3A_220 = arith.constant 4 : i32
      %eq3A = arith.constant 0 : i32
      %eq3A_221 = arith.cmpi eq, %jit3A_220, %eq3A : i32
      %jit3A_222 = arith.constant 1 : i32
      %select_n3A_223 = arith.select %eq3A_221, %jit3A_222, %jit3A_220 : i32
      %rem3A_224 = arith.remsi %add3A, %select_n3A_223 : i32
      %ne3A_225 = arith.constant 0 : i32
      %ne3A_226 = arith.cmpi ne, %rem3A_224, %ne3A_225 : i32
      %lt3A = arith.constant 0 : i32
      %lt3A_227 = arith.cmpi slt, %rem3A_224, %lt3A : i32
      %lt3A_228 = arith.constant 0 : i32
      %lt3A_229 = arith.cmpi slt, %select_n3A_223, %lt3A_228 : i32
      %ne3A_230 = arith.xori %lt3A_227, %lt3A_229 : i1
      %and3A_231 = arith.andi %ne3A_230, %ne3A_226 : i1
      %add3A_232 = arith.addi %rem3A_224, %select_n3A_223 : i32
      %select_n3A_233 = arith.select %and3A_231, %add3A_232, %rem3A_224 : i32
      %mul3A_234 = arith.constant 2 : i32
      %mul3A_235 = arith.muli %mul3A_234, %select_n3A_233 : i32
      %add3A_236 = arith.addi %mul3A_235, %select_n3A_216 : i32
      %broadcast_in_dim3A = vector.broadcast %add3A_236 : i32 to vector<16xi32>
      %mul3A_237 = arith.constant 16 : i32
      %mul3A_238 = arith.muli %sub3A_219, %mul3A_237 : i32
      %get3A = arith.index_cast %add3A_236 : i32 to index
      %get3A_239 = arith.index_cast %mul3A_238 : i32 to index
      %get3A_240 = tpu.vector_load %arg19[%get3A, %get3A_239] {strides = array<i32>} : memref<8x1024xi32, #tpu.memory_space<vmem>>, vector<16xi32>,
      %gather3A = tpu.vector_load_idx %arg21[%broadcast_in_dim3A, %get3A_240] : memref<8x2048xi32, #tpu.memory_space<vmem>>[vector<16xi32>, vector<16xi32>], vector<16xi32>,
      %mul3A_241 = arith.constant 16 : i32
      %mul3A_242 = arith.muli %scan3A_192, %mul3A_241 : i32
      %swap3A = arith.index_cast %mul3A_242 : i32 to index
      %swap3A_243 = tpu.vector_load %arg23[%swap3A] {strides = array<i32>} : memref<2048xi32, #tpu.memory_space<vmem>>, vector<16xi32>,
      tpu.vector_store %arg23[%swap3A], %gather3A {strides = array<i32>} : memref<2048xi32, #tpu.memory_space<vmem>>, vector<16xi32>,
    }
    %scan3A_31 = arith.constant 128 : i32
    %barrier3A_32 = arith.constant 0 : index
    tpu.barrier barrier_id(%barrier3A_32)
    "tpu.region"() ({
      %run_scoped3A = tpu.sem_alloc : memref<!tpu.dma_semaphore, #tpu.memory_space<semaphore_mem>>
      %dma_start3A_192 = tpu.memref_slice %arg18[%mul3A_2] : memref<65536xi32, #tpu.memory_space<hbm>> -> memref<2048xi32, #tpu.memory_space<hbm>>
      %dma_start3A_193 = tpu.memref_slice %arg18[%mul3A_2] : memref<65536xi32, #tpu.memory_space<hbm>> -> memref<2048xi32, #tpu.memory_space<hbm>>
      tpu.enqueue_dma source(%arg23 : memref<2048xi32, #tpu.memory_space<vmem>>) target(%dma_start3A_193 : memref<2048xi32, #tpu.memory_space<hbm>>) target_semaphore(%run_scoped3A : memref<!tpu.dma_semaphore, #tpu.memory_space<semaphore_mem>>)
      %dma_wait3A_194 = tpu.memref_slice %arg18[%mul3A_2] : memref<65536xi32, #tpu.memory_space<hbm>> -> memref<2048xi32, #tpu.memory_space<hbm>>
      %dma_wait3A_195 = tpu.memref_slice %arg18[%mul3A_2] : memref<65536xi32, #tpu.memory_space<hbm>> -> memref<2048xi32, #tpu.memory_space<hbm>>
      tpu.wait_dma2 semaphore(%run_scoped3A : memref<!tpu.dma_semaphore, #tpu.memory_space<semaphore_mem>>) src(%arg23 : memref<2048xi32, #tpu.memory_space<vmem>>) dst(%dma_wait3A_195 : memref<2048xi32, #tpu.memory_space<hbm>>)
      tpu.yield
    }) : () -> ()
    %dma_start3A = arith.constant 0 : i32
    %dma_start3A_33 = tpu.memref_slice %arg20[%dma_start3A] : memref<2048xi32, #tpu.memory_space<vmem>> -> memref<64xi32, #tpu.memory_space<vmem>>
    %dma_start3A_34 = arith.constant 0 : i32
    %dma_start3A_35 = arith.constant 0 : i32
    %dma_start3A_36 = tpu.memref_slice %arg2[%dma_start3A_34, %dma_start3A_35] : memref<131072x128xf32, #tpu.memory_space<hbm>> -> memref<131072x128xf32, #tpu.memory_space<hbm>>
    tpu.enqueue_indirect_dma source(%dma_start3A_36 : memref<131072x128xf32, #tpu.memory_space<hbm>>) target(%arg28 : memref<64x128xf32, #tpu.memory_space<vmem>>) offsets(%dma_start3A_33 : memref<64xi32, #tpu.memory_space<vmem>>) semaphore(%arg32 : memref<!tpu.dma_semaphore, #tpu.memory_space<semaphore_mem>>)
    %dma_start3A_37 = arith.constant 0 : i32
    %dma_start3A_38 = tpu.memref_slice %arg20[%dma_start3A_37] : memref<2048xi32, #tpu.memory_space<vmem>> -> memref<64xi32, #tpu.memory_space<vmem>>
    %dma_start3A_39 = arith.constant 0 : i32
    %dma_start3A_40 = arith.constant 0 : i32
    %dma_start3A_41 = tpu.memref_slice %arg3[%dma_start3A_39, %dma_start3A_40] : memref<131072x128xf32, #tpu.memory_space<hbm>> -> memref<131072x128xf32, #tpu.memory_space<hbm>>
    tpu.enqueue_indirect_dma source(%dma_start3A_41 : memref<131072x128xf32, #tpu.memory_space<hbm>>) target(%arg30 : memref<64x128xf32, #tpu.memory_space<vmem>>) offsets(%dma_start3A_38 : memref<64xi32, #tpu.memory_space<vmem>>) semaphore(%arg32 : memref<!tpu.dma_semaphore, #tpu.memory_space<semaphore_mem>>)
    %mul3A_42 = arith.constant 2 : i32
    %mul3A_43 = arith.muli %mul3A_42, %add3A : i32
    %add3A_44 = arith.constant 0 : i32
    %add3A_45 = arith.addi %mul3A_43, %add3A_44 : i32
    %mul3A_46 = arith.constant 32 : i32
    %mul3A_47 = arith.muli %add3A_45, %mul3A_46 : i32
    %add3A_48 = arith.constant 0 : i32
    %add3A_49 = arith.addi %mul3A_47, %add3A_48 : i32
    %multiple_of3A_50 = tpu.assume_multiple %add3A_49, 8 : i32
    %dma_start3A_51 = arith.constant 0 : i32
    %dma_start3A_52 = tpu.memref_slice %arg4[%multiple_of3A_50, %dma_start3A_51] : memref<2048x2048xf32, #tpu.memory_space<hbm>> -> memref<8x2048xf32, #tpu.memory_space<hbm>>
    %dma_start3A_53 = arith.constant 0 : i32
    %dma_start3A_54 = tpu.memref_slice %arg4[%multiple_of3A_50, %dma_start3A_53] : memref<2048x2048xf32, #tpu.memory_space<hbm>> -> memref<8x2048xf32, #tpu.memory_space<hbm>>
    tpu.enqueue_dma source(%dma_start3A_54 : memref<8x2048xf32, #tpu.memory_space<hbm>>) target(%arg24 : memref<8x2048xf32, #tpu.memory_space<vmem>>) target_semaphore(%arg36 : memref<!tpu.dma_semaphore, #tpu.memory_space<semaphore_mem>>)
    %scan3A_55 = arith.constant 0 : i32
    %scan3A_56 = arith.constant 0 : i32
    %scan3A_57 = arith.constant 4 : i32
    %scan3A_58 = arith.addi %scan3A_56, %scan3A_57 : i32
    %scan3A_59 = arith.constant 1 : i32
    scf.for %scan3A_192 = %scan3A_56 to %scan3A_58 step %scan3A_59  : i32 {
      %mul3A_193 = arith.constant 2 : i32
      %mul3A_194 = arith.muli %mul3A_193, %scan3A_192 : i32
      %mul3A_195 = arith.constant 2 : i32
      %mul3A_196 = arith.muli %mul3A_195, %scan3A_192 : i32
      %add3A_197 = arith.constant 1 : i32
      %add3A_198 = arith.addi %mul3A_196, %add3A_197 : i32
      %jit3A_199 = arith.constant 4 : i32
      %div3A_200 = arith.divsi %add3A_198, %jit3A_199 : i32
      %sign3A_201 = arith.constant 0 : i32
      %sign3A_202 = arith.cmpi sgt, %add3A_198, %sign3A_201 : i32
      %sign3A_203 = arith.extui %sign3A_202 : i1 to i32
      %sign3A_204 = arith.constant 0 : i32
      %sign3A_205 = arith.cmpi slt, %add3A_198, %sign3A_204 : i32
      %sign3A_206 = arith.extui %sign3A_205 : i1 to i32
      %sign3A_207 = arith.subi %sign3A_203, %sign3A_206 : i32
      %sign3A_208 = arith.constant 0 : i32
      %sign3A_209 = arith.cmpi sgt, %jit3A_199, %sign3A_208 : i32
      %sign3A_210 = arith.extui %sign3A_209 : i1 to i32
      %sign3A_211 = arith.constant 0 : i32
      %sign3A_212 = arith.cmpi slt, %jit3A_199, %sign3A_211 : i32
      %sign3A_213 = arith.extui %sign3A_212 : i1 to i32
      %sign3A_214 = arith.subi %sign3A_210, %sign3A_213 : i32
      %ne3A_215 = arith.cmpi ne, %sign3A_207, %sign3A_214 : i32
      %rem3A_216 = arith.remsi %add3A_198, %jit3A_199 : i32
      %ne3A_217 = arith.constant 0 : i32
      %ne3A_218 = arith.cmpi ne, %rem3A_216, %ne3A_217 : i32
      %and3A_219 = arith.andi %ne3A_215, %ne3A_218 : i1
      %sub3A_220 = arith.constant 1 : i32
      %sub3A_221 = arith.subi %div3A_200, %sub3A_220 : i32
      %select_n3A_222 = arith.select %and3A_219, %sub3A_221, %div3A_200 : i32
      %mul3A_223 = arith.constant 4 : i32
      %mul3A_224 = arith.muli %select_n3A_222, %mul3A_223 : i32
      %sub3A_225 = arith.subi %add3A_198, %mul3A_224 : i32
      %mul3A_226 = arith.constant 2 : i32
      %mul3A_227 = arith.muli %mul3A_226, %add3A : i32
      %add3A_228 = arith.addi %mul3A_227, %select_n3A_222 : i32
      %mul3A_229 = arith.constant 32 : i32
      %mul3A_230 = arith.muli %add3A_228, %mul3A_229 : i32
      %mul3A_231 = arith.constant 8 : i32
      %mul3A_232 = arith.muli %sub3A_225, %mul3A_231 : i32
      %add3A_233 = arith.addi %mul3A_230, %mul3A_232 : i32
      %multiple_of3A_234 = tpu.assume_multiple %add3A_233, 8 : i32
      %dma_start3A_235 = arith.constant 0 : i32
      %dma_start3A_236 = tpu.memref_slice %arg4[%multiple_of3A_234, %dma_start3A_235] : memref<2048x2048xf32, #tpu.memory_space<hbm>> -> memref<8x2048xf32, #tpu.memory_space<hbm>>
      %dma_start3A_237 = arith.constant 0 : i32
      %dma_start3A_238 = tpu.memref_slice %arg4[%multiple_of3A_234, %dma_start3A_237] : memref<2048x2048xf32, #tpu.memory_space<hbm>> -> memref<8x2048xf32, #tpu.memory_space<hbm>>
      tpu.enqueue_dma source(%dma_start3A_238 : memref<8x2048xf32, #tpu.memory_space<hbm>>) target(%arg25 : memref<8x2048xf32, #tpu.memory_space<vmem>>) target_semaphore(%arg37 : memref<!tpu.dma_semaphore, #tpu.memory_space<semaphore_mem>>)
      %jit3A_239 = arith.constant 4 : i32
      %div3A_240 = arith.divsi %mul3A_194, %jit3A_239 : i32
      %sign3A_241 = arith.constant 0 : i32
      %sign3A_242 = arith.cmpi sgt, %mul3A_194, %sign3A_241 : i32
      %sign3A_243 = arith.extui %sign3A_242 : i1 to i32
      %sign3A_244 = arith.constant 0 : i32
      %sign3A_245 = arith.cmpi slt, %mul3A_194, %sign3A_244 : i32
      %sign3A_246 = arith.extui %sign3A_245 : i1 to i32
      %sign3A_247 = arith.subi %sign3A_243, %sign3A_246 : i32
      %sign3A_248 = arith.constant 0 : i32
      %sign3A_249 = arith.cmpi sgt, %jit3A_239, %sign3A_248 : i32
      %sign3A_250 = arith.extui %sign3A_249 : i1 to i32
      %sign3A_251 = arith.constant 0 : i32
      %sign3A_252 = arith.cmpi slt, %jit3A_239, %sign3A_251 : i32
      %sign3A_253 = arith.extui %sign3A_252 : i1 to i32
      %sign3A_254 = arith.subi %sign3A_250, %sign3A_253 : i32
      %ne3A_255 = arith.cmpi ne, %sign3A_247, %sign3A_254 : i32
      %rem3A_256 = arith.remsi %mul3A_194, %jit3A_239 : i32
      %ne3A_257 = arith.constant 0 : i32
      %ne3A_258 = arith.cmpi ne, %rem3A_256, %ne3A_257 : i32
      %and3A_259 = arith.andi %ne3A_255, %ne3A_258 : i1
      %sub3A_260 = arith.constant 1 : i32
      %sub3A_261 = arith.subi %div3A_240, %sub3A_260 : i32
      %select_n3A_262 = arith.select %and3A_259, %sub3A_261, %div3A_240 : i32
      %mul3A_263 = arith.constant 4 : i32
      %mul3A_264 = arith.muli %select_n3A_262, %mul3A_263 : i32
      %sub3A_265 = arith.subi %mul3A_194, %mul3A_264 : i32
      %mul3A_266 = arith.constant 2 : i32
      %mul3A_267 = arith.muli %mul3A_266, %add3A : i32
      %add3A_268 = arith.addi %mul3A_267, %select_n3A_262 : i32
      %mul3A_269 = arith.constant 32 : i32
      %mul3A_270 = arith.muli %add3A_268, %mul3A_269 : i32
      %mul3A_271 = arith.constant 8 : i32
      %mul3A_272 = arith.muli %sub3A_265, %mul3A_271 : i32
      %add3A_273 = arith.addi %mul3A_270, %mul3A_272 : i32
      %multiple_of3A_274 = tpu.assume_multiple %add3A_273, 8 : i32
      %dma_wait3A_275 = arith.constant 0 : i32
      %dma_wait3A_276 = tpu.memref_slice %arg4[%multiple_of3A_274, %dma_wait3A_275] : memref<2048x2048xf32, #tpu.memory_space<hbm>> -> memref<8x2048xf32, #tpu.memory_space<hbm>>
      %dma_wait3A_277 = arith.constant 0 : i32
      %dma_wait3A_278 = tpu.memref_slice %arg4[%multiple_of3A_274, %dma_wait3A_277] : memref<2048x2048xf32, #tpu.memory_space<hbm>> -> memref<8x2048xf32, #tpu.memory_space<hbm>>
      tpu.wait_dma2 semaphore(%arg36 : memref<!tpu.dma_semaphore, #tpu.memory_space<semaphore_mem>>) src(%dma_wait3A_278 : memref<8x2048xf32, #tpu.memory_space<hbm>>) dst(%arg24 : memref<8x2048xf32, #tpu.memory_space<vmem>>)
      %ge3A = arith.constant 1 : i32
      %ge3A_279 = arith.cmpi sge, %scan3A_192, %ge3A : i32
      %convert_element_type3A = arith.extui %ge3A_279 : i1 to i32
      %cond3A = arith.constant 0 : i32
      %cond3A_280 = arith.cmpi ne, %convert_element_type3A, %cond3A : i32
      scf.if %cond3A_280 {
        %sub3A_510 = arith.constant 2 : i32
        %sub3A_511 = arith.subi %mul3A_194, %sub3A_510 : i32
        %jit3A_512 = arith.constant 4 : i32
        %div3A_513 = arith.divsi %sub3A_511, %jit3A_512 : i32
        %sign3A_514 = arith.constant 0 : i32
        %sign3A_515 = arith.cmpi sgt, %sub3A_511, %sign3A_514 : i32
        %sign3A_516 = arith.extui %sign3A_515 : i1 to i32
        %sign3A_517 = arith.constant 0 : i32
        %sign3A_518 = arith.cmpi slt, %sub3A_511, %sign3A_517 : i32
        %sign3A_519 = arith.extui %sign3A_518 : i1 to i32
        %sign3A_520 = arith.subi %sign3A_516, %sign3A_519 : i32
        %sign3A_521 = arith.constant 0 : i32
        %sign3A_522 = arith.cmpi sgt, %jit3A_512, %sign3A_521 : i32
        %sign3A_523 = arith.extui %sign3A_522 : i1 to i32
        %sign3A_524 = arith.constant 0 : i32
        %sign3A_525 = arith.cmpi slt, %jit3A_512, %sign3A_524 : i32
        %sign3A_526 = arith.extui %sign3A_525 : i1 to i32
        %sign3A_527 = arith.subi %sign3A_523, %sign3A_526 : i32
        %ne3A_528 = arith.cmpi ne, %sign3A_520, %sign3A_527 : i32
        %rem3A_529 = arith.remsi %sub3A_511, %jit3A_512 : i32
        %ne3A_530 = arith.constant 0 : i32
        %ne3A_531 = arith.cmpi ne, %rem3A_529, %ne3A_530 : i32
        %and3A_532 = arith.andi %ne3A_528, %ne3A_531 : i1
        %sub3A_533 = arith.constant 1 : i32
        %sub3A_534 = arith.subi %div3A_513, %sub3A_533 : i32
        %select_n3A_535 = arith.select %and3A_532, %sub3A_534, %div3A_513 : i32
        %mul3A_536 = arith.constant 4 : i32
        %mul3A_537 = arith.muli %select_n3A_535, %mul3A_536 : i32
        %sub3A_538 = arith.subi %sub3A_511, %mul3A_537 : i32
        %mul3A_539 = arith.constant 8 : i32
        %mul3A_540 = arith.muli %sub3A_538, %mul3A_539 : i32
        %multiple_of3A_541 = tpu.assume_multiple %mul3A_540, 8 : i32
        %mul3A_542 = arith.constant 2 : i32
        %mul3A_543 = arith.muli %mul3A_542, %add3A : i32
        %add3A_544 = arith.addi %mul3A_543, %select_n3A_535 : i32
        %mul3A_545 = arith.constant 1024 : i32
        %mul3A_546 = arith.muli %add3A_544, %mul3A_545 : i32
        %multiple_of3A_547 = tpu.assume_multiple %mul3A_546, 1024 : i32
        %dma_wait3A_548 = tpu.memref_slice %arg13[%multiple_of3A_541, %multiple_of3A_547] : memref<32x65536xf32, #tpu.memory_space<hbm>> -> memref<8x1024xf32, #tpu.memory_space<hbm>>
        %dma_wait3A_549 = tpu.memref_slice %arg13[%multiple_of3A_541, %multiple_of3A_547] : memref<32x65536xf32, #tpu.memory_space<hbm>> -> memref<8x1024xf32, #tpu.memory_space<hbm>>
        tpu.wait_dma2 semaphore(%arg38 : memref<!tpu.dma_semaphore, #tpu.memory_space<semaphore_mem>>) src(%arg26 : memref<8x1024xf32, #tpu.memory_space<vmem>>) dst(%dma_wait3A_549 : memref<8x1024xf32, #tpu.memory_space<hbm>>)
      } else {
      }
      %jit3A_281 = arith.constant 4 : i32
      %eq3A = arith.constant 0 : i32
      %eq3A_282 = arith.cmpi eq, %jit3A_281, %eq3A : i32
      %jit3A_283 = arith.constant 1 : i32
      %select_n3A_284 = arith.select %eq3A_282, %jit3A_283, %jit3A_281 : i32
      %rem3A_285 = arith.remsi %add3A, %select_n3A_284 : i32
      %ne3A_286 = arith.constant 0 : i32
      %ne3A_287 = arith.cmpi ne, %rem3A_285, %ne3A_286 : i32
      %lt3A = arith.constant 0 : i32
      %lt3A_288 = arith.cmpi slt, %rem3A_285, %lt3A : i32
      %lt3A_289 = arith.constant 0 : i32
      %lt3A_290 = arith.cmpi slt, %select_n3A_284, %lt3A_289 : i32
      %ne3A_291 = arith.xori %lt3A_288, %lt3A_290 : i1
      %and3A_292 = arith.andi %ne3A_291, %ne3A_287 : i1
      %add3A_293 = arith.addi %rem3A_285, %select_n3A_284 : i32
      %select_n3A_294 = arith.select %and3A_292, %add3A_293, %rem3A_285 : i32
      %mul3A_295 = arith.constant 2 : i32
      %mul3A_296 = arith.muli %mul3A_295, %select_n3A_294 : i32
      %jit3A_297 = arith.constant 4 : i32
      %div3A_298 = arith.divsi %mul3A_194, %jit3A_297 : i32
      %sign3A_299 = arith.constant 0 : i32
      %sign3A_300 = arith.cmpi sgt, %mul3A_194, %sign3A_299 : i32
      %sign3A_301 = arith.extui %sign3A_300 : i1 to i32
      %sign3A_302 = arith.constant 0 : i32
      %sign3A_303 = arith.cmpi slt, %mul3A_194, %sign3A_302 : i32
      %sign3A_304 = arith.extui %sign3A_303 : i1 to i32
      %sign3A_305 = arith.subi %sign3A_301, %sign3A_304 : i32
      %sign3A_306 = arith.constant 0 : i32
      %sign3A_307 = arith.cmpi sgt, %jit3A_297, %sign3A_306 : i32
      %sign3A_308 = arith.extui %sign3A_307 : i1 to i32
      %sign3A_309 = arith.constant 0 : i32
      %sign3A_310 = arith.cmpi slt, %jit3A_297, %sign3A_309 : i32
      %sign3A_311 = arith.extui %sign3A_310 : i1 to i32
      %sign3A_312 = arith.subi %sign3A_308, %sign3A_311 : i32
      %ne3A_313 = arith.cmpi ne, %sign3A_305, %sign3A_312 : i32
      %rem3A_314 = arith.remsi %mul3A_194, %jit3A_297 : i32
      %ne3A_315 = arith.constant 0 : i32
      %ne3A_316 = arith.cmpi ne, %rem3A_314, %ne3A_315 : i32
      %and3A_317 = arith.andi %ne3A_313, %ne3A_316 : i1
      %sub3A_318 = arith.constant 1 : i32
      %sub3A_319 = arith.subi %div3A_298, %sub3A_318 : i32
      %select_n3A_320 = arith.select %and3A_317, %sub3A_319, %div3A_298 : i32
      %add3A_321 = arith.addi %mul3A_296, %select_n3A_320 : i32
      %scan3A_322 = arith.constant 0 : i32
      %scan3A_323 = arith.constant 0 : i32
      %scan3A_324 = arith.constant 32 : i32
      %scan3A_325 = arith.addi %scan3A_323, %scan3A_324 : i32
      %scan3A_326 = arith.constant 1 : i32
      scf.for %scan3A_510 = %scan3A_323 to %scan3A_325 step %scan3A_326  : i32 {
        %mul3A_511 = arith.constant 2 : i32
        %mul3A_512 = arith.muli %scan3A_510, %mul3A_511 : i32
        %mul3A_513 = arith.constant 16 : i32
        %mul3A_514 = arith.muli %mul3A_512, %mul3A_513 : i32
        %add3A_515 = arith.constant 0 : i32
        %add3A_516 = arith.addi %mul3A_514, %add3A_515 : i32
        %get3A = arith.index_cast %add3A_321 : i32 to index
        %get3A_517 = arith.index_cast %add3A_516 : i32 to index
        %get3A_518 = tpu.vector_load %arg19[%get3A, %get3A_517] {strides = array<i32>} : memref<8x1024xi32, #tpu.memory_space<vmem>>, vector<16xi32>,
        %broadcast_in_dim3A = arith.constant 0 : i32
        %broadcast_in_dim3A_519 = vector.broadcast %broadcast_in_dim3A : i32 to vector<16xi32>
        %gather3A = tpu.vector_load_idx %arg24[%broadcast_in_dim3A_519, %get3A_518] : memref<8x2048xf32, #tpu.memory_space<vmem>>[vector<16xi32>, vector<16xi32>], vector<16xf32>,
        %swap3A = arith.constant 0 : i32
        %swap3A_520 = arith.index_cast %swap3A : i32 to index
        %swap3A_521 = arith.index_cast %add3A_516 : i32 to index
        %swap3A_522 = tpu.vector_load %arg26[%swap3A_520, %swap3A_521] {strides = array<i32>} : memref<8x1024xf32, #tpu.memory_space<vmem>>, vector<16xf32>,
        tpu.vector_store %arg26[%swap3A_520, %swap3A_521], %gather3A {strides = array<i32>} : memref<8x1024xf32, #tpu.memory_space<vmem>>, vector<16xf32>,
        %broadcast_in_dim3A_523 = arith.constant 1 : i32
        %broadcast_in_dim3A_524 = vector.broadcast %broadcast_in_dim3A_523 : i32 to vector<16xi32>
        %gather3A_525 = tpu.vector_load_idx %arg24[%broadcast_in_dim3A_524, %get3A_518] : memref<8x2048xf32, #tpu.memory_space<vmem>>[vector<16xi32>, vector<16xi32>], vector<16xf32>,
        %swap3A_526 = arith.constant 1 : i32
        %swap3A_527 = arith.index_cast %swap3A_526 : i32 to index
        %swap3A_528 = arith.index_cast %add3A_516 : i32 to index
        %swap3A_529 = tpu.vector_load %arg26[%swap3A_527, %swap3A_528] {strides = array<i32>} : memref<8x1024xf32, #tpu.memory_space<vmem>>, vector<16xf32>,
        tpu.vector_store %arg26[%swap3A_527, %swap3A_528], %gather3A_525 {strides = array<i32>} : memref<8x1024xf32, #tpu.memory_space<vmem>>, vector<16xf32>,
        %broadcast_in_dim3A_530 = arith.constant 2 : i32
        %broadcast_in_dim3A_531 = vector.broadcast %broadcast_in_dim3A_530 : i32 to vector<16xi32>
        %gather3A_532 = tpu.vector_load_idx %arg24[%broadcast_in_dim3A_531, %get3A_518] : memref<8x2048xf32, #tpu.memory_space<vmem>>[vector<16xi32>, vector<16xi32>], vector<16xf32>,
        %swap3A_533 = arith.constant 2 : i32
        %swap3A_534 = arith.index_cast %swap3A_533 : i32 to index
        %swap3A_535 = arith.index_cast %add3A_516 : i32 to index
        %swap3A_536 = tpu.vector_load %arg26[%swap3A_534, %swap3A_535] {strides = array<i32>} : memref<8x1024xf32, #tpu.memory_space<vmem>>, vector<16xf32>,
        tpu.vector_store %arg26[%swap3A_534, %swap3A_535], %gather3A_532 {strides = array<i32>} : memref<8x1024xf32, #tpu.memory_space<vmem>>, vector<16xf32>,
        %broadcast_in_dim3A_537 = arith.constant 3 : i32
        %broadcast_in_dim3A_538 = vector.broadcast %broadcast_in_dim3A_537 : i32 to vector<16xi32>
        %gather3A_539 = tpu.vector_load_idx %arg24[%broadcast_in_dim3A_538, %get3A_518] : memref<8x2048xf32, #tpu.memory_space<vmem>>[vector<16xi32>, vector<16xi32>], vector<16xf32>,
        %swap3A_540 = arith.constant 3 : i32
        %swap3A_541 = arith.index_cast %swap3A_540 : i32 to index
        %swap3A_542 = arith.index_cast %add3A_516 : i32 to index
        %swap3A_543 = tpu.vector_load %arg26[%swap3A_541, %swap3A_542] {strides = array<i32>} : memref<8x1024xf32, #tpu.memory_space<vmem>>, vector<16xf32>,
        tpu.vector_store %arg26[%swap3A_541, %swap3A_542], %gather3A_539 {strides = array<i32>} : memref<8x1024xf32, #tpu.memory_space<vmem>>, vector<16xf32>,
        %broadcast_in_dim3A_544 = arith.constant 4 : i32
        %broadcast_in_dim3A_545 = vector.broadcast %broadcast_in_dim3A_544 : i32 to vector<16xi32>
        %gather3A_546 = tpu.vector_load_idx %arg24[%broadcast_in_dim3A_545, %get3A_518] : memref<8x2048xf32, #tpu.memory_space<vmem>>[vector<16xi32>, vector<16xi32>], vector<16xf32>,
        %swap3A_547 = arith.constant 4 : i32
        %swap3A_548 = arith.index_cast %swap3A_547 : i32 to index
        %swap3A_549 = arith.index_cast %add3A_516 : i32 to index
        %swap3A_550 = tpu.vector_load %arg26[%swap3A_548, %swap3A_549] {strides = array<i32>} : memref<8x1024xf32, #tpu.memory_space<vmem>>, vector<16xf32>,
        tpu.vector_store %arg26[%swap3A_548, %swap3A_549], %gather3A_546 {strides = array<i32>} : memref<8x1024xf32, #tpu.memory_space<vmem>>, vector<16xf32>,
        %broadcast_in_dim3A_551 = arith.constant 5 : i32
        %broadcast_in_dim3A_552 = vector.broadcast %broadcast_in_dim3A_551 : i32 to vector<16xi32>
        %gather3A_553 = tpu.vector_load_idx %arg24[%broadcast_in_dim3A_552, %get3A_518] : memref<8x2048xf32, #tpu.memory_space<vmem>>[vector<16xi32>, vector<16xi32>], vector<16xf32>,
        %swap3A_554 = arith.constant 5 : i32
        %swap3A_555 = arith.index_cast %swap3A_554 : i32 to index
        %swap3A_556 = arith.index_cast %add3A_516 : i32 to index
        %swap3A_557 = tpu.vector_load %arg26[%swap3A_555, %swap3A_556] {strides = array<i32>} : memref<8x1024xf32, #tpu.memory_space<vmem>>, vector<16xf32>,
        tpu.vector_store %arg26[%swap3A_555, %swap3A_556], %gather3A_553 {strides = array<i32>} : memref<8x1024xf32, #tpu.memory_space<vmem>>, vector<16xf32>,
        %broadcast_in_dim3A_558 = arith.constant 6 : i32
        %broadcast_in_dim3A_559 = vector.broadcast %broadcast_in_dim3A_558 : i32 to vector<16xi32>
        %gather3A_560 = tpu.vector_load_idx %arg24[%broadcast_in_dim3A_559, %get3A_518] : memref<8x2048xf32, #tpu.memory_space<vmem>>[vector<16xi32>, vector<16xi32>], vector<16xf32>,
        %swap3A_561 = arith.constant 6 : i32
        %swap3A_562 = arith.index_cast %swap3A_561 : i32 to index
        %swap3A_563 = arith.index_cast %add3A_516 : i32 to index
        %swap3A_564 = tpu.vector_load %arg26[%swap3A_562, %swap3A_563] {strides = array<i32>} : memref<8x1024xf32, #tpu.memory_space<vmem>>, vector<16xf32>,
        tpu.vector_store %arg26[%swap3A_562, %swap3A_563], %gather3A_560 {strides = array<i32>} : memref<8x1024xf32, #tpu.memory_space<vmem>>, vector<16xf32>,
        %broadcast_in_dim3A_565 = arith.constant 7 : i32
        %broadcast_in_dim3A_566 = vector.broadcast %broadcast_in_dim3A_565 : i32 to vector<16xi32>
        %gather3A_567 = tpu.vector_load_idx %arg24[%broadcast_in_dim3A_566, %get3A_518] : memref<8x2048xf32, #tpu.memory_space<vmem>>[vector<16xi32>, vector<16xi32>], vector<16xf32>,
        %swap3A_568 = arith.constant 7 : i32
        %swap3A_569 = arith.index_cast %swap3A_568 : i32 to index
        %swap3A_570 = arith.index_cast %add3A_516 : i32 to index
        %swap3A_571 = tpu.vector_load %arg26[%swap3A_569, %swap3A_570] {strides = array<i32>} : memref<8x1024xf32, #tpu.memory_space<vmem>>, vector<16xf32>,
        tpu.vector_store %arg26[%swap3A_569, %swap3A_570], %gather3A_567 {strides = array<i32>} : memref<8x1024xf32, #tpu.memory_space<vmem>>, vector<16xf32>,
        %mul3A_572 = arith.constant 2 : i32
        %mul3A_573 = arith.muli %scan3A_510, %mul3A_572 : i32
        %mul3A_574 = arith.constant 16 : i32
        %mul3A_575 = arith.muli %mul3A_573, %mul3A_574 : i32
        %add3A_576 = arith.constant 16 : i32
        %add3A_577 = arith.addi %mul3A_575, %add3A_576 : i32
        %get3A_578 = arith.index_cast %add3A_321 : i32 to index
        %get3A_579 = arith.index_cast %add3A_577 : i32 to index
        %get3A_580 = tpu.vector_load %arg19[%get3A_578, %get3A_579] {strides = array<i32>} : memref<8x1024xi32, #tpu.memory_space<vmem>>, vector<16xi32>,
        %broadcast_in_dim3A_581 = arith.constant 0 : i32
        %broadcast_in_dim3A_582 = vector.broadcast %broadcast_in_dim3A_581 : i32 to vector<16xi32>
        %gather3A_583 = tpu.vector_load_idx %arg24[%broadcast_in_dim3A_582, %get3A_580] : memref<8x2048xf32, #tpu.memory_space<vmem>>[vector<16xi32>, vector<16xi32>], vector<16xf32>,
        %swap3A_584 = arith.constant 0 : i32
        %swap3A_585 = arith.index_cast %swap3A_584 : i32 to index
        %swap3A_586 = arith.index_cast %add3A_577 : i32 to index
        %swap3A_587 = tpu.vector_load %arg26[%swap3A_585, %swap3A_586] {strides = array<i32>} : memref<8x1024xf32, #tpu.memory_space<vmem>>, vector<16xf32>,
        tpu.vector_store %arg26[%swap3A_585, %swap3A_586], %gather3A_583 {strides = array<i32>} : memref<8x1024xf32, #tpu.memory_space<vmem>>, vector<16xf32>,
        %broadcast_in_dim3A_588 = arith.constant 1 : i32
        %broadcast_in_dim3A_589 = vector.broadcast %broadcast_in_dim3A_588 : i32 to vector<16xi32>
        %gather3A_590 = tpu.vector_load_idx %arg24[%broadcast_in_dim3A_589, %get3A_580] : memref<8x2048xf32, #tpu.memory_space<vmem>>[vector<16xi32>, vector<16xi32>], vector<16xf32>,
        %swap3A_591 = arith.constant 1 : i32
        %swap3A_592 = arith.index_cast %swap3A_591 : i32 to index
        %swap3A_593 = arith.index_cast %add3A_577 : i32 to index
        %swap3A_594 = tpu.vector_load %arg26[%swap3A_592, %swap3A_593] {strides = array<i32>} : memref<8x1024xf32, #tpu.memory_space<vmem>>, vector<16xf32>,
        tpu.vector_store %arg26[%swap3A_592, %swap3A_593], %gather3A_590 {strides = array<i32>} : memref<8x1024xf32, #tpu.memory_space<vmem>>, vector<16xf32>,
        %broadcast_in_dim3A_595 = arith.constant 2 : i32
        %broadcast_in_dim3A_596 = vector.broadcast %broadcast_in_dim3A_595 : i32 to vector<16xi32>
        %gather3A_597 = tpu.vector_load_idx %arg24[%broadcast_in_dim3A_596, %get3A_580] : memref<8x2048xf32, #tpu.memory_space<vmem>>[vector<16xi32>, vector<16xi32>], vector<16xf32>,
        %swap3A_598 = arith.constant 2 : i32
        %swap3A_599 = arith.index_cast %swap3A_598 : i32 to index
        %swap3A_600 = arith.index_cast %add3A_577 : i32 to index
        %swap3A_601 = tpu.vector_load %arg26[%swap3A_599, %swap3A_600] {strides = array<i32>} : memref<8x1024xf32, #tpu.memory_space<vmem>>, vector<16xf32>,
        tpu.vector_store %arg26[%swap3A_599, %swap3A_600], %gather3A_597 {strides = array<i32>} : memref<8x1024xf32, #tpu.memory_space<vmem>>, vector<16xf32>,
        %broadcast_in_dim3A_602 = arith.constant 3 : i32
        %broadcast_in_dim3A_603 = vector.broadcast %broadcast_in_dim3A_602 : i32 to vector<16xi32>
        %gather3A_604 = tpu.vector_load_idx %arg24[%broadcast_in_dim3A_603, %get3A_580] : memref<8x2048xf32, #tpu.memory_space<vmem>>[vector<16xi32>, vector<16xi32>], vector<16xf32>,
        %swap3A_605 = arith.constant 3 : i32
        %swap3A_606 = arith.index_cast %swap3A_605 : i32 to index
        %swap3A_607 = arith.index_cast %add3A_577 : i32 to index
        %swap3A_608 = tpu.vector_load %arg26[%swap3A_606, %swap3A_607] {strides = array<i32>} : memref<8x1024xf32, #tpu.memory_space<vmem>>, vector<16xf32>,
        tpu.vector_store %arg26[%swap3A_606, %swap3A_607], %gather3A_604 {strides = array<i32>} : memref<8x1024xf32, #tpu.memory_space<vmem>>, vector<16xf32>,
        %broadcast_in_dim3A_609 = arith.constant 4 : i32
        %broadcast_in_dim3A_610 = vector.broadcast %broadcast_in_dim3A_609 : i32 to vector<16xi32>
        %gather3A_611 = tpu.vector_load_idx %arg24[%broadcast_in_dim3A_610, %get3A_580] : memref<8x2048xf32, #tpu.memory_space<vmem>>[vector<16xi32>, vector<16xi32>], vector<16xf32>,
        %swap3A_612 = arith.constant 4 : i32
        %swap3A_613 = arith.index_cast %swap3A_612 : i32 to index
        %swap3A_614 = arith.index_cast %add3A_577 : i32 to index
        %swap3A_615 = tpu.vector_load %arg26[%swap3A_613, %swap3A_614] {strides = array<i32>} : memref<8x1024xf32, #tpu.memory_space<vmem>>, vector<16xf32>,
        tpu.vector_store %arg26[%swap3A_613, %swap3A_614], %gather3A_611 {strides = array<i32>} : memref<8x1024xf32, #tpu.memory_space<vmem>>, vector<16xf32>,
        %broadcast_in_dim3A_616 = arith.constant 5 : i32
        %broadcast_in_dim3A_617 = vector.broadcast %broadcast_in_dim3A_616 : i32 to vector<16xi32>
        %gather3A_618 = tpu.vector_load_idx %arg24[%broadcast_in_dim3A_617, %get3A_580] : memref<8x2048xf32, #tpu.memory_space<vmem>>[vector<16xi32>, vector<16xi32>], vector<16xf32>,
        %swap3A_619 = arith.constant 5 : i32
        %swap3A_620 = arith.index_cast %swap3A_619 : i32 to index
        %swap3A_621 = arith.index_cast %add3A_577 : i32 to index
        %swap3A_622 = tpu.vector_load %arg26[%swap3A_620, %swap3A_621] {strides = array<i32>} : memref<8x1024xf32, #tpu.memory_space<vmem>>, vector<16xf32>,
        tpu.vector_store %arg26[%swap3A_620, %swap3A_621], %gather3A_618 {strides = array<i32>} : memref<8x1024xf32, #tpu.memory_space<vmem>>, vector<16xf32>,
        %broadcast_in_dim3A_623 = arith.constant 6 : i32
        %broadcast_in_dim3A_624 = vector.broadcast %broadcast_in_dim3A_623 : i32 to vector<16xi32>
        %gather3A_625 = tpu.vector_load_idx %arg24[%broadcast_in_dim3A_624, %get3A_580] : memref<8x2048xf32, #tpu.memory_space<vmem>>[vector<16xi32>, vector<16xi32>], vector<16xf32>,
        %swap3A_626 = arith.constant 6 : i32
        %swap3A_627 = arith.index_cast %swap3A_626 : i32 to index
        %swap3A_628 = arith.index_cast %add3A_577 : i32 to index
        %swap3A_629 = tpu.vector_load %arg26[%swap3A_627, %swap3A_628] {strides = array<i32>} : memref<8x1024xf32, #tpu.memory_space<vmem>>, vector<16xf32>,
        tpu.vector_store %arg26[%swap3A_627, %swap3A_628], %gather3A_625 {strides = array<i32>} : memref<8x1024xf32, #tpu.memory_space<vmem>>, vector<16xf32>,
        %broadcast_in_dim3A_630 = arith.constant 7 : i32
        %broadcast_in_dim3A_631 = vector.broadcast %broadcast_in_dim3A_630 : i32 to vector<16xi32>
        %gather3A_632 = tpu.vector_load_idx %arg24[%broadcast_in_dim3A_631, %get3A_580] : memref<8x2048xf32, #tpu.memory_space<vmem>>[vector<16xi32>, vector<16xi32>], vector<16xf32>,
        %swap3A_633 = arith.constant 7 : i32
        %swap3A_634 = arith.index_cast %swap3A_633 : i32 to index
        %swap3A_635 = arith.index_cast %add3A_577 : i32 to index
        %swap3A_636 = tpu.vector_load %arg26[%swap3A_634, %swap3A_635] {strides = array<i32>} : memref<8x1024xf32, #tpu.memory_space<vmem>>, vector<16xf32>,
        tpu.vector_store %arg26[%swap3A_634, %swap3A_635], %gather3A_632 {strides = array<i32>} : memref<8x1024xf32, #tpu.memory_space<vmem>>, vector<16xf32>,
      }
      %scan3A_327 = arith.constant 32 : i32
      %barrier3A_328 = arith.constant 0 : index
      tpu.barrier barrier_id(%barrier3A_328)
      %jit3A_329 = arith.constant 4 : i32
      %div3A_330 = arith.divsi %mul3A_194, %jit3A_329 : i32
      %sign3A_331 = arith.constant 0 : i32
      %sign3A_332 = arith.cmpi sgt, %mul3A_194, %sign3A_331 : i32
      %sign3A_333 = arith.extui %sign3A_332 : i1 to i32
      %sign3A_334 = arith.constant 0 : i32
      %sign3A_335 = arith.cmpi slt, %mul3A_194, %sign3A_334 : i32
      %sign3A_336 = arith.extui %sign3A_335 : i1 to i32
      %sign3A_337 = arith.subi %sign3A_333, %sign3A_336 : i32
      %sign3A_338 = arith.constant 0 : i32
      %sign3A_339 = arith.cmpi sgt, %jit3A_329, %sign3A_338 : i32
      %sign3A_340 = arith.extui %sign3A_339 : i1 to i32
      %sign3A_341 = arith.constant 0 : i32
      %sign3A_342 = arith.cmpi slt, %jit3A_329, %sign3A_341 : i32
      %sign3A_343 = arith.extui %sign3A_342 : i1 to i32
      %sign3A_344 = arith.subi %sign3A_340, %sign3A_343 : i32
      %ne3A_345 = arith.cmpi ne, %sign3A_337, %sign3A_344 : i32
      %rem3A_346 = arith.remsi %mul3A_194, %jit3A_329 : i32
      %ne3A_347 = arith.constant 0 : i32
      %ne3A_348 = arith.cmpi ne, %rem3A_346, %ne3A_347 : i32
      %and3A_349 = arith.andi %ne3A_345, %ne3A_348 : i1
      %sub3A_350 = arith.constant 1 : i32
      %sub3A_351 = arith.subi %div3A_330, %sub3A_350 : i32
      %select_n3A_352 = arith.select %and3A_349, %sub3A_351, %div3A_330 : i32
      %mul3A_353 = arith.constant 4 : i32
      %mul3A_354 = arith.muli %select_n3A_352, %mul3A_353 : i32
      %sub3A_355 = arith.subi %mul3A_194, %mul3A_354 : i32
      %mul3A_356 = arith.constant 8 : i32
      %mul3A_357 = arith.muli %sub3A_355, %mul3A_356 : i32
      %multiple_of3A_358 = tpu.assume_multiple %mul3A_357, 8 : i32
      %mul3A_359 = arith.constant 2 : i32
      %mul3A_360 = arith.muli %mul3A_359, %add3A : i32
      %add3A_361 = arith.addi %mul3A_360, %select_n3A_352 : i32
      %mul3A_362 = arith.constant 1024 : i32
      %mul3A_363 = arith.muli %add3A_361, %mul3A_362 : i32
      %multiple_of3A_364 = tpu.assume_multiple %mul3A_363, 1024 : i32
      %dma_start3A_365 = tpu.memref_slice %arg13[%multiple_of3A_358, %multiple_of3A_364] : memref<32x65536xf32, #tpu.memory_space<hbm>> -> memref<8x1024xf32, #tpu.memory_space<hbm>>
      %dma_start3A_366 = tpu.memref_slice %arg13[%multiple_of3A_358, %multiple_of3A_364] : memref<32x65536xf32, #tpu.memory_space<hbm>> -> memref<8x1024xf32, #tpu.memory_space<hbm>>
      tpu.enqueue_dma source(%arg26 : memref<8x1024xf32, #tpu.memory_space<vmem>>) target(%dma_start3A_366 : memref<8x1024xf32, #tpu.memory_space<hbm>>) target_semaphore(%arg38 : memref<!tpu.dma_semaphore, #tpu.memory_space<semaphore_mem>>)
      %lt3A_367 = arith.constant 4 : i32
      %lt3A_368 = arith.cmpi slt, %scan3A_192, %lt3A_367 : i32
      %convert_element_type3A_369 = arith.extui %lt3A_368 : i1 to i32
      %cond3A_370 = arith.constant 0 : i32
      %cond3A_371 = arith.cmpi ne, %convert_element_type3A_369, %cond3A_370 : i32
      scf.if %cond3A_371 {
        %add3A_510 = arith.constant 0 : i32
        %add3A_511 = arith.addi %add3A_510, %scan3A_192 : i32
        %mul3A_512 = arith.constant 2 : i32
        %mul3A_513 = arith.muli %mul3A_512, %add3A_511 : i32
        %mul3A_514 = arith.constant 2 : i32
        %mul3A_515 = arith.muli %mul3A_514, %add3A_511 : i32
        %add3A_516 = arith.constant 1 : i32
        %add3A_517 = arith.addi %mul3A_515, %add3A_516 : i32
        %ge3A_518 = arith.constant 1 : i32
        %ge3A_519 = arith.cmpi sge, %add3A_511, %ge3A_518 : i32
        %convert_element_type3A_520 = arith.extui %ge3A_519 : i1 to i32
        %cond3A_521 = arith.constant 0 : i32
        %cond3A_522 = arith.cmpi ne, %convert_element_type3A_520, %cond3A_521 : i32
        scf.if %cond3A_522 {
          %sub3A_590 = arith.constant 2 : i32
          %sub3A_591 = arith.subi %add3A_517, %sub3A_590 : i32
          %mul3A_592 = arith.constant 64 : i32
          %mul3A_593 = arith.muli %sub3A_591, %mul3A_592 : i32
          %add3A_594 = arith.addi %mul3A_2, %mul3A_593 : i32
          %multiple_of3A_595 = tpu.assume_multiple %add3A_594, 64 : i32
          %dma_wait3A_596 = arith.constant 0 : i32
          %dma_wait3A_597 = tpu.memref_slice %arg11[%multiple_of3A_595, %dma_wait3A_596] : memref<65536x128xf32, #tpu.memory_space<hbm>> -> memref<64x128xf32, #tpu.memory_space<hbm>>
          %dma_wait3A_598 = arith.constant 0 : i32
          %dma_wait3A_599 = tpu.memref_slice %arg11[%multiple_of3A_595, %dma_wait3A_598] : memref<65536x128xf32, #tpu.memory_space<hbm>> -> memref<64x128xf32, #tpu.memory_space<hbm>>
          tpu.wait_dma2 semaphore(%arg35 : memref<!tpu.dma_semaphore, #tpu.memory_space<semaphore_mem>>) src(%arg29 : memref<64x128xf32, #tpu.memory_space<vmem>>) dst(%dma_wait3A_599 : memref<64x128xf32, #tpu.memory_space<hbm>>)
          %mul3A_600 = arith.constant 64 : i32
          %mul3A_601 = arith.muli %sub3A_591, %mul3A_600 : i32
          %add3A_602 = arith.addi %mul3A_2, %mul3A_601 : i32
          %multiple_of3A_603 = tpu.assume_multiple %add3A_602, 64 : i32
          %dma_wait3A_604 = arith.constant 0 : i32
          %dma_wait3A_605 = tpu.memref_slice %arg12[%multiple_of3A_603, %dma_wait3A_604] : memref<65536x128xf32, #tpu.memory_space<hbm>> -> memref<64x128xf32, #tpu.memory_space<hbm>>
          %dma_wait3A_606 = arith.constant 0 : i32
          %dma_wait3A_607 = tpu.memref_slice %arg12[%multiple_of3A_603, %dma_wait3A_606] : memref<65536x128xf32, #tpu.memory_space<hbm>> -> memref<64x128xf32, #tpu.memory_space<hbm>>
          tpu.wait_dma2 semaphore(%arg35 : memref<!tpu.dma_semaphore, #tpu.memory_space<semaphore_mem>>) src(%arg31 : memref<64x128xf32, #tpu.memory_space<vmem>>) dst(%dma_wait3A_607 : memref<64x128xf32, #tpu.memory_space<hbm>>)
        } else {
        }
        %mul3A_523 = arith.constant 64 : i32
        %mul3A_524 = arith.muli %add3A_517, %mul3A_523 : i32
        %dma_start3A_525 = tpu.memref_slice %arg20[%mul3A_524] : memref<2048xi32, #tpu.memory_space<vmem>> -> memref<64xi32, #tpu.memory_space<vmem>>
        %dma_start3A_526 = arith.constant 0 : i32
        %dma_start3A_527 = arith.constant 0 : i32
        %dma_start3A_528 = tpu.memref_slice %arg2[%dma_start3A_526, %dma_start3A_527] : memref<131072x128xf32, #tpu.memory_space<hbm>> -> memref<131072x128xf32, #tpu.memory_space<hbm>>
        tpu.enqueue_indirect_dma source(%dma_start3A_528 : memref<131072x128xf32, #tpu.memory_space<hbm>>) target(%arg29 : memref<64x128xf32, #tpu.memory_space<vmem>>) offsets(%dma_start3A_525 : memref<64xi32, #tpu.memory_space<vmem>>) semaphore(%arg33 : memref<!tpu.dma_semaphore, #tpu.memory_space<semaphore_mem>>)
        %dma_start3A_529 = tpu.memref_slice %arg20[%mul3A_524] : memref<2048xi32, #tpu.memory_space<vmem>> -> memref<64xi32, #tpu.memory_space<vmem>>
        %dma_start3A_530 = arith.constant 0 : i32
        %dma_start3A_531 = arith.constant 0 : i32
        %dma_start3A_532 = tpu.memref_slice %arg3[%dma_start3A_530, %dma_start3A_531] : memref<131072x128xf32, #tpu.memory_space<hbm>> -> memref<131072x128xf32, #tpu.memory_space<hbm>>
        tpu.enqueue_indirect_dma source(%dma_start3A_532 : memref<131072x128xf32, #tpu.memory_space<hbm>>) target(%arg31 : memref<64x128xf32, #tpu.memory_space<vmem>>) offsets(%dma_start3A_529 : memref<64xi32, #tpu.memory_space<vmem>>) semaphore(%arg33 : memref<!tpu.dma_semaphore, #tpu.memory_space<semaphore_mem>>)
        %mul3A_533 = arith.constant 64 : i32
        %mul3A_534 = arith.muli %mul3A_513, %mul3A_533 : i32
        %dma_wait3A_535 = tpu.memref_slice %arg20[%mul3A_534] : memref<2048xi32, #tpu.memory_space<vmem>> -> memref<64xi32, #tpu.memory_space<vmem>>
        %dma_wait3A_536 = arith.constant 0 : i32
        %dma_wait3A_537 = arith.constant 0 : i32
        %dma_wait3A_538 = tpu.memref_slice %arg2[%dma_wait3A_536, %dma_wait3A_537] : memref<131072x128xf32, #tpu.memory_space<hbm>> -> memref<131072x128xf32, #tpu.memory_space<hbm>>
        tpu.wait_indirect_dma semaphore(%arg32 : memref<!tpu.dma_semaphore, #tpu.memory_space<semaphore_mem>>) src(%dma_wait3A_538 : memref<131072x128xf32, #tpu.memory_space<hbm>>) dst(%arg28 : memref<64x128xf32, #tpu.memory_space<vmem>>)
        %dma_wait3A_539 = tpu.memref_slice %arg20[%mul3A_534] : memref<2048xi32, #tpu.memory_space<vmem>> -> memref<64xi32, #tpu.memory_space<vmem>>
        %dma_wait3A_540 = arith.constant 0 : i32
        %dma_wait3A_541 = arith.constant 0 : i32
        %dma_wait3A_542 = tpu.memref_slice %arg3[%dma_wait3A_540, %dma_wait3A_541] : memref<131072x128xf32, #tpu.memory_space<hbm>> -> memref<131072x128xf32, #tpu.memory_space<hbm>>
        tpu.wait_indirect_dma semaphore(%arg32 : memref<!tpu.dma_semaphore, #tpu.memory_space<semaphore_mem>>) src(%dma_wait3A_542 : memref<131072x128xf32, #tpu.memory_space<hbm>>) dst(%arg30 : memref<64x128xf32, #tpu.memory_space<vmem>>)
        %mul3A_543 = arith.constant 64 : i32
        %mul3A_544 = arith.muli %mul3A_513, %mul3A_543 : i32
        %add3A_545 = arith.addi %mul3A_2, %mul3A_544 : i32
        %multiple_of3A_546 = tpu.assume_multiple %add3A_545, 64 : i32
        %dma_start3A_547 = arith.constant 0 : i32
        %dma_start3A_548 = tpu.memref_slice %arg11[%multiple_of3A_546, %dma_start3A_547] : memref<65536x128xf32, #tpu.memory_space<hbm>> -> memref<64x128xf32, #tpu.memory_space<hbm>>
        %dma_start3A_549 = arith.constant 0 : i32
        %dma_start3A_550 = tpu.memref_slice %arg11[%multiple_of3A_546, %dma_start3A_549] : memref<65536x128xf32, #tpu.memory_space<hbm>> -> memref<64x128xf32, #tpu.memory_space<hbm>>
        tpu.enqueue_dma source(%arg28 : memref<64x128xf32, #tpu.memory_space<vmem>>) target(%dma_start3A_550 : memref<64x128xf32, #tpu.memory_space<hbm>>) target_semaphore(%arg34 : memref<!tpu.dma_semaphore, #tpu.memory_space<semaphore_mem>>)
        %mul3A_551 = arith.constant 64 : i32
        %mul3A_552 = arith.muli %mul3A_513, %mul3A_551 : i32
        %add3A_553 = arith.addi %mul3A_2, %mul3A_552 : i32
        %multiple_of3A_554 = tpu.assume_multiple %add3A_553, 64 : i32
        %dma_start3A_555 = arith.constant 0 : i32
        %dma_start3A_556 = tpu.memref_slice %arg12[%multiple_of3A_554, %dma_start3A_555] : memref<65536x128xf32, #tpu.memory_space<hbm>> -> memref<64x128xf32, #tpu.memory_space<hbm>>
        %dma_start3A_557 = arith.constant 0 : i32
        %dma_start3A_558 = tpu.memref_slice %arg12[%multiple_of3A_554, %dma_start3A_557] : memref<65536x128xf32, #tpu.memory_space<hbm>> -> memref<64x128xf32, #tpu.memory_space<hbm>>
        tpu.enqueue_dma source(%arg30 : memref<64x128xf32, #tpu.memory_space<vmem>>) target(%dma_start3A_558 : memref<64x128xf32, #tpu.memory_space<hbm>>) target_semaphore(%arg34 : memref<!tpu.dma_semaphore, #tpu.memory_space<semaphore_mem>>)
        %lt3A_559 = arith.constant 15 : i32
        %lt3A_560 = arith.cmpi slt, %add3A_511, %lt3A_559 : i32
        %convert_element_type3A_561 = arith.extui %lt3A_560 : i1 to i32
        %cond3A_562 = arith.constant 0 : i32
        %cond3A_563 = arith.cmpi ne, %convert_element_type3A_561, %cond3A_562 : i32
        scf.if %cond3A_563 {
          %mul3A_590 = arith.constant 64 : i32
          %mul3A_591 = arith.muli %mul3A_513, %mul3A_590 : i32
          %add3A_592 = arith.addi %mul3A_2, %mul3A_591 : i32
          %multiple_of3A_593 = tpu.assume_multiple %add3A_592, 64 : i32
          %dma_wait3A_594 = arith.constant 0 : i32
          %dma_wait3A_595 = tpu.memref_slice %arg11[%multiple_of3A_593, %dma_wait3A_594] : memref<65536x128xf32, #tpu.memory_space<hbm>> -> memref<64x128xf32, #tpu.memory_space<hbm>>
          %dma_wait3A_596 = arith.constant 0 : i32
          %dma_wait3A_597 = tpu.memref_slice %arg11[%multiple_of3A_593, %dma_wait3A_596] : memref<65536x128xf32, #tpu.memory_space<hbm>> -> memref<64x128xf32, #tpu.memory_space<hbm>>
          tpu.wait_dma2 semaphore(%arg34 : memref<!tpu.dma_semaphore, #tpu.memory_space<semaphore_mem>>) src(%arg28 : memref<64x128xf32, #tpu.memory_space<vmem>>) dst(%dma_wait3A_597 : memref<64x128xf32, #tpu.memory_space<hbm>>)
          %mul3A_598 = arith.constant 64 : i32
          %mul3A_599 = arith.muli %mul3A_513, %mul3A_598 : i32
          %add3A_600 = arith.addi %mul3A_2, %mul3A_599 : i32
          %multiple_of3A_601 = tpu.assume_multiple %add3A_600, 64 : i32
          %dma_wait3A_602 = arith.constant 0 : i32
          %dma_wait3A_603 = tpu.memref_slice %arg12[%multiple_of3A_601, %dma_wait3A_602] : memref<65536x128xf32, #tpu.memory_space<hbm>> -> memref<64x128xf32, #tpu.memory_space<hbm>>
          %dma_wait3A_604 = arith.constant 0 : i32
          %dma_wait3A_605 = tpu.memref_slice %arg12[%multiple_of3A_601, %dma_wait3A_604] : memref<65536x128xf32, #tpu.memory_space<hbm>> -> memref<64x128xf32, #tpu.memory_space<hbm>>
          tpu.wait_dma2 semaphore(%arg34 : memref<!tpu.dma_semaphore, #tpu.memory_space<semaphore_mem>>) src(%arg30 : memref<64x128xf32, #tpu.memory_space<vmem>>) dst(%dma_wait3A_605 : memref<64x128xf32, #tpu.memory_space<hbm>>)
          %add3A_606 = arith.constant 2 : i32
          %add3A_607 = arith.addi %mul3A_513, %add3A_606 : i32
          %mul3A_608 = arith.constant 64 : i32
          %mul3A_609 = arith.muli %add3A_607, %mul3A_608 : i32
          %dma_start3A_610 = tpu.memref_slice %arg20[%mul3A_609] : memref<2048xi32, #tpu.memory_space<vmem>> -> memref<64xi32, #tpu.memory_space<vmem>>
          %dma_start3A_611 = arith.constant 0 : i32
          %dma_start3A_612 = arith.constant 0 : i32
          %dma_start3A_613 = tpu.memref_slice %arg2[%dma_start3A_611, %dma_start3A_612] : memref<131072x128xf32, #tpu.memory_space<hbm>> -> memref<131072x128xf32, #tpu.memory_space<hbm>>
          tpu.enqueue_indirect_dma source(%dma_start3A_613 : memref<131072x128xf32, #tpu.memory_space<hbm>>) target(%arg28 : memref<64x128xf32, #tpu.memory_space<vmem>>) offsets(%dma_start3A_610 : memref<64xi32, #tpu.memory_space<vmem>>) semaphore(%arg32 : memref<!tpu.dma_semaphore, #tpu.memory_space<semaphore_mem>>)
          %dma_start3A_614 = tpu.memref_slice %arg20[%mul3A_609] : memref<2048xi32, #tpu.memory_space<vmem>> -> memref<64xi32, #tpu.memory_space<vmem>>
          %dma_start3A_615 = arith.constant 0 : i32
          %dma_start3A_616 = arith.constant 0 : i32
          %dma_start3A_617 = tpu.memref_slice %arg3[%dma_start3A_615, %dma_start3A_616] : memref<131072x128xf32, #tpu.memory_space<hbm>> -> memref<131072x128xf32, #tpu.memory_space<hbm>>
          tpu.enqueue_indirect_dma source(%dma_start3A_617 : memref<131072x128xf32, #tpu.memory_space<hbm>>) target(%arg30 : memref<64x128xf32, #tpu.memory_space<vmem>>) offsets(%dma_start3A_614 : memref<64xi32, #tpu.memory_space<vmem>>) semaphore(%arg32 : memref<!tpu.dma_semaphore, #tpu.memory_space<semaphore_mem>>)
        } else {
        }
        %mul3A_564 = arith.constant 64 : i32
        %mul3A_565 = arith.muli %add3A_517, %mul3A_564 : i32
        %dma_wait3A_566 = tpu.memref_slice %arg20[%mul3A_565] : memref<2048xi32, #tpu.memory_space<vmem>> -> memref<64xi32, #tpu.memory_space<vmem>>
        %dma_wait3A_567 = arith.constant 0 : i32
        %dma_wait3A_568 = arith.constant 0 : i32
        %dma_wait3A_569 = tpu.memref_slice %arg2[%dma_wait3A_567, %dma_wait3A_568] : memref<131072x128xf32, #tpu.memory_space<hbm>> -> memref<131072x128xf32, #tpu.memory_space<hbm>>
        tpu.wait_indirect_dma semaphore(%arg33 : memref<!tpu.dma_semaphore, #tpu.memory_space<semaphore_mem>>) src(%dma_wait3A_569 : memref<131072x128xf32, #tpu.memory_space<hbm>>) dst(%arg29 : memref<64x128xf32, #tpu.memory_space<vmem>>)
        %dma_wait3A_570 = tpu.memref_slice %arg20[%mul3A_565] : memref<2048xi32, #tpu.memory_space<vmem>> -> memref<64xi32, #tpu.memory_space<vmem>>
        %dma_wait3A_571 = arith.constant 0 : i32
        %dma_wait3A_572 = arith.constant 0 : i32
        %dma_wait3A_573 = tpu.memref_slice %arg3[%dma_wait3A_571, %dma_wait3A_572] : memref<131072x128xf32, #tpu.memory_space<hbm>> -> memref<131072x128xf32, #tpu.memory_space<hbm>>
        tpu.wait_indirect_dma semaphore(%arg33 : memref<!tpu.dma_semaphore, #tpu.memory_space<semaphore_mem>>) src(%dma_wait3A_573 : memref<131072x128xf32, #tpu.memory_space<hbm>>) dst(%arg31 : memref<64x128xf32, #tpu.memory_space<vmem>>)
        %mul3A_574 = arith.constant 64 : i32
        %mul3A_575 = arith.muli %add3A_517, %mul3A_574 : i32
        %add3A_576 = arith.addi %mul3A_2, %mul3A_575 : i32
        %multiple_of3A_577 = tpu.assume_multiple %add3A_576, 64 : i32
        %dma_start3A_578 = arith.constant 0 : i32
        %dma_start3A_579 = tpu.memref_slice %arg11[%multiple_of3A_577, %dma_start3A_578] : memref<65536x128xf32, #tpu.memory_space<hbm>> -> memref<64x128xf32, #tpu.memory_space<hbm>>
        %dma_start3A_580 = arith.constant 0 : i32
        %dma_start3A_581 = tpu.memref_slice %arg11[%multiple_of3A_577, %dma_start3A_580] : memref<65536x128xf32, #tpu.memory_space<hbm>> -> memref<64x128xf32, #tpu.memory_space<hbm>>
        tpu.enqueue_dma source(%arg29 : memref<64x128xf32, #tpu.memory_space<vmem>>) target(%dma_start3A_581 : memref<64x128xf32, #tpu.memory_space<hbm>>) target_semaphore(%arg35 : memref<!tpu.dma_semaphore, #tpu.memory_space<semaphore_mem>>)
        %mul3A_582 = arith.constant 64 : i32
        %mul3A_583 = arith.muli %add3A_517, %mul3A_582 : i32
        %add3A_584 = arith.addi %mul3A_2, %mul3A_583 : i32
        %multiple_of3A_585 = tpu.assume_multiple %add3A_584, 64 : i32
        %dma_start3A_586 = arith.constant 0 : i32
        %dma_start3A_587 = tpu.memref_slice %arg12[%multiple_of3A_585, %dma_start3A_586] : memref<65536x128xf32, #tpu.memory_space<hbm>> -> memref<64x128xf32, #tpu.memory_space<hbm>>
        %dma_start3A_588 = arith.constant 0 : i32
        %dma_start3A_589 = tpu.memref_slice %arg12[%multiple_of3A_585, %dma_start3A_588] : memref<65536x128xf32, #tpu.memory_space<hbm>> -> memref<64x128xf32, #tpu.memory_space<hbm>>
        tpu.enqueue_dma source(%arg31 : memref<64x128xf32, #tpu.memory_space<vmem>>) target(%dma_start3A_589 : memref<64x128xf32, #tpu.memory_space<hbm>>) target_semaphore(%arg35 : memref<!tpu.dma_semaphore, #tpu.memory_space<semaphore_mem>>)
      } else {
      }
      %lt3A_372 = arith.constant 3 : i32
      %lt3A_373 = arith.cmpi slt, %scan3A_192, %lt3A_372 : i32
      %convert_element_type3A_374 = arith.extui %lt3A_373 : i1 to i32
      %cond3A_375 = arith.constant 0 : i32
      %cond3A_376 = arith.cmpi ne, %convert_element_type3A_374, %cond3A_375 : i32
      scf.if %cond3A_376 {
        %add3A_510 = arith.constant 2 : i32
        %add3A_511 = arith.addi %mul3A_194, %add3A_510 : i32
        %jit3A_512 = arith.constant 4 : i32
        %div3A_513 = arith.divsi %add3A_511, %jit3A_512 : i32
        %sign3A_514 = arith.constant 0 : i32
        %sign3A_515 = arith.cmpi sgt, %add3A_511, %sign3A_514 : i32
        %sign3A_516 = arith.extui %sign3A_515 : i1 to i32
        %sign3A_517 = arith.constant 0 : i32
        %sign3A_518 = arith.cmpi slt, %add3A_511, %sign3A_517 : i32
        %sign3A_519 = arith.extui %sign3A_518 : i1 to i32
        %sign3A_520 = arith.subi %sign3A_516, %sign3A_519 : i32
        %sign3A_521 = arith.constant 0 : i32
        %sign3A_522 = arith.cmpi sgt, %jit3A_512, %sign3A_521 : i32
        %sign3A_523 = arith.extui %sign3A_522 : i1 to i32
        %sign3A_524 = arith.constant 0 : i32
        %sign3A_525 = arith.cmpi slt, %jit3A_512, %sign3A_524 : i32
        %sign3A_526 = arith.extui %sign3A_525 : i1 to i32
        %sign3A_527 = arith.subi %sign3A_523, %sign3A_526 : i32
        %ne3A_528 = arith.cmpi ne, %sign3A_520, %sign3A_527 : i32
        %rem3A_529 = arith.remsi %add3A_511, %jit3A_512 : i32
        %ne3A_530 = arith.constant 0 : i32
        %ne3A_531 = arith.cmpi ne, %rem3A_529, %ne3A_530 : i32
        %and3A_532 = arith.andi %ne3A_528, %ne3A_531 : i1
        %sub3A_533 = arith.constant 1 : i32
        %sub3A_534 = arith.subi %div3A_513, %sub3A_533 : i32
        %select_n3A_535 = arith.select %and3A_532, %sub3A_534, %div3A_513 : i32
        %mul3A_536 = arith.constant 4 : i32
        %mul3A_537 = arith.muli %select_n3A_535, %mul3A_536 : i32
        %sub3A_538 = arith.subi %add3A_511, %mul3A_537 : i32
        %mul3A_539 = arith.constant 2 : i32
        %mul3A_540 = arith.muli %mul3A_539, %add3A : i32
        %add3A_541 = arith.addi %mul3A_540, %select_n3A_535 : i32
        %mul3A_542 = arith.constant 32 : i32
        %mul3A_543 = arith.muli %add3A_541, %mul3A_542 : i32
        %mul3A_544 = arith.constant 8 : i32
        %mul3A_545 = arith.muli %sub3A_538, %mul3A_544 : i32
        %add3A_546 = arith.addi %mul3A_543, %mul3A_545 : i32
        %multiple_of3A_547 = tpu.assume_multiple %add3A_546, 8 : i32
        %dma_start3A_548 = arith.constant 0 : i32
        %dma_start3A_549 = tpu.memref_slice %arg4[%multiple_of3A_547, %dma_start3A_548] : memref<2048x2048xf32, #tpu.memory_space<hbm>> -> memref<8x2048xf32, #tpu.memory_space<hbm>>
        %dma_start3A_550 = arith.constant 0 : i32
        %dma_start3A_551 = tpu.memref_slice %arg4[%multiple_of3A_547, %dma_start3A_550] : memref<2048x2048xf32, #tpu.memory_space<hbm>> -> memref<8x2048xf32, #tpu.memory_space<hbm>>
        tpu.enqueue_dma source(%dma_start3A_551 : memref<8x2048xf32, #tpu.memory_space<hbm>>) target(%arg24 : memref<8x2048xf32, #tpu.memory_space<vmem>>) target_semaphore(%arg36 : memref<!tpu.dma_semaphore, #tpu.memory_space<semaphore_mem>>)
      } else {
      }
      %jit3A_377 = arith.constant 4 : i32
      %div3A_378 = arith.divsi %add3A_198, %jit3A_377 : i32
      %sign3A_379 = arith.constant 0 : i32
      %sign3A_380 = arith.cmpi sgt, %add3A_198, %sign3A_379 : i32
      %sign3A_381 = arith.extui %sign3A_380 : i1 to i32
      %sign3A_382 = arith.constant 0 : i32
      %sign3A_383 = arith.cmpi slt, %add3A_198, %sign3A_382 : i32
      %sign3A_384 = arith.extui %sign3A_383 : i1 to i32
      %sign3A_385 = arith.subi %sign3A_381, %sign3A_384 : i32
      %sign3A_386 = arith.constant 0 : i32
      %sign3A_387 = arith.cmpi sgt, %jit3A_377, %sign3A_386 : i32
      %sign3A_388 = arith.extui %sign3A_387 : i1 to i32
      %sign3A_389 = arith.constant 0 : i32
      %sign3A_390 = arith.cmpi slt, %jit3A_377, %sign3A_389 : i32
      %sign3A_391 = arith.extui %sign3A_390 : i1 to i32
      %sign3A_392 = arith.subi %sign3A_388, %sign3A_391 : i32
      %ne3A_393 = arith.cmpi ne, %sign3A_385, %sign3A_392 : i32
      %rem3A_394 = arith.remsi %add3A_198, %jit3A_377 : i32
      %ne3A_395 = arith.constant 0 : i32
      %ne3A_396 = arith.cmpi ne, %rem3A_394, %ne3A_395 : i32
      %and3A_397 = arith.andi %ne3A_393, %ne3A_396 : i1
      %sub3A_398 = arith.constant 1 : i32
      %sub3A_399 = arith.subi %div3A_378, %sub3A_398 : i32
      %select_n3A_400 = arith.select %and3A_397, %sub3A_399, %div3A_378 : i32
      %mul3A_401 = arith.constant 4 : i32
      %mul3A_402 = arith.muli %select_n3A_400, %mul3A_401 : i32
      %sub3A_403 = arith.subi %add3A_198, %mul3A_402 : i32
      %mul3A_404 = arith.constant 2 : i32
      %mul3A_405 = arith.muli %mul3A_404, %add3A : i32
      %add3A_406 = arith.addi %mul3A_405, %select_n3A_400 : i32
      %mul3A_407 = arith.constant 32 : i32
      %mul3A_408 = arith.muli %add3A_406, %mul3A_407 : i32
      %mul3A_409 = arith.constant 8 : i32
      %mul3A_410 = arith.muli %sub3A_403, %mul3A_409 : i32
      %add3A_411 = arith.addi %mul3A_408, %mul3A_410 : i32
      %multiple_of3A_412 = tpu.assume_multiple %add3A_411, 8 : i32
      %dma_wait3A_413 = arith.constant 0 : i32
      %dma_wait3A_414 = tpu.memref_slice %arg4[%multiple_of3A_412, %dma_wait3A_413] : memref<2048x2048xf32, #tpu.memory_space<hbm>> -> memref<8x2048xf32, #tpu.memory_space<hbm>>
      %dma_wait3A_415 = arith.constant 0 : i32
      %dma_wait3A_416 = tpu.memref_slice %arg4[%multiple_of3A_412, %dma_wait3A_415] : memref<2048x2048xf32, #tpu.memory_space<hbm>> -> memref<8x2048xf32, #tpu.memory_space<hbm>>
      tpu.wait_dma2 semaphore(%arg37 : memref<!tpu.dma_semaphore, #tpu.memory_space<semaphore_mem>>) src(%dma_wait3A_416 : memref<8x2048xf32, #tpu.memory_space<hbm>>) dst(%arg25 : memref<8x2048xf32, #tpu.memory_space<vmem>>)
      %ge3A_417 = arith.constant 1 : i32
      %ge3A_418 = arith.cmpi sge, %scan3A_192, %ge3A_417 : i32
      %convert_element_type3A_419 = arith.extui %ge3A_418 : i1 to i32
      %cond3A_420 = arith.constant 0 : i32
      %cond3A_421 = arith.cmpi ne, %convert_element_type3A_419, %cond3A_420 : i32
      scf.if %cond3A_421 {
        %sub3A_510 = arith.constant 2 : i32
        %sub3A_511 = arith.subi %add3A_198, %sub3A_510 : i32
        %jit3A_512 = arith.constant 4 : i32
        %div3A_513 = arith.divsi %sub3A_511, %jit3A_512 : i32
        %sign3A_514 = arith.constant 0 : i32
        %sign3A_515 = arith.cmpi sgt, %sub3A_511, %sign3A_514 : i32
        %sign3A_516 = arith.extui %sign3A_515 : i1 to i32
        %sign3A_517 = arith.constant 0 : i32
        %sign3A_518 = arith.cmpi slt, %sub3A_511, %sign3A_517 : i32
        %sign3A_519 = arith.extui %sign3A_518 : i1 to i32
        %sign3A_520 = arith.subi %sign3A_516, %sign3A_519 : i32
        %sign3A_521 = arith.constant 0 : i32
        %sign3A_522 = arith.cmpi sgt, %jit3A_512, %sign3A_521 : i32
        %sign3A_523 = arith.extui %sign3A_522 : i1 to i32
        %sign3A_524 = arith.constant 0 : i32
        %sign3A_525 = arith.cmpi slt, %jit3A_512, %sign3A_524 : i32
        %sign3A_526 = arith.extui %sign3A_525 : i1 to i32
        %sign3A_527 = arith.subi %sign3A_523, %sign3A_526 : i32
        %ne3A_528 = arith.cmpi ne, %sign3A_520, %sign3A_527 : i32
        %rem3A_529 = arith.remsi %sub3A_511, %jit3A_512 : i32
        %ne3A_530 = arith.constant 0 : i32
        %ne3A_531 = arith.cmpi ne, %rem3A_529, %ne3A_530 : i32
        %and3A_532 = arith.andi %ne3A_528, %ne3A_531 : i1
        %sub3A_533 = arith.constant 1 : i32
        %sub3A_534 = arith.subi %div3A_513, %sub3A_533 : i32
        %select_n3A_535 = arith.select %and3A_532, %sub3A_534, %div3A_513 : i32
        %mul3A_536 = arith.constant 4 : i32
        %mul3A_537 = arith.muli %select_n3A_535, %mul3A_536 : i32
        %sub3A_538 = arith.subi %sub3A_511, %mul3A_537 : i32
        %mul3A_539 = arith.constant 8 : i32
        %mul3A_540 = arith.muli %sub3A_538, %mul3A_539 : i32
        %multiple_of3A_541 = tpu.assume_multiple %mul3A_540, 8 : i32
        %mul3A_542 = arith.constant 2 : i32
        %mul3A_543 = arith.muli %mul3A_542, %add3A : i32
        %add3A_544 = arith.addi %mul3A_543, %select_n3A_535 : i32
        %mul3A_545 = arith.constant 1024 : i32
        %mul3A_546 = arith.muli %add3A_544, %mul3A_545 : i32
        %multiple_of3A_547 = tpu.assume_multiple %mul3A_546, 1024 : i32
        %dma_wait3A_548 = tpu.memref_slice %arg13[%multiple_of3A_541, %multiple_of3A_547] : memref<32x65536xf32, #tpu.memory_space<hbm>> -> memref<8x1024xf32, #tpu.memory_space<hbm>>
        %dma_wait3A_549 = tpu.memref_slice %arg13[%multiple_of3A_541, %multiple_of3A_547] : memref<32x65536xf32, #tpu.memory_space<hbm>> -> memref<8x1024xf32, #tpu.memory_space<hbm>>
        tpu.wait_dma2 semaphore(%arg39 : memref<!tpu.dma_semaphore, #tpu.memory_space<semaphore_mem>>) src(%arg27 : memref<8x1024xf32, #tpu.memory_space<vmem>>) dst(%dma_wait3A_549 : memref<8x1024xf32, #tpu.memory_space<hbm>>)
      } else {
      }
      %jit3A_422 = arith.constant 4 : i32
      %eq3A_423 = arith.constant 0 : i32
      %eq3A_424 = arith.cmpi eq, %jit3A_422, %eq3A_423 : i32
      %jit3A_425 = arith.constant 1 : i32
      %select_n3A_426 = arith.select %eq3A_424, %jit3A_425, %jit3A_422 : i32
      %rem3A_427 = arith.remsi %add3A, %select_n3A_426 : i32
      %ne3A_428 = arith.constant 0 : i32
      %ne3A_429 = arith.cmpi ne, %rem3A_427, %ne3A_428 : i32
      %lt3A_430 = arith.constant 0 : i32
      %lt3A_431 = arith.cmpi slt, %rem3A_427, %lt3A_430 : i32
      %lt3A_432 = arith.constant 0 : i32
      %lt3A_433 = arith.cmpi slt, %select_n3A_426, %lt3A_432 : i32
      %ne3A_434 = arith.xori %lt3A_431, %lt3A_433 : i1
      %and3A_435 = arith.andi %ne3A_434, %ne3A_429 : i1
      %add3A_436 = arith.addi %rem3A_427, %select_n3A_426 : i32
      %select_n3A_437 = arith.select %and3A_435, %add3A_436, %rem3A_427 : i32
      %mul3A_438 = arith.constant 2 : i32
      %mul3A_439 = arith.muli %mul3A_438, %select_n3A_437 : i32
      %jit3A_440 = arith.constant 4 : i32
      %div3A_441 = arith.divsi %add3A_198, %jit3A_440 : i32
      %sign3A_442 = arith.constant 0 : i32
      %sign3A_443 = arith.cmpi sgt, %add3A_198, %sign3A_442 : i32
      %sign3A_444 = arith.extui %sign3A_443 : i1 to i32
      %sign3A_445 = arith.constant 0 : i32
      %sign3A_446 = arith.cmpi slt, %add3A_198, %sign3A_445 : i32
      %sign3A_447 = arith.extui %sign3A_446 : i1 to i32
      %sign3A_448 = arith.subi %sign3A_444, %sign3A_447 : i32
      %sign3A_449 = arith.constant 0 : i32
      %sign3A_450 = arith.cmpi sgt, %jit3A_440, %sign3A_449 : i32
      %sign3A_451 = arith.extui %sign3A_450 : i1 to i32
      %sign3A_452 = arith.constant 0 : i32
      %sign3A_453 = arith.cmpi slt, %jit3A_440, %sign3A_452 : i32
      %sign3A_454 = arith.extui %sign3A_453 : i1 to i32
      %sign3A_455 = arith.subi %sign3A_451, %sign3A_454 : i32
      %ne3A_456 = arith.cmpi ne, %sign3A_448, %sign3A_455 : i32
      %rem3A_457 = arith.remsi %add3A_198, %jit3A_440 : i32
      %ne3A_458 = arith.constant 0 : i32
      %ne3A_459 = arith.cmpi ne, %rem3A_457, %ne3A_458 : i32
      %and3A_460 = arith.andi %ne3A_456, %ne3A_459 : i1
      %sub3A_461 = arith.constant 1 : i32
      %sub3A_462 = arith.subi %div3A_441, %sub3A_461 : i32
      %select_n3A_463 = arith.select %and3A_460, %sub3A_462, %div3A_441 : i32
      %add3A_464 = arith.addi %mul3A_439, %select_n3A_463 : i32
      %scan3A_465 = arith.constant 0 : i32
      %scan3A_466 = arith.constant 0 : i32
      %scan3A_467 = arith.constant 32 : i32
      %scan3A_468 = arith.addi %scan3A_466, %scan3A_467 : i32
      %scan3A_469 = arith.constant 1 : i32
      scf.for %scan3A_510 = %scan3A_466 to %scan3A_468 step %scan3A_469  : i32 {
        %mul3A_511 = arith.constant 2 : i32
        %mul3A_512 = arith.muli %scan3A_510, %mul3A_511 : i32
        %mul3A_513 = arith.constant 16 : i32
        %mul3A_514 = arith.muli %mul3A_512, %mul3A_513 : i32
        %add3A_515 = arith.constant 0 : i32
        %add3A_516 = arith.addi %mul3A_514, %add3A_515 : i32
        %get3A = arith.index_cast %add3A_464 : i32 to index
        %get3A_517 = arith.index_cast %add3A_516 : i32 to index
        %get3A_518 = tpu.vector_load %arg19[%get3A, %get3A_517] {strides = array<i32>} : memref<8x1024xi32, #tpu.memory_space<vmem>>, vector<16xi32>,
        %broadcast_in_dim3A = arith.constant 0 : i32
        %broadcast_in_dim3A_519 = vector.broadcast %broadcast_in_dim3A : i32 to vector<16xi32>
        %gather3A = tpu.vector_load_idx %arg25[%broadcast_in_dim3A_519, %get3A_518] : memref<8x2048xf32, #tpu.memory_space<vmem>>[vector<16xi32>, vector<16xi32>], vector<16xf32>,
        %swap3A = arith.constant 0 : i32
        %swap3A_520 = arith.index_cast %swap3A : i32 to index
        %swap3A_521 = arith.index_cast %add3A_516 : i32 to index
        %swap3A_522 = tpu.vector_load %arg27[%swap3A_520, %swap3A_521] {strides = array<i32>} : memref<8x1024xf32, #tpu.memory_space<vmem>>, vector<16xf32>,
        tpu.vector_store %arg27[%swap3A_520, %swap3A_521], %gather3A {strides = array<i32>} : memref<8x1024xf32, #tpu.memory_space<vmem>>, vector<16xf32>,
        %broadcast_in_dim3A_523 = arith.constant 1 : i32
        %broadcast_in_dim3A_524 = vector.broadcast %broadcast_in_dim3A_523 : i32 to vector<16xi32>
        %gather3A_525 = tpu.vector_load_idx %arg25[%broadcast_in_dim3A_524, %get3A_518] : memref<8x2048xf32, #tpu.memory_space<vmem>>[vector<16xi32>, vector<16xi32>], vector<16xf32>,
        %swap3A_526 = arith.constant 1 : i32
        %swap3A_527 = arith.index_cast %swap3A_526 : i32 to index
        %swap3A_528 = arith.index_cast %add3A_516 : i32 to index
        %swap3A_529 = tpu.vector_load %arg27[%swap3A_527, %swap3A_528] {strides = array<i32>} : memref<8x1024xf32, #tpu.memory_space<vmem>>, vector<16xf32>,
        tpu.vector_store %arg27[%swap3A_527, %swap3A_528], %gather3A_525 {strides = array<i32>} : memref<8x1024xf32, #tpu.memory_space<vmem>>, vector<16xf32>,
        %broadcast_in_dim3A_530 = arith.constant 2 : i32
        %broadcast_in_dim3A_531 = vector.broadcast %broadcast_in_dim3A_530 : i32 to vector<16xi32>
        %gather3A_532 = tpu.vector_load_idx %arg25[%broadcast_in_dim3A_531, %get3A_518] : memref<8x2048xf32, #tpu.memory_space<vmem>>[vector<16xi32>, vector<16xi32>], vector<16xf32>,
        %swap3A_533 = arith.constant 2 : i32
        %swap3A_534 = arith.index_cast %swap3A_533 : i32 to index
        %swap3A_535 = arith.index_cast %add3A_516 : i32 to index
        %swap3A_536 = tpu.vector_load %arg27[%swap3A_534, %swap3A_535] {strides = array<i32>} : memref<8x1024xf32, #tpu.memory_space<vmem>>, vector<16xf32>,
        tpu.vector_store %arg27[%swap3A_534, %swap3A_535], %gather3A_532 {strides = array<i32>} : memref<8x1024xf32, #tpu.memory_space<vmem>>, vector<16xf32>,
        %broadcast_in_dim3A_537 = arith.constant 3 : i32
        %broadcast_in_dim3A_538 = vector.broadcast %broadcast_in_dim3A_537 : i32 to vector<16xi32>
        %gather3A_539 = tpu.vector_load_idx %arg25[%broadcast_in_dim3A_538, %get3A_518] : memref<8x2048xf32, #tpu.memory_space<vmem>>[vector<16xi32>, vector<16xi32>], vector<16xf32>,
        %swap3A_540 = arith.constant 3 : i32
        %swap3A_541 = arith.index_cast %swap3A_540 : i32 to index
        %swap3A_542 = arith.index_cast %add3A_516 : i32 to index
        %swap3A_543 = tpu.vector_load %arg27[%swap3A_541, %swap3A_542] {strides = array<i32>} : memref<8x1024xf32, #tpu.memory_space<vmem>>, vector<16xf32>,
        tpu.vector_store %arg27[%swap3A_541, %swap3A_542], %gather3A_539 {strides = array<i32>} : memref<8x1024xf32, #tpu.memory_space<vmem>>, vector<16xf32>,
        %broadcast_in_dim3A_544 = arith.constant 4 : i32
        %broadcast_in_dim3A_545 = vector.broadcast %broadcast_in_dim3A_544 : i32 to vector<16xi32>
        %gather3A_546 = tpu.vector_load_idx %arg25[%broadcast_in_dim3A_545, %get3A_518] : memref<8x2048xf32, #tpu.memory_space<vmem>>[vector<16xi32>, vector<16xi32>], vector<16xf32>,
        %swap3A_547 = arith.constant 4 : i32
        %swap3A_548 = arith.index_cast %swap3A_547 : i32 to index
        %swap3A_549 = arith.index_cast %add3A_516 : i32 to index
        %swap3A_550 = tpu.vector_load %arg27[%swap3A_548, %swap3A_549] {strides = array<i32>} : memref<8x1024xf32, #tpu.memory_space<vmem>>, vector<16xf32>,
        tpu.vector_store %arg27[%swap3A_548, %swap3A_549], %gather3A_546 {strides = array<i32>} : memref<8x1024xf32, #tpu.memory_space<vmem>>, vector<16xf32>,
        %broadcast_in_dim3A_551 = arith.constant 5 : i32
        %broadcast_in_dim3A_552 = vector.broadcast %broadcast_in_dim3A_551 : i32 to vector<16xi32>
        %gather3A_553 = tpu.vector_load_idx %arg25[%broadcast_in_dim3A_552, %get3A_518] : memref<8x2048xf32, #tpu.memory_space<vmem>>[vector<16xi32>, vector<16xi32>], vector<16xf32>,
        %swap3A_554 = arith.constant 5 : i32
        %swap3A_555 = arith.index_cast %swap3A_554 : i32 to index
        %swap3A_556 = arith.index_cast %add3A_516 : i32 to index
        %swap3A_557 = tpu.vector_load %arg27[%swap3A_555, %swap3A_556] {strides = array<i32>} : memref<8x1024xf32, #tpu.memory_space<vmem>>, vector<16xf32>,
        tpu.vector_store %arg27[%swap3A_555, %swap3A_556], %gather3A_553 {strides = array<i32>} : memref<8x1024xf32, #tpu.memory_space<vmem>>, vector<16xf32>,
        %broadcast_in_dim3A_558 = arith.constant 6 : i32
        %broadcast_in_dim3A_559 = vector.broadcast %broadcast_in_dim3A_558 : i32 to vector<16xi32>
        %gather3A_560 = tpu.vector_load_idx %arg25[%broadcast_in_dim3A_559, %get3A_518] : memref<8x2048xf32, #tpu.memory_space<vmem>>[vector<16xi32>, vector<16xi32>], vector<16xf32>,
        %swap3A_561 = arith.constant 6 : i32
        %swap3A_562 = arith.index_cast %swap3A_561 : i32 to index
        %swap3A_563 = arith.index_cast %add3A_516 : i32 to index
        %swap3A_564 = tpu.vector_load %arg27[%swap3A_562, %swap3A_563] {strides = array<i32>} : memref<8x1024xf32, #tpu.memory_space<vmem>>, vector<16xf32>,
        tpu.vector_store %arg27[%swap3A_562, %swap3A_563], %gather3A_560 {strides = array<i32>} : memref<8x1024xf32, #tpu.memory_space<vmem>>, vector<16xf32>,
        %broadcast_in_dim3A_565 = arith.constant 7 : i32
        %broadcast_in_dim3A_566 = vector.broadcast %broadcast_in_dim3A_565 : i32 to vector<16xi32>
        %gather3A_567 = tpu.vector_load_idx %arg25[%broadcast_in_dim3A_566, %get3A_518] : memref<8x2048xf32, #tpu.memory_space<vmem>>[vector<16xi32>, vector<16xi32>], vector<16xf32>,
        %swap3A_568 = arith.constant 7 : i32
        %swap3A_569 = arith.index_cast %swap3A_568 : i32 to index
        %swap3A_570 = arith.index_cast %add3A_516 : i32 to index
        %swap3A_571 = tpu.vector_load %arg27[%swap3A_569, %swap3A_570] {strides = array<i32>} : memref<8x1024xf32, #tpu.memory_space<vmem>>, vector<16xf32>,
        tpu.vector_store %arg27[%swap3A_569, %swap3A_570], %gather3A_567 {strides = array<i32>} : memref<8x1024xf32, #tpu.memory_space<vmem>>, vector<16xf32>,
        %mul3A_572 = arith.constant 2 : i32
        %mul3A_573 = arith.muli %scan3A_510, %mul3A_572 : i32
        %mul3A_574 = arith.constant 16 : i32
        %mul3A_575 = arith.muli %mul3A_573, %mul3A_574 : i32
        %add3A_576 = arith.constant 16 : i32
        %add3A_577 = arith.addi %mul3A_575, %add3A_576 : i32
        %get3A_578 = arith.index_cast %add3A_464 : i32 to index
        %get3A_579 = arith.index_cast %add3A_577 : i32 to index
        %get3A_580 = tpu.vector_load %arg19[%get3A_578, %get3A_579] {strides = array<i32>} : memref<8x1024xi32, #tpu.memory_space<vmem>>, vector<16xi32>,
        %broadcast_in_dim3A_581 = arith.constant 0 : i32
        %broadcast_in_dim3A_582 = vector.broadcast %broadcast_in_dim3A_581 : i32 to vector<16xi32>
        %gather3A_583 = tpu.vector_load_idx %arg25[%broadcast_in_dim3A_582, %get3A_580] : memref<8x2048xf32, #tpu.memory_space<vmem>>[vector<16xi32>, vector<16xi32>], vector<16xf32>,
        %swap3A_584 = arith.constant 0 : i32
        %swap3A_585 = arith.index_cast %swap3A_584 : i32 to index
        %swap3A_586 = arith.index_cast %add3A_577 : i32 to index
        %swap3A_587 = tpu.vector_load %arg27[%swap3A_585, %swap3A_586] {strides = array<i32>} : memref<8x1024xf32, #tpu.memory_space<vmem>>, vector<16xf32>,
        tpu.vector_store %arg27[%swap3A_585, %swap3A_586], %gather3A_583 {strides = array<i32>} : memref<8x1024xf32, #tpu.memory_space<vmem>>, vector<16xf32>,
        %broadcast_in_dim3A_588 = arith.constant 1 : i32
        %broadcast_in_dim3A_589 = vector.broadcast %broadcast_in_dim3A_588 : i32 to vector<16xi32>
        %gather3A_590 = tpu.vector_load_idx %arg25[%broadcast_in_dim3A_589, %get3A_580] : memref<8x2048xf32, #tpu.memory_space<vmem>>[vector<16xi32>, vector<16xi32>], vector<16xf32>,
        %swap3A_591 = arith.constant 1 : i32
        %swap3A_592 = arith.index_cast %swap3A_591 : i32 to index
        %swap3A_593 = arith.index_cast %add3A_577 : i32 to index
        %swap3A_594 = tpu.vector_load %arg27[%swap3A_592, %swap3A_593] {strides = array<i32>} : memref<8x1024xf32, #tpu.memory_space<vmem>>, vector<16xf32>,
        tpu.vector_store %arg27[%swap3A_592, %swap3A_593], %gather3A_590 {strides = array<i32>} : memref<8x1024xf32, #tpu.memory_space<vmem>>, vector<16xf32>,
        %broadcast_in_dim3A_595 = arith.constant 2 : i32
        %broadcast_in_dim3A_596 = vector.broadcast %broadcast_in_dim3A_595 : i32 to vector<16xi32>
        %gather3A_597 = tpu.vector_load_idx %arg25[%broadcast_in_dim3A_596, %get3A_580] : memref<8x2048xf32, #tpu.memory_space<vmem>>[vector<16xi32>, vector<16xi32>], vector<16xf32>,
        %swap3A_598 = arith.constant 2 : i32
        %swap3A_599 = arith.index_cast %swap3A_598 : i32 to index
        %swap3A_600 = arith.index_cast %add3A_577 : i32 to index
        %swap3A_601 = tpu.vector_load %arg27[%swap3A_599, %swap3A_600] {strides = array<i32>} : memref<8x1024xf32, #tpu.memory_space<vmem>>, vector<16xf32>,
        tpu.vector_store %arg27[%swap3A_599, %swap3A_600], %gather3A_597 {strides = array<i32>} : memref<8x1024xf32, #tpu.memory_space<vmem>>, vector<16xf32>,
        %broadcast_in_dim3A_602 = arith.constant 3 : i32
        %broadcast_in_dim3A_603 = vector.broadcast %broadcast_in_dim3A_602 : i32 to vector<16xi32>
        %gather3A_604 = tpu.vector_load_idx %arg25[%broadcast_in_dim3A_603, %get3A_580] : memref<8x2048xf32, #tpu.memory_space<vmem>>[vector<16xi32>, vector<16xi32>], vector<16xf32>,
        %swap3A_605 = arith.constant 3 : i32
        %swap3A_606 = arith.index_cast %swap3A_605 : i32 to index
        %swap3A_607 = arith.index_cast %add3A_577 : i32 to index
        %swap3A_608 = tpu.vector_load %arg27[%swap3A_606, %swap3A_607] {strides = array<i32>} : memref<8x1024xf32, #tpu.memory_space<vmem>>, vector<16xf32>,
        tpu.vector_store %arg27[%swap3A_606, %swap3A_607], %gather3A_604 {strides = array<i32>} : memref<8x1024xf32, #tpu.memory_space<vmem>>, vector<16xf32>,
        %broadcast_in_dim3A_609 = arith.constant 4 : i32
        %broadcast_in_dim3A_610 = vector.broadcast %broadcast_in_dim3A_609 : i32 to vector<16xi32>
        %gather3A_611 = tpu.vector_load_idx %arg25[%broadcast_in_dim3A_610, %get3A_580] : memref<8x2048xf32, #tpu.memory_space<vmem>>[vector<16xi32>, vector<16xi32>], vector<16xf32>,
        %swap3A_612 = arith.constant 4 : i32
        %swap3A_613 = arith.index_cast %swap3A_612 : i32 to index
        %swap3A_614 = arith.index_cast %add3A_577 : i32 to index
        %swap3A_615 = tpu.vector_load %arg27[%swap3A_613, %swap3A_614] {strides = array<i32>} : memref<8x1024xf32, #tpu.memory_space<vmem>>, vector<16xf32>,
        tpu.vector_store %arg27[%swap3A_613, %swap3A_614], %gather3A_611 {strides = array<i32>} : memref<8x1024xf32, #tpu.memory_space<vmem>>, vector<16xf32>,
        %broadcast_in_dim3A_616 = arith.constant 5 : i32
        %broadcast_in_dim3A_617 = vector.broadcast %broadcast_in_dim3A_616 : i32 to vector<16xi32>
        %gather3A_618 = tpu.vector_load_idx %arg25[%broadcast_in_dim3A_617, %get3A_580] : memref<8x2048xf32, #tpu.memory_space<vmem>>[vector<16xi32>, vector<16xi32>], vector<16xf32>,
        %swap3A_619 = arith.constant 5 : i32
        %swap3A_620 = arith.index_cast %swap3A_619 : i32 to index
        %swap3A_621 = arith.index_cast %add3A_577 : i32 to index
        %swap3A_622 = tpu.vector_load %arg27[%swap3A_620, %swap3A_621] {strides = array<i32>} : memref<8x1024xf32, #tpu.memory_space<vmem>>, vector<16xf32>,
        tpu.vector_store %arg27[%swap3A_620, %swap3A_621], %gather3A_618 {strides = array<i32>} : memref<8x1024xf32, #tpu.memory_space<vmem>>, vector<16xf32>,
        %broadcast_in_dim3A_623 = arith.constant 6 : i32
        %broadcast_in_dim3A_624 = vector.broadcast %broadcast_in_dim3A_623 : i32 to vector<16xi32>
        %gather3A_625 = tpu.vector_load_idx %arg25[%broadcast_in_dim3A_624, %get3A_580] : memref<8x2048xf32, #tpu.memory_space<vmem>>[vector<16xi32>, vector<16xi32>], vector<16xf32>,
        %swap3A_626 = arith.constant 6 : i32
        %swap3A_627 = arith.index_cast %swap3A_626 : i32 to index
        %swap3A_628 = arith.index_cast %add3A_577 : i32 to index
        %swap3A_629 = tpu.vector_load %arg27[%swap3A_627, %swap3A_628] {strides = array<i32>} : memref<8x1024xf32, #tpu.memory_space<vmem>>, vector<16xf32>,
        tpu.vector_store %arg27[%swap3A_627, %swap3A_628], %gather3A_625 {strides = array<i32>} : memref<8x1024xf32, #tpu.memory_space<vmem>>, vector<16xf32>,
        %broadcast_in_dim3A_630 = arith.constant 7 : i32
        %broadcast_in_dim3A_631 = vector.broadcast %broadcast_in_dim3A_630 : i32 to vector<16xi32>
        %gather3A_632 = tpu.vector_load_idx %arg25[%broadcast_in_dim3A_631, %get3A_580] : memref<8x2048xf32, #tpu.memory_space<vmem>>[vector<16xi32>, vector<16xi32>], vector<16xf32>,
        %swap3A_633 = arith.constant 7 : i32
        %swap3A_634 = arith.index_cast %swap3A_633 : i32 to index
        %swap3A_635 = arith.index_cast %add3A_577 : i32 to index
        %swap3A_636 = tpu.vector_load %arg27[%swap3A_634, %swap3A_635] {strides = array<i32>} : memref<8x1024xf32, #tpu.memory_space<vmem>>, vector<16xf32>,
        tpu.vector_store %arg27[%swap3A_634, %swap3A_635], %gather3A_632 {strides = array<i32>} : memref<8x1024xf32, #tpu.memory_space<vmem>>, vector<16xf32>,
      }
      %scan3A_470 = arith.constant 32 : i32
      %barrier3A_471 = arith.constant 0 : index
      tpu.barrier barrier_id(%barrier3A_471)
      %jit3A_472 = arith.constant 4 : i32
      %div3A_473 = arith.divsi %add3A_198, %jit3A_472 : i32
      %sign3A_474 = arith.constant 0 : i32
      %sign3A_475 = arith.cmpi sgt, %add3A_198, %sign3A_474 : i32
      %sign3A_476 = arith.extui %sign3A_475 : i1 to i32
      %sign3A_477 = arith.constant 0 : i32
      %sign3A_478 = arith.cmpi slt, %add3A_198, %sign3A_477 : i32
      %sign3A_479 = arith.extui %sign3A_478 : i1 to i32
      %sign3A_480 = arith.subi %sign3A_476, %sign3A_479 : i32
      %sign3A_481 = arith.constant 0 : i32
      %sign3A_482 = arith.cmpi sgt, %jit3A_472, %sign3A_481 : i32
      %sign3A_483 = arith.extui %sign3A_482 : i1 to i32
      %sign3A_484 = arith.constant 0 : i32
      %sign3A_485 = arith.cmpi slt, %jit3A_472, %sign3A_484 : i32
      %sign3A_486 = arith.extui %sign3A_485 : i1 to i32
      %sign3A_487 = arith.subi %sign3A_483, %sign3A_486 : i32
      %ne3A_488 = arith.cmpi ne, %sign3A_480, %sign3A_487 : i32
      %rem3A_489 = arith.remsi %add3A_198, %jit3A_472 : i32
      %ne3A_490 = arith.constant 0 : i32
      %ne3A_491 = arith.cmpi ne, %rem3A_489, %ne3A_490 : i32
      %and3A_492 = arith.andi %ne3A_488, %ne3A_491 : i1
      %sub3A_493 = arith.constant 1 : i32
      %sub3A_494 = arith.subi %div3A_473, %sub3A_493 : i32
      %select_n3A_495 = arith.select %and3A_492, %sub3A_494, %div3A_473 : i32
      %mul3A_496 = arith.constant 4 : i32
      %mul3A_497 = arith.muli %select_n3A_495, %mul3A_496 : i32
      %sub3A_498 = arith.subi %add3A_198, %mul3A_497 : i32
      %mul3A_499 = arith.constant 8 : i32
      %mul3A_500 = arith.muli %sub3A_498, %mul3A_499 : i32
      %multiple_of3A_501 = tpu.assume_multiple %mul3A_500, 8 : i32
      %mul3A_502 = arith.constant 2 : i32
      %mul3A_503 = arith.muli %mul3A_502, %add3A : i32
      %add3A_504 = arith.addi %mul3A_503, %select_n3A_495 : i32
      %mul3A_505 = arith.constant 1024 : i32
      %mul3A_506 = arith.muli %add3A_504, %mul3A_505 : i32
      %multiple_of3A_507 = tpu.assume_multiple %mul3A_506, 1024 : i32
      %dma_start3A_508 = tpu.memref_slice %arg13[%multiple_of3A_501, %multiple_of3A_507] : memref<32x65536xf32, #tpu.memory_space<hbm>> -> memref<8x1024xf32, #tpu.memory_space<hbm>>
      %dma_start3A_509 = tpu.memref_slice %arg13[%multiple_of3A_501, %multiple_of3A_507] : memref<32x65536xf32, #tpu.memory_space<hbm>> -> memref<8x1024xf32, #tpu.memory_space<hbm>>
      tpu.enqueue_dma source(%arg27 : memref<8x1024xf32, #tpu.memory_space<vmem>>) target(%dma_start3A_509 : memref<8x1024xf32, #tpu.memory_space<hbm>>) target_semaphore(%arg39 : memref<!tpu.dma_semaphore, #tpu.memory_space<semaphore_mem>>)
    }
    %scan3A_60 = arith.constant 4 : i32
    %multiple_of3A_61 = arith.constant 16 : i32
    %multiple_of3A_62 = tpu.assume_multiple %multiple_of3A_61, 8 : i32
    %mul3A_63 = arith.constant 2 : i32
    %mul3A_64 = arith.muli %mul3A_63, %add3A : i32
    %add3A_65 = arith.constant 1 : i32
    %add3A_66 = arith.addi %mul3A_64, %add3A_65 : i32
    %mul3A_67 = arith.constant 1024 : i32
    %mul3A_68 = arith.muli %add3A_66, %mul3A_67 : i32
    %multiple_of3A_69 = tpu.assume_multiple %mul3A_68, 1024 : i32
    %dma_wait3A = tpu.memref_slice %arg13[%multiple_of3A_62, %multiple_of3A_69] : memref<32x65536xf32, #tpu.memory_space<hbm>> -> memref<8x1024xf32, #tpu.memory_space<hbm>>
    %dma_wait3A_70 = tpu.memref_slice %arg13[%multiple_of3A_62, %multiple_of3A_69] : memref<32x65536xf32, #tpu.memory_space<hbm>> -> memref<8x1024xf32, #tpu.memory_space<hbm>>
    tpu.wait_dma2 semaphore(%arg38 : memref<!tpu.dma_semaphore, #tpu.memory_space<semaphore_mem>>) src(%arg26 : memref<8x1024xf32, #tpu.memory_space<vmem>>) dst(%dma_wait3A_70 : memref<8x1024xf32, #tpu.memory_space<hbm>>)
    %multiple_of3A_71 = arith.constant 24 : i32
    %multiple_of3A_72 = tpu.assume_multiple %multiple_of3A_71, 8 : i32
    %mul3A_73 = arith.constant 2 : i32
    %mul3A_74 = arith.muli %mul3A_73, %add3A : i32
    %add3A_75 = arith.constant 1 : i32
    %add3A_76 = arith.addi %mul3A_74, %add3A_75 : i32
    %mul3A_77 = arith.constant 1024 : i32
    %mul3A_78 = arith.muli %add3A_76, %mul3A_77 : i32
    %multiple_of3A_79 = tpu.assume_multiple %mul3A_78, 1024 : i32
    %dma_wait3A_80 = tpu.memref_slice %arg13[%multiple_of3A_72, %multiple_of3A_79] : memref<32x65536xf32, #tpu.memory_space<hbm>> -> memref<8x1024xf32, #tpu.memory_space<hbm>>
    %dma_wait3A_81 = tpu.memref_slice %arg13[%multiple_of3A_72, %multiple_of3A_79] : memref<32x65536xf32, #tpu.memory_space<hbm>> -> memref<8x1024xf32, #tpu.memory_space<hbm>>
    tpu.wait_dma2 semaphore(%arg39 : memref<!tpu.dma_semaphore, #tpu.memory_space<semaphore_mem>>) src(%arg27 : memref<8x1024xf32, #tpu.memory_space<vmem>>) dst(%dma_wait3A_81 : memref<8x1024xf32, #tpu.memory_space<hbm>>)
    %mul3A_82 = arith.constant 2 : i32
    %mul3A_83 = arith.muli %mul3A_82, %add3A : i32
    %add3A_84 = arith.constant 0 : i32
    %add3A_85 = arith.addi %mul3A_83, %add3A_84 : i32
    %mul3A_86 = arith.constant 160 : i32
    %mul3A_87 = arith.muli %add3A_85, %mul3A_86 : i32
    %add3A_88 = arith.constant 0 : i32
    %add3A_89 = arith.addi %mul3A_87, %add3A_88 : i32
    %multiple_of3A_90 = tpu.assume_multiple %add3A_89, 8 : i32
    %dma_start3A_91 = arith.constant 0 : i32
    %dma_start3A_92 = tpu.memref_slice %arg5[%multiple_of3A_90, %dma_start3A_91] : memref<10240x2048xf32, #tpu.memory_space<hbm>> -> memref<8x2048xf32, #tpu.memory_space<hbm>>
    %dma_start3A_93 = arith.constant 0 : i32
    %dma_start3A_94 = tpu.memref_slice %arg5[%multiple_of3A_90, %dma_start3A_93] : memref<10240x2048xf32, #tpu.memory_space<hbm>> -> memref<8x2048xf32, #tpu.memory_space<hbm>>
    tpu.enqueue_dma source(%dma_start3A_94 : memref<8x2048xf32, #tpu.memory_space<hbm>>) target(%arg24 : memref<8x2048xf32, #tpu.memory_space<vmem>>) target_semaphore(%arg36 : memref<!tpu.dma_semaphore, #tpu.memory_space<semaphore_mem>>)
    %scan3A_95 = arith.constant 0 : i32
    %scan3A_96 = arith.constant 0 : i32
    %scan3A_97 = arith.constant 20 : i32
    %scan3A_98 = arith.addi %scan3A_96, %scan3A_97 : i32
    %scan3A_99 = arith.constant 1 : i32
    scf.for %scan3A_192 = %scan3A_96 to %scan3A_98 step %scan3A_99  : i32 {
      %mul3A_193 = arith.constant 2 : i32
      %mul3A_194 = arith.muli %mul3A_193, %scan3A_192 : i32
      %mul3A_195 = arith.constant 2 : i32
      %mul3A_196 = arith.muli %mul3A_195, %scan3A_192 : i32
      %add3A_197 = arith.constant 1 : i32
      %add3A_198 = arith.addi %mul3A_196, %add3A_197 : i32
      %jit3A_199 = arith.constant 20 : i32
      %div3A_200 = arith.divsi %add3A_198, %jit3A_199 : i32
      %sign3A_201 = arith.constant 0 : i32
      %sign3A_202 = arith.cmpi sgt, %add3A_198, %sign3A_201 : i32
      %sign3A_203 = arith.extui %sign3A_202 : i1 to i32
      %sign3A_204 = arith.constant 0 : i32
      %sign3A_205 = arith.cmpi slt, %add3A_198, %sign3A_204 : i32
      %sign3A_206 = arith.extui %sign3A_205 : i1 to i32
      %sign3A_207 = arith.subi %sign3A_203, %sign3A_206 : i32
      %sign3A_208 = arith.constant 0 : i32
      %sign3A_209 = arith.cmpi sgt, %jit3A_199, %sign3A_208 : i32
      %sign3A_210 = arith.extui %sign3A_209 : i1 to i32
      %sign3A_211 = arith.constant 0 : i32
      %sign3A_212 = arith.cmpi slt, %jit3A_199, %sign3A_211 : i32
      %sign3A_213 = arith.extui %sign3A_212 : i1 to i32
      %sign3A_214 = arith.subi %sign3A_210, %sign3A_213 : i32
      %ne3A_215 = arith.cmpi ne, %sign3A_207, %sign3A_214 : i32
      %rem3A_216 = arith.remsi %add3A_198, %jit3A_199 : i32
      %ne3A_217 = arith.constant 0 : i32
      %ne3A_218 = arith.cmpi ne, %rem3A_216, %ne3A_217 : i32
      %and3A_219 = arith.andi %ne3A_215, %ne3A_218 : i1
      %sub3A_220 = arith.constant 1 : i32
      %sub3A_221 = arith.subi %div3A_200, %sub3A_220 : i32
      %select_n3A_222 = arith.select %and3A_219, %sub3A_221, %div3A_200 : i32
      %mul3A_223 = arith.constant 20 : i32
      %mul3A_224 = arith.muli %select_n3A_222, %mul3A_223 : i32
      %sub3A_225 = arith.subi %add3A_198, %mul3A_224 : i32
      %mul3A_226 = arith.constant 2 : i32
      %mul3A_227 = arith.muli %mul3A_226, %add3A : i32
      %add3A_228 = arith.addi %mul3A_227, %select_n3A_222 : i32
      %mul3A_229 = arith.constant 160 : i32
      %mul3A_230 = arith.muli %add3A_228, %mul3A_229 : i32
      %mul3A_231 = arith.constant 8 : i32
      %mul3A_232 = arith.muli %sub3A_225, %mul3A_231 : i32
      %add3A_233 = arith.addi %mul3A_230, %mul3A_232 : i32
      %multiple_of3A_234 = tpu.assume_multiple %add3A_233, 8 : i32
      %dma_start3A_235 = arith.constant 0 : i32
      %dma_start3A_236 = tpu.memref_slice %arg5[%multiple_of3A_234, %dma_start3A_235] : memref<10240x2048xf32, #tpu.memory_space<hbm>> -> memref<8x2048xf32, #tpu.memory_space<hbm>>
      %dma_start3A_237 = arith.constant 0 : i32
      %dma_start3A_238 = tpu.memref_slice %arg5[%multiple_of3A_234, %dma_start3A_237] : memref<10240x2048xf32, #tpu.memory_space<hbm>> -> memref<8x2048xf32, #tpu.memory_space<hbm>>
      tpu.enqueue_dma source(%dma_start3A_238 : memref<8x2048xf32, #tpu.memory_space<hbm>>) target(%arg25 : memref<8x2048xf32, #tpu.memory_space<vmem>>) target_semaphore(%arg37 : memref<!tpu.dma_semaphore, #tpu.memory_space<semaphore_mem>>)
      %jit3A_239 = arith.constant 20 : i32
      %div3A_240 = arith.divsi %mul3A_194, %jit3A_239 : i32
      %sign3A_241 = arith.constant 0 : i32
      %sign3A_242 = arith.cmpi sgt, %mul3A_194, %sign3A_241 : i32
      %sign3A_243 = arith.extui %sign3A_242 : i1 to i32
      %sign3A_244 = arith.constant 0 : i32
      %sign3A_245 = arith.cmpi slt, %mul3A_194, %sign3A_244 : i32
      %sign3A_246 = arith.extui %sign3A_245 : i1 to i32
      %sign3A_247 = arith.subi %sign3A_243, %sign3A_246 : i32
      %sign3A_248 = arith.constant 0 : i32
      %sign3A_249 = arith.cmpi sgt, %jit3A_239, %sign3A_248 : i32
      %sign3A_250 = arith.extui %sign3A_249 : i1 to i32
      %sign3A_251 = arith.constant 0 : i32
      %sign3A_252 = arith.cmpi slt, %jit3A_239, %sign3A_251 : i32
      %sign3A_253 = arith.extui %sign3A_252 : i1 to i32
      %sign3A_254 = arith.subi %sign3A_250, %sign3A_253 : i32
      %ne3A_255 = arith.cmpi ne, %sign3A_247, %sign3A_254 : i32
      %rem3A_256 = arith.remsi %mul3A_194, %jit3A_239 : i32
      %ne3A_257 = arith.constant 0 : i32
      %ne3A_258 = arith.cmpi ne, %rem3A_256, %ne3A_257 : i32
      %and3A_259 = arith.andi %ne3A_255, %ne3A_258 : i1
      %sub3A_260 = arith.constant 1 : i32
      %sub3A_261 = arith.subi %div3A_240, %sub3A_260 : i32
      %select_n3A_262 = arith.select %and3A_259, %sub3A_261, %div3A_240 : i32
      %mul3A_263 = arith.constant 20 : i32
      %mul3A_264 = arith.muli %select_n3A_262, %mul3A_263 : i32
      %sub3A_265 = arith.subi %mul3A_194, %mul3A_264 : i32
      %mul3A_266 = arith.constant 2 : i32
      %mul3A_267 = arith.muli %mul3A_266, %add3A : i32
      %add3A_268 = arith.addi %mul3A_267, %select_n3A_262 : i32
      %mul3A_269 = arith.constant 160 : i32
      %mul3A_270 = arith.muli %add3A_268, %mul3A_269 : i32
      %mul3A_271 = arith.constant 8 : i32
      %mul3A_272 = arith.muli %sub3A_265, %mul3A_271 : i32
      %add3A_273 = arith.addi %mul3A_270, %mul3A_272 : i32
      %multiple_of3A_274 = tpu.assume_multiple %add3A_273, 8 : i32
      %dma_wait3A_275 = arith.constant 0 : i32
      %dma_wait3A_276 = tpu.memref_slice %arg5[%multiple_of3A_274, %dma_wait3A_275] : memref<10240x2048xf32, #tpu.memory_space<hbm>> -> memref<8x2048xf32, #tpu.memory_space<hbm>>
      %dma_wait3A_277 = arith.constant 0 : i32
      %dma_wait3A_278 = tpu.memref_slice %arg5[%multiple_of3A_274, %dma_wait3A_277] : memref<10240x2048xf32, #tpu.memory_space<hbm>> -> memref<8x2048xf32, #tpu.memory_space<hbm>>
      tpu.wait_dma2 semaphore(%arg36 : memref<!tpu.dma_semaphore, #tpu.memory_space<semaphore_mem>>) src(%dma_wait3A_278 : memref<8x2048xf32, #tpu.memory_space<hbm>>) dst(%arg24 : memref<8x2048xf32, #tpu.memory_space<vmem>>)
      %ge3A = arith.constant 1 : i32
      %ge3A_279 = arith.cmpi sge, %scan3A_192, %ge3A : i32
      %convert_element_type3A = arith.extui %ge3A_279 : i1 to i32
      %cond3A = arith.constant 0 : i32
      %cond3A_280 = arith.cmpi ne, %convert_element_type3A, %cond3A : i32
      scf.if %cond3A_280 {
        %sub3A_510 = arith.constant 2 : i32
        %sub3A_511 = arith.subi %mul3A_194, %sub3A_510 : i32
        %jit3A_512 = arith.constant 20 : i32
        %div3A_513 = arith.divsi %sub3A_511, %jit3A_512 : i32
        %sign3A_514 = arith.constant 0 : i32
        %sign3A_515 = arith.cmpi sgt, %sub3A_511, %sign3A_514 : i32
        %sign3A_516 = arith.extui %sign3A_515 : i1 to i32
        %sign3A_517 = arith.constant 0 : i32
        %sign3A_518 = arith.cmpi slt, %sub3A_511, %sign3A_517 : i32
        %sign3A_519 = arith.extui %sign3A_518 : i1 to i32
        %sign3A_520 = arith.subi %sign3A_516, %sign3A_519 : i32
        %sign3A_521 = arith.constant 0 : i32
        %sign3A_522 = arith.cmpi sgt, %jit3A_512, %sign3A_521 : i32
        %sign3A_523 = arith.extui %sign3A_522 : i1 to i32
        %sign3A_524 = arith.constant 0 : i32
        %sign3A_525 = arith.cmpi slt, %jit3A_512, %sign3A_524 : i32
        %sign3A_526 = arith.extui %sign3A_525 : i1 to i32
        %sign3A_527 = arith.subi %sign3A_523, %sign3A_526 : i32
        %ne3A_528 = arith.cmpi ne, %sign3A_520, %sign3A_527 : i32
        %rem3A_529 = arith.remsi %sub3A_511, %jit3A_512 : i32
        %ne3A_530 = arith.constant 0 : i32
        %ne3A_531 = arith.cmpi ne, %rem3A_529, %ne3A_530 : i32
        %and3A_532 = arith.andi %ne3A_528, %ne3A_531 : i1
        %sub3A_533 = arith.constant 1 : i32
        %sub3A_534 = arith.subi %div3A_513, %sub3A_533 : i32
        %select_n3A_535 = arith.select %and3A_532, %sub3A_534, %div3A_513 : i32
        %mul3A_536 = arith.constant 20 : i32
        %mul3A_537 = arith.muli %select_n3A_535, %mul3A_536 : i32
        %sub3A_538 = arith.subi %sub3A_511, %mul3A_537 : i32
        %mul3A_539 = arith.constant 8 : i32
        %mul3A_540 = arith.muli %sub3A_538, %mul3A_539 : i32
        %multiple_of3A_541 = tpu.assume_multiple %mul3A_540, 8 : i32
        %mul3A_542 = arith.constant 2 : i32
        %mul3A_543 = arith.muli %mul3A_542, %add3A : i32
        %add3A_544 = arith.addi %mul3A_543, %select_n3A_535 : i32
        %mul3A_545 = arith.constant 1024 : i32
        %mul3A_546 = arith.muli %add3A_544, %mul3A_545 : i32
        %multiple_of3A_547 = tpu.assume_multiple %mul3A_546, 1024 : i32
        %dma_wait3A_548 = tpu.memref_slice %arg14[%multiple_of3A_541, %multiple_of3A_547] : memref<160x65536xf32, #tpu.memory_space<hbm>> -> memref<8x1024xf32, #tpu.memory_space<hbm>>
        %dma_wait3A_549 = tpu.memref_slice %arg14[%multiple_of3A_541, %multiple_of3A_547] : memref<160x65536xf32, #tpu.memory_space<hbm>> -> memref<8x1024xf32, #tpu.memory_space<hbm>>
        tpu.wait_dma2 semaphore(%arg38 : memref<!tpu.dma_semaphore, #tpu.memory_space<semaphore_mem>>) src(%arg26 : memref<8x1024xf32, #tpu.memory_space<vmem>>) dst(%dma_wait3A_549 : memref<8x1024xf32, #tpu.memory_space<hbm>>)
      } else {
      }
      %jit3A_281 = arith.constant 4 : i32
      %eq3A = arith.constant 0 : i32
      %eq3A_282 = arith.cmpi eq, %jit3A_281, %eq3A : i32
      %jit3A_283 = arith.constant 1 : i32
      %select_n3A_284 = arith.select %eq3A_282, %jit3A_283, %jit3A_281 : i32
      %rem3A_285 = arith.remsi %add3A, %select_n3A_284 : i32
      %ne3A_286 = arith.constant 0 : i32
      %ne3A_287 = arith.cmpi ne, %rem3A_285, %ne3A_286 : i32
      %lt3A = arith.constant 0 : i32
      %lt3A_288 = arith.cmpi slt, %rem3A_285, %lt3A : i32
      %lt3A_289 = arith.constant 0 : i32
      %lt3A_290 = arith.cmpi slt, %select_n3A_284, %lt3A_289 : i32
      %ne3A_291 = arith.xori %lt3A_288, %lt3A_290 : i1
      %and3A_292 = arith.andi %ne3A_291, %ne3A_287 : i1
      %add3A_293 = arith.addi %rem3A_285, %select_n3A_284 : i32
      %select_n3A_294 = arith.select %and3A_292, %add3A_293, %rem3A_285 : i32
      %mul3A_295 = arith.constant 2 : i32
      %mul3A_296 = arith.muli %mul3A_295, %select_n3A_294 : i32
      %jit3A_297 = arith.constant 20 : i32
      %div3A_298 = arith.divsi %mul3A_194, %jit3A_297 : i32
      %sign3A_299 = arith.constant 0 : i32
      %sign3A_300 = arith.cmpi sgt, %mul3A_194, %sign3A_299 : i32
      %sign3A_301 = arith.extui %sign3A_300 : i1 to i32
      %sign3A_302 = arith.constant 0 : i32
      %sign3A_303 = arith.cmpi slt, %mul3A_194, %sign3A_302 : i32
      %sign3A_304 = arith.extui %sign3A_303 : i1 to i32
      %sign3A_305 = arith.subi %sign3A_301, %sign3A_304 : i32
      %sign3A_306 = arith.constant 0 : i32
      %sign3A_307 = arith.cmpi sgt, %jit3A_297, %sign3A_306 : i32
      %sign3A_308 = arith.extui %sign3A_307 : i1 to i32
      %sign3A_309 = arith.constant 0 : i32
      %sign3A_310 = arith.cmpi slt, %jit3A_297, %sign3A_309 : i32
      %sign3A_311 = arith.extui %sign3A_310 : i1 to i32
      %sign3A_312 = arith.subi %sign3A_308, %sign3A_311 : i32
      %ne3A_313 = arith.cmpi ne, %sign3A_305, %sign3A_312 : i32
      %rem3A_314 = arith.remsi %mul3A_194, %jit3A_297 : i32
      %ne3A_315 = arith.constant 0 : i32
      %ne3A_316 = arith.cmpi ne, %rem3A_314, %ne3A_315 : i32
      %and3A_317 = arith.andi %ne3A_313, %ne3A_316 : i1
      %sub3A_318 = arith.constant 1 : i32
      %sub3A_319 = arith.subi %div3A_298, %sub3A_318 : i32
      %select_n3A_320 = arith.select %and3A_317, %sub3A_319, %div3A_298 : i32
      %add3A_321 = arith.addi %mul3A_296, %select_n3A_320 : i32
      %scan3A_322 = arith.constant 0 : i32
      %scan3A_323 = arith.constant 0 : i32
      %scan3A_324 = arith.constant 32 : i32
      %scan3A_325 = arith.addi %scan3A_323, %scan3A_324 : i32
      %scan3A_326 = arith.constant 1 : i32
      scf.for %scan3A_510 = %scan3A_323 to %scan3A_325 step %scan3A_326  : i32 {
        %mul3A_511 = arith.constant 2 : i32
        %mul3A_512 = arith.muli %scan3A_510, %mul3A_511 : i32
        %mul3A_513 = arith.constant 16 : i32
        %mul3A_514 = arith.muli %mul3A_512, %mul3A_513 : i32
        %add3A_515 = arith.constant 0 : i32
        %add3A_516 = arith.addi %mul3A_514, %add3A_515 : i32
        %get3A = arith.index_cast %add3A_321 : i32 to index
        %get3A_517 = arith.index_cast %add3A_516 : i32 to index
        %get3A_518 = tpu.vector_load %arg19[%get3A, %get3A_517] {strides = array<i32>} : memref<8x1024xi32, #tpu.memory_space<vmem>>, vector<16xi32>,
        %broadcast_in_dim3A = arith.constant 0 : i32
        %broadcast_in_dim3A_519 = vector.broadcast %broadcast_in_dim3A : i32 to vector<16xi32>
        %gather3A = tpu.vector_load_idx %arg24[%broadcast_in_dim3A_519, %get3A_518] : memref<8x2048xf32, #tpu.memory_space<vmem>>[vector<16xi32>, vector<16xi32>], vector<16xf32>,
        %swap3A = arith.constant 0 : i32
        %swap3A_520 = arith.index_cast %swap3A : i32 to index
        %swap3A_521 = arith.index_cast %add3A_516 : i32 to index
        %swap3A_522 = tpu.vector_load %arg26[%swap3A_520, %swap3A_521] {strides = array<i32>} : memref<8x1024xf32, #tpu.memory_space<vmem>>, vector<16xf32>,
        tpu.vector_store %arg26[%swap3A_520, %swap3A_521], %gather3A {strides = array<i32>} : memref<8x1024xf32, #tpu.memory_space<vmem>>, vector<16xf32>,
        %broadcast_in_dim3A_523 = arith.constant 1 : i32
        %broadcast_in_dim3A_524 = vector.broadcast %broadcast_in_dim3A_523 : i32 to vector<16xi32>
        %gather3A_525 = tpu.vector_load_idx %arg24[%broadcast_in_dim3A_524, %get3A_518] : memref<8x2048xf32, #tpu.memory_space<vmem>>[vector<16xi32>, vector<16xi32>], vector<16xf32>,
        %swap3A_526 = arith.constant 1 : i32
        %swap3A_527 = arith.index_cast %swap3A_526 : i32 to index
        %swap3A_528 = arith.index_cast %add3A_516 : i32 to index
        %swap3A_529 = tpu.vector_load %arg26[%swap3A_527, %swap3A_528] {strides = array<i32>} : memref<8x1024xf32, #tpu.memory_space<vmem>>, vector<16xf32>,
        tpu.vector_store %arg26[%swap3A_527, %swap3A_528], %gather3A_525 {strides = array<i32>} : memref<8x1024xf32, #tpu.memory_space<vmem>>, vector<16xf32>,
        %broadcast_in_dim3A_530 = arith.constant 2 : i32
        %broadcast_in_dim3A_531 = vector.broadcast %broadcast_in_dim3A_530 : i32 to vector<16xi32>
        %gather3A_532 = tpu.vector_load_idx %arg24[%broadcast_in_dim3A_531, %get3A_518] : memref<8x2048xf32, #tpu.memory_space<vmem>>[vector<16xi32>, vector<16xi32>], vector<16xf32>,
        %swap3A_533 = arith.constant 2 : i32
        %swap3A_534 = arith.index_cast %swap3A_533 : i32 to index
        %swap3A_535 = arith.index_cast %add3A_516 : i32 to index
        %swap3A_536 = tpu.vector_load %arg26[%swap3A_534, %swap3A_535] {strides = array<i32>} : memref<8x1024xf32, #tpu.memory_space<vmem>>, vector<16xf32>,
        tpu.vector_store %arg26[%swap3A_534, %swap3A_535], %gather3A_532 {strides = array<i32>} : memref<8x1024xf32, #tpu.memory_space<vmem>>, vector<16xf32>,
        %broadcast_in_dim3A_537 = arith.constant 3 : i32
        %broadcast_in_dim3A_538 = vector.broadcast %broadcast_in_dim3A_537 : i32 to vector<16xi32>
        %gather3A_539 = tpu.vector_load_idx %arg24[%broadcast_in_dim3A_538, %get3A_518] : memref<8x2048xf32, #tpu.memory_space<vmem>>[vector<16xi32>, vector<16xi32>], vector<16xf32>,
        %swap3A_540 = arith.constant 3 : i32
        %swap3A_541 = arith.index_cast %swap3A_540 : i32 to index
        %swap3A_542 = arith.index_cast %add3A_516 : i32 to index
        %swap3A_543 = tpu.vector_load %arg26[%swap3A_541, %swap3A_542] {strides = array<i32>} : memref<8x1024xf32, #tpu.memory_space<vmem>>, vector<16xf32>,
        tpu.vector_store %arg26[%swap3A_541, %swap3A_542], %gather3A_539 {strides = array<i32>} : memref<8x1024xf32, #tpu.memory_space<vmem>>, vector<16xf32>,
        %broadcast_in_dim3A_544 = arith.constant 4 : i32
        %broadcast_in_dim3A_545 = vector.broadcast %broadcast_in_dim3A_544 : i32 to vector<16xi32>
        %gather3A_546 = tpu.vector_load_idx %arg24[%broadcast_in_dim3A_545, %get3A_518] : memref<8x2048xf32, #tpu.memory_space<vmem>>[vector<16xi32>, vector<16xi32>], vector<16xf32>,
        %swap3A_547 = arith.constant 4 : i32
        %swap3A_548 = arith.index_cast %swap3A_547 : i32 to index
        %swap3A_549 = arith.index_cast %add3A_516 : i32 to index
        %swap3A_550 = tpu.vector_load %arg26[%swap3A_548, %swap3A_549] {strides = array<i32>} : memref<8x1024xf32, #tpu.memory_space<vmem>>, vector<16xf32>,
        tpu.vector_store %arg26[%swap3A_548, %swap3A_549], %gather3A_546 {strides = array<i32>} : memref<8x1024xf32, #tpu.memory_space<vmem>>, vector<16xf32>,
        %broadcast_in_dim3A_551 = arith.constant 5 : i32
        %broadcast_in_dim3A_552 = vector.broadcast %broadcast_in_dim3A_551 : i32 to vector<16xi32>
        %gather3A_553 = tpu.vector_load_idx %arg24[%broadcast_in_dim3A_552, %get3A_518] : memref<8x2048xf32, #tpu.memory_space<vmem>>[vector<16xi32>, vector<16xi32>], vector<16xf32>,
        %swap3A_554 = arith.constant 5 : i32
        %swap3A_555 = arith.index_cast %swap3A_554 : i32 to index
        %swap3A_556 = arith.index_cast %add3A_516 : i32 to index
        %swap3A_557 = tpu.vector_load %arg26[%swap3A_555, %swap3A_556] {strides = array<i32>} : memref<8x1024xf32, #tpu.memory_space<vmem>>, vector<16xf32>,
        tpu.vector_store %arg26[%swap3A_555, %swap3A_556], %gather3A_553 {strides = array<i32>} : memref<8x1024xf32, #tpu.memory_space<vmem>>, vector<16xf32>,
        %broadcast_in_dim3A_558 = arith.constant 6 : i32
        %broadcast_in_dim3A_559 = vector.broadcast %broadcast_in_dim3A_558 : i32 to vector<16xi32>
        %gather3A_560 = tpu.vector_load_idx %arg24[%broadcast_in_dim3A_559, %get3A_518] : memref<8x2048xf32, #tpu.memory_space<vmem>>[vector<16xi32>, vector<16xi32>], vector<16xf32>,
        %swap3A_561 = arith.constant 6 : i32
        %swap3A_562 = arith.index_cast %swap3A_561 : i32 to index
        %swap3A_563 = arith.index_cast %add3A_516 : i32 to index
        %swap3A_564 = tpu.vector_load %arg26[%swap3A_562, %swap3A_563] {strides = array<i32>} : memref<8x1024xf32, #tpu.memory_space<vmem>>, vector<16xf32>,
        tpu.vector_store %arg26[%swap3A_562, %swap3A_563], %gather3A_560 {strides = array<i32>} : memref<8x1024xf32, #tpu.memory_space<vmem>>, vector<16xf32>,
        %broadcast_in_dim3A_565 = arith.constant 7 : i32
        %broadcast_in_dim3A_566 = vector.broadcast %broadcast_in_dim3A_565 : i32 to vector<16xi32>
        %gather3A_567 = tpu.vector_load_idx %arg24[%broadcast_in_dim3A_566, %get3A_518] : memref<8x2048xf32, #tpu.memory_space<vmem>>[vector<16xi32>, vector<16xi32>], vector<16xf32>,
        %swap3A_568 = arith.constant 7 : i32
        %swap3A_569 = arith.index_cast %swap3A_568 : i32 to index
        %swap3A_570 = arith.index_cast %add3A_516 : i32 to index
        %swap3A_571 = tpu.vector_load %arg26[%swap3A_569, %swap3A_570] {strides = array<i32>} : memref<8x1024xf32, #tpu.memory_space<vmem>>, vector<16xf32>,
        tpu.vector_store %arg26[%swap3A_569, %swap3A_570], %gather3A_567 {strides = array<i32>} : memref<8x1024xf32, #tpu.memory_space<vmem>>, vector<16xf32>,
        %mul3A_572 = arith.constant 2 : i32
        %mul3A_573 = arith.muli %scan3A_510, %mul3A_572 : i32
        %mul3A_574 = arith.constant 16 : i32
        %mul3A_575 = arith.muli %mul3A_573, %mul3A_574 : i32
        %add3A_576 = arith.constant 16 : i32
        %add3A_577 = arith.addi %mul3A_575, %add3A_576 : i32
        %get3A_578 = arith.index_cast %add3A_321 : i32 to index
        %get3A_579 = arith.index_cast %add3A_577 : i32 to index
        %get3A_580 = tpu.vector_load %arg19[%get3A_578, %get3A_579] {strides = array<i32>} : memref<8x1024xi32, #tpu.memory_space<vmem>>, vector<16xi32>,
        %broadcast_in_dim3A_581 = arith.constant 0 : i32
        %broadcast_in_dim3A_582 = vector.broadcast %broadcast_in_dim3A_581 : i32 to vector<16xi32>
        %gather3A_583 = tpu.vector_load_idx %arg24[%broadcast_in_dim3A_582, %get3A_580] : memref<8x2048xf32, #tpu.memory_space<vmem>>[vector<16xi32>, vector<16xi32>], vector<16xf32>,
        %swap3A_584 = arith.constant 0 : i32
        %swap3A_585 = arith.index_cast %swap3A_584 : i32 to index
        %swap3A_586 = arith.index_cast %add3A_577 : i32 to index
        %swap3A_587 = tpu.vector_load %arg26[%swap3A_585, %swap3A_586] {strides = array<i32>} : memref<8x1024xf32, #tpu.memory_space<vmem>>, vector<16xf32>,
        tpu.vector_store %arg26[%swap3A_585, %swap3A_586], %gather3A_583 {strides = array<i32>} : memref<8x1024xf32, #tpu.memory_space<vmem>>, vector<16xf32>,
        %broadcast_in_dim3A_588 = arith.constant 1 : i32
        %broadcast_in_dim3A_589 = vector.broadcast %broadcast_in_dim3A_588 : i32 to vector<16xi32>
        %gather3A_590 = tpu.vector_load_idx %arg24[%broadcast_in_dim3A_589, %get3A_580] : memref<8x2048xf32, #tpu.memory_space<vmem>>[vector<16xi32>, vector<16xi32>], vector<16xf32>,
        %swap3A_591 = arith.constant 1 : i32
        %swap3A_592 = arith.index_cast %swap3A_591 : i32 to index
        %swap3A_593 = arith.index_cast %add3A_577 : i32 to index
        %swap3A_594 = tpu.vector_load %arg26[%swap3A_592, %swap3A_593] {strides = array<i32>} : memref<8x1024xf32, #tpu.memory_space<vmem>>, vector<16xf32>,
        tpu.vector_store %arg26[%swap3A_592, %swap3A_593], %gather3A_590 {strides = array<i32>} : memref<8x1024xf32, #tpu.memory_space<vmem>>, vector<16xf32>,
        %broadcast_in_dim3A_595 = arith.constant 2 : i32
        %broadcast_in_dim3A_596 = vector.broadcast %broadcast_in_dim3A_595 : i32 to vector<16xi32>
        %gather3A_597 = tpu.vector_load_idx %arg24[%broadcast_in_dim3A_596, %get3A_580] : memref<8x2048xf32, #tpu.memory_space<vmem>>[vector<16xi32>, vector<16xi32>], vector<16xf32>,
        %swap3A_598 = arith.constant 2 : i32
        %swap3A_599 = arith.index_cast %swap3A_598 : i32 to index
        %swap3A_600 = arith.index_cast %add3A_577 : i32 to index
        %swap3A_601 = tpu.vector_load %arg26[%swap3A_599, %swap3A_600] {strides = array<i32>} : memref<8x1024xf32, #tpu.memory_space<vmem>>, vector<16xf32>,
        tpu.vector_store %arg26[%swap3A_599, %swap3A_600], %gather3A_597 {strides = array<i32>} : memref<8x1024xf32, #tpu.memory_space<vmem>>, vector<16xf32>,
        %broadcast_in_dim3A_602 = arith.constant 3 : i32
        %broadcast_in_dim3A_603 = vector.broadcast %broadcast_in_dim3A_602 : i32 to vector<16xi32>
        %gather3A_604 = tpu.vector_load_idx %arg24[%broadcast_in_dim3A_603, %get3A_580] : memref<8x2048xf32, #tpu.memory_space<vmem>>[vector<16xi32>, vector<16xi32>], vector<16xf32>,
        %swap3A_605 = arith.constant 3 : i32
        %swap3A_606 = arith.index_cast %swap3A_605 : i32 to index
        %swap3A_607 = arith.index_cast %add3A_577 : i32 to index
        %swap3A_608 = tpu.vector_load %arg26[%swap3A_606, %swap3A_607] {strides = array<i32>} : memref<8x1024xf32, #tpu.memory_space<vmem>>, vector<16xf32>,
        tpu.vector_store %arg26[%swap3A_606, %swap3A_607], %gather3A_604 {strides = array<i32>} : memref<8x1024xf32, #tpu.memory_space<vmem>>, vector<16xf32>,
        %broadcast_in_dim3A_609 = arith.constant 4 : i32
        %broadcast_in_dim3A_610 = vector.broadcast %broadcast_in_dim3A_609 : i32 to vector<16xi32>
        %gather3A_611 = tpu.vector_load_idx %arg24[%broadcast_in_dim3A_610, %get3A_580] : memref<8x2048xf32, #tpu.memory_space<vmem>>[vector<16xi32>, vector<16xi32>], vector<16xf32>,
        %swap3A_612 = arith.constant 4 : i32
        %swap3A_613 = arith.index_cast %swap3A_612 : i32 to index
        %swap3A_614 = arith.index_cast %add3A_577 : i32 to index
        %swap3A_615 = tpu.vector_load %arg26[%swap3A_613, %swap3A_614] {strides = array<i32>} : memref<8x1024xf32, #tpu.memory_space<vmem>>, vector<16xf32>,
        tpu.vector_store %arg26[%swap3A_613, %swap3A_614], %gather3A_611 {strides = array<i32>} : memref<8x1024xf32, #tpu.memory_space<vmem>>, vector<16xf32>,
        %broadcast_in_dim3A_616 = arith.constant 5 : i32
        %broadcast_in_dim3A_617 = vector.broadcast %broadcast_in_dim3A_616 : i32 to vector<16xi32>
        %gather3A_618 = tpu.vector_load_idx %arg24[%broadcast_in_dim3A_617, %get3A_580] : memref<8x2048xf32, #tpu.memory_space<vmem>>[vector<16xi32>, vector<16xi32>], vector<16xf32>,
        %swap3A_619 = arith.constant 5 : i32
        %swap3A_620 = arith.index_cast %swap3A_619 : i32 to index
        %swap3A_621 = arith.index_cast %add3A_577 : i32 to index
        %swap3A_622 = tpu.vector_load %arg26[%swap3A_620, %swap3A_621] {strides = array<i32>} : memref<8x1024xf32, #tpu.memory_space<vmem>>, vector<16xf32>,
        tpu.vector_store %arg26[%swap3A_620, %swap3A_621], %gather3A_618 {strides = array<i32>} : memref<8x1024xf32, #tpu.memory_space<vmem>>, vector<16xf32>,
        %broadcast_in_dim3A_623 = arith.constant 6 : i32
        %broadcast_in_dim3A_624 = vector.broadcast %broadcast_in_dim3A_623 : i32 to vector<16xi32>
        %gather3A_625 = tpu.vector_load_idx %arg24[%broadcast_in_dim3A_624, %get3A_580] : memref<8x2048xf32, #tpu.memory_space<vmem>>[vector<16xi32>, vector<16xi32>], vector<16xf32>,
        %swap3A_626 = arith.constant 6 : i32
        %swap3A_627 = arith.index_cast %swap3A_626 : i32 to index
        %swap3A_628 = arith.index_cast %add3A_577 : i32 to index
        %swap3A_629 = tpu.vector_load %arg26[%swap3A_627, %swap3A_628] {strides = array<i32>} : memref<8x1024xf32, #tpu.memory_space<vmem>>, vector<16xf32>,
        tpu.vector_store %arg26[%swap3A_627, %swap3A_628], %gather3A_625 {strides = array<i32>} : memref<8x1024xf32, #tpu.memory_space<vmem>>, vector<16xf32>,
        %broadcast_in_dim3A_630 = arith.constant 7 : i32
        %broadcast_in_dim3A_631 = vector.broadcast %broadcast_in_dim3A_630 : i32 to vector<16xi32>
        %gather3A_632 = tpu.vector_load_idx %arg24[%broadcast_in_dim3A_631, %get3A_580] : memref<8x2048xf32, #tpu.memory_space<vmem>>[vector<16xi32>, vector<16xi32>], vector<16xf32>,
        %swap3A_633 = arith.constant 7 : i32
        %swap3A_634 = arith.index_cast %swap3A_633 : i32 to index
        %swap3A_635 = arith.index_cast %add3A_577 : i32 to index
        %swap3A_636 = tpu.vector_load %arg26[%swap3A_634, %swap3A_635] {strides = array<i32>} : memref<8x1024xf32, #tpu.memory_space<vmem>>, vector<16xf32>,
        tpu.vector_store %arg26[%swap3A_634, %swap3A_635], %gather3A_632 {strides = array<i32>} : memref<8x1024xf32, #tpu.memory_space<vmem>>, vector<16xf32>,
      }
      %scan3A_327 = arith.constant 32 : i32
      %barrier3A_328 = arith.constant 0 : index
      tpu.barrier barrier_id(%barrier3A_328)
      %jit3A_329 = arith.constant 20 : i32
      %div3A_330 = arith.divsi %mul3A_194, %jit3A_329 : i32
      %sign3A_331 = arith.constant 0 : i32
      %sign3A_332 = arith.cmpi sgt, %mul3A_194, %sign3A_331 : i32
      %sign3A_333 = arith.extui %sign3A_332 : i1 to i32
      %sign3A_334 = arith.constant 0 : i32
      %sign3A_335 = arith.cmpi slt, %mul3A_194, %sign3A_334 : i32
      %sign3A_336 = arith.extui %sign3A_335 : i1 to i32
      %sign3A_337 = arith.subi %sign3A_333, %sign3A_336 : i32
      %sign3A_338 = arith.constant 0 : i32
      %sign3A_339 = arith.cmpi sgt, %jit3A_329, %sign3A_338 : i32
      %sign3A_340 = arith.extui %sign3A_339 : i1 to i32
      %sign3A_341 = arith.constant 0 : i32
      %sign3A_342 = arith.cmpi slt, %jit3A_329, %sign3A_341 : i32
      %sign3A_343 = arith.extui %sign3A_342 : i1 to i32
      %sign3A_344 = arith.subi %sign3A_340, %sign3A_343 : i32
      %ne3A_345 = arith.cmpi ne, %sign3A_337, %sign3A_344 : i32
      %rem3A_346 = arith.remsi %mul3A_194, %jit3A_329 : i32
      %ne3A_347 = arith.constant 0 : i32
      %ne3A_348 = arith.cmpi ne, %rem3A_346, %ne3A_347 : i32
      %and3A_349 = arith.andi %ne3A_345, %ne3A_348 : i1
      %sub3A_350 = arith.constant 1 : i32
      %sub3A_351 = arith.subi %div3A_330, %sub3A_350 : i32
      %select_n3A_352 = arith.select %and3A_349, %sub3A_351, %div3A_330 : i32
      %mul3A_353 = arith.constant 20 : i32
      %mul3A_354 = arith.muli %select_n3A_352, %mul3A_353 : i32
      %sub3A_355 = arith.subi %mul3A_194, %mul3A_354 : i32
      %mul3A_356 = arith.constant 8 : i32
      %mul3A_357 = arith.muli %sub3A_355, %mul3A_356 : i32
      %multiple_of3A_358 = tpu.assume_multiple %mul3A_357, 8 : i32
      %mul3A_359 = arith.constant 2 : i32
      %mul3A_360 = arith.muli %mul3A_359, %add3A : i32
      %add3A_361 = arith.addi %mul3A_360, %select_n3A_352 : i32
      %mul3A_362 = arith.constant 1024 : i32
      %mul3A_363 = arith.muli %add3A_361, %mul3A_362 : i32
      %multiple_of3A_364 = tpu.assume_multiple %mul3A_363, 1024 : i32
      %dma_start3A_365 = tpu.memref_slice %arg14[%multiple_of3A_358, %multiple_of3A_364] : memref<160x65536xf32, #tpu.memory_space<hbm>> -> memref<8x1024xf32, #tpu.memory_space<hbm>>
      %dma_start3A_366 = tpu.memref_slice %arg14[%multiple_of3A_358, %multiple_of3A_364] : memref<160x65536xf32, #tpu.memory_space<hbm>> -> memref<8x1024xf32, #tpu.memory_space<hbm>>
      tpu.enqueue_dma source(%arg26 : memref<8x1024xf32, #tpu.memory_space<vmem>>) target(%dma_start3A_366 : memref<8x1024xf32, #tpu.memory_space<hbm>>) target_semaphore(%arg38 : memref<!tpu.dma_semaphore, #tpu.memory_space<semaphore_mem>>)
      %lt3A_367 = arith.constant 12 : i32
      %lt3A_368 = arith.cmpi slt, %scan3A_192, %lt3A_367 : i32
      %convert_element_type3A_369 = arith.extui %lt3A_368 : i1 to i32
      %cond3A_370 = arith.constant 0 : i32
      %cond3A_371 = arith.cmpi ne, %convert_element_type3A_369, %cond3A_370 : i32
      scf.if %cond3A_371 {
        %add3A_510 = arith.constant 4 : i32
        %add3A_511 = arith.addi %add3A_510, %scan3A_192 : i32
        %mul3A_512 = arith.constant 2 : i32
        %mul3A_513 = arith.muli %mul3A_512, %add3A_511 : i32
        %mul3A_514 = arith.constant 2 : i32
        %mul3A_515 = arith.muli %mul3A_514, %add3A_511 : i32
        %add3A_516 = arith.constant 1 : i32
        %add3A_517 = arith.addi %mul3A_515, %add3A_516 : i32
        %ge3A_518 = arith.constant 1 : i32
        %ge3A_519 = arith.cmpi sge, %add3A_511, %ge3A_518 : i32
        %convert_element_type3A_520 = arith.extui %ge3A_519 : i1 to i32
        %cond3A_521 = arith.constant 0 : i32
        %cond3A_522 = arith.cmpi ne, %convert_element_type3A_520, %cond3A_521 : i32
        scf.if %cond3A_522 {
          %sub3A_590 = arith.constant 2 : i32
          %sub3A_591 = arith.subi %add3A_517, %sub3A_590 : i32
          %mul3A_592 = arith.constant 64 : i32
          %mul3A_593 = arith.muli %sub3A_591, %mul3A_592 : i32
          %add3A_594 = arith.addi %mul3A_2, %mul3A_593 : i32
          %multiple_of3A_595 = tpu.assume_multiple %add3A_594, 64 : i32
          %dma_wait3A_596 = arith.constant 0 : i32
          %dma_wait3A_597 = tpu.memref_slice %arg11[%multiple_of3A_595, %dma_wait3A_596] : memref<65536x128xf32, #tpu.memory_space<hbm>> -> memref<64x128xf32, #tpu.memory_space<hbm>>
          %dma_wait3A_598 = arith.constant 0 : i32
          %dma_wait3A_599 = tpu.memref_slice %arg11[%multiple_of3A_595, %dma_wait3A_598] : memref<65536x128xf32, #tpu.memory_space<hbm>> -> memref<64x128xf32, #tpu.memory_space<hbm>>
          tpu.wait_dma2 semaphore(%arg35 : memref<!tpu.dma_semaphore, #tpu.memory_space<semaphore_mem>>) src(%arg29 : memref<64x128xf32, #tpu.memory_space<vmem>>) dst(%dma_wait3A_599 : memref<64x128xf32, #tpu.memory_space<hbm>>)
          %mul3A_600 = arith.constant 64 : i32
          %mul3A_601 = arith.muli %sub3A_591, %mul3A_600 : i32
          %add3A_602 = arith.addi %mul3A_2, %mul3A_601 : i32
          %multiple_of3A_603 = tpu.assume_multiple %add3A_602, 64 : i32
          %dma_wait3A_604 = arith.constant 0 : i32
          %dma_wait3A_605 = tpu.memref_slice %arg12[%multiple_of3A_603, %dma_wait3A_604] : memref<65536x128xf32, #tpu.memory_space<hbm>> -> memref<64x128xf32, #tpu.memory_space<hbm>>
          %dma_wait3A_606 = arith.constant 0 : i32
          %dma_wait3A_607 = tpu.memref_slice %arg12[%multiple_of3A_603, %dma_wait3A_606] : memref<65536x128xf32, #tpu.memory_space<hbm>> -> memref<64x128xf32, #tpu.memory_space<hbm>>
          tpu.wait_dma2 semaphore(%arg35 : memref<!tpu.dma_semaphore, #tpu.memory_space<semaphore_mem>>) src(%arg31 : memref<64x128xf32, #tpu.memory_space<vmem>>) dst(%dma_wait3A_607 : memref<64x128xf32, #tpu.memory_space<hbm>>)
        } else {
        }
        %mul3A_523 = arith.constant 64 : i32
        %mul3A_524 = arith.muli %add3A_517, %mul3A_523 : i32
        %dma_start3A_525 = tpu.memref_slice %arg20[%mul3A_524] : memref<2048xi32, #tpu.memory_space<vmem>> -> memref<64xi32, #tpu.memory_space<vmem>>
        %dma_start3A_526 = arith.constant 0 : i32
        %dma_start3A_527 = arith.constant 0 : i32
        %dma_start3A_528 = tpu.memref_slice %arg2[%dma_start3A_526, %dma_start3A_527] : memref<131072x128xf32, #tpu.memory_space<hbm>> -> memref<131072x128xf32, #tpu.memory_space<hbm>>
        tpu.enqueue_indirect_dma source(%dma_start3A_528 : memref<131072x128xf32, #tpu.memory_space<hbm>>) target(%arg29 : memref<64x128xf32, #tpu.memory_space<vmem>>) offsets(%dma_start3A_525 : memref<64xi32, #tpu.memory_space<vmem>>) semaphore(%arg33 : memref<!tpu.dma_semaphore, #tpu.memory_space<semaphore_mem>>)
        %dma_start3A_529 = tpu.memref_slice %arg20[%mul3A_524] : memref<2048xi32, #tpu.memory_space<vmem>> -> memref<64xi32, #tpu.memory_space<vmem>>
        %dma_start3A_530 = arith.constant 0 : i32
        %dma_start3A_531 = arith.constant 0 : i32
        %dma_start3A_532 = tpu.memref_slice %arg3[%dma_start3A_530, %dma_start3A_531] : memref<131072x128xf32, #tpu.memory_space<hbm>> -> memref<131072x128xf32, #tpu.memory_space<hbm>>
        tpu.enqueue_indirect_dma source(%dma_start3A_532 : memref<131072x128xf32, #tpu.memory_space<hbm>>) target(%arg31 : memref<64x128xf32, #tpu.memory_space<vmem>>) offsets(%dma_start3A_529 : memref<64xi32, #tpu.memory_space<vmem>>) semaphore(%arg33 : memref<!tpu.dma_semaphore, #tpu.memory_space<semaphore_mem>>)
        %mul3A_533 = arith.constant 64 : i32
        %mul3A_534 = arith.muli %mul3A_513, %mul3A_533 : i32
        %dma_wait3A_535 = tpu.memref_slice %arg20[%mul3A_534] : memref<2048xi32, #tpu.memory_space<vmem>> -> memref<64xi32, #tpu.memory_space<vmem>>
        %dma_wait3A_536 = arith.constant 0 : i32
        %dma_wait3A_537 = arith.constant 0 : i32
        %dma_wait3A_538 = tpu.memref_slice %arg2[%dma_wait3A_536, %dma_wait3A_537] : memref<131072x128xf32, #tpu.memory_space<hbm>> -> memref<131072x128xf32, #tpu.memory_space<hbm>>
        tpu.wait_indirect_dma semaphore(%arg32 : memref<!tpu.dma_semaphore, #tpu.memory_space<semaphore_mem>>) src(%dma_wait3A_538 : memref<131072x128xf32, #tpu.memory_space<hbm>>) dst(%arg28 : memref<64x128xf32, #tpu.memory_space<vmem>>)
        %dma_wait3A_539 = tpu.memref_slice %arg20[%mul3A_534] : memref<2048xi32, #tpu.memory_space<vmem>> -> memref<64xi32, #tpu.memory_space<vmem>>
        %dma_wait3A_540 = arith.constant 0 : i32
        %dma_wait3A_541 = arith.constant 0 : i32
        %dma_wait3A_542 = tpu.memref_slice %arg3[%dma_wait3A_540, %dma_wait3A_541] : memref<131072x128xf32, #tpu.memory_space<hbm>> -> memref<131072x128xf32, #tpu.memory_space<hbm>>
        tpu.wait_indirect_dma semaphore(%arg32 : memref<!tpu.dma_semaphore, #tpu.memory_space<semaphore_mem>>) src(%dma_wait3A_542 : memref<131072x128xf32, #tpu.memory_space<hbm>>) dst(%arg30 : memref<64x128xf32, #tpu.memory_space<vmem>>)
        %mul3A_543 = arith.constant 64 : i32
        %mul3A_544 = arith.muli %mul3A_513, %mul3A_543 : i32
        %add3A_545 = arith.addi %mul3A_2, %mul3A_544 : i32
        %multiple_of3A_546 = tpu.assume_multiple %add3A_545, 64 : i32
        %dma_start3A_547 = arith.constant 0 : i32
        %dma_start3A_548 = tpu.memref_slice %arg11[%multiple_of3A_546, %dma_start3A_547] : memref<65536x128xf32, #tpu.memory_space<hbm>> -> memref<64x128xf32, #tpu.memory_space<hbm>>
        %dma_start3A_549 = arith.constant 0 : i32
        %dma_start3A_550 = tpu.memref_slice %arg11[%multiple_of3A_546, %dma_start3A_549] : memref<65536x128xf32, #tpu.memory_space<hbm>> -> memref<64x128xf32, #tpu.memory_space<hbm>>
        tpu.enqueue_dma source(%arg28 : memref<64x128xf32, #tpu.memory_space<vmem>>) target(%dma_start3A_550 : memref<64x128xf32, #tpu.memory_space<hbm>>) target_semaphore(%arg34 : memref<!tpu.dma_semaphore, #tpu.memory_space<semaphore_mem>>)
        %mul3A_551 = arith.constant 64 : i32
        %mul3A_552 = arith.muli %mul3A_513, %mul3A_551 : i32
        %add3A_553 = arith.addi %mul3A_2, %mul3A_552 : i32
        %multiple_of3A_554 = tpu.assume_multiple %add3A_553, 64 : i32
        %dma_start3A_555 = arith.constant 0 : i32
        %dma_start3A_556 = tpu.memref_slice %arg12[%multiple_of3A_554, %dma_start3A_555] : memref<65536x128xf32, #tpu.memory_space<hbm>> -> memref<64x128xf32, #tpu.memory_space<hbm>>
        %dma_start3A_557 = arith.constant 0 : i32
        %dma_start3A_558 = tpu.memref_slice %arg12[%multiple_of3A_554, %dma_start3A_557] : memref<65536x128xf32, #tpu.memory_space<hbm>> -> memref<64x128xf32, #tpu.memory_space<hbm>>
        tpu.enqueue_dma source(%arg30 : memref<64x128xf32, #tpu.memory_space<vmem>>) target(%dma_start3A_558 : memref<64x128xf32, #tpu.memory_space<hbm>>) target_semaphore(%arg34 : memref<!tpu.dma_semaphore, #tpu.memory_space<semaphore_mem>>)
        %lt3A_559 = arith.constant 15 : i32
        %lt3A_560 = arith.cmpi slt, %add3A_511, %lt3A_559 : i32
        %convert_element_type3A_561 = arith.extui %lt3A_560 : i1 to i32
        %cond3A_562 = arith.constant 0 : i32
        %cond3A_563 = arith.cmpi ne, %convert_element_type3A_561, %cond3A_562 : i32
        scf.if %cond3A_563 {
          %mul3A_590 = arith.constant 64 : i32
          %mul3A_591 = arith.muli %mul3A_513, %mul3A_590 : i32
          %add3A_592 = arith.addi %mul3A_2, %mul3A_591 : i32
          %multiple_of3A_593 = tpu.assume_multiple %add3A_592, 64 : i32
          %dma_wait3A_594 = arith.constant 0 : i32
          %dma_wait3A_595 = tpu.memref_slice %arg11[%multiple_of3A_593, %dma_wait3A_594] : memref<65536x128xf32, #tpu.memory_space<hbm>> -> memref<64x128xf32, #tpu.memory_space<hbm>>
          %dma_wait3A_596 = arith.constant 0 : i32
          %dma_wait3A_597 = tpu.memref_slice %arg11[%multiple_of3A_593, %dma_wait3A_596] : memref<65536x128xf32, #tpu.memory_space<hbm>> -> memref<64x128xf32, #tpu.memory_space<hbm>>
          tpu.wait_dma2 semaphore(%arg34 : memref<!tpu.dma_semaphore, #tpu.memory_space<semaphore_mem>>) src(%arg28 : memref<64x128xf32, #tpu.memory_space<vmem>>) dst(%dma_wait3A_597 : memref<64x128xf32, #tpu.memory_space<hbm>>)
          %mul3A_598 = arith.constant 64 : i32
          %mul3A_599 = arith.muli %mul3A_513, %mul3A_598 : i32
          %add3A_600 = arith.addi %mul3A_2, %mul3A_599 : i32
          %multiple_of3A_601 = tpu.assume_multiple %add3A_600, 64 : i32
          %dma_wait3A_602 = arith.constant 0 : i32
          %dma_wait3A_603 = tpu.memref_slice %arg12[%multiple_of3A_601, %dma_wait3A_602] : memref<65536x128xf32, #tpu.memory_space<hbm>> -> memref<64x128xf32, #tpu.memory_space<hbm>>
          %dma_wait3A_604 = arith.constant 0 : i32
          %dma_wait3A_605 = tpu.memref_slice %arg12[%multiple_of3A_601, %dma_wait3A_604] : memref<65536x128xf32, #tpu.memory_space<hbm>> -> memref<64x128xf32, #tpu.memory_space<hbm>>
          tpu.wait_dma2 semaphore(%arg34 : memref<!tpu.dma_semaphore, #tpu.memory_space<semaphore_mem>>) src(%arg30 : memref<64x128xf32, #tpu.memory_space<vmem>>) dst(%dma_wait3A_605 : memref<64x128xf32, #tpu.memory_space<hbm>>)
          %add3A_606 = arith.constant 2 : i32
          %add3A_607 = arith.addi %mul3A_513, %add3A_606 : i32
          %mul3A_608 = arith.constant 64 : i32
          %mul3A_609 = arith.muli %add3A_607, %mul3A_608 : i32
          %dma_start3A_610 = tpu.memref_slice %arg20[%mul3A_609] : memref<2048xi32, #tpu.memory_space<vmem>> -> memref<64xi32, #tpu.memory_space<vmem>>
          %dma_start3A_611 = arith.constant 0 : i32
          %dma_start3A_612 = arith.constant 0 : i32
          %dma_start3A_613 = tpu.memref_slice %arg2[%dma_start3A_611, %dma_start3A_612] : memref<131072x128xf32, #tpu.memory_space<hbm>> -> memref<131072x128xf32, #tpu.memory_space<hbm>>
          tpu.enqueue_indirect_dma source(%dma_start3A_613 : memref<131072x128xf32, #tpu.memory_space<hbm>>) target(%arg28 : memref<64x128xf32, #tpu.memory_space<vmem>>) offsets(%dma_start3A_610 : memref<64xi32, #tpu.memory_space<vmem>>) semaphore(%arg32 : memref<!tpu.dma_semaphore, #tpu.memory_space<semaphore_mem>>)
          %dma_start3A_614 = tpu.memref_slice %arg20[%mul3A_609] : memref<2048xi32, #tpu.memory_space<vmem>> -> memref<64xi32, #tpu.memory_space<vmem>>
          %dma_start3A_615 = arith.constant 0 : i32
          %dma_start3A_616 = arith.constant 0 : i32
          %dma_start3A_617 = tpu.memref_slice %arg3[%dma_start3A_615, %dma_start3A_616] : memref<131072x128xf32, #tpu.memory_space<hbm>> -> memref<131072x128xf32, #tpu.memory_space<hbm>>
          tpu.enqueue_indirect_dma source(%dma_start3A_617 : memref<131072x128xf32, #tpu.memory_space<hbm>>) target(%arg30 : memref<64x128xf32, #tpu.memory_space<vmem>>) offsets(%dma_start3A_614 : memref<64xi32, #tpu.memory_space<vmem>>) semaphore(%arg32 : memref<!tpu.dma_semaphore, #tpu.memory_space<semaphore_mem>>)
        } else {
        }
        %mul3A_564 = arith.constant 64 : i32
        %mul3A_565 = arith.muli %add3A_517, %mul3A_564 : i32
        %dma_wait3A_566 = tpu.memref_slice %arg20[%mul3A_565] : memref<2048xi32, #tpu.memory_space<vmem>> -> memref<64xi32, #tpu.memory_space<vmem>>
        %dma_wait3A_567 = arith.constant 0 : i32
        %dma_wait3A_568 = arith.constant 0 : i32
        %dma_wait3A_569 = tpu.memref_slice %arg2[%dma_wait3A_567, %dma_wait3A_568] : memref<131072x128xf32, #tpu.memory_space<hbm>> -> memref<131072x128xf32, #tpu.memory_space<hbm>>
        tpu.wait_indirect_dma semaphore(%arg33 : memref<!tpu.dma_semaphore, #tpu.memory_space<semaphore_mem>>) src(%dma_wait3A_569 : memref<131072x128xf32, #tpu.memory_space<hbm>>) dst(%arg29 : memref<64x128xf32, #tpu.memory_space<vmem>>)
        %dma_wait3A_570 = tpu.memref_slice %arg20[%mul3A_565] : memref<2048xi32, #tpu.memory_space<vmem>> -> memref<64xi32, #tpu.memory_space<vmem>>
        %dma_wait3A_571 = arith.constant 0 : i32
        %dma_wait3A_572 = arith.constant 0 : i32
        %dma_wait3A_573 = tpu.memref_slice %arg3[%dma_wait3A_571, %dma_wait3A_572] : memref<131072x128xf32, #tpu.memory_space<hbm>> -> memref<131072x128xf32, #tpu.memory_space<hbm>>
        tpu.wait_indirect_dma semaphore(%arg33 : memref<!tpu.dma_semaphore, #tpu.memory_space<semaphore_mem>>) src(%dma_wait3A_573 : memref<131072x128xf32, #tpu.memory_space<hbm>>) dst(%arg31 : memref<64x128xf32, #tpu.memory_space<vmem>>)
        %mul3A_574 = arith.constant 64 : i32
        %mul3A_575 = arith.muli %add3A_517, %mul3A_574 : i32
        %add3A_576 = arith.addi %mul3A_2, %mul3A_575 : i32
        %multiple_of3A_577 = tpu.assume_multiple %add3A_576, 64 : i32
        %dma_start3A_578 = arith.constant 0 : i32
        %dma_start3A_579 = tpu.memref_slice %arg11[%multiple_of3A_577, %dma_start3A_578] : memref<65536x128xf32, #tpu.memory_space<hbm>> -> memref<64x128xf32, #tpu.memory_space<hbm>>
        %dma_start3A_580 = arith.constant 0 : i32
        %dma_start3A_581 = tpu.memref_slice %arg11[%multiple_of3A_577, %dma_start3A_580] : memref<65536x128xf32, #tpu.memory_space<hbm>> -> memref<64x128xf32, #tpu.memory_space<hbm>>
        tpu.enqueue_dma source(%arg29 : memref<64x128xf32, #tpu.memory_space<vmem>>) target(%dma_start3A_581 : memref<64x128xf32, #tpu.memory_space<hbm>>) target_semaphore(%arg35 : memref<!tpu.dma_semaphore, #tpu.memory_space<semaphore_mem>>)
        %mul3A_582 = arith.constant 64 : i32
        %mul3A_583 = arith.muli %add3A_517, %mul3A_582 : i32
        %add3A_584 = arith.addi %mul3A_2, %mul3A_583 : i32
        %multiple_of3A_585 = tpu.assume_multiple %add3A_584, 64 : i32
        %dma_start3A_586 = arith.constant 0 : i32
        %dma_start3A_587 = tpu.memref_slice %arg12[%multiple_of3A_585, %dma_start3A_586] : memref<65536x128xf32, #tpu.memory_space<hbm>> -> memref<64x128xf32, #tpu.memory_space<hbm>>
        %dma_start3A_588 = arith.constant 0 : i32
        %dma_start3A_589 = tpu.memref_slice %arg12[%multiple_of3A_585, %dma_start3A_588] : memref<65536x128xf32, #tpu.memory_space<hbm>> -> memref<64x128xf32, #tpu.memory_space<hbm>>
        tpu.enqueue_dma source(%arg31 : memref<64x128xf32, #tpu.memory_space<vmem>>) target(%dma_start3A_589 : memref<64x128xf32, #tpu.memory_space<hbm>>) target_semaphore(%arg35 : memref<!tpu.dma_semaphore, #tpu.memory_space<semaphore_mem>>)
      } else {
      }
      %lt3A_372 = arith.constant 19 : i32
      %lt3A_373 = arith.cmpi slt, %scan3A_192, %lt3A_372 : i32
      %convert_element_type3A_374 = arith.extui %lt3A_373 : i1 to i32
      %cond3A_375 = arith.constant 0 : i32
      %cond3A_376 = arith.cmpi ne, %convert_element_type3A_374, %cond3A_375 : i32
      scf.if %cond3A_376 {
        %add3A_510 = arith.constant 2 : i32
        %add3A_511 = arith.addi %mul3A_194, %add3A_510 : i32
        %jit3A_512 = arith.constant 20 : i32
        %div3A_513 = arith.divsi %add3A_511, %jit3A_512 : i32
        %sign3A_514 = arith.constant 0 : i32
        %sign3A_515 = arith.cmpi sgt, %add3A_511, %sign3A_514 : i32
        %sign3A_516 = arith.extui %sign3A_515 : i1 to i32
        %sign3A_517 = arith.constant 0 : i32
        %sign3A_518 = arith.cmpi slt, %add3A_511, %sign3A_517 : i32
        %sign3A_519 = arith.extui %sign3A_518 : i1 to i32
        %sign3A_520 = arith.subi %sign3A_516, %sign3A_519 : i32
        %sign3A_521 = arith.constant 0 : i32
        %sign3A_522 = arith.cmpi sgt, %jit3A_512, %sign3A_521 : i32
        %sign3A_523 = arith.extui %sign3A_522 : i1 to i32
        %sign3A_524 = arith.constant 0 : i32
        %sign3A_525 = arith.cmpi slt, %jit3A_512, %sign3A_524 : i32
        %sign3A_526 = arith.extui %sign3A_525 : i1 to i32
        %sign3A_527 = arith.subi %sign3A_523, %sign3A_526 : i32
        %ne3A_528 = arith.cmpi ne, %sign3A_520, %sign3A_527 : i32
        %rem3A_529 = arith.remsi %add3A_511, %jit3A_512 : i32
        %ne3A_530 = arith.constant 0 : i32
        %ne3A_531 = arith.cmpi ne, %rem3A_529, %ne3A_530 : i32
        %and3A_532 = arith.andi %ne3A_528, %ne3A_531 : i1
        %sub3A_533 = arith.constant 1 : i32
        %sub3A_534 = arith.subi %div3A_513, %sub3A_533 : i32
        %select_n3A_535 = arith.select %and3A_532, %sub3A_534, %div3A_513 : i32
        %mul3A_536 = arith.constant 20 : i32
        %mul3A_537 = arith.muli %select_n3A_535, %mul3A_536 : i32
        %sub3A_538 = arith.subi %add3A_511, %mul3A_537 : i32
        %mul3A_539 = arith.constant 2 : i32
        %mul3A_540 = arith.muli %mul3A_539, %add3A : i32
        %add3A_541 = arith.addi %mul3A_540, %select_n3A_535 : i32
        %mul3A_542 = arith.constant 160 : i32
        %mul3A_543 = arith.muli %add3A_541, %mul3A_542 : i32
        %mul3A_544 = arith.constant 8 : i32
        %mul3A_545 = arith.muli %sub3A_538, %mul3A_544 : i32
        %add3A_546 = arith.addi %mul3A_543, %mul3A_545 : i32
        %multiple_of3A_547 = tpu.assume_multiple %add3A_546, 8 : i32
        %dma_start3A_548 = arith.constant 0 : i32
        %dma_start3A_549 = tpu.memref_slice %arg5[%multiple_of3A_547, %dma_start3A_548] : memref<10240x2048xf32, #tpu.memory_space<hbm>> -> memref<8x2048xf32, #tpu.memory_space<hbm>>
        %dma_start3A_550 = arith.constant 0 : i32
        %dma_start3A_551 = tpu.memref_slice %arg5[%multiple_of3A_547, %dma_start3A_550] : memref<10240x2048xf32, #tpu.memory_space<hbm>> -> memref<8x2048xf32, #tpu.memory_space<hbm>>
        tpu.enqueue_dma source(%dma_start3A_551 : memref<8x2048xf32, #tpu.memory_space<hbm>>) target(%arg24 : memref<8x2048xf32, #tpu.memory_space<vmem>>) target_semaphore(%arg36 : memref<!tpu.dma_semaphore, #tpu.memory_space<semaphore_mem>>)
      } else {
      }
      %jit3A_377 = arith.constant 20 : i32
      %div3A_378 = arith.divsi %add3A_198, %jit3A_377 : i32
      %sign3A_379 = arith.constant 0 : i32
      %sign3A_380 = arith.cmpi sgt, %add3A_198, %sign3A_379 : i32
      %sign3A_381 = arith.extui %sign3A_380 : i1 to i32
      %sign3A_382 = arith.constant 0 : i32
      %sign3A_383 = arith.cmpi slt, %add3A_198, %sign3A_382 : i32
      %sign3A_384 = arith.extui %sign3A_383 : i1 to i32
      %sign3A_385 = arith.subi %sign3A_381, %sign3A_384 : i32
      %sign3A_386 = arith.constant 0 : i32
      %sign3A_387 = arith.cmpi sgt, %jit3A_377, %sign3A_386 : i32
      %sign3A_388 = arith.extui %sign3A_387 : i1 to i32
      %sign3A_389 = arith.constant 0 : i32
      %sign3A_390 = arith.cmpi slt, %jit3A_377, %sign3A_389 : i32
      %sign3A_391 = arith.extui %sign3A_390 : i1 to i32
      %sign3A_392 = arith.subi %sign3A_388, %sign3A_391 : i32
      %ne3A_393 = arith.cmpi ne, %sign3A_385, %sign3A_392 : i32
      %rem3A_394 = arith.remsi %add3A_198, %jit3A_377 : i32
      %ne3A_395 = arith.constant 0 : i32
      %ne3A_396 = arith.cmpi ne, %rem3A_394, %ne3A_395 : i32
      %and3A_397 = arith.andi %ne3A_393, %ne3A_396 : i1
      %sub3A_398 = arith.constant 1 : i32
      %sub3A_399 = arith.subi %div3A_378, %sub3A_398 : i32
      %select_n3A_400 = arith.select %and3A_397, %sub3A_399, %div3A_378 : i32
      %mul3A_401 = arith.constant 20 : i32
      %mul3A_402 = arith.muli %select_n3A_400, %mul3A_401 : i32
      %sub3A_403 = arith.subi %add3A_198, %mul3A_402 : i32
      %mul3A_404 = arith.constant 2 : i32
      %mul3A_405 = arith.muli %mul3A_404, %add3A : i32
      %add3A_406 = arith.addi %mul3A_405, %select_n3A_400 : i32
      %mul3A_407 = arith.constant 160 : i32
      %mul3A_408 = arith.muli %add3A_406, %mul3A_407 : i32
      %mul3A_409 = arith.constant 8 : i32
      %mul3A_410 = arith.muli %sub3A_403, %mul3A_409 : i32
      %add3A_411 = arith.addi %mul3A_408, %mul3A_410 : i32
      %multiple_of3A_412 = tpu.assume_multiple %add3A_411, 8 : i32
      %dma_wait3A_413 = arith.constant 0 : i32
      %dma_wait3A_414 = tpu.memref_slice %arg5[%multiple_of3A_412, %dma_wait3A_413] : memref<10240x2048xf32, #tpu.memory_space<hbm>> -> memref<8x2048xf32, #tpu.memory_space<hbm>>
      %dma_wait3A_415 = arith.constant 0 : i32
      %dma_wait3A_416 = tpu.memref_slice %arg5[%multiple_of3A_412, %dma_wait3A_415] : memref<10240x2048xf32, #tpu.memory_space<hbm>> -> memref<8x2048xf32, #tpu.memory_space<hbm>>
      tpu.wait_dma2 semaphore(%arg37 : memref<!tpu.dma_semaphore, #tpu.memory_space<semaphore_mem>>) src(%dma_wait3A_416 : memref<8x2048xf32, #tpu.memory_space<hbm>>) dst(%arg25 : memref<8x2048xf32, #tpu.memory_space<vmem>>)
      %ge3A_417 = arith.constant 1 : i32
      %ge3A_418 = arith.cmpi sge, %scan3A_192, %ge3A_417 : i32
      %convert_element_type3A_419 = arith.extui %ge3A_418 : i1 to i32
      %cond3A_420 = arith.constant 0 : i32
      %cond3A_421 = arith.cmpi ne, %convert_element_type3A_419, %cond3A_420 : i32
      scf.if %cond3A_421 {
        %sub3A_510 = arith.constant 2 : i32
        %sub3A_511 = arith.subi %add3A_198, %sub3A_510 : i32
        %jit3A_512 = arith.constant 20 : i32
        %div3A_513 = arith.divsi %sub3A_511, %jit3A_512 : i32
        %sign3A_514 = arith.constant 0 : i32
        %sign3A_515 = arith.cmpi sgt, %sub3A_511, %sign3A_514 : i32
        %sign3A_516 = arith.extui %sign3A_515 : i1 to i32
        %sign3A_517 = arith.constant 0 : i32
        %sign3A_518 = arith.cmpi slt, %sub3A_511, %sign3A_517 : i32
        %sign3A_519 = arith.extui %sign3A_518 : i1 to i32
        %sign3A_520 = arith.subi %sign3A_516, %sign3A_519 : i32
        %sign3A_521 = arith.constant 0 : i32
        %sign3A_522 = arith.cmpi sgt, %jit3A_512, %sign3A_521 : i32
        %sign3A_523 = arith.extui %sign3A_522 : i1 to i32
        %sign3A_524 = arith.constant 0 : i32
        %sign3A_525 = arith.cmpi slt, %jit3A_512, %sign3A_524 : i32
        %sign3A_526 = arith.extui %sign3A_525 : i1 to i32
        %sign3A_527 = arith.subi %sign3A_523, %sign3A_526 : i32
        %ne3A_528 = arith.cmpi ne, %sign3A_520, %sign3A_527 : i32
        %rem3A_529 = arith.remsi %sub3A_511, %jit3A_512 : i32
        %ne3A_530 = arith.constant 0 : i32
        %ne3A_531 = arith.cmpi ne, %rem3A_529, %ne3A_530 : i32
        %and3A_532 = arith.andi %ne3A_528, %ne3A_531 : i1
        %sub3A_533 = arith.constant 1 : i32
        %sub3A_534 = arith.subi %div3A_513, %sub3A_533 : i32
        %select_n3A_535 = arith.select %and3A_532, %sub3A_534, %div3A_513 : i32
        %mul3A_536 = arith.constant 20 : i32
        %mul3A_537 = arith.muli %select_n3A_535, %mul3A_536 : i32
        %sub3A_538 = arith.subi %sub3A_511, %mul3A_537 : i32
        %mul3A_539 = arith.constant 8 : i32
        %mul3A_540 = arith.muli %sub3A_538, %mul3A_539 : i32
        %multiple_of3A_541 = tpu.assume_multiple %mul3A_540, 8 : i32
        %mul3A_542 = arith.constant 2 : i32
        %mul3A_543 = arith.muli %mul3A_542, %add3A : i32
        %add3A_544 = arith.addi %mul3A_543, %select_n3A_535 : i32
        %mul3A_545 = arith.constant 1024 : i32
        %mul3A_546 = arith.muli %add3A_544, %mul3A_545 : i32
        %multiple_of3A_547 = tpu.assume_multiple %mul3A_546, 1024 : i32
        %dma_wait3A_548 = tpu.memref_slice %arg14[%multiple_of3A_541, %multiple_of3A_547] : memref<160x65536xf32, #tpu.memory_space<hbm>> -> memref<8x1024xf32, #tpu.memory_space<hbm>>
        %dma_wait3A_549 = tpu.memref_slice %arg14[%multiple_of3A_541, %multiple_of3A_547] : memref<160x65536xf32, #tpu.memory_space<hbm>> -> memref<8x1024xf32, #tpu.memory_space<hbm>>
        tpu.wait_dma2 semaphore(%arg39 : memref<!tpu.dma_semaphore, #tpu.memory_space<semaphore_mem>>) src(%arg27 : memref<8x1024xf32, #tpu.memory_space<vmem>>) dst(%dma_wait3A_549 : memref<8x1024xf32, #tpu.memory_space<hbm>>)
      } else {
      }
      %jit3A_422 = arith.constant 4 : i32
      %eq3A_423 = arith.constant 0 : i32
      %eq3A_424 = arith.cmpi eq, %jit3A_422, %eq3A_423 : i32
      %jit3A_425 = arith.constant 1 : i32
      %select_n3A_426 = arith.select %eq3A_424, %jit3A_425, %jit3A_422 : i32
      %rem3A_427 = arith.remsi %add3A, %select_n3A_426 : i32
      %ne3A_428 = arith.constant 0 : i32
      %ne3A_429 = arith.cmpi ne, %rem3A_427, %ne3A_428 : i32
      %lt3A_430 = arith.constant 0 : i32
      %lt3A_431 = arith.cmpi slt, %rem3A_427, %lt3A_430 : i32
      %lt3A_432 = arith.constant 0 : i32
      %lt3A_433 = arith.cmpi slt, %select_n3A_426, %lt3A_432 : i32
      %ne3A_434 = arith.xori %lt3A_431, %lt3A_433 : i1
      %and3A_435 = arith.andi %ne3A_434, %ne3A_429 : i1
      %add3A_436 = arith.addi %rem3A_427, %select_n3A_426 : i32
      %select_n3A_437 = arith.select %and3A_435, %add3A_436, %rem3A_427 : i32
      %mul3A_438 = arith.constant 2 : i32
      %mul3A_439 = arith.muli %mul3A_438, %select_n3A_437 : i32
      %jit3A_440 = arith.constant 20 : i32
      %div3A_441 = arith.divsi %add3A_198, %jit3A_440 : i32
      %sign3A_442 = arith.constant 0 : i32
      %sign3A_443 = arith.cmpi sgt, %add3A_198, %sign3A_442 : i32
      %sign3A_444 = arith.extui %sign3A_443 : i1 to i32
      %sign3A_445 = arith.constant 0 : i32
      %sign3A_446 = arith.cmpi slt, %add3A_198, %sign3A_445 : i32
      %sign3A_447 = arith.extui %sign3A_446 : i1 to i32
      %sign3A_448 = arith.subi %sign3A_444, %sign3A_447 : i32
      %sign3A_449 = arith.constant 0 : i32
      %sign3A_450 = arith.cmpi sgt, %jit3A_440, %sign3A_449 : i32
      %sign3A_451 = arith.extui %sign3A_450 : i1 to i32
      %sign3A_452 = arith.constant 0 : i32
      %sign3A_453 = arith.cmpi slt, %jit3A_440, %sign3A_452 : i32
      %sign3A_454 = arith.extui %sign3A_453 : i1 to i32
      %sign3A_455 = arith.subi %sign3A_451, %sign3A_454 : i32
      %ne3A_456 = arith.cmpi ne, %sign3A_448, %sign3A_455 : i32
      %rem3A_457 = arith.remsi %add3A_198, %jit3A_440 : i32
      %ne3A_458 = arith.constant 0 : i32
      %ne3A_459 = arith.cmpi ne, %rem3A_457, %ne3A_458 : i32
      %and3A_460 = arith.andi %ne3A_456, %ne3A_459 : i1
      %sub3A_461 = arith.constant 1 : i32
      %sub3A_462 = arith.subi %div3A_441, %sub3A_461 : i32
      %select_n3A_463 = arith.select %and3A_460, %sub3A_462, %div3A_441 : i32
      %add3A_464 = arith.addi %mul3A_439, %select_n3A_463 : i32
      %scan3A_465 = arith.constant 0 : i32
      %scan3A_466 = arith.constant 0 : i32
      %scan3A_467 = arith.constant 32 : i32
      %scan3A_468 = arith.addi %scan3A_466, %scan3A_467 : i32
      %scan3A_469 = arith.constant 1 : i32
      scf.for %scan3A_510 = %scan3A_466 to %scan3A_468 step %scan3A_469  : i32 {
        %mul3A_511 = arith.constant 2 : i32
        %mul3A_512 = arith.muli %scan3A_510, %mul3A_511 : i32
        %mul3A_513 = arith.constant 16 : i32
        %mul3A_514 = arith.muli %mul3A_512, %mul3A_513 : i32
        %add3A_515 = arith.constant 0 : i32
        %add3A_516 = arith.addi %mul3A_514, %add3A_515 : i32
        %get3A = arith.index_cast %add3A_464 : i32 to index
        %get3A_517 = arith.index_cast %add3A_516 : i32 to index
        %get3A_518 = tpu.vector_load %arg19[%get3A, %get3A_517] {strides = array<i32>} : memref<8x1024xi32, #tpu.memory_space<vmem>>, vector<16xi32>,
        %broadcast_in_dim3A = arith.constant 0 : i32
        %broadcast_in_dim3A_519 = vector.broadcast %broadcast_in_dim3A : i32 to vector<16xi32>
        %gather3A = tpu.vector_load_idx %arg25[%broadcast_in_dim3A_519, %get3A_518] : memref<8x2048xf32, #tpu.memory_space<vmem>>[vector<16xi32>, vector<16xi32>], vector<16xf32>,
        %swap3A = arith.constant 0 : i32
        %swap3A_520 = arith.index_cast %swap3A : i32 to index
        %swap3A_521 = arith.index_cast %add3A_516 : i32 to index
        %swap3A_522 = tpu.vector_load %arg27[%swap3A_520, %swap3A_521] {strides = array<i32>} : memref<8x1024xf32, #tpu.memory_space<vmem>>, vector<16xf32>,
        tpu.vector_store %arg27[%swap3A_520, %swap3A_521], %gather3A {strides = array<i32>} : memref<8x1024xf32, #tpu.memory_space<vmem>>, vector<16xf32>,
        %broadcast_in_dim3A_523 = arith.constant 1 : i32
        %broadcast_in_dim3A_524 = vector.broadcast %broadcast_in_dim3A_523 : i32 to vector<16xi32>
        %gather3A_525 = tpu.vector_load_idx %arg25[%broadcast_in_dim3A_524, %get3A_518] : memref<8x2048xf32, #tpu.memory_space<vmem>>[vector<16xi32>, vector<16xi32>], vector<16xf32>,
        %swap3A_526 = arith.constant 1 : i32
        %swap3A_527 = arith.index_cast %swap3A_526 : i32 to index
        %swap3A_528 = arith.index_cast %add3A_516 : i32 to index
        %swap3A_529 = tpu.vector_load %arg27[%swap3A_527, %swap3A_528] {strides = array<i32>} : memref<8x1024xf32, #tpu.memory_space<vmem>>, vector<16xf32>,
        tpu.vector_store %arg27[%swap3A_527, %swap3A_528], %gather3A_525 {strides = array<i32>} : memref<8x1024xf32, #tpu.memory_space<vmem>>, vector<16xf32>,
        %broadcast_in_dim3A_530 = arith.constant 2 : i32
        %broadcast_in_dim3A_531 = vector.broadcast %broadcast_in_dim3A_530 : i32 to vector<16xi32>
        %gather3A_532 = tpu.vector_load_idx %arg25[%broadcast_in_dim3A_531, %get3A_518] : memref<8x2048xf32, #tpu.memory_space<vmem>>[vector<16xi32>, vector<16xi32>], vector<16xf32>,
        %swap3A_533 = arith.constant 2 : i32
        %swap3A_534 = arith.index_cast %swap3A_533 : i32 to index
        %swap3A_535 = arith.index_cast %add3A_516 : i32 to index
        %swap3A_536 = tpu.vector_load %arg27[%swap3A_534, %swap3A_535] {strides = array<i32>} : memref<8x1024xf32, #tpu.memory_space<vmem>>, vector<16xf32>,
        tpu.vector_store %arg27[%swap3A_534, %swap3A_535], %gather3A_532 {strides = array<i32>} : memref<8x1024xf32, #tpu.memory_space<vmem>>, vector<16xf32>,
        %broadcast_in_dim3A_537 = arith.constant 3 : i32
        %broadcast_in_dim3A_538 = vector.broadcast %broadcast_in_dim3A_537 : i32 to vector<16xi32>
        %gather3A_539 = tpu.vector_load_idx %arg25[%broadcast_in_dim3A_538, %get3A_518] : memref<8x2048xf32, #tpu.memory_space<vmem>>[vector<16xi32>, vector<16xi32>], vector<16xf32>,
        %swap3A_540 = arith.constant 3 : i32
        %swap3A_541 = arith.index_cast %swap3A_540 : i32 to index
        %swap3A_542 = arith.index_cast %add3A_516 : i32 to index
        %swap3A_543 = tpu.vector_load %arg27[%swap3A_541, %swap3A_542] {strides = array<i32>} : memref<8x1024xf32, #tpu.memory_space<vmem>>, vector<16xf32>,
        tpu.vector_store %arg27[%swap3A_541, %swap3A_542], %gather3A_539 {strides = array<i32>} : memref<8x1024xf32, #tpu.memory_space<vmem>>, vector<16xf32>,
        %broadcast_in_dim3A_544 = arith.constant 4 : i32
        %broadcast_in_dim3A_545 = vector.broadcast %broadcast_in_dim3A_544 : i32 to vector<16xi32>
        %gather3A_546 = tpu.vector_load_idx %arg25[%broadcast_in_dim3A_545, %get3A_518] : memref<8x2048xf32, #tpu.memory_space<vmem>>[vector<16xi32>, vector<16xi32>], vector<16xf32>,
        %swap3A_547 = arith.constant 4 : i32
        %swap3A_548 = arith.index_cast %swap3A_547 : i32 to index
        %swap3A_549 = arith.index_cast %add3A_516 : i32 to index
        %swap3A_550 = tpu.vector_load %arg27[%swap3A_548, %swap3A_549] {strides = array<i32>} : memref<8x1024xf32, #tpu.memory_space<vmem>>, vector<16xf32>,
        tpu.vector_store %arg27[%swap3A_548, %swap3A_549], %gather3A_546 {strides = array<i32>} : memref<8x1024xf32, #tpu.memory_space<vmem>>, vector<16xf32>,
        %broadcast_in_dim3A_551 = arith.constant 5 : i32
        %broadcast_in_dim3A_552 = vector.broadcast %broadcast_in_dim3A_551 : i32 to vector<16xi32>
        %gather3A_553 = tpu.vector_load_idx %arg25[%broadcast_in_dim3A_552, %get3A_518] : memref<8x2048xf32, #tpu.memory_space<vmem>>[vector<16xi32>, vector<16xi32>], vector<16xf32>,
        %swap3A_554 = arith.constant 5 : i32
        %swap3A_555 = arith.index_cast %swap3A_554 : i32 to index
        %swap3A_556 = arith.index_cast %add3A_516 : i32 to index
        %swap3A_557 = tpu.vector_load %arg27[%swap3A_555, %swap3A_556] {strides = array<i32>} : memref<8x1024xf32, #tpu.memory_space<vmem>>, vector<16xf32>,
        tpu.vector_store %arg27[%swap3A_555, %swap3A_556], %gather3A_553 {strides = array<i32>} : memref<8x1024xf32, #tpu.memory_space<vmem>>, vector<16xf32>,
        %broadcast_in_dim3A_558 = arith.constant 6 : i32
        %broadcast_in_dim3A_559 = vector.broadcast %broadcast_in_dim3A_558 : i32 to vector<16xi32>
        %gather3A_560 = tpu.vector_load_idx %arg25[%broadcast_in_dim3A_559, %get3A_518] : memref<8x2048xf32, #tpu.memory_space<vmem>>[vector<16xi32>, vector<16xi32>], vector<16xf32>,
        %swap3A_561 = arith.constant 6 : i32
        %swap3A_562 = arith.index_cast %swap3A_561 : i32 to index
        %swap3A_563 = arith.index_cast %add3A_516 : i32 to index
        %swap3A_564 = tpu.vector_load %arg27[%swap3A_562, %swap3A_563] {strides = array<i32>} : memref<8x1024xf32, #tpu.memory_space<vmem>>, vector<16xf32>,
        tpu.vector_store %arg27[%swap3A_562, %swap3A_563], %gather3A_560 {strides = array<i32>} : memref<8x1024xf32, #tpu.memory_space<vmem>>, vector<16xf32>,
        %broadcast_in_dim3A_565 = arith.constant 7 : i32
        %broadcast_in_dim3A_566 = vector.broadcast %broadcast_in_dim3A_565 : i32 to vector<16xi32>
        %gather3A_567 = tpu.vector_load_idx %arg25[%broadcast_in_dim3A_566, %get3A_518] : memref<8x2048xf32, #tpu.memory_space<vmem>>[vector<16xi32>, vector<16xi32>], vector<16xf32>,
        %swap3A_568 = arith.constant 7 : i32
        %swap3A_569 = arith.index_cast %swap3A_568 : i32 to index
        %swap3A_570 = arith.index_cast %add3A_516 : i32 to index
        %swap3A_571 = tpu.vector_load %arg27[%swap3A_569, %swap3A_570] {strides = array<i32>} : memref<8x1024xf32, #tpu.memory_space<vmem>>, vector<16xf32>,
        tpu.vector_store %arg27[%swap3A_569, %swap3A_570], %gather3A_567 {strides = array<i32>} : memref<8x1024xf32, #tpu.memory_space<vmem>>, vector<16xf32>,
        %mul3A_572 = arith.constant 2 : i32
        %mul3A_573 = arith.muli %scan3A_510, %mul3A_572 : i32
        %mul3A_574 = arith.constant 16 : i32
        %mul3A_575 = arith.muli %mul3A_573, %mul3A_574 : i32
        %add3A_576 = arith.constant 16 : i32
        %add3A_577 = arith.addi %mul3A_575, %add3A_576 : i32
        %get3A_578 = arith.index_cast %add3A_464 : i32 to index
        %get3A_579 = arith.index_cast %add3A_577 : i32 to index
        %get3A_580 = tpu.vector_load %arg19[%get3A_578, %get3A_579] {strides = array<i32>} : memref<8x1024xi32, #tpu.memory_space<vmem>>, vector<16xi32>,
        %broadcast_in_dim3A_581 = arith.constant 0 : i32
        %broadcast_in_dim3A_582 = vector.broadcast %broadcast_in_dim3A_581 : i32 to vector<16xi32>
        %gather3A_583 = tpu.vector_load_idx %arg25[%broadcast_in_dim3A_582, %get3A_580] : memref<8x2048xf32, #tpu.memory_space<vmem>>[vector<16xi32>, vector<16xi32>], vector<16xf32>,
        %swap3A_584 = arith.constant 0 : i32
        %swap3A_585 = arith.index_cast %swap3A_584 : i32 to index
        %swap3A_586 = arith.index_cast %add3A_577 : i32 to index
        %swap3A_587 = tpu.vector_load %arg27[%swap3A_585, %swap3A_586] {strides = array<i32>} : memref<8x1024xf32, #tpu.memory_space<vmem>>, vector<16xf32>,
        tpu.vector_store %arg27[%swap3A_585, %swap3A_586], %gather3A_583 {strides = array<i32>} : memref<8x1024xf32, #tpu.memory_space<vmem>>, vector<16xf32>,
        %broadcast_in_dim3A_588 = arith.constant 1 : i32
        %broadcast_in_dim3A_589 = vector.broadcast %broadcast_in_dim3A_588 : i32 to vector<16xi32>
        %gather3A_590 = tpu.vector_load_idx %arg25[%broadcast_in_dim3A_589, %get3A_580] : memref<8x2048xf32, #tpu.memory_space<vmem>>[vector<16xi32>, vector<16xi32>], vector<16xf32>,
        %swap3A_591 = arith.constant 1 : i32
        %swap3A_592 = arith.index_cast %swap3A_591 : i32 to index
        %swap3A_593 = arith.index_cast %add3A_577 : i32 to index
        %swap3A_594 = tpu.vector_load %arg27[%swap3A_592, %swap3A_593] {strides = array<i32>} : memref<8x1024xf32, #tpu.memory_space<vmem>>, vector<16xf32>,
        tpu.vector_store %arg27[%swap3A_592, %swap3A_593], %gather3A_590 {strides = array<i32>} : memref<8x1024xf32, #tpu.memory_space<vmem>>, vector<16xf32>,
        %broadcast_in_dim3A_595 = arith.constant 2 : i32
        %broadcast_in_dim3A_596 = vector.broadcast %broadcast_in_dim3A_595 : i32 to vector<16xi32>
        %gather3A_597 = tpu.vector_load_idx %arg25[%broadcast_in_dim3A_596, %get3A_580] : memref<8x2048xf32, #tpu.memory_space<vmem>>[vector<16xi32>, vector<16xi32>], vector<16xf32>,
        %swap3A_598 = arith.constant 2 : i32
        %swap3A_599 = arith.index_cast %swap3A_598 : i32 to index
        %swap3A_600 = arith.index_cast %add3A_577 : i32 to index
        %swap3A_601 = tpu.vector_load %arg27[%swap3A_599, %swap3A_600] {strides = array<i32>} : memref<8x1024xf32, #tpu.memory_space<vmem>>, vector<16xf32>,
        tpu.vector_store %arg27[%swap3A_599, %swap3A_600], %gather3A_597 {strides = array<i32>} : memref<8x1024xf32, #tpu.memory_space<vmem>>, vector<16xf32>,
        %broadcast_in_dim3A_602 = arith.constant 3 : i32
        %broadcast_in_dim3A_603 = vector.broadcast %broadcast_in_dim3A_602 : i32 to vector<16xi32>
        %gather3A_604 = tpu.vector_load_idx %arg25[%broadcast_in_dim3A_603, %get3A_580] : memref<8x2048xf32, #tpu.memory_space<vmem>>[vector<16xi32>, vector<16xi32>], vector<16xf32>,
        %swap3A_605 = arith.constant 3 : i32
        %swap3A_606 = arith.index_cast %swap3A_605 : i32 to index
        %swap3A_607 = arith.index_cast %add3A_577 : i32 to index
        %swap3A_608 = tpu.vector_load %arg27[%swap3A_606, %swap3A_607] {strides = array<i32>} : memref<8x1024xf32, #tpu.memory_space<vmem>>, vector<16xf32>,
        tpu.vector_store %arg27[%swap3A_606, %swap3A_607], %gather3A_604 {strides = array<i32>} : memref<8x1024xf32, #tpu.memory_space<vmem>>, vector<16xf32>,
        %broadcast_in_dim3A_609 = arith.constant 4 : i32
        %broadcast_in_dim3A_610 = vector.broadcast %broadcast_in_dim3A_609 : i32 to vector<16xi32>
        %gather3A_611 = tpu.vector_load_idx %arg25[%broadcast_in_dim3A_610, %get3A_580] : memref<8x2048xf32, #tpu.memory_space<vmem>>[vector<16xi32>, vector<16xi32>], vector<16xf32>,
        %swap3A_612 = arith.constant 4 : i32
        %swap3A_613 = arith.index_cast %swap3A_612 : i32 to index
        %swap3A_614 = arith.index_cast %add3A_577 : i32 to index
        %swap3A_615 = tpu.vector_load %arg27[%swap3A_613, %swap3A_614] {strides = array<i32>} : memref<8x1024xf32, #tpu.memory_space<vmem>>, vector<16xf32>,
        tpu.vector_store %arg27[%swap3A_613, %swap3A_614], %gather3A_611 {strides = array<i32>} : memref<8x1024xf32, #tpu.memory_space<vmem>>, vector<16xf32>,
        %broadcast_in_dim3A_616 = arith.constant 5 : i32
        %broadcast_in_dim3A_617 = vector.broadcast %broadcast_in_dim3A_616 : i32 to vector<16xi32>
        %gather3A_618 = tpu.vector_load_idx %arg25[%broadcast_in_dim3A_617, %get3A_580] : memref<8x2048xf32, #tpu.memory_space<vmem>>[vector<16xi32>, vector<16xi32>], vector<16xf32>,
        %swap3A_619 = arith.constant 5 : i32
        %swap3A_620 = arith.index_cast %swap3A_619 : i32 to index
        %swap3A_621 = arith.index_cast %add3A_577 : i32 to index
        %swap3A_622 = tpu.vector_load %arg27[%swap3A_620, %swap3A_621] {strides = array<i32>} : memref<8x1024xf32, #tpu.memory_space<vmem>>, vector<16xf32>,
        tpu.vector_store %arg27[%swap3A_620, %swap3A_621], %gather3A_618 {strides = array<i32>} : memref<8x1024xf32, #tpu.memory_space<vmem>>, vector<16xf32>,
        %broadcast_in_dim3A_623 = arith.constant 6 : i32
        %broadcast_in_dim3A_624 = vector.broadcast %broadcast_in_dim3A_623 : i32 to vector<16xi32>
        %gather3A_625 = tpu.vector_load_idx %arg25[%broadcast_in_dim3A_624, %get3A_580] : memref<8x2048xf32, #tpu.memory_space<vmem>>[vector<16xi32>, vector<16xi32>], vector<16xf32>,
        %swap3A_626 = arith.constant 6 : i32
        %swap3A_627 = arith.index_cast %swap3A_626 : i32 to index
        %swap3A_628 = arith.index_cast %add3A_577 : i32 to index
        %swap3A_629 = tpu.vector_load %arg27[%swap3A_627, %swap3A_628] {strides = array<i32>} : memref<8x1024xf32, #tpu.memory_space<vmem>>, vector<16xf32>,
        tpu.vector_store %arg27[%swap3A_627, %swap3A_628], %gather3A_625 {strides = array<i32>} : memref<8x1024xf32, #tpu.memory_space<vmem>>, vector<16xf32>,
        %broadcast_in_dim3A_630 = arith.constant 7 : i32
        %broadcast_in_dim3A_631 = vector.broadcast %broadcast_in_dim3A_630 : i32 to vector<16xi32>
        %gather3A_632 = tpu.vector_load_idx %arg25[%broadcast_in_dim3A_631, %get3A_580] : memref<8x2048xf32, #tpu.memory_space<vmem>>[vector<16xi32>, vector<16xi32>], vector<16xf32>,
        %swap3A_633 = arith.constant 7 : i32
        %swap3A_634 = arith.index_cast %swap3A_633 : i32 to index
        %swap3A_635 = arith.index_cast %add3A_577 : i32 to index
        %swap3A_636 = tpu.vector_load %arg27[%swap3A_634, %swap3A_635] {strides = array<i32>} : memref<8x1024xf32, #tpu.memory_space<vmem>>, vector<16xf32>,
        tpu.vector_store %arg27[%swap3A_634, %swap3A_635], %gather3A_632 {strides = array<i32>} : memref<8x1024xf32, #tpu.memory_space<vmem>>, vector<16xf32>,
      }
      %scan3A_470 = arith.constant 32 : i32
      %barrier3A_471 = arith.constant 0 : index
      tpu.barrier barrier_id(%barrier3A_471)
      %jit3A_472 = arith.constant 20 : i32
      %div3A_473 = arith.divsi %add3A_198, %jit3A_472 : i32
      %sign3A_474 = arith.constant 0 : i32
      %sign3A_475 = arith.cmpi sgt, %add3A_198, %sign3A_474 : i32
      %sign3A_476 = arith.extui %sign3A_475 : i1 to i32
      %sign3A_477 = arith.constant 0 : i32
      %sign3A_478 = arith.cmpi slt, %add3A_198, %sign3A_477 : i32
      %sign3A_479 = arith.extui %sign3A_478 : i1 to i32
      %sign3A_480 = arith.subi %sign3A_476, %sign3A_479 : i32
      %sign3A_481 = arith.constant 0 : i32
      %sign3A_482 = arith.cmpi sgt, %jit3A_472, %sign3A_481 : i32
      %sign3A_483 = arith.extui %sign3A_482 : i1 to i32
      %sign3A_484 = arith.constant 0 : i32
      %sign3A_485 = arith.cmpi slt, %jit3A_472, %sign3A_484 : i32
      %sign3A_486 = arith.extui %sign3A_485 : i1 to i32
      %sign3A_487 = arith.subi %sign3A_483, %sign3A_486 : i32
      %ne3A_488 = arith.cmpi ne, %sign3A_480, %sign3A_487 : i32
      %rem3A_489 = arith.remsi %add3A_198, %jit3A_472 : i32
      %ne3A_490 = arith.constant 0 : i32
      %ne3A_491 = arith.cmpi ne, %rem3A_489, %ne3A_490 : i32
      %and3A_492 = arith.andi %ne3A_488, %ne3A_491 : i1
      %sub3A_493 = arith.constant 1 : i32
      %sub3A_494 = arith.subi %div3A_473, %sub3A_493 : i32
      %select_n3A_495 = arith.select %and3A_492, %sub3A_494, %div3A_473 : i32
      %mul3A_496 = arith.constant 20 : i32
      %mul3A_497 = arith.muli %select_n3A_495, %mul3A_496 : i32
      %sub3A_498 = arith.subi %add3A_198, %mul3A_497 : i32
      %mul3A_499 = arith.constant 8 : i32
      %mul3A_500 = arith.muli %sub3A_498, %mul3A_499 : i32
      %multiple_of3A_501 = tpu.assume_multiple %mul3A_500, 8 : i32
      %mul3A_502 = arith.constant 2 : i32
      %mul3A_503 = arith.muli %mul3A_502, %add3A : i32
      %add3A_504 = arith.addi %mul3A_503, %select_n3A_495 : i32
      %mul3A_505 = arith.constant 1024 : i32
      %mul3A_506 = arith.muli %add3A_504, %mul3A_505 : i32
      %multiple_of3A_507 = tpu.assume_multiple %mul3A_506, 1024 : i32
      %dma_start3A_508 = tpu.memref_slice %arg14[%multiple_of3A_501, %multiple_of3A_507] : memref<160x65536xf32, #tpu.memory_space<hbm>> -> memref<8x1024xf32, #tpu.memory_space<hbm>>
      %dma_start3A_509 = tpu.memref_slice %arg14[%multiple_of3A_501, %multiple_of3A_507] : memref<160x65536xf32, #tpu.memory_space<hbm>> -> memref<8x1024xf32, #tpu.memory_space<hbm>>
      tpu.enqueue_dma source(%arg27 : memref<8x1024xf32, #tpu.memory_space<vmem>>) target(%dma_start3A_509 : memref<8x1024xf32, #tpu.memory_space<hbm>>) target_semaphore(%arg39 : memref<!tpu.dma_semaphore, #tpu.memory_space<semaphore_mem>>)
    }
    %scan3A_100 = arith.constant 20 : i32
    %multiple_of3A_101 = arith.constant 144 : i32
    %multiple_of3A_102 = tpu.assume_multiple %multiple_of3A_101, 8 : i32
    %mul3A_103 = arith.constant 2 : i32
    %mul3A_104 = arith.muli %mul3A_103, %add3A : i32
    %add3A_105 = arith.constant 1 : i32
    %add3A_106 = arith.addi %mul3A_104, %add3A_105 : i32
    %mul3A_107 = arith.constant 1024 : i32
    %mul3A_108 = arith.muli %add3A_106, %mul3A_107 : i32
    %multiple_of3A_109 = tpu.assume_multiple %mul3A_108, 1024 : i32
    %dma_wait3A_110 = tpu.memref_slice %arg14[%multiple_of3A_102, %multiple_of3A_109] : memref<160x65536xf32, #tpu.memory_space<hbm>> -> memref<8x1024xf32, #tpu.memory_space<hbm>>
    %dma_wait3A_111 = tpu.memref_slice %arg14[%multiple_of3A_102, %multiple_of3A_109] : memref<160x65536xf32, #tpu.memory_space<hbm>> -> memref<8x1024xf32, #tpu.memory_space<hbm>>
    tpu.wait_dma2 semaphore(%arg38 : memref<!tpu.dma_semaphore, #tpu.memory_space<semaphore_mem>>) src(%arg26 : memref<8x1024xf32, #tpu.memory_space<vmem>>) dst(%dma_wait3A_111 : memref<8x1024xf32, #tpu.memory_space<hbm>>)
    %multiple_of3A_112 = arith.constant 152 : i32
    %multiple_of3A_113 = tpu.assume_multiple %multiple_of3A_112, 8 : i32
    %mul3A_114 = arith.constant 2 : i32
    %mul3A_115 = arith.muli %mul3A_114, %add3A : i32
    %add3A_116 = arith.constant 1 : i32
    %add3A_117 = arith.addi %mul3A_115, %add3A_116 : i32
    %mul3A_118 = arith.constant 1024 : i32
    %mul3A_119 = arith.muli %add3A_117, %mul3A_118 : i32
    %multiple_of3A_120 = tpu.assume_multiple %mul3A_119, 1024 : i32
    %dma_wait3A_121 = tpu.memref_slice %arg14[%multiple_of3A_113, %multiple_of3A_120] : memref<160x65536xf32, #tpu.memory_space<hbm>> -> memref<8x1024xf32, #tpu.memory_space<hbm>>
    %dma_wait3A_122 = tpu.memref_slice %arg14[%multiple_of3A_113, %multiple_of3A_120] : memref<160x65536xf32, #tpu.memory_space<hbm>> -> memref<8x1024xf32, #tpu.memory_space<hbm>>
    tpu.wait_dma2 semaphore(%arg39 : memref<!tpu.dma_semaphore, #tpu.memory_space<semaphore_mem>>) src(%arg27 : memref<8x1024xf32, #tpu.memory_space<vmem>>) dst(%dma_wait3A_122 : memref<8x1024xf32, #tpu.memory_space<hbm>>)
    %mul3A_123 = arith.constant 2 : i32
    %mul3A_124 = arith.muli %mul3A_123, %add3A : i32
    %add3A_125 = arith.constant 0 : i32
    %add3A_126 = arith.addi %mul3A_124, %add3A_125 : i32
    %mul3A_127 = arith.constant 160 : i32
    %mul3A_128 = arith.muli %add3A_126, %mul3A_127 : i32
    %add3A_129 = arith.constant 0 : i32
    %add3A_130 = arith.addi %mul3A_128, %add3A_129 : i32
    %multiple_of3A_131 = tpu.assume_multiple %add3A_130, 8 : i32
    %dma_start3A_132 = arith.constant 0 : i32
    %dma_start3A_133 = tpu.memref_slice %arg6[%multiple_of3A_131, %dma_start3A_132] : memref<10240x2048xf32, #tpu.memory_space<hbm>> -> memref<8x2048xf32, #tpu.memory_space<hbm>>
    %dma_start3A_134 = arith.constant 0 : i32
    %dma_start3A_135 = tpu.memref_slice %arg6[%multiple_of3A_131, %dma_start3A_134] : memref<10240x2048xf32, #tpu.memory_space<hbm>> -> memref<8x2048xf32, #tpu.memory_space<hbm>>
    tpu.enqueue_dma source(%dma_start3A_135 : memref<8x2048xf32, #tpu.memory_space<hbm>>) target(%arg24 : memref<8x2048xf32, #tpu.memory_space<vmem>>) target_semaphore(%arg36 : memref<!tpu.dma_semaphore, #tpu.memory_space<semaphore_mem>>)
    %scan3A_136 = arith.constant 0 : i32
    %scan3A_137 = arith.constant 0 : i32
    %scan3A_138 = arith.constant 20 : i32
    %scan3A_139 = arith.addi %scan3A_137, %scan3A_138 : i32
    %scan3A_140 = arith.constant 1 : i32
    scf.for %scan3A_192 = %scan3A_137 to %scan3A_139 step %scan3A_140  : i32 {
      %mul3A_193 = arith.constant 2 : i32
      %mul3A_194 = arith.muli %mul3A_193, %scan3A_192 : i32
      %mul3A_195 = arith.constant 2 : i32
      %mul3A_196 = arith.muli %mul3A_195, %scan3A_192 : i32
      %add3A_197 = arith.constant 1 : i32
      %add3A_198 = arith.addi %mul3A_196, %add3A_197 : i32
      %jit3A_199 = arith.constant 20 : i32
      %div3A_200 = arith.divsi %add3A_198, %jit3A_199 : i32
      %sign3A_201 = arith.constant 0 : i32
      %sign3A_202 = arith.cmpi sgt, %add3A_198, %sign3A_201 : i32
      %sign3A_203 = arith.extui %sign3A_202 : i1 to i32
      %sign3A_204 = arith.constant 0 : i32
      %sign3A_205 = arith.cmpi slt, %add3A_198, %sign3A_204 : i32
      %sign3A_206 = arith.extui %sign3A_205 : i1 to i32
      %sign3A_207 = arith.subi %sign3A_203, %sign3A_206 : i32
      %sign3A_208 = arith.constant 0 : i32
      %sign3A_209 = arith.cmpi sgt, %jit3A_199, %sign3A_208 : i32
      %sign3A_210 = arith.extui %sign3A_209 : i1 to i32
      %sign3A_211 = arith.constant 0 : i32
      %sign3A_212 = arith.cmpi slt, %jit3A_199, %sign3A_211 : i32
      %sign3A_213 = arith.extui %sign3A_212 : i1 to i32
      %sign3A_214 = arith.subi %sign3A_210, %sign3A_213 : i32
      %ne3A_215 = arith.cmpi ne, %sign3A_207, %sign3A_214 : i32
      %rem3A_216 = arith.remsi %add3A_198, %jit3A_199 : i32
      %ne3A_217 = arith.constant 0 : i32
      %ne3A_218 = arith.cmpi ne, %rem3A_216, %ne3A_217 : i32
      %and3A_219 = arith.andi %ne3A_215, %ne3A_218 : i1
      %sub3A_220 = arith.constant 1 : i32
      %sub3A_221 = arith.subi %div3A_200, %sub3A_220 : i32
      %select_n3A_222 = arith.select %and3A_219, %sub3A_221, %div3A_200 : i32
      %mul3A_223 = arith.constant 20 : i32
      %mul3A_224 = arith.muli %select_n3A_222, %mul3A_223 : i32
      %sub3A_225 = arith.subi %add3A_198, %mul3A_224 : i32
      %mul3A_226 = arith.constant 2 : i32
      %mul3A_227 = arith.muli %mul3A_226, %add3A : i32
      %add3A_228 = arith.addi %mul3A_227, %select_n3A_222 : i32
      %mul3A_229 = arith.constant 160 : i32
      %mul3A_230 = arith.muli %add3A_228, %mul3A_229 : i32
      %mul3A_231 = arith.constant 8 : i32
      %mul3A_232 = arith.muli %sub3A_225, %mul3A_231 : i32
      %add3A_233 = arith.addi %mul3A_230, %mul3A_232 : i32
      %multiple_of3A_234 = tpu.assume_multiple %add3A_233, 8 : i32
      %dma_start3A_235 = arith.constant 0 : i32
      %dma_start3A_236 = tpu.memref_slice %arg6[%multiple_of3A_234, %dma_start3A_235] : memref<10240x2048xf32, #tpu.memory_space<hbm>> -> memref<8x2048xf32, #tpu.memory_space<hbm>>
      %dma_start3A_237 = arith.constant 0 : i32
      %dma_start3A_238 = tpu.memref_slice %arg6[%multiple_of3A_234, %dma_start3A_237] : memref<10240x2048xf32, #tpu.memory_space<hbm>> -> memref<8x2048xf32, #tpu.memory_space<hbm>>
      tpu.enqueue_dma source(%dma_start3A_238 : memref<8x2048xf32, #tpu.memory_space<hbm>>) target(%arg25 : memref<8x2048xf32, #tpu.memory_space<vmem>>) target_semaphore(%arg37 : memref<!tpu.dma_semaphore, #tpu.memory_space<semaphore_mem>>)
      %jit3A_239 = arith.constant 20 : i32
      %div3A_240 = arith.divsi %mul3A_194, %jit3A_239 : i32
      %sign3A_241 = arith.constant 0 : i32
      %sign3A_242 = arith.cmpi sgt, %mul3A_194, %sign3A_241 : i32
      %sign3A_243 = arith.extui %sign3A_242 : i1 to i32
      %sign3A_244 = arith.constant 0 : i32
      %sign3A_245 = arith.cmpi slt, %mul3A_194, %sign3A_244 : i32
      %sign3A_246 = arith.extui %sign3A_245 : i1 to i32
      %sign3A_247 = arith.subi %sign3A_243, %sign3A_246 : i32
      %sign3A_248 = arith.constant 0 : i32
      %sign3A_249 = arith.cmpi sgt, %jit3A_239, %sign3A_248 : i32
      %sign3A_250 = arith.extui %sign3A_249 : i1 to i32
      %sign3A_251 = arith.constant 0 : i32
      %sign3A_252 = arith.cmpi slt, %jit3A_239, %sign3A_251 : i32
      %sign3A_253 = arith.extui %sign3A_252 : i1 to i32
      %sign3A_254 = arith.subi %sign3A_250, %sign3A_253 : i32
      %ne3A_255 = arith.cmpi ne, %sign3A_247, %sign3A_254 : i32
      %rem3A_256 = arith.remsi %mul3A_194, %jit3A_239 : i32
      %ne3A_257 = arith.constant 0 : i32
      %ne3A_258 = arith.cmpi ne, %rem3A_256, %ne3A_257 : i32
      %and3A_259 = arith.andi %ne3A_255, %ne3A_258 : i1
      %sub3A_260 = arith.constant 1 : i32
      %sub3A_261 = arith.subi %div3A_240, %sub3A_260 : i32
      %select_n3A_262 = arith.select %and3A_259, %sub3A_261, %div3A_240 : i32
      %mul3A_263 = arith.constant 20 : i32
      %mul3A_264 = arith.muli %select_n3A_262, %mul3A_263 : i32
      %sub3A_265 = arith.subi %mul3A_194, %mul3A_264 : i32
      %mul3A_266 = arith.constant 2 : i32
      %mul3A_267 = arith.muli %mul3A_266, %add3A : i32
      %add3A_268 = arith.addi %mul3A_267, %select_n3A_262 : i32
      %mul3A_269 = arith.constant 160 : i32
      %mul3A_270 = arith.muli %add3A_268, %mul3A_269 : i32
      %mul3A_271 = arith.constant 8 : i32
      %mul3A_272 = arith.muli %sub3A_265, %mul3A_271 : i32
      %add3A_273 = arith.addi %mul3A_270, %mul3A_272 : i32
      %multiple_of3A_274 = tpu.assume_multiple %add3A_273, 8 : i32
      %dma_wait3A_275 = arith.constant 0 : i32
      %dma_wait3A_276 = tpu.memref_slice %arg6[%multiple_of3A_274, %dma_wait3A_275] : memref<10240x2048xf32, #tpu.memory_space<hbm>> -> memref<8x2048xf32, #tpu.memory_space<hbm>>
      %dma_wait3A_277 = arith.constant 0 : i32
      %dma_wait3A_278 = tpu.memref_slice %arg6[%multiple_of3A_274, %dma_wait3A_277] : memref<10240x2048xf32, #tpu.memory_space<hbm>> -> memref<8x2048xf32, #tpu.memory_space<hbm>>
      tpu.wait_dma2 semaphore(%arg36 : memref<!tpu.dma_semaphore, #tpu.memory_space<semaphore_mem>>) src(%dma_wait3A_278 : memref<8x2048xf32, #tpu.memory_space<hbm>>) dst(%arg24 : memref<8x2048xf32, #tpu.memory_space<vmem>>)
      %ge3A = arith.constant 1 : i32
      %ge3A_279 = arith.cmpi sge, %scan3A_192, %ge3A : i32
      %convert_element_type3A = arith.extui %ge3A_279 : i1 to i32
      %cond3A = arith.constant 0 : i32
      %cond3A_280 = arith.cmpi ne, %convert_element_type3A, %cond3A : i32
      scf.if %cond3A_280 {
        %sub3A_505 = arith.constant 2 : i32
        %sub3A_506 = arith.subi %mul3A_194, %sub3A_505 : i32
        %jit3A_507 = arith.constant 20 : i32
        %div3A_508 = arith.divsi %sub3A_506, %jit3A_507 : i32
        %sign3A_509 = arith.constant 0 : i32
        %sign3A_510 = arith.cmpi sgt, %sub3A_506, %sign3A_509 : i32
        %sign3A_511 = arith.extui %sign3A_510 : i1 to i32
        %sign3A_512 = arith.constant 0 : i32
        %sign3A_513 = arith.cmpi slt, %sub3A_506, %sign3A_512 : i32
        %sign3A_514 = arith.extui %sign3A_513 : i1 to i32
        %sign3A_515 = arith.subi %sign3A_511, %sign3A_514 : i32
        %sign3A_516 = arith.constant 0 : i32
        %sign3A_517 = arith.cmpi sgt, %jit3A_507, %sign3A_516 : i32
        %sign3A_518 = arith.extui %sign3A_517 : i1 to i32
        %sign3A_519 = arith.constant 0 : i32
        %sign3A_520 = arith.cmpi slt, %jit3A_507, %sign3A_519 : i32
        %sign3A_521 = arith.extui %sign3A_520 : i1 to i32
        %sign3A_522 = arith.subi %sign3A_518, %sign3A_521 : i32
        %ne3A_523 = arith.cmpi ne, %sign3A_515, %sign3A_522 : i32
        %rem3A_524 = arith.remsi %sub3A_506, %jit3A_507 : i32
        %ne3A_525 = arith.constant 0 : i32
        %ne3A_526 = arith.cmpi ne, %rem3A_524, %ne3A_525 : i32
        %and3A_527 = arith.andi %ne3A_523, %ne3A_526 : i1
        %sub3A_528 = arith.constant 1 : i32
        %sub3A_529 = arith.subi %div3A_508, %sub3A_528 : i32
        %select_n3A_530 = arith.select %and3A_527, %sub3A_529, %div3A_508 : i32
        %mul3A_531 = arith.constant 20 : i32
        %mul3A_532 = arith.muli %select_n3A_530, %mul3A_531 : i32
        %sub3A_533 = arith.subi %sub3A_506, %mul3A_532 : i32
        %mul3A_534 = arith.constant 8 : i32
        %mul3A_535 = arith.muli %sub3A_533, %mul3A_534 : i32
        %multiple_of3A_536 = tpu.assume_multiple %mul3A_535, 8 : i32
        %mul3A_537 = arith.constant 2 : i32
        %mul3A_538 = arith.muli %mul3A_537, %add3A : i32
        %add3A_539 = arith.addi %mul3A_538, %select_n3A_530 : i32
        %mul3A_540 = arith.constant 1024 : i32
        %mul3A_541 = arith.muli %add3A_539, %mul3A_540 : i32
        %multiple_of3A_542 = tpu.assume_multiple %mul3A_541, 1024 : i32
        %dma_wait3A_543 = tpu.memref_slice %arg15[%multiple_of3A_536, %multiple_of3A_542] : memref<160x65536xf32, #tpu.memory_space<hbm>> -> memref<8x1024xf32, #tpu.memory_space<hbm>>
        %dma_wait3A_544 = tpu.memref_slice %arg15[%multiple_of3A_536, %multiple_of3A_542] : memref<160x65536xf32, #tpu.memory_space<hbm>> -> memref<8x1024xf32, #tpu.memory_space<hbm>>
        tpu.wait_dma2 semaphore(%arg38 : memref<!tpu.dma_semaphore, #tpu.memory_space<semaphore_mem>>) src(%arg26 : memref<8x1024xf32, #tpu.memory_space<vmem>>) dst(%dma_wait3A_544 : memref<8x1024xf32, #tpu.memory_space<hbm>>)
      } else {
      }
      %jit3A_281 = arith.constant 4 : i32
      %eq3A = arith.constant 0 : i32
      %eq3A_282 = arith.cmpi eq, %jit3A_281, %eq3A : i32
      %jit3A_283 = arith.constant 1 : i32
      %select_n3A_284 = arith.select %eq3A_282, %jit3A_283, %jit3A_281 : i32
      %rem3A_285 = arith.remsi %add3A, %select_n3A_284 : i32
      %ne3A_286 = arith.constant 0 : i32
      %ne3A_287 = arith.cmpi ne, %rem3A_285, %ne3A_286 : i32
      %lt3A = arith.constant 0 : i32
      %lt3A_288 = arith.cmpi slt, %rem3A_285, %lt3A : i32
      %lt3A_289 = arith.constant 0 : i32
      %lt3A_290 = arith.cmpi slt, %select_n3A_284, %lt3A_289 : i32
      %ne3A_291 = arith.xori %lt3A_288, %lt3A_290 : i1
      %and3A_292 = arith.andi %ne3A_291, %ne3A_287 : i1
      %add3A_293 = arith.addi %rem3A_285, %select_n3A_284 : i32
      %select_n3A_294 = arith.select %and3A_292, %add3A_293, %rem3A_285 : i32
      %mul3A_295 = arith.constant 2 : i32
      %mul3A_296 = arith.muli %mul3A_295, %select_n3A_294 : i32
      %jit3A_297 = arith.constant 20 : i32
      %div3A_298 = arith.divsi %mul3A_194, %jit3A_297 : i32
      %sign3A_299 = arith.constant 0 : i32
      %sign3A_300 = arith.cmpi sgt, %mul3A_194, %sign3A_299 : i32
      %sign3A_301 = arith.extui %sign3A_300 : i1 to i32
      %sign3A_302 = arith.constant 0 : i32
      %sign3A_303 = arith.cmpi slt, %mul3A_194, %sign3A_302 : i32
      %sign3A_304 = arith.extui %sign3A_303 : i1 to i32
      %sign3A_305 = arith.subi %sign3A_301, %sign3A_304 : i32
      %sign3A_306 = arith.constant 0 : i32
      %sign3A_307 = arith.cmpi sgt, %jit3A_297, %sign3A_306 : i32
      %sign3A_308 = arith.extui %sign3A_307 : i1 to i32
      %sign3A_309 = arith.constant 0 : i32
      %sign3A_310 = arith.cmpi slt, %jit3A_297, %sign3A_309 : i32
      %sign3A_311 = arith.extui %sign3A_310 : i1 to i32
      %sign3A_312 = arith.subi %sign3A_308, %sign3A_311 : i32
      %ne3A_313 = arith.cmpi ne, %sign3A_305, %sign3A_312 : i32
      %rem3A_314 = arith.remsi %mul3A_194, %jit3A_297 : i32
      %ne3A_315 = arith.constant 0 : i32
      %ne3A_316 = arith.cmpi ne, %rem3A_314, %ne3A_315 : i32
      %and3A_317 = arith.andi %ne3A_313, %ne3A_316 : i1
      %sub3A_318 = arith.constant 1 : i32
      %sub3A_319 = arith.subi %div3A_298, %sub3A_318 : i32
      %select_n3A_320 = arith.select %and3A_317, %sub3A_319, %div3A_298 : i32
      %add3A_321 = arith.addi %mul3A_296, %select_n3A_320 : i32
      %scan3A_322 = arith.constant 0 : i32
      %scan3A_323 = arith.constant 0 : i32
      %scan3A_324 = arith.constant 32 : i32
      %scan3A_325 = arith.addi %scan3A_323, %scan3A_324 : i32
      %scan3A_326 = arith.constant 1 : i32
      scf.for %scan3A_505 = %scan3A_323 to %scan3A_325 step %scan3A_326  : i32 {
        %mul3A_506 = arith.constant 2 : i32
        %mul3A_507 = arith.muli %scan3A_505, %mul3A_506 : i32
        %mul3A_508 = arith.constant 16 : i32
        %mul3A_509 = arith.muli %mul3A_507, %mul3A_508 : i32
        %add3A_510 = arith.constant 0 : i32
        %add3A_511 = arith.addi %mul3A_509, %add3A_510 : i32
        %get3A = arith.index_cast %add3A_321 : i32 to index
        %get3A_512 = arith.index_cast %add3A_511 : i32 to index
        %get3A_513 = tpu.vector_load %arg19[%get3A, %get3A_512] {strides = array<i32>} : memref<8x1024xi32, #tpu.memory_space<vmem>>, vector<16xi32>,
        %broadcast_in_dim3A = arith.constant 0 : i32
        %broadcast_in_dim3A_514 = vector.broadcast %broadcast_in_dim3A : i32 to vector<16xi32>
        %gather3A = tpu.vector_load_idx %arg24[%broadcast_in_dim3A_514, %get3A_513] : memref<8x2048xf32, #tpu.memory_space<vmem>>[vector<16xi32>, vector<16xi32>], vector<16xf32>,
        %swap3A = arith.constant 0 : i32
        %swap3A_515 = arith.index_cast %swap3A : i32 to index
        %swap3A_516 = arith.index_cast %add3A_511 : i32 to index
        %swap3A_517 = tpu.vector_load %arg26[%swap3A_515, %swap3A_516] {strides = array<i32>} : memref<8x1024xf32, #tpu.memory_space<vmem>>, vector<16xf32>,
        tpu.vector_store %arg26[%swap3A_515, %swap3A_516], %gather3A {strides = array<i32>} : memref<8x1024xf32, #tpu.memory_space<vmem>>, vector<16xf32>,
        %broadcast_in_dim3A_518 = arith.constant 1 : i32
        %broadcast_in_dim3A_519 = vector.broadcast %broadcast_in_dim3A_518 : i32 to vector<16xi32>
        %gather3A_520 = tpu.vector_load_idx %arg24[%broadcast_in_dim3A_519, %get3A_513] : memref<8x2048xf32, #tpu.memory_space<vmem>>[vector<16xi32>, vector<16xi32>], vector<16xf32>,
        %swap3A_521 = arith.constant 1 : i32
        %swap3A_522 = arith.index_cast %swap3A_521 : i32 to index
        %swap3A_523 = arith.index_cast %add3A_511 : i32 to index
        %swap3A_524 = tpu.vector_load %arg26[%swap3A_522, %swap3A_523] {strides = array<i32>} : memref<8x1024xf32, #tpu.memory_space<vmem>>, vector<16xf32>,
        tpu.vector_store %arg26[%swap3A_522, %swap3A_523], %gather3A_520 {strides = array<i32>} : memref<8x1024xf32, #tpu.memory_space<vmem>>, vector<16xf32>,
        %broadcast_in_dim3A_525 = arith.constant 2 : i32
        %broadcast_in_dim3A_526 = vector.broadcast %broadcast_in_dim3A_525 : i32 to vector<16xi32>
        %gather3A_527 = tpu.vector_load_idx %arg24[%broadcast_in_dim3A_526, %get3A_513] : memref<8x2048xf32, #tpu.memory_space<vmem>>[vector<16xi32>, vector<16xi32>], vector<16xf32>,
        %swap3A_528 = arith.constant 2 : i32
        %swap3A_529 = arith.index_cast %swap3A_528 : i32 to index
        %swap3A_530 = arith.index_cast %add3A_511 : i32 to index
        %swap3A_531 = tpu.vector_load %arg26[%swap3A_529, %swap3A_530] {strides = array<i32>} : memref<8x1024xf32, #tpu.memory_space<vmem>>, vector<16xf32>,
        tpu.vector_store %arg26[%swap3A_529, %swap3A_530], %gather3A_527 {strides = array<i32>} : memref<8x1024xf32, #tpu.memory_space<vmem>>, vector<16xf32>,
        %broadcast_in_dim3A_532 = arith.constant 3 : i32
        %broadcast_in_dim3A_533 = vector.broadcast %broadcast_in_dim3A_532 : i32 to vector<16xi32>
        %gather3A_534 = tpu.vector_load_idx %arg24[%broadcast_in_dim3A_533, %get3A_513] : memref<8x2048xf32, #tpu.memory_space<vmem>>[vector<16xi32>, vector<16xi32>], vector<16xf32>,
        %swap3A_535 = arith.constant 3 : i32
        %swap3A_536 = arith.index_cast %swap3A_535 : i32 to index
        %swap3A_537 = arith.index_cast %add3A_511 : i32 to index
        %swap3A_538 = tpu.vector_load %arg26[%swap3A_536, %swap3A_537] {strides = array<i32>} : memref<8x1024xf32, #tpu.memory_space<vmem>>, vector<16xf32>,
        tpu.vector_store %arg26[%swap3A_536, %swap3A_537], %gather3A_534 {strides = array<i32>} : memref<8x1024xf32, #tpu.memory_space<vmem>>, vector<16xf32>,
        %broadcast_in_dim3A_539 = arith.constant 4 : i32
        %broadcast_in_dim3A_540 = vector.broadcast %broadcast_in_dim3A_539 : i32 to vector<16xi32>
        %gather3A_541 = tpu.vector_load_idx %arg24[%broadcast_in_dim3A_540, %get3A_513] : memref<8x2048xf32, #tpu.memory_space<vmem>>[vector<16xi32>, vector<16xi32>], vector<16xf32>,
        %swap3A_542 = arith.constant 4 : i32
        %swap3A_543 = arith.index_cast %swap3A_542 : i32 to index
        %swap3A_544 = arith.index_cast %add3A_511 : i32 to index
        %swap3A_545 = tpu.vector_load %arg26[%swap3A_543, %swap3A_544] {strides = array<i32>} : memref<8x1024xf32, #tpu.memory_space<vmem>>, vector<16xf32>,
        tpu.vector_store %arg26[%swap3A_543, %swap3A_544], %gather3A_541 {strides = array<i32>} : memref<8x1024xf32, #tpu.memory_space<vmem>>, vector<16xf32>,
        %broadcast_in_dim3A_546 = arith.constant 5 : i32
        %broadcast_in_dim3A_547 = vector.broadcast %broadcast_in_dim3A_546 : i32 to vector<16xi32>
        %gather3A_548 = tpu.vector_load_idx %arg24[%broadcast_in_dim3A_547, %get3A_513] : memref<8x2048xf32, #tpu.memory_space<vmem>>[vector<16xi32>, vector<16xi32>], vector<16xf32>,
        %swap3A_549 = arith.constant 5 : i32
        %swap3A_550 = arith.index_cast %swap3A_549 : i32 to index
        %swap3A_551 = arith.index_cast %add3A_511 : i32 to index
        %swap3A_552 = tpu.vector_load %arg26[%swap3A_550, %swap3A_551] {strides = array<i32>} : memref<8x1024xf32, #tpu.memory_space<vmem>>, vector<16xf32>,
        tpu.vector_store %arg26[%swap3A_550, %swap3A_551], %gather3A_548 {strides = array<i32>} : memref<8x1024xf32, #tpu.memory_space<vmem>>, vector<16xf32>,
        %broadcast_in_dim3A_553 = arith.constant 6 : i32
        %broadcast_in_dim3A_554 = vector.broadcast %broadcast_in_dim3A_553 : i32 to vector<16xi32>
        %gather3A_555 = tpu.vector_load_idx %arg24[%broadcast_in_dim3A_554, %get3A_513] : memref<8x2048xf32, #tpu.memory_space<vmem>>[vector<16xi32>, vector<16xi32>], vector<16xf32>,
        %swap3A_556 = arith.constant 6 : i32
        %swap3A_557 = arith.index_cast %swap3A_556 : i32 to index
        %swap3A_558 = arith.index_cast %add3A_511 : i32 to index
        %swap3A_559 = tpu.vector_load %arg26[%swap3A_557, %swap3A_558] {strides = array<i32>} : memref<8x1024xf32, #tpu.memory_space<vmem>>, vector<16xf32>,
        tpu.vector_store %arg26[%swap3A_557, %swap3A_558], %gather3A_555 {strides = array<i32>} : memref<8x1024xf32, #tpu.memory_space<vmem>>, vector<16xf32>,
        %broadcast_in_dim3A_560 = arith.constant 7 : i32
        %broadcast_in_dim3A_561 = vector.broadcast %broadcast_in_dim3A_560 : i32 to vector<16xi32>
        %gather3A_562 = tpu.vector_load_idx %arg24[%broadcast_in_dim3A_561, %get3A_513] : memref<8x2048xf32, #tpu.memory_space<vmem>>[vector<16xi32>, vector<16xi32>], vector<16xf32>,
        %swap3A_563 = arith.constant 7 : i32
        %swap3A_564 = arith.index_cast %swap3A_563 : i32 to index
        %swap3A_565 = arith.index_cast %add3A_511 : i32 to index
        %swap3A_566 = tpu.vector_load %arg26[%swap3A_564, %swap3A_565] {strides = array<i32>} : memref<8x1024xf32, #tpu.memory_space<vmem>>, vector<16xf32>,
        tpu.vector_store %arg26[%swap3A_564, %swap3A_565], %gather3A_562 {strides = array<i32>} : memref<8x1024xf32, #tpu.memory_space<vmem>>, vector<16xf32>,
        %mul3A_567 = arith.constant 2 : i32
        %mul3A_568 = arith.muli %scan3A_505, %mul3A_567 : i32
        %mul3A_569 = arith.constant 16 : i32
        %mul3A_570 = arith.muli %mul3A_568, %mul3A_569 : i32
        %add3A_571 = arith.constant 16 : i32
        %add3A_572 = arith.addi %mul3A_570, %add3A_571 : i32
        %get3A_573 = arith.index_cast %add3A_321 : i32 to index
        %get3A_574 = arith.index_cast %add3A_572 : i32 to index
        %get3A_575 = tpu.vector_load %arg19[%get3A_573, %get3A_574] {strides = array<i32>} : memref<8x1024xi32, #tpu.memory_space<vmem>>, vector<16xi32>,
        %broadcast_in_dim3A_576 = arith.constant 0 : i32
        %broadcast_in_dim3A_577 = vector.broadcast %broadcast_in_dim3A_576 : i32 to vector<16xi32>
        %gather3A_578 = tpu.vector_load_idx %arg24[%broadcast_in_dim3A_577, %get3A_575] : memref<8x2048xf32, #tpu.memory_space<vmem>>[vector<16xi32>, vector<16xi32>], vector<16xf32>,
        %swap3A_579 = arith.constant 0 : i32
        %swap3A_580 = arith.index_cast %swap3A_579 : i32 to index
        %swap3A_581 = arith.index_cast %add3A_572 : i32 to index
        %swap3A_582 = tpu.vector_load %arg26[%swap3A_580, %swap3A_581] {strides = array<i32>} : memref<8x1024xf32, #tpu.memory_space<vmem>>, vector<16xf32>,
        tpu.vector_store %arg26[%swap3A_580, %swap3A_581], %gather3A_578 {strides = array<i32>} : memref<8x1024xf32, #tpu.memory_space<vmem>>, vector<16xf32>,
        %broadcast_in_dim3A_583 = arith.constant 1 : i32
        %broadcast_in_dim3A_584 = vector.broadcast %broadcast_in_dim3A_583 : i32 to vector<16xi32>
        %gather3A_585 = tpu.vector_load_idx %arg24[%broadcast_in_dim3A_584, %get3A_575] : memref<8x2048xf32, #tpu.memory_space<vmem>>[vector<16xi32>, vector<16xi32>], vector<16xf32>,
        %swap3A_586 = arith.constant 1 : i32
        %swap3A_587 = arith.index_cast %swap3A_586 : i32 to index
        %swap3A_588 = arith.index_cast %add3A_572 : i32 to index
        %swap3A_589 = tpu.vector_load %arg26[%swap3A_587, %swap3A_588] {strides = array<i32>} : memref<8x1024xf32, #tpu.memory_space<vmem>>, vector<16xf32>,
        tpu.vector_store %arg26[%swap3A_587, %swap3A_588], %gather3A_585 {strides = array<i32>} : memref<8x1024xf32, #tpu.memory_space<vmem>>, vector<16xf32>,
        %broadcast_in_dim3A_590 = arith.constant 2 : i32
        %broadcast_in_dim3A_591 = vector.broadcast %broadcast_in_dim3A_590 : i32 to vector<16xi32>
        %gather3A_592 = tpu.vector_load_idx %arg24[%broadcast_in_dim3A_591, %get3A_575] : memref<8x2048xf32, #tpu.memory_space<vmem>>[vector<16xi32>, vector<16xi32>], vector<16xf32>,
        %swap3A_593 = arith.constant 2 : i32
        %swap3A_594 = arith.index_cast %swap3A_593 : i32 to index
        %swap3A_595 = arith.index_cast %add3A_572 : i32 to index
        %swap3A_596 = tpu.vector_load %arg26[%swap3A_594, %swap3A_595] {strides = array<i32>} : memref<8x1024xf32, #tpu.memory_space<vmem>>, vector<16xf32>,
        tpu.vector_store %arg26[%swap3A_594, %swap3A_595], %gather3A_592 {strides = array<i32>} : memref<8x1024xf32, #tpu.memory_space<vmem>>, vector<16xf32>,
        %broadcast_in_dim3A_597 = arith.constant 3 : i32
        %broadcast_in_dim3A_598 = vector.broadcast %broadcast_in_dim3A_597 : i32 to vector<16xi32>
        %gather3A_599 = tpu.vector_load_idx %arg24[%broadcast_in_dim3A_598, %get3A_575] : memref<8x2048xf32, #tpu.memory_space<vmem>>[vector<16xi32>, vector<16xi32>], vector<16xf32>,
        %swap3A_600 = arith.constant 3 : i32
        %swap3A_601 = arith.index_cast %swap3A_600 : i32 to index
        %swap3A_602 = arith.index_cast %add3A_572 : i32 to index
        %swap3A_603 = tpu.vector_load %arg26[%swap3A_601, %swap3A_602] {strides = array<i32>} : memref<8x1024xf32, #tpu.memory_space<vmem>>, vector<16xf32>,
        tpu.vector_store %arg26[%swap3A_601, %swap3A_602], %gather3A_599 {strides = array<i32>} : memref<8x1024xf32, #tpu.memory_space<vmem>>, vector<16xf32>,
        %broadcast_in_dim3A_604 = arith.constant 4 : i32
        %broadcast_in_dim3A_605 = vector.broadcast %broadcast_in_dim3A_604 : i32 to vector<16xi32>
        %gather3A_606 = tpu.vector_load_idx %arg24[%broadcast_in_dim3A_605, %get3A_575] : memref<8x2048xf32, #tpu.memory_space<vmem>>[vector<16xi32>, vector<16xi32>], vector<16xf32>,
        %swap3A_607 = arith.constant 4 : i32
        %swap3A_608 = arith.index_cast %swap3A_607 : i32 to index
        %swap3A_609 = arith.index_cast %add3A_572 : i32 to index
        %swap3A_610 = tpu.vector_load %arg26[%swap3A_608, %swap3A_609] {strides = array<i32>} : memref<8x1024xf32, #tpu.memory_space<vmem>>, vector<16xf32>,
        tpu.vector_store %arg26[%swap3A_608, %swap3A_609], %gather3A_606 {strides = array<i32>} : memref<8x1024xf32, #tpu.memory_space<vmem>>, vector<16xf32>,
        %broadcast_in_dim3A_611 = arith.constant 5 : i32
        %broadcast_in_dim3A_612 = vector.broadcast %broadcast_in_dim3A_611 : i32 to vector<16xi32>
        %gather3A_613 = tpu.vector_load_idx %arg24[%broadcast_in_dim3A_612, %get3A_575] : memref<8x2048xf32, #tpu.memory_space<vmem>>[vector<16xi32>, vector<16xi32>], vector<16xf32>,
        %swap3A_614 = arith.constant 5 : i32
        %swap3A_615 = arith.index_cast %swap3A_614 : i32 to index
        %swap3A_616 = arith.index_cast %add3A_572 : i32 to index
        %swap3A_617 = tpu.vector_load %arg26[%swap3A_615, %swap3A_616] {strides = array<i32>} : memref<8x1024xf32, #tpu.memory_space<vmem>>, vector<16xf32>,
        tpu.vector_store %arg26[%swap3A_615, %swap3A_616], %gather3A_613 {strides = array<i32>} : memref<8x1024xf32, #tpu.memory_space<vmem>>, vector<16xf32>,
        %broadcast_in_dim3A_618 = arith.constant 6 : i32
        %broadcast_in_dim3A_619 = vector.broadcast %broadcast_in_dim3A_618 : i32 to vector<16xi32>
        %gather3A_620 = tpu.vector_load_idx %arg24[%broadcast_in_dim3A_619, %get3A_575] : memref<8x2048xf32, #tpu.memory_space<vmem>>[vector<16xi32>, vector<16xi32>], vector<16xf32>,
        %swap3A_621 = arith.constant 6 : i32
        %swap3A_622 = arith.index_cast %swap3A_621 : i32 to index
        %swap3A_623 = arith.index_cast %add3A_572 : i32 to index
        %swap3A_624 = tpu.vector_load %arg26[%swap3A_622, %swap3A_623] {strides = array<i32>} : memref<8x1024xf32, #tpu.memory_space<vmem>>, vector<16xf32>,
        tpu.vector_store %arg26[%swap3A_622, %swap3A_623], %gather3A_620 {strides = array<i32>} : memref<8x1024xf32, #tpu.memory_space<vmem>>, vector<16xf32>,
        %broadcast_in_dim3A_625 = arith.constant 7 : i32
        %broadcast_in_dim3A_626 = vector.broadcast %broadcast_in_dim3A_625 : i32 to vector<16xi32>
        %gather3A_627 = tpu.vector_load_idx %arg24[%broadcast_in_dim3A_626, %get3A_575] : memref<8x2048xf32, #tpu.memory_space<vmem>>[vector<16xi32>, vector<16xi32>], vector<16xf32>,
        %swap3A_628 = arith.constant 7 : i32
        %swap3A_629 = arith.index_cast %swap3A_628 : i32 to index
        %swap3A_630 = arith.index_cast %add3A_572 : i32 to index
        %swap3A_631 = tpu.vector_load %arg26[%swap3A_629, %swap3A_630] {strides = array<i32>} : memref<8x1024xf32, #tpu.memory_space<vmem>>, vector<16xf32>,
        tpu.vector_store %arg26[%swap3A_629, %swap3A_630], %gather3A_627 {strides = array<i32>} : memref<8x1024xf32, #tpu.memory_space<vmem>>, vector<16xf32>,
      }
      %scan3A_327 = arith.constant 32 : i32
      %barrier3A_328 = arith.constant 0 : index
      tpu.barrier barrier_id(%barrier3A_328)
      %jit3A_329 = arith.constant 20 : i32
      %div3A_330 = arith.divsi %mul3A_194, %jit3A_329 : i32
      %sign3A_331 = arith.constant 0 : i32
      %sign3A_332 = arith.cmpi sgt, %mul3A_194, %sign3A_331 : i32
      %sign3A_333 = arith.extui %sign3A_332 : i1 to i32
      %sign3A_334 = arith.constant 0 : i32
      %sign3A_335 = arith.cmpi slt, %mul3A_194, %sign3A_334 : i32
      %sign3A_336 = arith.extui %sign3A_335 : i1 to i32
      %sign3A_337 = arith.subi %sign3A_333, %sign3A_336 : i32
      %sign3A_338 = arith.constant 0 : i32
      %sign3A_339 = arith.cmpi sgt, %jit3A_329, %sign3A_338 : i32
      %sign3A_340 = arith.extui %sign3A_339 : i1 to i32
      %sign3A_341 = arith.constant 0 : i32
      %sign3A_342 = arith.cmpi slt, %jit3A_329, %sign3A_341 : i32
      %sign3A_343 = arith.extui %sign3A_342 : i1 to i32
      %sign3A_344 = arith.subi %sign3A_340, %sign3A_343 : i32
      %ne3A_345 = arith.cmpi ne, %sign3A_337, %sign3A_344 : i32
      %rem3A_346 = arith.remsi %mul3A_194, %jit3A_329 : i32
      %ne3A_347 = arith.constant 0 : i32
      %ne3A_348 = arith.cmpi ne, %rem3A_346, %ne3A_347 : i32
      %and3A_349 = arith.andi %ne3A_345, %ne3A_348 : i1
      %sub3A_350 = arith.constant 1 : i32
      %sub3A_351 = arith.subi %div3A_330, %sub3A_350 : i32
      %select_n3A_352 = arith.select %and3A_349, %sub3A_351, %div3A_330 : i32
      %mul3A_353 = arith.constant 20 : i32
      %mul3A_354 = arith.muli %select_n3A_352, %mul3A_353 : i32
      %sub3A_355 = arith.subi %mul3A_194, %mul3A_354 : i32
      %mul3A_356 = arith.constant 8 : i32
      %mul3A_357 = arith.muli %sub3A_355, %mul3A_356 : i32
      %multiple_of3A_358 = tpu.assume_multiple %mul3A_357, 8 : i32
      %mul3A_359 = arith.constant 2 : i32
      %mul3A_360 = arith.muli %mul3A_359, %add3A : i32
      %add3A_361 = arith.addi %mul3A_360, %select_n3A_352 : i32
      %mul3A_362 = arith.constant 1024 : i32
      %mul3A_363 = arith.muli %add3A_361, %mul3A_362 : i32
      %multiple_of3A_364 = tpu.assume_multiple %mul3A_363, 1024 : i32
      %dma_start3A_365 = tpu.memref_slice %arg15[%multiple_of3A_358, %multiple_of3A_364] : memref<160x65536xf32, #tpu.memory_space<hbm>> -> memref<8x1024xf32, #tpu.memory_space<hbm>>
      %dma_start3A_366 = tpu.memref_slice %arg15[%multiple_of3A_358, %multiple_of3A_364] : memref<160x65536xf32, #tpu.memory_space<hbm>> -> memref<8x1024xf32, #tpu.memory_space<hbm>>
      tpu.enqueue_dma source(%arg26 : memref<8x1024xf32, #tpu.memory_space<vmem>>) target(%dma_start3A_366 : memref<8x1024xf32, #tpu.memory_space<hbm>>) target_semaphore(%arg38 : memref<!tpu.dma_semaphore, #tpu.memory_space<semaphore_mem>>)
      %lt3A_367 = arith.constant 19 : i32
      %lt3A_368 = arith.cmpi slt, %scan3A_192, %lt3A_367 : i32
      %convert_element_type3A_369 = arith.extui %lt3A_368 : i1 to i32
      %cond3A_370 = arith.constant 0 : i32
      %cond3A_371 = arith.cmpi ne, %convert_element_type3A_369, %cond3A_370 : i32
      scf.if %cond3A_371 {
        %add3A_505 = arith.constant 2 : i32
        %add3A_506 = arith.addi %mul3A_194, %add3A_505 : i32
        %jit3A_507 = arith.constant 20 : i32
        %div3A_508 = arith.divsi %add3A_506, %jit3A_507 : i32
        %sign3A_509 = arith.constant 0 : i32
        %sign3A_510 = arith.cmpi sgt, %add3A_506, %sign3A_509 : i32
        %sign3A_511 = arith.extui %sign3A_510 : i1 to i32
        %sign3A_512 = arith.constant 0 : i32
        %sign3A_513 = arith.cmpi slt, %add3A_506, %sign3A_512 : i32
        %sign3A_514 = arith.extui %sign3A_513 : i1 to i32
        %sign3A_515 = arith.subi %sign3A_511, %sign3A_514 : i32
        %sign3A_516 = arith.constant 0 : i32
        %sign3A_517 = arith.cmpi sgt, %jit3A_507, %sign3A_516 : i32
        %sign3A_518 = arith.extui %sign3A_517 : i1 to i32
        %sign3A_519 = arith.constant 0 : i32
        %sign3A_520 = arith.cmpi slt, %jit3A_507, %sign3A_519 : i32
        %sign3A_521 = arith.extui %sign3A_520 : i1 to i32
        %sign3A_522 = arith.subi %sign3A_518, %sign3A_521 : i32
        %ne3A_523 = arith.cmpi ne, %sign3A_515, %sign3A_522 : i32
        %rem3A_524 = arith.remsi %add3A_506, %jit3A_507 : i32
        %ne3A_525 = arith.constant 0 : i32
        %ne3A_526 = arith.cmpi ne, %rem3A_524, %ne3A_525 : i32
        %and3A_527 = arith.andi %ne3A_523, %ne3A_526 : i1
        %sub3A_528 = arith.constant 1 : i32
        %sub3A_529 = arith.subi %div3A_508, %sub3A_528 : i32
        %select_n3A_530 = arith.select %and3A_527, %sub3A_529, %div3A_508 : i32
        %mul3A_531 = arith.constant 20 : i32
        %mul3A_532 = arith.muli %select_n3A_530, %mul3A_531 : i32
        %sub3A_533 = arith.subi %add3A_506, %mul3A_532 : i32
        %mul3A_534 = arith.constant 2 : i32
        %mul3A_535 = arith.muli %mul3A_534, %add3A : i32
        %add3A_536 = arith.addi %mul3A_535, %select_n3A_530 : i32
        %mul3A_537 = arith.constant 160 : i32
        %mul3A_538 = arith.muli %add3A_536, %mul3A_537 : i32
        %mul3A_539 = arith.constant 8 : i32
        %mul3A_540 = arith.muli %sub3A_533, %mul3A_539 : i32
        %add3A_541 = arith.addi %mul3A_538, %mul3A_540 : i32
        %multiple_of3A_542 = tpu.assume_multiple %add3A_541, 8 : i32
        %dma_start3A_543 = arith.constant 0 : i32
        %dma_start3A_544 = tpu.memref_slice %arg6[%multiple_of3A_542, %dma_start3A_543] : memref<10240x2048xf32, #tpu.memory_space<hbm>> -> memref<8x2048xf32, #tpu.memory_space<hbm>>
        %dma_start3A_545 = arith.constant 0 : i32
        %dma_start3A_546 = tpu.memref_slice %arg6[%multiple_of3A_542, %dma_start3A_545] : memref<10240x2048xf32, #tpu.memory_space<hbm>> -> memref<8x2048xf32, #tpu.memory_space<hbm>>
        tpu.enqueue_dma source(%dma_start3A_546 : memref<8x2048xf32, #tpu.memory_space<hbm>>) target(%arg24 : memref<8x2048xf32, #tpu.memory_space<vmem>>) target_semaphore(%arg36 : memref<!tpu.dma_semaphore, #tpu.memory_space<semaphore_mem>>)
      } else {
      }
      %jit3A_372 = arith.constant 20 : i32
      %div3A_373 = arith.divsi %add3A_198, %jit3A_372 : i32
      %sign3A_374 = arith.constant 0 : i32
      %sign3A_375 = arith.cmpi sgt, %add3A_198, %sign3A_374 : i32
      %sign3A_376 = arith.extui %sign3A_375 : i1 to i32
      %sign3A_377 = arith.constant 0 : i32
      %sign3A_378 = arith.cmpi slt, %add3A_198, %sign3A_377 : i32
      %sign3A_379 = arith.extui %sign3A_378 : i1 to i32
      %sign3A_380 = arith.subi %sign3A_376, %sign3A_379 : i32
      %sign3A_381 = arith.constant 0 : i32
      %sign3A_382 = arith.cmpi sgt, %jit3A_372, %sign3A_381 : i32
      %sign3A_383 = arith.extui %sign3A_382 : i1 to i32
      %sign3A_384 = arith.constant 0 : i32
      %sign3A_385 = arith.cmpi slt, %jit3A_372, %sign3A_384 : i32
      %sign3A_386 = arith.extui %sign3A_385 : i1 to i32
      %sign3A_387 = arith.subi %sign3A_383, %sign3A_386 : i32
      %ne3A_388 = arith.cmpi ne, %sign3A_380, %sign3A_387 : i32
      %rem3A_389 = arith.remsi %add3A_198, %jit3A_372 : i32
      %ne3A_390 = arith.constant 0 : i32
      %ne3A_391 = arith.cmpi ne, %rem3A_389, %ne3A_390 : i32
      %and3A_392 = arith.andi %ne3A_388, %ne3A_391 : i1
      %sub3A_393 = arith.constant 1 : i32
      %sub3A_394 = arith.subi %div3A_373, %sub3A_393 : i32
      %select_n3A_395 = arith.select %and3A_392, %sub3A_394, %div3A_373 : i32
      %mul3A_396 = arith.constant 20 : i32
      %mul3A_397 = arith.muli %select_n3A_395, %mul3A_396 : i32
      %sub3A_398 = arith.subi %add3A_198, %mul3A_397 : i32
      %mul3A_399 = arith.constant 2 : i32
      %mul3A_400 = arith.muli %mul3A_399, %add3A : i32
      %add3A_401 = arith.addi %mul3A_400, %select_n3A_395 : i32
      %mul3A_402 = arith.constant 160 : i32
      %mul3A_403 = arith.muli %add3A_401, %mul3A_402 : i32
      %mul3A_404 = arith.constant 8 : i32
      %mul3A_405 = arith.muli %sub3A_398, %mul3A_404 : i32
      %add3A_406 = arith.addi %mul3A_403, %mul3A_405 : i32
      %multiple_of3A_407 = tpu.assume_multiple %add3A_406, 8 : i32
      %dma_wait3A_408 = arith.constant 0 : i32
      %dma_wait3A_409 = tpu.memref_slice %arg6[%multiple_of3A_407, %dma_wait3A_408] : memref<10240x2048xf32, #tpu.memory_space<hbm>> -> memref<8x2048xf32, #tpu.memory_space<hbm>>
      %dma_wait3A_410 = arith.constant 0 : i32
      %dma_wait3A_411 = tpu.memref_slice %arg6[%multiple_of3A_407, %dma_wait3A_410] : memref<10240x2048xf32, #tpu.memory_space<hbm>> -> memref<8x2048xf32, #tpu.memory_space<hbm>>
      tpu.wait_dma2 semaphore(%arg37 : memref<!tpu.dma_semaphore, #tpu.memory_space<semaphore_mem>>) src(%dma_wait3A_411 : memref<8x2048xf32, #tpu.memory_space<hbm>>) dst(%arg25 : memref<8x2048xf32, #tpu.memory_space<vmem>>)
      %ge3A_412 = arith.constant 1 : i32
      %ge3A_413 = arith.cmpi sge, %scan3A_192, %ge3A_412 : i32
      %convert_element_type3A_414 = arith.extui %ge3A_413 : i1 to i32
      %cond3A_415 = arith.constant 0 : i32
      %cond3A_416 = arith.cmpi ne, %convert_element_type3A_414, %cond3A_415 : i32
      scf.if %cond3A_416 {
        %sub3A_505 = arith.constant 2 : i32
        %sub3A_506 = arith.subi %add3A_198, %sub3A_505 : i32
        %jit3A_507 = arith.constant 20 : i32
        %div3A_508 = arith.divsi %sub3A_506, %jit3A_507 : i32
        %sign3A_509 = arith.constant 0 : i32
        %sign3A_510 = arith.cmpi sgt, %sub3A_506, %sign3A_509 : i32
        %sign3A_511 = arith.extui %sign3A_510 : i1 to i32
        %sign3A_512 = arith.constant 0 : i32
        %sign3A_513 = arith.cmpi slt, %sub3A_506, %sign3A_512 : i32
        %sign3A_514 = arith.extui %sign3A_513 : i1 to i32
        %sign3A_515 = arith.subi %sign3A_511, %sign3A_514 : i32
        %sign3A_516 = arith.constant 0 : i32
        %sign3A_517 = arith.cmpi sgt, %jit3A_507, %sign3A_516 : i32
        %sign3A_518 = arith.extui %sign3A_517 : i1 to i32
        %sign3A_519 = arith.constant 0 : i32
        %sign3A_520 = arith.cmpi slt, %jit3A_507, %sign3A_519 : i32
        %sign3A_521 = arith.extui %sign3A_520 : i1 to i32
        %sign3A_522 = arith.subi %sign3A_518, %sign3A_521 : i32
        %ne3A_523 = arith.cmpi ne, %sign3A_515, %sign3A_522 : i32
        %rem3A_524 = arith.remsi %sub3A_506, %jit3A_507 : i32
        %ne3A_525 = arith.constant 0 : i32
        %ne3A_526 = arith.cmpi ne, %rem3A_524, %ne3A_525 : i32
        %and3A_527 = arith.andi %ne3A_523, %ne3A_526 : i1
        %sub3A_528 = arith.constant 1 : i32
        %sub3A_529 = arith.subi %div3A_508, %sub3A_528 : i32
        %select_n3A_530 = arith.select %and3A_527, %sub3A_529, %div3A_508 : i32
        %mul3A_531 = arith.constant 20 : i32
        %mul3A_532 = arith.muli %select_n3A_530, %mul3A_531 : i32
        %sub3A_533 = arith.subi %sub3A_506, %mul3A_532 : i32
        %mul3A_534 = arith.constant 8 : i32
        %mul3A_535 = arith.muli %sub3A_533, %mul3A_534 : i32
        %multiple_of3A_536 = tpu.assume_multiple %mul3A_535, 8 : i32
        %mul3A_537 = arith.constant 2 : i32
        %mul3A_538 = arith.muli %mul3A_537, %add3A : i32
        %add3A_539 = arith.addi %mul3A_538, %select_n3A_530 : i32
        %mul3A_540 = arith.constant 1024 : i32
        %mul3A_541 = arith.muli %add3A_539, %mul3A_540 : i32
        %multiple_of3A_542 = tpu.assume_multiple %mul3A_541, 1024 : i32
        %dma_wait3A_543 = tpu.memref_slice %arg15[%multiple_of3A_536, %multiple_of3A_542] : memref<160x65536xf32, #tpu.memory_space<hbm>> -> memref<8x1024xf32, #tpu.memory_space<hbm>>
        %dma_wait3A_544 = tpu.memref_slice %arg15[%multiple_of3A_536, %multiple_of3A_542] : memref<160x65536xf32, #tpu.memory_space<hbm>> -> memref<8x1024xf32, #tpu.memory_space<hbm>>
        tpu.wait_dma2 semaphore(%arg39 : memref<!tpu.dma_semaphore, #tpu.memory_space<semaphore_mem>>) src(%arg27 : memref<8x1024xf32, #tpu.memory_space<vmem>>) dst(%dma_wait3A_544 : memref<8x1024xf32, #tpu.memory_space<hbm>>)
      } else {
      }
      %jit3A_417 = arith.constant 4 : i32
      %eq3A_418 = arith.constant 0 : i32
      %eq3A_419 = arith.cmpi eq, %jit3A_417, %eq3A_418 : i32
      %jit3A_420 = arith.constant 1 : i32
      %select_n3A_421 = arith.select %eq3A_419, %jit3A_420, %jit3A_417 : i32
      %rem3A_422 = arith.remsi %add3A, %select_n3A_421 : i32
      %ne3A_423 = arith.constant 0 : i32
      %ne3A_424 = arith.cmpi ne, %rem3A_422, %ne3A_423 : i32
      %lt3A_425 = arith.constant 0 : i32
      %lt3A_426 = arith.cmpi slt, %rem3A_422, %lt3A_425 : i32
      %lt3A_427 = arith.constant 0 : i32
      %lt3A_428 = arith.cmpi slt, %select_n3A_421, %lt3A_427 : i32
      %ne3A_429 = arith.xori %lt3A_426, %lt3A_428 : i1
      %and3A_430 = arith.andi %ne3A_429, %ne3A_424 : i1
      %add3A_431 = arith.addi %rem3A_422, %select_n3A_421 : i32
      %select_n3A_432 = arith.select %and3A_430, %add3A_431, %rem3A_422 : i32
      %mul3A_433 = arith.constant 2 : i32
      %mul3A_434 = arith.muli %mul3A_433, %select_n3A_432 : i32
      %jit3A_435 = arith.constant 20 : i32
      %div3A_436 = arith.divsi %add3A_198, %jit3A_435 : i32
      %sign3A_437 = arith.constant 0 : i32
      %sign3A_438 = arith.cmpi sgt, %add3A_198, %sign3A_437 : i32
      %sign3A_439 = arith.extui %sign3A_438 : i1 to i32
      %sign3A_440 = arith.constant 0 : i32
      %sign3A_441 = arith.cmpi slt, %add3A_198, %sign3A_440 : i32
      %sign3A_442 = arith.extui %sign3A_441 : i1 to i32
      %sign3A_443 = arith.subi %sign3A_439, %sign3A_442 : i32
      %sign3A_444 = arith.constant 0 : i32
      %sign3A_445 = arith.cmpi sgt, %jit3A_435, %sign3A_444 : i32
      %sign3A_446 = arith.extui %sign3A_445 : i1 to i32
      %sign3A_447 = arith.constant 0 : i32
      %sign3A_448 = arith.cmpi slt, %jit3A_435, %sign3A_447 : i32
      %sign3A_449 = arith.extui %sign3A_448 : i1 to i32
      %sign3A_450 = arith.subi %sign3A_446, %sign3A_449 : i32
      %ne3A_451 = arith.cmpi ne, %sign3A_443, %sign3A_450 : i32
      %rem3A_452 = arith.remsi %add3A_198, %jit3A_435 : i32
      %ne3A_453 = arith.constant 0 : i32
      %ne3A_454 = arith.cmpi ne, %rem3A_452, %ne3A_453 : i32
      %and3A_455 = arith.andi %ne3A_451, %ne3A_454 : i1
      %sub3A_456 = arith.constant 1 : i32
      %sub3A_457 = arith.subi %div3A_436, %sub3A_456 : i32
      %select_n3A_458 = arith.select %and3A_455, %sub3A_457, %div3A_436 : i32
      %add3A_459 = arith.addi %mul3A_434, %select_n3A_458 : i32
      %scan3A_460 = arith.constant 0 : i32
      %scan3A_461 = arith.constant 0 : i32
      %scan3A_462 = arith.constant 32 : i32
      %scan3A_463 = arith.addi %scan3A_461, %scan3A_462 : i32
      %scan3A_464 = arith.constant 1 : i32
      scf.for %scan3A_505 = %scan3A_461 to %scan3A_463 step %scan3A_464  : i32 {
        %mul3A_506 = arith.constant 2 : i32
        %mul3A_507 = arith.muli %scan3A_505, %mul3A_506 : i32
        %mul3A_508 = arith.constant 16 : i32
        %mul3A_509 = arith.muli %mul3A_507, %mul3A_508 : i32
        %add3A_510 = arith.constant 0 : i32
        %add3A_511 = arith.addi %mul3A_509, %add3A_510 : i32
        %get3A = arith.index_cast %add3A_459 : i32 to index
        %get3A_512 = arith.index_cast %add3A_511 : i32 to index
        %get3A_513 = tpu.vector_load %arg19[%get3A, %get3A_512] {strides = array<i32>} : memref<8x1024xi32, #tpu.memory_space<vmem>>, vector<16xi32>,
        %broadcast_in_dim3A = arith.constant 0 : i32
        %broadcast_in_dim3A_514 = vector.broadcast %broadcast_in_dim3A : i32 to vector<16xi32>
        %gather3A = tpu.vector_load_idx %arg25[%broadcast_in_dim3A_514, %get3A_513] : memref<8x2048xf32, #tpu.memory_space<vmem>>[vector<16xi32>, vector<16xi32>], vector<16xf32>,
        %swap3A = arith.constant 0 : i32
        %swap3A_515 = arith.index_cast %swap3A : i32 to index
        %swap3A_516 = arith.index_cast %add3A_511 : i32 to index
        %swap3A_517 = tpu.vector_load %arg27[%swap3A_515, %swap3A_516] {strides = array<i32>} : memref<8x1024xf32, #tpu.memory_space<vmem>>, vector<16xf32>,
        tpu.vector_store %arg27[%swap3A_515, %swap3A_516], %gather3A {strides = array<i32>} : memref<8x1024xf32, #tpu.memory_space<vmem>>, vector<16xf32>,
        %broadcast_in_dim3A_518 = arith.constant 1 : i32
        %broadcast_in_dim3A_519 = vector.broadcast %broadcast_in_dim3A_518 : i32 to vector<16xi32>
        %gather3A_520 = tpu.vector_load_idx %arg25[%broadcast_in_dim3A_519, %get3A_513] : memref<8x2048xf32, #tpu.memory_space<vmem>>[vector<16xi32>, vector<16xi32>], vector<16xf32>,
        %swap3A_521 = arith.constant 1 : i32
        %swap3A_522 = arith.index_cast %swap3A_521 : i32 to index
        %swap3A_523 = arith.index_cast %add3A_511 : i32 to index
        %swap3A_524 = tpu.vector_load %arg27[%swap3A_522, %swap3A_523] {strides = array<i32>} : memref<8x1024xf32, #tpu.memory_space<vmem>>, vector<16xf32>,
        tpu.vector_store %arg27[%swap3A_522, %swap3A_523], %gather3A_520 {strides = array<i32>} : memref<8x1024xf32, #tpu.memory_space<vmem>>, vector<16xf32>,
        %broadcast_in_dim3A_525 = arith.constant 2 : i32
        %broadcast_in_dim3A_526 = vector.broadcast %broadcast_in_dim3A_525 : i32 to vector<16xi32>
        %gather3A_527 = tpu.vector_load_idx %arg25[%broadcast_in_dim3A_526, %get3A_513] : memref<8x2048xf32, #tpu.memory_space<vmem>>[vector<16xi32>, vector<16xi32>], vector<16xf32>,
        %swap3A_528 = arith.constant 2 : i32
        %swap3A_529 = arith.index_cast %swap3A_528 : i32 to index
        %swap3A_530 = arith.index_cast %add3A_511 : i32 to index
        %swap3A_531 = tpu.vector_load %arg27[%swap3A_529, %swap3A_530] {strides = array<i32>} : memref<8x1024xf32, #tpu.memory_space<vmem>>, vector<16xf32>,
        tpu.vector_store %arg27[%swap3A_529, %swap3A_530], %gather3A_527 {strides = array<i32>} : memref<8x1024xf32, #tpu.memory_space<vmem>>, vector<16xf32>,
        %broadcast_in_dim3A_532 = arith.constant 3 : i32
        %broadcast_in_dim3A_533 = vector.broadcast %broadcast_in_dim3A_532 : i32 to vector<16xi32>
        %gather3A_534 = tpu.vector_load_idx %arg25[%broadcast_in_dim3A_533, %get3A_513] : memref<8x2048xf32, #tpu.memory_space<vmem>>[vector<16xi32>, vector<16xi32>], vector<16xf32>,
        %swap3A_535 = arith.constant 3 : i32
        %swap3A_536 = arith.index_cast %swap3A_535 : i32 to index
        %swap3A_537 = arith.index_cast %add3A_511 : i32 to index
        %swap3A_538 = tpu.vector_load %arg27[%swap3A_536, %swap3A_537] {strides = array<i32>} : memref<8x1024xf32, #tpu.memory_space<vmem>>, vector<16xf32>,
        tpu.vector_store %arg27[%swap3A_536, %swap3A_537], %gather3A_534 {strides = array<i32>} : memref<8x1024xf32, #tpu.memory_space<vmem>>, vector<16xf32>,
        %broadcast_in_dim3A_539 = arith.constant 4 : i32
        %broadcast_in_dim3A_540 = vector.broadcast %broadcast_in_dim3A_539 : i32 to vector<16xi32>
        %gather3A_541 = tpu.vector_load_idx %arg25[%broadcast_in_dim3A_540, %get3A_513] : memref<8x2048xf32, #tpu.memory_space<vmem>>[vector<16xi32>, vector<16xi32>], vector<16xf32>,
        %swap3A_542 = arith.constant 4 : i32
        %swap3A_543 = arith.index_cast %swap3A_542 : i32 to index
        %swap3A_544 = arith.index_cast %add3A_511 : i32 to index
        %swap3A_545 = tpu.vector_load %arg27[%swap3A_543, %swap3A_544] {strides = array<i32>} : memref<8x1024xf32, #tpu.memory_space<vmem>>, vector<16xf32>,
        tpu.vector_store %arg27[%swap3A_543, %swap3A_544], %gather3A_541 {strides = array<i32>} : memref<8x1024xf32, #tpu.memory_space<vmem>>, vector<16xf32>,
        %broadcast_in_dim3A_546 = arith.constant 5 : i32
        %broadcast_in_dim3A_547 = vector.broadcast %broadcast_in_dim3A_546 : i32 to vector<16xi32>
        %gather3A_548 = tpu.vector_load_idx %arg25[%broadcast_in_dim3A_547, %get3A_513] : memref<8x2048xf32, #tpu.memory_space<vmem>>[vector<16xi32>, vector<16xi32>], vector<16xf32>,
        %swap3A_549 = arith.constant 5 : i32
        %swap3A_550 = arith.index_cast %swap3A_549 : i32 to index
        %swap3A_551 = arith.index_cast %add3A_511 : i32 to index
        %swap3A_552 = tpu.vector_load %arg27[%swap3A_550, %swap3A_551] {strides = array<i32>} : memref<8x1024xf32, #tpu.memory_space<vmem>>, vector<16xf32>,
        tpu.vector_store %arg27[%swap3A_550, %swap3A_551], %gather3A_548 {strides = array<i32>} : memref<8x1024xf32, #tpu.memory_space<vmem>>, vector<16xf32>,
        %broadcast_in_dim3A_553 = arith.constant 6 : i32
        %broadcast_in_dim3A_554 = vector.broadcast %broadcast_in_dim3A_553 : i32 to vector<16xi32>
        %gather3A_555 = tpu.vector_load_idx %arg25[%broadcast_in_dim3A_554, %get3A_513] : memref<8x2048xf32, #tpu.memory_space<vmem>>[vector<16xi32>, vector<16xi32>], vector<16xf32>,
        %swap3A_556 = arith.constant 6 : i32
        %swap3A_557 = arith.index_cast %swap3A_556 : i32 to index
        %swap3A_558 = arith.index_cast %add3A_511 : i32 to index
        %swap3A_559 = tpu.vector_load %arg27[%swap3A_557, %swap3A_558] {strides = array<i32>} : memref<8x1024xf32, #tpu.memory_space<vmem>>, vector<16xf32>,
        tpu.vector_store %arg27[%swap3A_557, %swap3A_558], %gather3A_555 {strides = array<i32>} : memref<8x1024xf32, #tpu.memory_space<vmem>>, vector<16xf32>,
        %broadcast_in_dim3A_560 = arith.constant 7 : i32
        %broadcast_in_dim3A_561 = vector.broadcast %broadcast_in_dim3A_560 : i32 to vector<16xi32>
        %gather3A_562 = tpu.vector_load_idx %arg25[%broadcast_in_dim3A_561, %get3A_513] : memref<8x2048xf32, #tpu.memory_space<vmem>>[vector<16xi32>, vector<16xi32>], vector<16xf32>,
        %swap3A_563 = arith.constant 7 : i32
        %swap3A_564 = arith.index_cast %swap3A_563 : i32 to index
        %swap3A_565 = arith.index_cast %add3A_511 : i32 to index
        %swap3A_566 = tpu.vector_load %arg27[%swap3A_564, %swap3A_565] {strides = array<i32>} : memref<8x1024xf32, #tpu.memory_space<vmem>>, vector<16xf32>,
        tpu.vector_store %arg27[%swap3A_564, %swap3A_565], %gather3A_562 {strides = array<i32>} : memref<8x1024xf32, #tpu.memory_space<vmem>>, vector<16xf32>,
        %mul3A_567 = arith.constant 2 : i32
        %mul3A_568 = arith.muli %scan3A_505, %mul3A_567 : i32
        %mul3A_569 = arith.constant 16 : i32
        %mul3A_570 = arith.muli %mul3A_568, %mul3A_569 : i32
        %add3A_571 = arith.constant 16 : i32
        %add3A_572 = arith.addi %mul3A_570, %add3A_571 : i32
        %get3A_573 = arith.index_cast %add3A_459 : i32 to index
        %get3A_574 = arith.index_cast %add3A_572 : i32 to index
        %get3A_575 = tpu.vector_load %arg19[%get3A_573, %get3A_574] {strides = array<i32>} : memref<8x1024xi32, #tpu.memory_space<vmem>>, vector<16xi32>,
        %broadcast_in_dim3A_576 = arith.constant 0 : i32
        %broadcast_in_dim3A_577 = vector.broadcast %broadcast_in_dim3A_576 : i32 to vector<16xi32>
        %gather3A_578 = tpu.vector_load_idx %arg25[%broadcast_in_dim3A_577, %get3A_575] : memref<8x2048xf32, #tpu.memory_space<vmem>>[vector<16xi32>, vector<16xi32>], vector<16xf32>,
        %swap3A_579 = arith.constant 0 : i32
        %swap3A_580 = arith.index_cast %swap3A_579 : i32 to index
        %swap3A_581 = arith.index_cast %add3A_572 : i32 to index
        %swap3A_582 = tpu.vector_load %arg27[%swap3A_580, %swap3A_581] {strides = array<i32>} : memref<8x1024xf32, #tpu.memory_space<vmem>>, vector<16xf32>,
        tpu.vector_store %arg27[%swap3A_580, %swap3A_581], %gather3A_578 {strides = array<i32>} : memref<8x1024xf32, #tpu.memory_space<vmem>>, vector<16xf32>,
        %broadcast_in_dim3A_583 = arith.constant 1 : i32
        %broadcast_in_dim3A_584 = vector.broadcast %broadcast_in_dim3A_583 : i32 to vector<16xi32>
        %gather3A_585 = tpu.vector_load_idx %arg25[%broadcast_in_dim3A_584, %get3A_575] : memref<8x2048xf32, #tpu.memory_space<vmem>>[vector<16xi32>, vector<16xi32>], vector<16xf32>,
        %swap3A_586 = arith.constant 1 : i32
        %swap3A_587 = arith.index_cast %swap3A_586 : i32 to index
        %swap3A_588 = arith.index_cast %add3A_572 : i32 to index
        %swap3A_589 = tpu.vector_load %arg27[%swap3A_587, %swap3A_588] {strides = array<i32>} : memref<8x1024xf32, #tpu.memory_space<vmem>>, vector<16xf32>,
        tpu.vector_store %arg27[%swap3A_587, %swap3A_588], %gather3A_585 {strides = array<i32>} : memref<8x1024xf32, #tpu.memory_space<vmem>>, vector<16xf32>,
        %broadcast_in_dim3A_590 = arith.constant 2 : i32
        %broadcast_in_dim3A_591 = vector.broadcast %broadcast_in_dim3A_590 : i32 to vector<16xi32>
        %gather3A_592 = tpu.vector_load_idx %arg25[%broadcast_in_dim3A_591, %get3A_575] : memref<8x2048xf32, #tpu.memory_space<vmem>>[vector<16xi32>, vector<16xi32>], vector<16xf32>,
        %swap3A_593 = arith.constant 2 : i32
        %swap3A_594 = arith.index_cast %swap3A_593 : i32 to index
        %swap3A_595 = arith.index_cast %add3A_572 : i32 to index
        %swap3A_596 = tpu.vector_load %arg27[%swap3A_594, %swap3A_595] {strides = array<i32>} : memref<8x1024xf32, #tpu.memory_space<vmem>>, vector<16xf32>,
        tpu.vector_store %arg27[%swap3A_594, %swap3A_595], %gather3A_592 {strides = array<i32>} : memref<8x1024xf32, #tpu.memory_space<vmem>>, vector<16xf32>,
        %broadcast_in_dim3A_597 = arith.constant 3 : i32
        %broadcast_in_dim3A_598 = vector.broadcast %broadcast_in_dim3A_597 : i32 to vector<16xi32>
        %gather3A_599 = tpu.vector_load_idx %arg25[%broadcast_in_dim3A_598, %get3A_575] : memref<8x2048xf32, #tpu.memory_space<vmem>>[vector<16xi32>, vector<16xi32>], vector<16xf32>,
        %swap3A_600 = arith.constant 3 : i32
        %swap3A_601 = arith.index_cast %swap3A_600 : i32 to index
        %swap3A_602 = arith.index_cast %add3A_572 : i32 to index
        %swap3A_603 = tpu.vector_load %arg27[%swap3A_601, %swap3A_602] {strides = array<i32>} : memref<8x1024xf32, #tpu.memory_space<vmem>>, vector<16xf32>,
        tpu.vector_store %arg27[%swap3A_601, %swap3A_602], %gather3A_599 {strides = array<i32>} : memref<8x1024xf32, #tpu.memory_space<vmem>>, vector<16xf32>,
        %broadcast_in_dim3A_604 = arith.constant 4 : i32
        %broadcast_in_dim3A_605 = vector.broadcast %broadcast_in_dim3A_604 : i32 to vector<16xi32>
        %gather3A_606 = tpu.vector_load_idx %arg25[%broadcast_in_dim3A_605, %get3A_575] : memref<8x2048xf32, #tpu.memory_space<vmem>>[vector<16xi32>, vector<16xi32>], vector<16xf32>,
        %swap3A_607 = arith.constant 4 : i32
        %swap3A_608 = arith.index_cast %swap3A_607 : i32 to index
        %swap3A_609 = arith.index_cast %add3A_572 : i32 to index
        %swap3A_610 = tpu.vector_load %arg27[%swap3A_608, %swap3A_609] {strides = array<i32>} : memref<8x1024xf32, #tpu.memory_space<vmem>>, vector<16xf32>,
        tpu.vector_store %arg27[%swap3A_608, %swap3A_609], %gather3A_606 {strides = array<i32>} : memref<8x1024xf32, #tpu.memory_space<vmem>>, vector<16xf32>,
        %broadcast_in_dim3A_611 = arith.constant 5 : i32
        %broadcast_in_dim3A_612 = vector.broadcast %broadcast_in_dim3A_611 : i32 to vector<16xi32>
        %gather3A_613 = tpu.vector_load_idx %arg25[%broadcast_in_dim3A_612, %get3A_575] : memref<8x2048xf32, #tpu.memory_space<vmem>>[vector<16xi32>, vector<16xi32>], vector<16xf32>,
        %swap3A_614 = arith.constant 5 : i32
        %swap3A_615 = arith.index_cast %swap3A_614 : i32 to index
        %swap3A_616 = arith.index_cast %add3A_572 : i32 to index
        %swap3A_617 = tpu.vector_load %arg27[%swap3A_615, %swap3A_616] {strides = array<i32>} : memref<8x1024xf32, #tpu.memory_space<vmem>>, vector<16xf32>,
        tpu.vector_store %arg27[%swap3A_615, %swap3A_616], %gather3A_613 {strides = array<i32>} : memref<8x1024xf32, #tpu.memory_space<vmem>>, vector<16xf32>,
        %broadcast_in_dim3A_618 = arith.constant 6 : i32
        %broadcast_in_dim3A_619 = vector.broadcast %broadcast_in_dim3A_618 : i32 to vector<16xi32>
        %gather3A_620 = tpu.vector_load_idx %arg25[%broadcast_in_dim3A_619, %get3A_575] : memref<8x2048xf32, #tpu.memory_space<vmem>>[vector<16xi32>, vector<16xi32>], vector<16xf32>,
        %swap3A_621 = arith.constant 6 : i32
        %swap3A_622 = arith.index_cast %swap3A_621 : i32 to index
        %swap3A_623 = arith.index_cast %add3A_572 : i32 to index
        %swap3A_624 = tpu.vector_load %arg27[%swap3A_622, %swap3A_623] {strides = array<i32>} : memref<8x1024xf32, #tpu.memory_space<vmem>>, vector<16xf32>,
        tpu.vector_store %arg27[%swap3A_622, %swap3A_623], %gather3A_620 {strides = array<i32>} : memref<8x1024xf32, #tpu.memory_space<vmem>>, vector<16xf32>,
        %broadcast_in_dim3A_625 = arith.constant 7 : i32
        %broadcast_in_dim3A_626 = vector.broadcast %broadcast_in_dim3A_625 : i32 to vector<16xi32>
        %gather3A_627 = tpu.vector_load_idx %arg25[%broadcast_in_dim3A_626, %get3A_575] : memref<8x2048xf32, #tpu.memory_space<vmem>>[vector<16xi32>, vector<16xi32>], vector<16xf32>,
        %swap3A_628 = arith.constant 7 : i32
        %swap3A_629 = arith.index_cast %swap3A_628 : i32 to index
        %swap3A_630 = arith.index_cast %add3A_572 : i32 to index
        %swap3A_631 = tpu.vector_load %arg27[%swap3A_629, %swap3A_630] {strides = array<i32>} : memref<8x1024xf32, #tpu.memory_space<vmem>>, vector<16xf32>,
        tpu.vector_store %arg27[%swap3A_629, %swap3A_630], %gather3A_627 {strides = array<i32>} : memref<8x1024xf32, #tpu.memory_space<vmem>>, vector<16xf32>,
      }
      %scan3A_465 = arith.constant 32 : i32
      %barrier3A_466 = arith.constant 0 : index
      tpu.barrier barrier_id(%barrier3A_466)
      %jit3A_467 = arith.constant 20 : i32
      %div3A_468 = arith.divsi %add3A_198, %jit3A_467 : i32
      %sign3A_469 = arith.constant 0 : i32
      %sign3A_470 = arith.cmpi sgt, %add3A_198, %sign3A_469 : i32
      %sign3A_471 = arith.extui %sign3A_470 : i1 to i32
      %sign3A_472 = arith.constant 0 : i32
      %sign3A_473 = arith.cmpi slt, %add3A_198, %sign3A_472 : i32
      %sign3A_474 = arith.extui %sign3A_473 : i1 to i32
      %sign3A_475 = arith.subi %sign3A_471, %sign3A_474 : i32
      %sign3A_476 = arith.constant 0 : i32
      %sign3A_477 = arith.cmpi sgt, %jit3A_467, %sign3A_476 : i32
      %sign3A_478 = arith.extui %sign3A_477 : i1 to i32
      %sign3A_479 = arith.constant 0 : i32
      %sign3A_480 = arith.cmpi slt, %jit3A_467, %sign3A_479 : i32
      %sign3A_481 = arith.extui %sign3A_480 : i1 to i32
      %sign3A_482 = arith.subi %sign3A_478, %sign3A_481 : i32
      %ne3A_483 = arith.cmpi ne, %sign3A_475, %sign3A_482 : i32
      %rem3A_484 = arith.remsi %add3A_198, %jit3A_467 : i32
      %ne3A_485 = arith.constant 0 : i32
      %ne3A_486 = arith.cmpi ne, %rem3A_484, %ne3A_485 : i32
      %and3A_487 = arith.andi %ne3A_483, %ne3A_486 : i1
      %sub3A_488 = arith.constant 1 : i32
      %sub3A_489 = arith.subi %div3A_468, %sub3A_488 : i32
      %select_n3A_490 = arith.select %and3A_487, %sub3A_489, %div3A_468 : i32
      %mul3A_491 = arith.constant 20 : i32
      %mul3A_492 = arith.muli %select_n3A_490, %mul3A_491 : i32
      %sub3A_493 = arith.subi %add3A_198, %mul3A_492 : i32
      %mul3A_494 = arith.constant 8 : i32
      %mul3A_495 = arith.muli %sub3A_493, %mul3A_494 : i32
      %multiple_of3A_496 = tpu.assume_multiple %mul3A_495, 8 : i32
      %mul3A_497 = arith.constant 2 : i32
      %mul3A_498 = arith.muli %mul3A_497, %add3A : i32
      %add3A_499 = arith.addi %mul3A_498, %select_n3A_490 : i32
      %mul3A_500 = arith.constant 1024 : i32
      %mul3A_501 = arith.muli %add3A_499, %mul3A_500 : i32
      %multiple_of3A_502 = tpu.assume_multiple %mul3A_501, 1024 : i32
      %dma_start3A_503 = tpu.memref_slice %arg15[%multiple_of3A_496, %multiple_of3A_502] : memref<160x65536xf32, #tpu.memory_space<hbm>> -> memref<8x1024xf32, #tpu.memory_space<hbm>>
      %dma_start3A_504 = tpu.memref_slice %arg15[%multiple_of3A_496, %multiple_of3A_502] : memref<160x65536xf32, #tpu.memory_space<hbm>> -> memref<8x1024xf32, #tpu.memory_space<hbm>>
      tpu.enqueue_dma source(%arg27 : memref<8x1024xf32, #tpu.memory_space<vmem>>) target(%dma_start3A_504 : memref<8x1024xf32, #tpu.memory_space<hbm>>) target_semaphore(%arg39 : memref<!tpu.dma_semaphore, #tpu.memory_space<semaphore_mem>>)
    }
    %scan3A_141 = arith.constant 20 : i32
    %multiple_of3A_142 = arith.constant 144 : i32
    %multiple_of3A_143 = tpu.assume_multiple %multiple_of3A_142, 8 : i32
    %mul3A_144 = arith.constant 2 : i32
    %mul3A_145 = arith.muli %mul3A_144, %add3A : i32
    %add3A_146 = arith.constant 1 : i32
    %add3A_147 = arith.addi %mul3A_145, %add3A_146 : i32
    %mul3A_148 = arith.constant 1024 : i32
    %mul3A_149 = arith.muli %add3A_147, %mul3A_148 : i32
    %multiple_of3A_150 = tpu.assume_multiple %mul3A_149, 1024 : i32
    %dma_wait3A_151 = tpu.memref_slice %arg15[%multiple_of3A_143, %multiple_of3A_150] : memref<160x65536xf32, #tpu.memory_space<hbm>> -> memref<8x1024xf32, #tpu.memory_space<hbm>>
    %dma_wait3A_152 = tpu.memref_slice %arg15[%multiple_of3A_143, %multiple_of3A_150] : memref<160x65536xf32, #tpu.memory_space<hbm>> -> memref<8x1024xf32, #tpu.memory_space<hbm>>
    tpu.wait_dma2 semaphore(%arg38 : memref<!tpu.dma_semaphore, #tpu.memory_space<semaphore_mem>>) src(%arg26 : memref<8x1024xf32, #tpu.memory_space<vmem>>) dst(%dma_wait3A_152 : memref<8x1024xf32, #tpu.memory_space<hbm>>)
    %multiple_of3A_153 = arith.constant 152 : i32
    %multiple_of3A_154 = tpu.assume_multiple %multiple_of3A_153, 8 : i32
    %mul3A_155 = arith.constant 2 : i32
    %mul3A_156 = arith.muli %mul3A_155, %add3A : i32
    %add3A_157 = arith.constant 1 : i32
    %add3A_158 = arith.addi %mul3A_156, %add3A_157 : i32
    %mul3A_159 = arith.constant 1024 : i32
    %mul3A_160 = arith.muli %add3A_158, %mul3A_159 : i32
    %multiple_of3A_161 = tpu.assume_multiple %mul3A_160, 1024 : i32
    %dma_wait3A_162 = tpu.memref_slice %arg15[%multiple_of3A_154, %multiple_of3A_161] : memref<160x65536xf32, #tpu.memory_space<hbm>> -> memref<8x1024xf32, #tpu.memory_space<hbm>>
    %dma_wait3A_163 = tpu.memref_slice %arg15[%multiple_of3A_154, %multiple_of3A_161] : memref<160x65536xf32, #tpu.memory_space<hbm>> -> memref<8x1024xf32, #tpu.memory_space<hbm>>
    tpu.wait_dma2 semaphore(%arg39 : memref<!tpu.dma_semaphore, #tpu.memory_space<semaphore_mem>>) src(%arg27 : memref<8x1024xf32, #tpu.memory_space<vmem>>) dst(%dma_wait3A_163 : memref<8x1024xf32, #tpu.memory_space<hbm>>)
    %add3A_164 = arith.constant 1920 : i32
    %add3A_165 = arith.addi %mul3A_2, %add3A_164 : i32
    %multiple_of3A_166 = tpu.assume_multiple %add3A_165, 64 : i32
    %dma_wait3A_167 = arith.constant 0 : i32
    %dma_wait3A_168 = tpu.memref_slice %arg11[%multiple_of3A_166, %dma_wait3A_167] : memref<65536x128xf32, #tpu.memory_space<hbm>> -> memref<64x128xf32, #tpu.memory_space<hbm>>
    %dma_wait3A_169 = arith.constant 0 : i32
    %dma_wait3A_170 = tpu.memref_slice %arg11[%multiple_of3A_166, %dma_wait3A_169] : memref<65536x128xf32, #tpu.memory_space<hbm>> -> memref<64x128xf32, #tpu.memory_space<hbm>>
    tpu.wait_dma2 semaphore(%arg34 : memref<!tpu.dma_semaphore, #tpu.memory_space<semaphore_mem>>) src(%arg28 : memref<64x128xf32, #tpu.memory_space<vmem>>) dst(%dma_wait3A_170 : memref<64x128xf32, #tpu.memory_space<hbm>>)
    %add3A_171 = arith.constant 1920 : i32
    %add3A_172 = arith.addi %mul3A_2, %add3A_171 : i32
    %multiple_of3A_173 = tpu.assume_multiple %add3A_172, 64 : i32
    %dma_wait3A_174 = arith.constant 0 : i32
    %dma_wait3A_175 = tpu.memref_slice %arg12[%multiple_of3A_173, %dma_wait3A_174] : memref<65536x128xf32, #tpu.memory_space<hbm>> -> memref<64x128xf32, #tpu.memory_space<hbm>>
    %dma_wait3A_176 = arith.constant 0 : i32
    %dma_wait3A_177 = tpu.memref_slice %arg12[%multiple_of3A_173, %dma_wait3A_176] : memref<65536x128xf32, #tpu.memory_space<hbm>> -> memref<64x128xf32, #tpu.memory_space<hbm>>
    tpu.wait_dma2 semaphore(%arg34 : memref<!tpu.dma_semaphore, #tpu.memory_space<semaphore_mem>>) src(%arg30 : memref<64x128xf32, #tpu.memory_space<vmem>>) dst(%dma_wait3A_177 : memref<64x128xf32, #tpu.memory_space<hbm>>)
    %add3A_178 = arith.constant 1984 : i32
    %add3A_179 = arith.addi %mul3A_2, %add3A_178 : i32
    %multiple_of3A_180 = tpu.assume_multiple %add3A_179, 64 : i32
    %dma_wait3A_181 = arith.constant 0 : i32
    %dma_wait3A_182 = tpu.memref_slice %arg11[%multiple_of3A_180, %dma_wait3A_181] : memref<65536x128xf32, #tpu.memory_space<hbm>> -> memref<64x128xf32, #tpu.memory_space<hbm>>
    %dma_wait3A_183 = arith.constant 0 : i32
    %dma_wait3A_184 = tpu.memref_slice %arg11[%multiple_of3A_180, %dma_wait3A_183] : memref<65536x128xf32, #tpu.memory_space<hbm>> -> memref<64x128xf32, #tpu.memory_space<hbm>>
    tpu.wait_dma2 semaphore(%arg35 : memref<!tpu.dma_semaphore, #tpu.memory_space<semaphore_mem>>) src(%arg29 : memref<64x128xf32, #tpu.memory_space<vmem>>) dst(%dma_wait3A_184 : memref<64x128xf32, #tpu.memory_space<hbm>>)
    %add3A_185 = arith.constant 1984 : i32
    %add3A_186 = arith.addi %mul3A_2, %add3A_185 : i32
    %multiple_of3A_187 = tpu.assume_multiple %add3A_186, 64 : i32
    %dma_wait3A_188 = arith.constant 0 : i32
    %dma_wait3A_189 = tpu.memref_slice %arg12[%multiple_of3A_187, %dma_wait3A_188] : memref<65536x128xf32, #tpu.memory_space<hbm>> -> memref<64x128xf32, #tpu.memory_space<hbm>>
    %dma_wait3A_190 = arith.constant 0 : i32
    %dma_wait3A_191 = tpu.memref_slice %arg12[%multiple_of3A_187, %dma_wait3A_190] : memref<65536x128xf32, #tpu.memory_space<hbm>> -> memref<64x128xf32, #tpu.memory_space<hbm>>
    tpu.wait_dma2 semaphore(%arg35 : memref<!tpu.dma_semaphore, #tpu.memory_space<semaphore_mem>>) src(%arg31 : memref<64x128xf32, #tpu.memory_space<vmem>>) dst(%dma_wait3A_191 : memref<64x128xf32, #tpu.memory_space<hbm>>)
    return
  }
}

</mosaic_0001>

<sc_bundles>
// kernel: kernel.3.cloned.1.call-start
scs
__scs_entry_jumppad:
0x0: {  	(pc) =	sbr.rel $0x88, $3  }
0x1: {  	(tag) =	ssettag $0x0;
	lr =	simm.s32 $0x1  }
0x2: {  	[smem:$0x3F98] =	sst lr;
	_ =	strace $0xD0000000  }
0x3: {  	_ = 	snop  }
0x4: {  	_ = 	snop  }
0x5: {  	_ = 	snop  }
0x6: {  	_ = 	snop  }
0x7: {  	_ = 	snop  }
__scs_overlays_trampoline_lowered:
0x8: {  	[smem:$0x3FA7] =	sst s0  }
0x9: {  	[smem:$0x3FA8] =	sst s1  }
0xa: {  	[smem:$0x3FA9] =	sst s2  }
0xb: {  	[smem:$0x3FAA] =	sst s3  }
0xc: {  	[smem:$0x3FAB] =	sst s4  }
0xd: {  	[smem:$0x3FAC] =	sst s5  }
0xe: {  	[smem:$0x3FAD] =	sst s6  }
0xf: {  	[smem:$0x3FAE] =	sst s7  }
0x10: {  	[smem:$0x3FAF] =	sst s8  }
0x11: {  	[smem:$0x3FB0] =	sst s9;
	s0 =	simm.s32 @!p0 $0x0  }
0x12: {  	s1 =	sld [smem:$0x3F96];
	s0 =	simm.s32 @p0 $0x1  }
0x13: {  	[smem:$0x3FB1] =	sst s0;
	s0 =	simm.s32 @!p1 $0x0  }
0x14: {  	s2 =	sld [smem:$0x3F95];
	s0 =	simm.s32 @p1 $0x1  }
0x15: {  	[smem:$0x3FB2] =	sst s0;
	s0 =	simm.s32 @!p2 $0x0  }
0x16: {  	s3 =	sld [smem:$0x3FDB];
	s0 =	simm.s32 @p2 $0x1  }
0x17: {  	s4 =	simm.s32 $0x1BF5;
	[smem:$0x3FB4] =	sst s0  }
0x18: {  	s0 =	sld [smem:$0x3F97];
	_ =	swait.ge [sflag:s4], $0x0  }
0x19: {  	s7 =	sld [smem:$0x3F98]  }
0x1a: {  	s8 =	sadd.s32 $0xFFFFE003, lr  }
0x1b: {  	s9 =	sadd.s32 $0xFFFFFEF7, lr;
	s5 =	simm.s32 $0xFFFFFFFF;
	p2 =	slt.u32 s8, $0xFFFFF086  }
0x1c: {  	p1 =	slt.u32 s9, $0xF7A;
	s5 =	simm.s32 @!p2 $0x0  }
0x1d: {  	s5 =	simm.s32 @p1 $0x1;
	p0 =	seq.s32 s7, s2  }
0x1e: {  	s7 =	smul.u32 @!p0 $0xF7A, s2;
	p2 =	seq.s32 @!p0 s5, $0x0  }
0x1f: {  	s9 =	smul.u32 $0xF7A, s1;
	s8 =	simm.s32 @!p0 $0x1BF5;
	p2 =	por !p2, p0  }
0x20: {  	[sflag:s8] =	ssyncset.s32 @!p0 $0xFFFFF086;
	s6 =	sadd.s32 @!p0 s3, s7;
	s7 =	simm.s32 @!p0 $0x108  }
0x21: {  	s3 =	sadd.s32 s3, s9;
	s6 =	sadd.s32 @!p0 $0x88, s6;
	s7 =	simm.s32 @p2 $0x1082  }
0x22: {  	[simem:s7], [sflag:s8] =	dma.local @!p0 [hbm:s6], $0xF7A  }
0x23: {  	s9 =	sor.u32 $0xD0000000, s2;
	s6 =	simm.s32 $0x108;
	_ =	swait.ge @!p0 [sflag:s8], $0x0  }
0x24: {  	s3 =	sadd.s32 $0x88, s3;
	s6 =	simm.s32 @!p1 $0x1082;
	[sflag:s4] =	ssyncset.s32 $0xFFFFF086  }
0x25: {  	[simem:s6], [sflag:s4] =	dma.local [hbm:s3], $0xF7A  }
0x26: {  	[smem:$0x3F98] =	sst s1;
	(tag) =	ssettag s2;
	_ =	strace s9  }
0x27: {  	s1 =	sld [smem:$0x3FA8]  }
0x28: {  	s2 =	sld [smem:$0x3FA9]  }
0x29: {  	s4 =	sld [smem:$0x3FAB]  }
0x2a: {  	p0 =	seq.s32 s5, $0x0;
	s5 =	sld [smem:$0x3FAC]  }
0x2b: {  	s6 =	sld [smem:$0x3FAD]  }
0x2c: {  	s7 =	sld [smem:$0x3FAE]  }
0x2d: {  	s3 =	simm.s32 $0x108;
	s8 =	sld [smem:$0x3FAF]  }
0x2e: {  	s3 =	simm.s32 @!p0 $0x1082;
	s9 =	sld [smem:$0x3FB0]  }
0x2f: {  	lr =	sadd.s32 s0, s3;
	s0 =	sld [smem:$0x3FA7]  }
0x30: {  	s3 =	sld [smem:$0x3FAA]  }
0x31: {  	[smem:$0x3FB3] =	sst s10  }
0x32: {  	s10 =	sld [smem:$0x3FB1];
	_ =	sdelay $0x3  }
0x33: {  	p0 =	seq.s32 s10, $0x1;
	s10 =	sld [smem:$0x3FB3];
	_ =	sdelay $0x3  }
0x34: {  	[smem:$0x3FB3] =	sst s10  }
0x35: {  	s10 =	sld [smem:$0x3FB2];
	_ =	sdelay $0x3  }
0x36: {  	p1 =	seq.s32 s10, $0x1;
	s10 =	sld [smem:$0x3FB3];
	_ =	sdelay $0x3  }
0x37: {  	[smem:$0x3FB3] =	sst s10  }
0x38: {  	s10 =	sld [smem:$0x3FB4]  }
0x39: {  	_ = 	snop;
	(pc) =	sbr.ind lr, $3  }
0x3a: {  	_ = 	snop  }
0x3b: {  	_ = 	snop  }
0x3c: {  	p2 =	seq.s32 s10, $0x1;
	s10 =	sld [smem:$0x3FB3]  }
0x3d: {  	_ =	shalt  }
0x3e: {  	_ =	shalt  }
0x3f: {  	_ =	shalt  }
0x40: {  	_ =	shalt  }
0x41: {  	_ =	shalt  }
0x42: {  	_ =	shalt  }
0x43: {  	_ =	shalt  }
0x44: {  	_ =	shalt  }
0x45: {  	_ =	shalt  }
0x46: {  	_ =	shalt  }
0x47: {  	_ =	shalt  }
0x48: {  	_ =	shalt  }
0x49: {  	_ =	shalt  }
0x4a: {  	_ =	shalt  }
0x4b: {  	_ =	shalt  }
0x4c: {  	_ =	shalt  }
0x4d: {  	_ =	shalt  }
0x4e: {  	_ =	shalt  }
0x4f: {  	_ =	shalt  }
0x50: {  	_ =	shalt  }
0x51: {  	_ =	shalt  }
0x52: {  	_ =	shalt  }
0x53: {  	_ =	shalt  }
0x54: {  	_ =	shalt  }
0x55: {  	_ =	shalt  }
0x56: {  	_ =	shalt  }
0x57: {  	_ =	shalt  }
0x58: {  	_ =	shalt  }
0x59: {  	_ =	shalt  }
0x5a: {  	_ =	shalt  }
0x5b: {  	_ =	shalt  }
0x5c: {  	_ =	shalt  }
0x5d: {  	_ =	shalt  }
0x5e: {  	_ =	shalt  }
0x5f: {  	_ =	shalt  }
0x60: {  	_ =	shalt  }
0x61: {  	_ =	shalt  }
0x62: {  	_ =	shalt  }
0x63: {  	_ =	shalt  }
0x64: {  	_ =	shalt  }
0x65: {  	_ =	shalt  }
0x66: {  	_ =	shalt  }
0x67: {  	_ =	shalt  }
0x68: {  	_ =	shalt  }
0x69: {  	_ =	shalt  }
0x6a: {  	_ =	shalt  }
0x6b: {  	_ =	shalt  }
0x6c: {  	_ =	shalt  }
0x6d: {  	_ =	shalt  }
0x6e: {  	_ =	shalt  }
0x6f: {  	_ =	shalt  }
0x70: {  	_ =	shalt  }
0x71: {  	_ =	shalt  }
0x72: {  	_ =	shalt  }
0x73: {  	_ =	shalt  }
0x74: {  	_ =	shalt  }
0x75: {  	_ =	shalt  }
0x76: {  	_ =	shalt  }
0x77: {  	_ =	shalt  }
0x78: {  	_ =	shalt  }
0x79: {  	_ =	shalt  }
0x7a: {  	_ =	shalt  }
0x7b: {  	_ =	shalt  }
0x7c: {  	_ =	shalt  }
0x7d: {  	_ =	shalt  }
0x7e: {  	_ =	shalt  }
0x7f: {  	_ =	shalt  }
0x80: {  	_ =	shalt  }
0x81: {  	_ =	shalt  }
0x82: {  	_ =	shalt  }
0x83: {  	_ =	shalt  }
0x84: {  	_ =	shalt  }
0x85: {  	_ =	shalt  }
0x86: {  	_ =	shalt  }
0x87: {  	_ =	shalt  }
.Lfunc_end0:
.L_simem_size_0:
called_computation_lowered:
.L_overlay_start_0:
0x88: {  	s2 =	sld [smem:$0x3FD9]  }
0x89: {  	s3 =	sld [smem:$0x3FFE];
	_ =	sdelay $0x1  }
0x8a: {  	s1 =	srdreg.scid  }
0x8b: {  	s0 =	sand.u32 $0x1, s1  }
0x8c: {  	s21 =	sshll.u32 s0, $0xA;
	s2 =	sadd.s32 s3, s2  }
0x8d: {  	s2 =	sadd.s32 s2, s21  }
0x8e: {  	[smem:$0x3FBF] =	sst s2  }
0x8f: {  	_ = 	snop  }
0x90: {  	s5 =	sld [smem:$0x3FC9]  }
0x91: {  	s6 =	sld [smem:$0x3FC8]  }
0x92: {  	s7 =	sld [smem:$0x3FC7]  }
0x93: {  	s2 =	sld [smem:$0x3FC6]  }
0x94: {  	s3 =	sld [smem:$0x3FC5]  }
0x95: {  	s4 =	sld [smem:$0x3FC4]  }
0x96: {  	s15 =	sld [smem:$0x3FD0]  }
0x97: {  	s9 =	sld [smem:$0x3FC3]  }
0x98: {  	s10 =	sld [smem:$0x3FC2]  }
0x99: {  	s16 =	simm.s32 $0xA;
	s20 =	simm.s32 $0x10;
	s8 =	sld [smem:$0x3FC1]  }
0x9a: {  	[smem:s20], [sflag:s16] =	dma.local [hbm:s15], $0x1  }
0x9b: {  	_ =	swait.eq [sflag:s16], $0x1  }
0x9c: {  	s12 =	sld [smem:$0x10]  }
0x9d: {  	s11 =	sld [smem:$0x11]  }
0x9e: {  	s17 =	sld [smem:$0x12]  }
0x9f: {  	s18 =	sld [smem:$0x13]  }
0xa0: {  	s19 =	sld [smem:$0x14];
	[sflag:s16] =	ssyncset.done $0x0  }
0xa1: {  	s13 =	sld [smem:$0x16];
	[sflag:s16] =	ssyncadd.s32 $0xFFFFFFFF  }
0xa2: {  	s15 =	sadd.s32 $0x1, s15;
	s14 =	sld [smem:$0x17]  }
0xa3: {  	[smem:s20], [sflag:s16] =	dma.local [hbm:s15], $0x1  }
0xa4: {  	_ =	swait.eq [sflag:s16], $0x1  }
0xa5: {  	[sflag:s16] =	ssyncset.done $0x0  }
0xa6: {  	[sflag:s16] =	ssyncadd.s32 $0xFFFFFFFF  }
0xa7: {  	s15 =	sld [smem:$0x10];
	(tm) =	ssettm $0x1  }
0xa8: {  	s22 =	sld [smem:$0x3FFB];
	_ =	sdelay $0x3  }
0xa9: {  	_ =	strace s22  }
0xaa: {  	s16 =	sld [smem:$0x3FFC];
	_ =	sdelay $0x3  }
0xab: {  	_ =	strace s16  }
0xac: {  	s16 =	sld [smem:$0x3FFD];
	_ =	sdelay $0x3  }
0xad: {  	_ =	strace s16  }
0xae: {  	_ =	strace $0x8FFFFFFF  }
0xaf: {  	s23 =	sld [smem:$0x3FDB];
	_ =	sdelay $0x1  }
0xb0: {  	s24 =	simm.s32 $_scs_section_size  }
0xb1: {  	s28 =	simm.s32 $0x1BFF;
	s22 =	simm.s32 $_tile_task_arg_handler_lowered  }
0xb2: {  	s21 =	simm.s32 $_size__tile_task_arg_handler_lowered;
	s26 =	sshll.u32 s22, $0x1;
	s20 =	sadd.s32 s24, s23  }
0xb3: {  	s25 =	sshll.u32 s21, $0x1;
	s23 =	simm.s32 $0x60;
	s21 =	sadd.s32 s26, s20  }
0xb4: {  	[timem:s23], [sflag:s28] =	dma.local [hbm:s21], s25  }
0xb5: {  	_ =	swait.ge [sflag:s28], s25  }
0xb6: {  	s29 =	simm.s32 $_tile_overlayer_lowered;
	s16 =	ssub.s32 $0x0, s25;
	[sflag:s28] =	ssyncset.done $0x0  }
0xb7: {  	s30 =	simm.s32 $_size__tile_overlayer_lowered;
	s21 =	sshll.u32 s29, $0x1;
	[sflag:s28] =	ssyncadd.s32 s16  }
0xb8: {  	s31 =	sshll.u32 s30, $0x1;
	s21 =	sadd.s32 s21, s20;
	s16 =	simm.s32 $0x0  }
0xb9: {  	[timem:s16], [sflag:s28] =	dma.local [hbm:s21], s31  }
0xba: {  	_ =	swait.ge [sflag:s28], s31  }
0xbb: {  	s23 =	ssub.s32 $0x0, s31;
	[sflag:s28] =	ssyncset.done $0x0  }
0xbc: {  	[sflag:s28] =	ssyncadd.s32 s23;
	_ =	sdelay $0x1  }
0xbd: {  	s24 =	simm.s32 $0x1B8B  }
0xbe: {  	_ =	swait.ge [sflag:s24], $0x1  }
0xbf: {  	[sflag:s24] =	ssyncset.done $0x0  }
0xc0: {  	s25 =	simm.s32 $0x1B8E;
	[sflag:s24] =	ssyncadd.s32 $0xFFFFFFFF  }
0xc1: {  	s26 =	simm.s32 $execute0_lowered;
	[smem:$0x3FD2] =	sst s25  }
0xc2: {  	s21 =	sshll.u32 s26, $0x1;
	_ =	strace $0x80000046;
	[dreg:$0x1] =	wrdreg $0xFFFFFFFF  }
0xc3: {  	s20 =	sadd.s32 s20, s21;
	s28 =	simm.s32 $_size_execute0_lowered;
	[dreg:$0x0] =	wrdreg $0x0  }
0xc4: {  	s21 =	sshll.u32 s28, $0x1;
	[dreg:$0x2] =	wrdreg s20  }
0xc5: {  	[dreg:$0x3] =	wrdreg s21  }
0xc6: {  	[dreg:$0x4] =	wrdreg $0xC0  }
0xc7: {  	_ =	task [dreg:s16], $0x5FFFF  }
0xc8: {  	[dreg:$0x1] =	wrdreg $0xFFFFFFFF  }
0xc9: {  	[dreg:$0x0] =	wrdreg $0x30  }
0xca: {  	[dreg:$0x2] =	wrdreg $0x0  }
0xcb: {  	[dreg:$0x3] =	wrdreg s17  }
0xcc: {  	[dreg:$0x4] =	wrdreg s18  }
0xcd: {  	[dreg:$0x5] =	wrdreg s19  }
0xce: {  	[dreg:$0x6] =	wrdreg $0x9  }
0xcf: {  	_ =	task [dreg:s16], $0x7FFFF  }
0xd0: {  	[dreg:$0x1] =	wrdreg $0xFFFFFFFF  }
0xd1: {  	[dreg:$0x0] =	wrdreg $0x60  }
0xd2: {  	[dreg:$0x2] =	wrdreg s5  }
0xd3: {  	[dreg:$0x3] =	wrdreg s6  }
0xd4: {  	[dreg:$0x4] =	wrdreg s7  }
0xd5: {  	[dreg:$0x5] =	wrdreg s9  }
0xd6: {  	[dreg:$0x6] =	wrdreg s10  }
0xd7: {  	[dreg:$0x7] =	wrdreg s2  }
0xd8: {  	[dreg:$0x8] =	wrdreg s3  }
0xd9: {  	[dreg:$0x9] =	wrdreg s4  }
0xda: {  	[dreg:$0xa] =	wrdreg s8  }
0xdb: {  	[dreg:$0xb] =	wrdreg s12  }
0xdc: {  	[dreg:$0xc] =	wrdreg s13  }
0xdd: {  	[dreg:$0xd] =	wrdreg s11  }
0xde: {  	[dreg:$0xe] =	wrdreg s14  }
0xdf: {  	[dreg:$0xf] =	wrdreg s15  }
0xe0: {  	_ =	task.clear_ibuf [dreg:s16], $0x10FFFF;
	_ =	strace $0x90000046  }
0xe1: {  	s29 =	simm.s32 $0x9;
	_ =	strace $0x80000048  }
0xe2: {  	_ =	swait.ge [sflag:s29], $0x1  }
0xe3: {  	[sflag:s29] =	ssyncadd.s32 $0xFFFFFFFF  }
0xe4: {  	_ =	strace $0x90000048  }
0xe5: {  	_ =	sfence  }
0xe6: {  	s30 =	sld [smem:$0x0];
	_ =	sdelay $0x2  }
0xe7: {  	s31 =	sshll.u32 s1, $0xD;
	s1 =	sshrl.u32 s1, $0x2  }
0xe8: {  	s3 =	sand.u32 $0x4000, s31;
	s1 =	sadd.s32 s1, s30  }
0xe9: {  	s0 =	sor.u32 s3, s0;
	s1 =	sshll.u32 s1, $0x11  }
0xea: {  	s0 =	sor.u32 s1, s0  }
0xeb: {  	s0 =	sadd.s32 $0x8F2B, s0  }
0xec: {  	[sflag:s0] =	ssyncadd.remote.s32 $0x1  }
0xed: {  	_ =	sfence.sel $0xFFFF  }
0xee: {  	[dreg:$0x0] =	wrdreg $0xFFFFFFFF;
	(pc) =	sbr.abs _section_cstart, $3  }
0xef: {  	[dreg:$0x1] =	wrdreg $0xFFFFFFFF  }
0xf0: {  	_ =	task.clear_ibuf [dreg:s16], $0x2FFFF;
	_ =	strace $0x9FFFFFFF  }
0xf1: {  	(tm) =	ssettm $0x7FFFFFFF  }
tec
_tile_task_arg_handler_lowered:
.L_overlay_start_1:
0x0: {  	(tag) =	ssettag $0x1  }
0x1: {  	s0 =	rddreg [dreg:$0x0]  }
0x2: {  	s1 =	rddreg [dreg:$0x1]  }
0x3: {  	s2 =	rddreg [dreg:$0x2]  }
0x4: {  	s3 =	rddreg [dreg:$0x3]  }
0x5: {  	s4 =	rddreg [dreg:$0x4]  }
0x6: {  	s5 =	rddreg [dreg:$0x5]  }
0x7: {  	s6 =	rddreg [dreg:$0x6]  }
0x8: {  	s7 =	rddreg [dreg:$0x7]  }
0x9: {  	s8 =	rddreg [dreg:$0x8]  }
0xa: {  	s9 =	rddreg [dreg:$0x9]  }
0xb: {  	s10 =	rddreg [dreg:$0xa]  }
0xc: {  	s11 =	rddreg [dreg:$0xb]  }
0xd: {  	s12 =	rddreg [dreg:$0xc]  }
0xe: {  	s13 =	rddreg [dreg:$0xd]  }
0xf: {  	[smem:s0] =	sst s1  }
0x10: {  	[smem:s0+$0x1] =	sst s2  }
0x11: {  	[smem:s0+$0x2] =	sst s3  }
0x12: {  	[smem:s0+$0x3] =	sst s4  }
0x13: {  	[smem:s0+$0x4] =	sst s5  }
0x14: {  	[smem:s0+$0x5] =	sst s6  }
0x15: {  	[smem:s0+$0x6] =	sst s7  }
0x16: {  	[smem:s0+$0x7] =	sst s8  }
0x17: {  	[smem:s0+$0x8] =	sst s9  }
0x18: {  	[smem:s0+$0x9] =	sst s10  }
0x19: {  	[smem:s0+$0xA] =	sst s11  }
0x1a: {  	[smem:s0+$0xB] =	sst s12  }
0x1b: {  	[smem:s0+$0xC] =	sst s13;
	_ =	shalt  }
.Lfunc_end2:
execute0_lowered:
.L_overlay_start_2:
0x1c: {  	(tag) =	ssettag $0x2  }
0x1d: {  	s12 =	rddreg [dreg:$0x2]  }
0x1e: {  	s13 =	rddreg [dreg:$0x3]  }
0x1f: {  	s14 =	rddreg [dreg:$0x4]  }
0x20: {  	s0 =	rddreg [dreg:$0x5]  }
0x21: {  	s1 =	rddreg [dreg:$0x6]  }
0x22: {  	s2 =	rddreg [dreg:$0x7]  }
0x23: {  	s3 =	rddreg [dreg:$0x8]  }
0x24: {  	s24 =	rddreg [dreg:$0xb]  }
0x25: {  	s26 =	rddreg [dreg:$0xc]  }
0x26: {  	s30 =	rddreg [dreg:$0xd];
	s10 =	simm.s32 $0x0  }
0x27: {  	[smem:$0x7FF] =	sst s10  }
0x28: {  	s6 =	srdreg.scid;
	s4 =	sld [smem:$0x0]  }
0x29: {  	s11 =	stileid.u32;
	s31 =	simm.s32 $0x7800;
	s5 =	sld [smem:$0x1]  }
0x2a: {  	s28 =	simm.s32 $0x2;
	s6 =	sand.u32 $0x1, s6;
	s7 =	sld [smem:$0x2]  }
0x2b: {  	s23 =	sshll.u32 s11, $0x1;
	s11 =	sshrl.u32 s11, $0x1;
	s8 =	sld [smem:$0x3]  }
0x2c: {  	s22 =	ssub.s32 $0x2, s6;
	s6 =	sor.u32 s6, s23;
	s25 =	sshll.u32 s11, $0xA  }
0x2d: {  	s11 =	sshll.u32 s11, $0xB;
	s9 =	sshrl.u32 s22, $0x1;
	s15 =	sshll.u32 s6, $0xB  }
0x2e: {  	s3 =	sadd.s32 s3, s25;
	s0 =	sadd.s32 s0, s11;
	[dreg:$0xe] =	wrdreg s8  }
0x2f: {  	s1 =	sadd.s32 s1, s11;
	_ =	strace $0x80000047;
	[dreg:$0xf] =	wrdreg s15  }
0x30: {  	s17 =	sshll.u32 s6, $0x1;
	s16 =	sadd.s32 s2, s11;
	[dreg:$0x10] =	wrdreg s3  }
0x31: {  	s18 =	sshll.u32 s6, $0xE;
	s19 =	smul.u32 $0x14000, s6;
	[dreg:$0x11] =	wrdreg s0  }
0x32: {  	s23 =	sshll.u32 s6, $0xC;
	s20 =	sshll.u32 s6, $0xF;
	[dreg:$0x12] =	wrdreg s1  }
0x33: {  	s11 =	simm.s32 $0x2800;
	s2 =	simm.s32 $0x0;
	[dreg:$0x15] =	wrdreg s16  }
0x34: {  	s29 =	sand.u32 $0x6, s17;
	s21 =	sadd.s32 s13, s19;
	[dreg:$0x18] =	wrdreg s20  }
0x35: {  	s8 =	ssub.s32 s22, s9;
	s22 =	sadd.s32 s14, s19;
	[dreg:$0x19] =	wrdreg s21  }
0x36: {  	s3 =	sshll.u32 s6, $0x8;
	[dreg:$0x1a] =	wrdreg s22;
	s25 =	smax.u32 s8, $0x1  }
0x37: {  	s13 =	simm.s32 $0x6800;
	s9 =	sadd.s32 s4, s3;
	[dreg:$0x1b] =	wrdreg s25  }
0x38: {  	s14 =	simm.s32 $0x6;
	s15 =	sadd.s32 s5, s3;
	[dreg:$0x13] =	wrdreg s9  }
0x39: {  	s0 =	sadd.s32 s7, s3;
	s25 =	simm.s32 $0x1;
	[dreg:$0x14] =	wrdreg s15  }
0x3a: {  	[dreg:$0x16] =	wrdreg s0;
	s0 =	sadd.s32 s12, s18;
	s12 =	simm.s32 $0x9  }
0x3b: {  	s15 =	simm.s32 $0x2000;
	s18 =	simm.s32 $0xB800;
	[dreg:$0x17] =	wrdreg s0  }
.LBB3_1:
0x3c: {  	[dreg:$0x1c] =	wrdreg s2  }
0x3d: {  	s0 =	rddreg [dreg:$0x10]  }
0x3e: {  	[tilespmem:s10], [sflag:$0x9] =	stream.linear.gather [hbm4b:s0+s10], $0x2000, $0x38;
	[tilespmem:$0x1B800] =	vst v63  }
0x3f: {  	_ =	swait.ge [sflag:s12], $0x2000  }
0x40: {  	[sflag:s12] =	ssyncset.done $0x0  }
0x41: {  	s7 =	rddreg [dreg:$0x11];
	[sflag:s12] =	ssyncadd.s32 $0xFFFFE000  }
0x42: {  	[tilespmem:s31], [sflag:$0x9] =	stream.linear.gather [hbm4b:s7+s10], $0x4000, $0x38;
	[tilespmem:$0x1B800] =	vst v63  }
0x43: {  	s9 =	simm.s32 $0x0;
	_ =	swait.ge [sflag:s12], $0x4000  }
0x44: {  	s1 =	simm.s32 $0x0;
	s0 =	sor.u32 s29, s9;
	[sflag:s12] =	ssyncset.done $0x0  }
0x45: {  	s16 =	sshll.u32 s0, $0x7;
	s8 =	rddreg [dreg:$0x12];
	[sflag:s12] =	ssyncadd.s32 $0xFFFFC000  }
0x46: {  	[tilespmem:s11], [sflag:$0x9] =	stream.linear.gather [hbm4b:s8+s10], $0x4000, $0x38;
	[tilespmem:$0x1B800] =	vst v63  }
0x47: {  	s1 =	sand.u32 $0xFFFFFC00, s1;
	s2 =	sand.u32 $0x3FFFFF80, s16;
	_ =	swait.ge [sflag:s12], $0x4000  }
0x48: {  	s3 =	sand.u32 $0x70, s10;
	s1 =	sadd.s32 s2, s1;
	[sflag:s12] =	ssyncset.done $0x0  }
0x49: {  	s1 =	sor.u32 s3, s1;
	[sflag:s12] =	ssyncadd.s32 $0xFFFFC000  }
0x4a: {  	v0 =	vld [tilespmem:s1+$0x0]  }
0x4b: {  	v1 =	vmov s0  }
0x4c: {  	v1 =	vshll.u32 v1, $0x7  }
0x4d: {  	v1 =	vand.u32 $0x380, v1  }
0x4e: {  	v1 =	vbroadcast v1, $0x0  }
0x4f: {  	v2 =	vand.u32 $0x7F, v0;
	v3 =	vshll.u32 v0, $0x3  }
0x50: {  	v3 =	vand.u32 $0xFFFFFC00, v3;
	v1 =	vor.u32 v1, v2  }
0x51: {  	v1 =	vor.u32 v3, v1;
	_ =	sdelay $0x1  }
0x52: {  	s19 =	sadd.s32 $0x0, s23  }
0x53: {  	v0 =	vadd.s32 s19, v0  }
0x54: {  	[tilespmem:s15+$0x0] =	vst v0  }
0x55: {  	v0 =	vld.idx.msk [tilespmem:v1+s31+$0x0], $0xffff;
	_ =	sdelay $0x3  }
0x56: {  	s20 =	simm.s32 $0x0  }
0x57: {  	s6 =	simm.s32 $0x2;
	s0 =	sor.u32 s29, s20;
	[tilespmem:s13+$0x0] =	vst v0  }
0x58: {  	s5 =	simm.s32 $0x0;
	s21 =	simm.s32 $0x80;
	s22 =	sshll.u32 s0, $0x7;
	v0 =	vld.idx.msk [tilespmem:v1+s11+$0x0], $0xffff  }
0x59: {  	s4 =	simm.s32 $0x10;
	s2 =	sand.u32 $0xFFFFFC00, s21;
	s3 =	sand.u32 $0x3FFFFF80, s22;
	v2 =	vmov s0  }
0x5a: {  	s7 =	sand.u32 $0x70, s4;
	s8 =	sadd.s32 s3, s2;
	s3 =	simm.s32 $0x6810;
	v2 =	vshll.u32 v2, $0x7  }
0x5b: {  	s2 =	simm.s32 $0x7000;
	s1 =	simm.s32 $0x80;
	s0 =	simm.s32 $0x2010;
	v1 =	vand.u32 $0x380, v2  }
.LBB3_2:
0x5c: {  	s7 =	sor.u32 s7, s8  }
0x5d: {  	[tilespmem:s2+$0x0] =	vst v0;
	s2 =	sadd.s32 $0x10, s2;
	s8 =	smov.u32 s6;
	s9 =	sadd.s32 $0x1, s6  }
0x5e: {  	p0 =	sne.s32 s6, $0x7F;
	v0 =	vld [tilespmem:s7+$0x0];
	_ =	sdelay $0x3  }
0x5f: {  	s5 =	sadd.s32 s23, s5;
	v1 =	vbroadcast v1, $0x0  }
0x60: {  	v2 =	vadd.s32 s5, v0;
	v3 =	vand.u32 $0x7F, v0;
	v0 =	vshll.u32 v0, $0x3  }
0x61: {  	v0 =	vand.u32 $0xFFFFFC00, v0;
	v1 =	vor.u32 v1, v3  }
0x62: {  	v0 =	vor.u32 v0, v1;
	_ =	sdelay $0x3  }
0x63: {  	[tilespmem:s0+$0x0] =	vst v2  }
0x64: {  	v1 =	vld.idx.msk [tilespmem:v0+s31+$0x0], $0xffff;
	_ =	sdelay $0x5  }
0x65: {  	[tilespmem:s3+$0x0] =	vst v1  }
0x66: {  	s1 =	sadd.s32 $0x80, s1;
	v0 =	vld.idx.msk [tilespmem:v0+s11+$0x0], $0xffff  }
.Ltmp0:
0x67: {  	s4 =	sadd.s32 $0x10, s4;
	s5 =	sshrl.u32 s8, $0x6;
	(pc) =	sbr.rel @p0 .LBB3_2-.Ltmp0, $4  }
0x68: {  	s6 =	sshll.u32 s5, $0xD;
	s7 =	sor.u32 s29, s5;
	s5 =	sshll.u32 s5, $0xB  }
0x69: {  	s6 =	ssub.s32 s1, s6;
	s0 =	sadd.s32 $0x10, s0;
	v1 =	vmov s7;
	s7 =	sshll.u32 s7, $0x7  }
0x6a: {  	s6 =	sand.u32 $0xFFFFFC00, s6;
	s3 =	sadd.s32 $0x10, s3;
	s8 =	sand.u32 $0x3FFFFF80, s7;
	v1 =	vshll.u32 v1, $0x7  }
0x6b: {  	s7 =	sand.u32 $0x70, s4;
	s8 =	sadd.s32 s8, s6;
	v1 =	vand.u32 $0x380, v1;
	s6 =	smov.u32 s9  }
0x6c: {  	s1 =	sor.u32 s7, s8;
	[tilespmem:s2+$0x0] =	vst v0  }
0x6d: {  	v0 =	vld [tilespmem:s1+$0x0];
	_ =	sdelay $0x3  }
0x6e: {  	v1 =	vbroadcast v1, $0x0  }
0x6f: {  	v2 =	vand.u32 $0x7F, v0;
	v3 =	vshll.u32 v0, $0x3  }
0x70: {  	v3 =	vand.u32 $0xFFFFFC00, v3;
	v1 =	vor.u32 v1, v2  }
0x71: {  	v1 =	vor.u32 v3, v1;
	_ =	sdelay $0x1  }
0x72: {  	s20 =	sadd.s32 s23, s5  }
0x73: {  	v0 =	vadd.s32 s20, v0  }
0x74: {  	[tilespmem:s0+$0x0] =	vst v0  }
0x75: {  	v0 =	vld.idx.msk [tilespmem:v1+s31+$0x0], $0xffff;
	_ =	sdelay $0x4  }
0x76: {  	[tilespmem:s3+$0x0] =	vst v0  }
0x77: {  	v0 =	vld.idx.msk [tilespmem:v1+s11+$0x0], $0xffff;
	_ =	sdelay $0x3  }
0x78: {  	s21 =	sadd.s32 $0x10, s2  }
0x79: {  	[tilespmem:s21+$0x0] =	vst v0  }
0x7a: {  	[bflag:$0x0] =	sbarrier.arrive $0xFFFF  }
0x7b: {  	s22 =	simm.s32 $0x0;
	s5 =	rddreg [dreg:$0x13]  }
0x7c: {  	[hbm4b:s5+s22] =	stream.linear.scatter [tilespmem:s13], [sflag:$0x9], $0x800, $0x38;
	[tilespmem:$0x1B800] =	vst v63  }
0x7d: {  	_ =	swait.ge [sflag:s12], $0x800  }
0x7e: {  	[sflag:s12] =	ssyncset.done $0x0  }
0x7f: {  	s0 =	simm.s32 $0x7000;
	s6 =	rddreg [dreg:$0x14];
	[sflag:s12] =	ssyncadd.s32 $0xFFFFF800  }
0x80: {  	[hbm4b:s6+s22] =	stream.linear.scatter [tilespmem:s0], [sflag:$0x9], $0x800, $0x38;
	[tilespmem:$0x1B800] =	vst v63  }
0x81: {  	s8 =	simm.s32 $0x0;
	_ =	swait.ge [sflag:s12], $0x800  }
0x82: {  	s9 =	simm.s32 $0x0;
	s2 =	sor.u32 s29, s8;
	[sflag:s12] =	ssyncset.done $0x0  }
0x83: {  	s4 =	sshll.u32 s2, $0x7;
	s7 =	rddreg [dreg:$0x15];
	[sflag:s12] =	ssyncadd.s32 $0xFFFFF800  }
0x84: {  	[tilespmem:s11], [sflag:$0x9] =	stream.linear.gather [hbm4b:s7+s22], $0x4000, $0x38;
	[tilespmem:$0x1B800] =	vst v63  }
0x85: {  	s4 =	sand.u32 $0x3FFFFF80, s4;
	s3 =	sand.u32 $0xFFFFFC00, s9;
	_ =	swait.ge [sflag:s12], $0x4000  }
0x86: {  	s1 =	sand.u32 $0x70, s22;
	s3 =	sadd.s32 s4, s3;
	[sflag:s12] =	ssyncset.done $0x0  }
0x87: {  	s1 =	sor.u32 s1, s3;
	[sflag:s12] =	ssyncadd.s32 $0xFFFFC000  }
0x88: {  	v0 =	vld [tilespmem:s1+$0x0]  }
0x89: {  	v1 =	vmov s2  }
0x8a: {  	v1 =	vshll.u32 v1, $0x7  }
0x8b: {  	v1 =	vand.u32 $0x380, v1  }
0x8c: {  	v1 =	vbroadcast v1, $0x0  }
0x8d: {  	v2 =	vand.u32 $0x7F, v0;
	v0 =	vshll.u32 v0, $0x3  }
0x8e: {  	v0 =	vand.u32 $0xFFFFFC00, v0;
	v1 =	vor.u32 v1, v2  }
0x8f: {  	v0 =	vor.u32 v0, v1;
	_ =	sdelay $0x4  }
0x90: {  	s13 =	simm.s32 $0x0;
	v0 =	vld.idx.msk [tilespmem:v0+s11+$0x0], $0xffff  }
0x91: {  	s16 =	sor.u32 s29, s13  }
0x92: {  	s19 =	simm.s32 $0x80;
	s20 =	sshll.u32 s16, $0x7  }
0x93: {  	s21 =	sand.u32 $0xFFFFFC00, s19;
	s3 =	sand.u32 $0x3FFFFF80, s20;
	s1 =	simm.s32 $0x10  }
0x94: {  	s3 =	sadd.s32 s3, s21;
	s22 =	sand.u32 $0x70, s1  }
0x95: {  	s3 =	sor.u32 s22, s3;
	[tilespmem:s0+$0x0] =	vst v0  }
0x96: {  	v0 =	vld [tilespmem:s3+$0x0]  }
0x97: {  	v1 =	vmov s16  }
0x98: {  	v1 =	vshll.u32 v1, $0x7  }
0x99: {  	v1 =	vand.u32 $0x380, v1  }
0x9a: {  	v1 =	vbroadcast v1, $0x0  }
0x9b: {  	v2 =	vand.u32 $0x7F, v0;
	v0 =	vshll.u32 v0, $0x3  }
0x9c: {  	v0 =	vand.u32 $0xFFFFFC00, v0;
	v1 =	vor.u32 v1, v2  }
0x9d: {  	v0 =	vor.u32 v0, v1;
	_ =	sdelay $0x4  }
0x9e: {  	s4 =	simm.s32 $0x0;
	s2 =	simm.s32 $0x100;
	s3 =	simm.s32 $0x3;
	v0 =	vld.idx.msk [tilespmem:v0+s11+$0x0], $0xffff  }
.LBB3_4:
0x9f: {  	p0 =	sne.s32 s3, $0x7F;
	s5 =	sshll.u32 s4, $0xD;
	s4 =	sor.u32 s29, s4  }
0xa0: {  	s5 =	ssub.s32 s2, s5;
	s6 =	sshll.u32 s4, $0x7  }
0xa1: {  	s1 =	sadd.s32 $0x10, s1;
	s5 =	sand.u32 $0xFFFFFC00, s5;
	s6 =	sand.u32 $0x3FFFFF80, s6  }
0xa2: {  	s0 =	sadd.s32 $0x10, s0;
	s7 =	sand.u32 $0x70, s1;
	s5 =	sadd.s32 s6, s5  }
0xa3: {  	s5 =	sor.u32 s7, s5;
	[tilespmem:s0+$0x0] =	vst v0  }
0xa4: {  	v0 =	vld [tilespmem:s5+$0x0]  }
0xa5: {  	v1 =	vmov s4  }
0xa6: {  	v1 =	vshll.u32 v1, $0x7  }
0xa7: {  	v1 =	vand.u32 $0x380, v1  }
0xa8: {  	v1 =	vbroadcast v1, $0x0  }
0xa9: {  	v2 =	vand.u32 $0x7F, v0;
	v0 =	vshll.u32 v0, $0x3  }
0xaa: {  	v0 =	vand.u32 $0xFFFFFC00, v0;
	v1 =	vor.u32 v1, v2  }
0xab: {  	v0 =	vor.u32 v0, v1;
	_ =	sdelay $0x1  }
.Ltmp1:
0xac: {  	(pc) =	sbr.rel @p0 .LBB3_4-.Ltmp1, $3  }
0xad: {  	_ =	sdelay $0x1  }
0xae: {  	v0 =	vld.idx.msk [tilespmem:v0+s11+$0x0], $0xffff  }
0xaf: {  	s4 =	sshrl.u32 s3, $0x6;
	s3 =	sadd.s32 $0x1, s3;
	s2 =	sadd.s32 $0x80, s2  }
0xb0: {  	s3 =	sshll.u32 s4, $0xD;
	s6 =	sor.u32 s29, s4  }
0xb1: {  	s2 =	ssub.s32 s2, s3;
	s7 =	sshll.u32 s6, $0x7  }
0xb2: {  	s1 =	sadd.s32 $0x10, s1;
	s2 =	sand.u32 $0xFFFFFC00, s2;
	s3 =	sand.u32 $0x3FFFFF80, s7  }
0xb3: {  	s0 =	sadd.s32 $0x10, s0;
	s1 =	sand.u32 $0x70, s1;
	s2 =	sadd.s32 s3, s2  }
0xb4: {  	[tilespmem:s0+$0x0] =	vst v0;
	s1 =	sor.u32 s1, s2  }
0xb5: {  	v0 =	vld [tilespmem:s1+$0x0]  }
0xb6: {  	v1 =	vmov s6  }
0xb7: {  	v1 =	vshll.u32 v1, $0x7  }
0xb8: {  	v1 =	vand.u32 $0x380, v1  }
0xb9: {  	v1 =	vbroadcast v1, $0x0  }
0xba: {  	v2 =	vand.u32 $0x7F, v0;
	v0 =	vshll.u32 v0, $0x3  }
0xbb: {  	v0 =	vand.u32 $0xFFFFFC00, v0;
	v1 =	vor.u32 v1, v2  }
0xbc: {  	v0 =	vor.u32 v0, v1;
	_ =	sdelay $0x4  }
0xbd: {  	v0 =	vld.idx.msk [tilespmem:v0+s11+$0x0], $0xffff;
	_ =	sdelay $0x3  }
0xbe: {  	s0 =	sadd.s32 $0x10, s0  }
0xbf: {  	[tilespmem:s0+$0x0] =	vst v0  }
0xc0: {  	[bflag:$0x0] =	sbarrier.arrive $0xFFFF  }
0xc1: {  	s9 =	simm.s32 $0x7000;
	s3 =	simm.s32 $0x0;
	s8 =	rddreg [dreg:$0x16]  }
0xc2: {  	[hbm4b:s8+s3] =	stream.linear.scatter [tilespmem:s9], [sflag:$0x9], $0x800, $0x38;
	[tilespmem:$0x1B800] =	vst v63  }
0xc3: {  	_ =	swait.ge [sflag:s12], $0x800  }
0xc4: {  	[sflag:s12] =	ssyncset.done $0x0  }
0xc5: {  	[sflag:s12] =	ssyncadd.s32 $0xFFFFF800  }
0xc6: {  	s16 =	simm.s32 $0x40;
	s19 =	simm.s32 $0x13800;
	s13 =	rddreg [dreg:$0x0]  }
0xc7: {  	[tilespmem:s19], [sflag:$0x1] =	stream.indirect.gather [hbm4b:s13+s16], $0x80, s15, s16, $0xb8;
	[tilespmem:$0x1B800] =	vst v63  }
0xc8: {  	s21 =	simm.s32 $0x17800;
	s20 =	rddreg [dreg:$0x1]  }
0xc9: {  	[tilespmem:s21], [sflag:$0x1] =	stream.indirect.gather [hbm4b:s20+s16], $0x80, s15, s16, $0xb8;
	[tilespmem:$0x1B800] =	vst v63  }
0xca: {  	s7 =	simm.s32 $0x0;
	s22 =	rddreg [dreg:$0x17]  }
0xcb: {  	[tilespmem:s31], [sflag:$0x5] =	stream.linear.gather [hbm4b:s22+s3], $0x4000, $0x38;
	[tilespmem:$0x1B800] =	vst v63  }
.LBB3_6:
0xcc: {  	s16 =	sshllo.u32 s7, $0x1;
	s0 =	sshrl.u32 s7, $0x1  }
0xcd: {  	s1 =	sshll.u32 s0, $0x5;
	s2 =	sshll.u32 s16, $0x3  }
0xce: {  	s15 =	sor.u32 s17, s0;
	s8 =	ssub.s32 s2, s1  }
0xcf: {  	s22 =	sshll.u32 s15, $0x10;
	s2 =	sshll.u32 s8, $0xB  }
0xd0: {  	s19 =	smov.u32 s30;
	s30 =	smov.u32 s26;
	s1 =	sadd.s32 s22, s2  }
0xd1: {  	s26 =	smov.u32 s24;
	s24 =	rddreg [dreg:$0x2];
	s1 =	sshrl.u32 s1, $0x3  }
0xd2: {  	s4 =	simm.s32 $0x5;
	s1 =	sadd.s32 s24, s1  }
0xd3: {  	[tilespmem:s18], [sflag:$0x6] =	stream.linear.gather [hbm4b:s1+s10], $0x4000, $0x38;
	[tilespmem:$0x1B800] =	vst v63  }
0xd4: {  	_ =	swait.ge [sflag:s4], $0x4000  }
0xd5: {  	p0 =	seq.s32 s7, $0x0;
	s5 =	sor.u32 s29, s0;
	[sflag:s4] =	ssyncset.done $0x0  }
0xd6: {  	s2 =	simm.s32 @!p0 $0x7;
	s1 =	sshll.u32 s5, $0x7;
	[sflag:s4] =	ssyncadd.s32 $0xFFFFC000  }
0xd7: {  	s6 =	sand.u32 $0x1C00, s3;
	s9 =	sand.u32 $0x3FFFFF80, s1;
	_ =	swait.ge @!p0 [sflag:s2], $0x2000  }
0xd8: {  	s5 =	sadd.s32 s6, s9;
	s4 =	sand.u32 $0x60, s3;
	[sflag:s2] =	ssyncset.done @!p0 $0x0  }
0xd9: {  	s12 =	sadd.s32 s4, s5;
	[sflag:s2] =	ssyncadd.s32 @!p0 $0xFFFFE000  }
0xda: {  	v0 =	vld [tilespmem:s12+$0x0];
	_ =	sdelay $0x4  }
0xdb: {  	v1 =	vshll.u32 v0, $0x3  }
0xdc: {  	v0 =	vand.u32 $0x7F, v0;
	v1 =	vand.u32 $0xFFFFFC00, v1  }
0xdd: {  	v0 =	vor.u32 v0, v1;
	_ =	sdelay $0x4  }
0xde: {  	v1 =	vld.idx.msk [tilespmem:v0+s31+$0x0], $0xffff  }
0xdf: {  	v2 =	vor.u32 $0x80, v0;
	_ =	sdelay $0x1  }
0xe0: {  	s1 =	sadd.s32 $0xF800, s6  }
0xe1: {  	s13 =	sor.u32 s4, s1  }
0xe2: {  	[tilespmem:s13+$0x0] =	vst v1  }
0xe3: {  	v1 =	vld.idx.msk [tilespmem:v2+s31+$0x0], $0xffff  }
0xe4: {  	v2 =	vor.u32 $0x100, v0;
	_ =	sdelay $0x3  }
0xe5: {  	[tilespmem:s13+$0x80] =	vst v1  }
0xe6: {  	v1 =	vld.idx.msk [tilespmem:v2+s31+$0x0], $0xffff  }
0xe7: {  	v2 =	vor.u32 $0x180, v0;
	_ =	sdelay $0x3  }
0xe8: {  	[tilespmem:s13+$0x100] =	vst v1  }
0xe9: {  	v1 =	vld.idx.msk [tilespmem:v2+s31+$0x0], $0xffff  }
0xea: {  	v2 =	vor.u32 $0x200, v0;
	_ =	sdelay $0x3  }
0xeb: {  	[tilespmem:s13+$0x180] =	vst v1  }
0xec: {  	v1 =	vld.idx.msk [tilespmem:v2+s31+$0x0], $0xffff  }
0xed: {  	v2 =	vor.u32 $0x280, v0;
	_ =	sdelay $0x3  }
0xee: {  	[tilespmem:s13+$0x200] =	vst v1  }
0xef: {  	v1 =	vld.idx.msk [tilespmem:v2+s31+$0x0], $0xffff  }
0xf0: {  	v2 =	vor.u32 $0x300, v0;
	_ =	sdelay $0x3  }
0xf1: {  	[tilespmem:s13+$0x280] =	vst v1  }
0xf2: {  	v1 =	vld.idx.msk [tilespmem:v2+s31+$0x0], $0xffff  }
0xf3: {  	s20 =	sand.u32 $0x3, s3;
	v0 =	vor.u32 $0x380, v0  }
0xf4: {  	s2 =	sshll.u32 s20, $0x5  }
0xf5: {  	s2 =	sadd.s32 $0x0, s2  }
0xf6: {  	s6 =	sor.u32 $0x300, s2  }
0xf7: {  	[tilespmem:s6+$0xF800] =	vst v1  }
0xf8: {  	v0 =	vld.idx.msk [tilespmem:v0+s31+$0x0], $0xffff;
	_ =	sdelay $0x2  }
0xf9: {  	s21 =	sor.u32 s3, s3  }
0xfa: {  	s4 =	sor.u32 $0x10, s4;
	s6 =	sor.u32 $0x380, s21  }
0xfb: {  	s5 =	sadd.s32 s4, s5;
	[tilespmem:s6+$0xF800] =	vst v0  }
0xfc: {  	v0 =	vld [tilespmem:s5+$0x0];
	_ =	sdelay $0x4  }
0xfd: {  	v1 =	vshll.u32 v0, $0x3  }
0xfe: {  	v0 =	vand.u32 $0x7F, v0;
	v1 =	vand.u32 $0xFFFFFC00, v1  }
0xff: {  	v0 =	vor.u32 v0, v1;
	_ =	sdelay $0x4  }
0x100: {  	v1 =	vld.idx.msk [tilespmem:v0+s31+$0x0], $0xffff  }
0x101: {  	v2 =	vor.u32 $0x80, v0;
	_ =	sdelay $0x2  }
0x102: {  	s1 =	sor.u32 s4, s1  }
0x103: {  	[tilespmem:s1+$0x0] =	vst v1  }
0x104: {  	v1 =	vld.idx.msk [tilespmem:v2+s31+$0x0], $0xffff  }
0x105: {  	v2 =	vor.u32 $0x100, v0;
	_ =	sdelay $0x3  }
0x106: {  	[tilespmem:s1+$0x80] =	vst v1  }
0x107: {  	v1 =	vld.idx.msk [tilespmem:v2+s31+$0x0], $0xffff  }
0x108: {  	v2 =	vor.u32 $0x180, v0;
	_ =	sdelay $0x3  }
0x109: {  	[tilespmem:s1+$0x100] =	vst v1  }
0x10a: {  	v1 =	vld.idx.msk [tilespmem:v2+s31+$0x0], $0xffff  }
0x10b: {  	v2 =	vor.u32 $0x200, v0;
	_ =	sdelay $0x3  }
0x10c: {  	[tilespmem:s1+$0x180] =	vst v1  }
0x10d: {  	v1 =	vld.idx.msk [tilespmem:v2+s31+$0x0], $0xffff  }
0x10e: {  	v2 =	vor.u32 $0x280, v0;
	_ =	sdelay $0x3  }
0x10f: {  	[tilespmem:s1+$0x200] =	vst v1  }
0x110: {  	v1 =	vld.idx.msk [tilespmem:v2+s31+$0x0], $0xffff  }
0x111: {  	v2 =	vor.u32 $0x300, v0;
	_ =	sdelay $0x3  }
0x112: {  	[tilespmem:s1+$0x280] =	vst v1  }
0x113: {  	v1 =	vld.idx.msk [tilespmem:v2+s31+$0x0], $0xffff  }
0x114: {  	v0 =	vor.u32 $0x380, v0;
	_ =	sdelay $0x1  }
0x115: {  	s22 =	sadd.s32 $0x10, s2  }
0x116: {  	s13 =	sor.u32 $0x300, s22  }
0x117: {  	[tilespmem:s13+$0xF800] =	vst v1  }
0x118: {  	s2 =	simm.s32 $0x40;
	s4 =	sor.u32 $0x380, s22;
	v0 =	vld.idx.msk [tilespmem:v0+s31+$0x0], $0xffff  }
0x119: {  	s6 =	sshll.u32 s0, $0x15;
	s0 =	simm.s32 $0x20;
	s1 =	simm.s32 $0x100  }
0x11a: {  	s5 =	sshll.u32 s7, $0x1;
	s22 =	sand.u32 $0x60, s0;
	s24 =	sand.u32 $0x1C00, s1  }
0x11b: {  	s21 =	sadd.s32 s24, s9;
	s20 =	sadd.s32 $0xF800, s24;
	s13 =	simm.s32 $0x0  }
.LBB3_7:
0x11c: {  	s12 =	sadd.s32 s22, s21  }
0x11d: {  	[tilespmem:s4+$0xF800] =	vst v0;
	s13 =	sadd.s32 $0x1, s13;
	s4 =	smov.u32 s2;
	s24 =	sadd.s32 $0x20, s2  }
0x11e: {  	p1 =	sne.s32 s2, $0x3E0;
	v0 =	vld [tilespmem:s12+$0x0];
	_ =	sdelay $0x4  }
0x11f: {  	v1 =	vshll.u32 v0, $0x3  }
0x120: {  	v0 =	vand.u32 $0x7F, v0;
	v1 =	vand.u32 $0xFFFFFC00, v1  }
0x121: {  	v0 =	vor.u32 v0, v1;
	_ =	sdelay $0x4  }
0x122: {  	v1 =	vld.idx.msk [tilespmem:v0+s31+$0x0], $0xffff;
	_ =	sdelay $0x1  }
0x123: {  	v2 =	vor.u32 $0x80, v0;
	_ =	sdelay $0x2  }
0x124: {  	s2 =	sor.u32 s22, s20  }
0x125: {  	[tilespmem:s2+$0x0] =	vst v1  }
0x126: {  	v1 =	vld.idx.msk [tilespmem:v2+s31+$0x0], $0xffff;
	_ =	sdelay $0x1  }
0x127: {  	v2 =	vor.u32 $0x100, v0;
	_ =	sdelay $0x3  }
0x128: {  	[tilespmem:s2+$0x80] =	vst v1  }
0x129: {  	v1 =	vld.idx.msk [tilespmem:v2+s31+$0x0], $0xffff;
	_ =	sdelay $0x1  }
0x12a: {  	v2 =	vor.u32 $0x180, v0;
	_ =	sdelay $0x3  }
0x12b: {  	[tilespmem:s2+$0x100] =	vst v1  }
0x12c: {  	v1 =	vld.idx.msk [tilespmem:v2+s31+$0x0], $0xffff;
	_ =	sdelay $0x1  }
0x12d: {  	v2 =	vor.u32 $0x200, v0;
	_ =	sdelay $0x3  }
0x12e: {  	[tilespmem:s2+$0x180] =	vst v1  }
0x12f: {  	v1 =	vld.idx.msk [tilespmem:v2+s31+$0x0], $0xffff;
	_ =	sdelay $0x1  }
0x130: {  	v2 =	vor.u32 $0x280, v0;
	_ =	sdelay $0x3  }
0x131: {  	[tilespmem:s2+$0x200] =	vst v1  }
0x132: {  	v1 =	vld.idx.msk [tilespmem:v2+s31+$0x0], $0xffff;
	_ =	sdelay $0x1  }
0x133: {  	v2 =	vor.u32 $0x300, v0;
	_ =	sdelay $0x3  }
0x134: {  	[tilespmem:s2+$0x280] =	vst v1  }
0x135: {  	v1 =	vld.idx.msk [tilespmem:v2+s31+$0x0], $0xffff;
	_ =	sdelay $0x1  }
0x136: {  	v0 =	vor.u32 $0x380, v0;
	s2 =	sand.u32 $0x3, s13  }
0x137: {  	s2 =	sshll.u32 s2, $0x5  }
0x138: {  	s2 =	sadd.s32 s2, s1  }
0x139: {  	s12 =	sor.u32 $0x300, s2;
	s2 =	sadd.s32 $0x10, s2  }
0x13a: {  	[tilespmem:s12+$0xF800] =	vst v1  }
0x13b: {  	v0 =	vld.idx.msk [tilespmem:v0+s31+$0x0], $0xffff;
	_ =	sdelay $0x3  }
0x13c: {  	s12 =	sor.u32 s1, s0;
	s0 =	smov.u32 s4  }
0x13d: {  	s4 =	sor.u32 $0x380, s12;
	s12 =	sor.u32 $0x10, s22  }
0x13e: {  	[tilespmem:s4+$0xF800] =	vst v0;
	s4 =	sadd.s32 s12, s21  }
0x13f: {  	v0 =	vld [tilespmem:s4+$0x0];
	_ =	sdelay $0x4  }
0x140: {  	v1 =	vshll.u32 v0, $0x3  }
0x141: {  	v0 =	vand.u32 $0x7F, v0;
	v1 =	vand.u32 $0xFFFFFC00, v1  }
0x142: {  	v0 =	vor.u32 v0, v1;
	_ =	sdelay $0x4  }
0x143: {  	v1 =	vld.idx.msk [tilespmem:v0+s31+$0x0], $0xffff;
	_ =	sdelay $0x1  }
0x144: {  	v2 =	vor.u32 $0x80, v0;
	_ =	sdelay $0x2  }
0x145: {  	s4 =	sor.u32 s12, s20  }
0x146: {  	[tilespmem:s4+$0x0] =	vst v1  }
0x147: {  	v1 =	vld.idx.msk [tilespmem:v2+s31+$0x0], $0xffff;
	_ =	sdelay $0x1  }
0x148: {  	v2 =	vor.u32 $0x100, v0;
	_ =	sdelay $0x3  }
0x149: {  	[tilespmem:s4+$0x80] =	vst v1  }
0x14a: {  	v1 =	vld.idx.msk [tilespmem:v2+s31+$0x0], $0xffff;
	_ =	sdelay $0x1  }
0x14b: {  	v2 =	vor.u32 $0x180, v0;
	_ =	sdelay $0x3  }
0x14c: {  	[tilespmem:s4+$0x100] =	vst v1  }
0x14d: {  	v1 =	vld.idx.msk [tilespmem:v2+s31+$0x0], $0xffff;
	_ =	sdelay $0x1  }
0x14e: {  	v2 =	vor.u32 $0x200, v0;
	_ =	sdelay $0x3  }
0x14f: {  	[tilespmem:s4+$0x180] =	vst v1  }
0x150: {  	v1 =	vld.idx.msk [tilespmem:v2+s31+$0x0], $0xffff;
	_ =	sdelay $0x1  }
0x151: {  	v2 =	vor.u32 $0x280, v0;
	_ =	sdelay $0x3  }
0x152: {  	[tilespmem:s4+$0x200] =	vst v1  }
0x153: {  	v1 =	vld.idx.msk [tilespmem:v2+s31+$0x0], $0xffff;
	_ =	sdelay $0x1  }
0x154: {  	v2 =	vor.u32 $0x300, v0;
	_ =	sdelay $0x3  }
0x155: {  	[tilespmem:s4+$0x280] =	vst v1  }
0x156: {  	v1 =	vld.idx.msk [tilespmem:v2+s31+$0x0], $0xffff;
	_ =	sdelay $0x1  }
0x157: {  	v0 =	vor.u32 $0x380, v0;
	_ =	sdelay $0x2  }
0x158: {  	s4 =	sor.u32 $0x300, s2  }
0x159: {  	[tilespmem:s4+$0xF800] =	vst v1  }
0x15a: {  	v0 =	vld.idx.msk [tilespmem:v0+s31+$0x0], $0xffff  }
.Ltmp2:
0x15b: {  	(pc) =	sbr.rel @p1 .LBB3_7-.Ltmp2, $4  }
0x15c: {  	_ = 	snop  }
0x15d: {  	s1 =	sadd.s32 $0x100, s1  }
0x15e: {  	s22 =	sand.u32 $0x60, s0;
	s12 =	sand.u32 $0x1C00, s1;
	s4 =	sor.u32 $0x380, s2  }
0x15f: {  	s21 =	sadd.s32 s12, s9;
	s20 =	sadd.s32 $0xF800, s12;
	s2 =	smov.u32 s24  }
0x160: {  	[tilespmem:s4+$0xF800] =	vst v0;
	s2 =	sadd.s32 s22, s21  }
0x161: {  	v0 =	vld [tilespmem:s2+$0x0];
	_ =	sdelay $0x4  }
0x162: {  	v1 =	vshll.u32 v0, $0x3  }
0x163: {  	v0 =	vand.u32 $0x7F, v0;
	v1 =	vand.u32 $0xFFFFFC00, v1  }
0x164: {  	v0 =	vor.u32 v0, v1;
	_ =	sdelay $0x4  }
0x165: {  	v1 =	vld.idx.msk [tilespmem:v0+s31+$0x0], $0xffff  }
0x166: {  	v2 =	vor.u32 $0x80, v0;
	_ =	sdelay $0x2  }
0x167: {  	s4 =	sor.u32 s22, s20  }
0x168: {  	[tilespmem:s4+$0x0] =	vst v1  }
0x169: {  	v1 =	vld.idx.msk [tilespmem:v2+s31+$0x0], $0xffff  }
0x16a: {  	v52 =	vor.u32 $0x100, v0;
	_ =	sdelay $0x3  }
0x16b: {  	[tilespmem:s4+$0x80] =	vst v1  }
0x16c: {  	v1 =	vld.idx.msk [tilespmem:v52+s31+$0x0], $0xffff  }
0x16d: {  	v53 =	vor.u32 $0x180, v0;
	_ =	sdelay $0x3  }
0x16e: {  	[tilespmem:s4+$0x100] =	vst v1  }
0x16f: {  	v1 =	vld.idx.msk [tilespmem:v53+s31+$0x0], $0xffff  }
0x170: {  	v54 =	vor.u32 $0x200, v0;
	_ =	sdelay $0x3  }
0x171: {  	[tilespmem:s4+$0x180] =	vst v1  }
0x172: {  	v1 =	vld.idx.msk [tilespmem:v54+s31+$0x0], $0xffff  }
0x173: {  	v55 =	vor.u32 $0x280, v0;
	_ =	sdelay $0x3  }
0x174: {  	[tilespmem:s4+$0x200] =	vst v1  }
0x175: {  	v1 =	vld.idx.msk [tilespmem:v55+s31+$0x0], $0xffff  }
0x176: {  	v56 =	vor.u32 $0x300, v0;
	_ =	sdelay $0x3  }
0x177: {  	[tilespmem:s4+$0x280] =	vst v1  }
0x178: {  	s12 =	sadd.s32 $0x1, s13;
	v1 =	vld.idx.msk [tilespmem:v56+s31+$0x0], $0xffff  }
0x179: {  	s2 =	sand.u32 $0x3, s12;
	v0 =	vor.u32 $0x380, v0  }
0x17a: {  	s2 =	sshll.u32 s2, $0x5  }
0x17b: {  	s2 =	sadd.s32 s2, s1  }
0x17c: {  	s13 =	sor.u32 $0x300, s2  }
0x17d: {  	[tilespmem:s13+$0xF800] =	vst v1  }
0x17e: {  	v0 =	vld.idx.msk [tilespmem:v0+s31+$0x0], $0xffff;
	_ =	sdelay $0x2  }
0x17f: {  	s0 =	sor.u32 s1, s0  }
0x180: {  	s24 =	sor.u32 $0x10, s22;
	s0 =	sor.u32 $0x380, s0  }
0x181: {  	s4 =	sadd.s32 s24, s21;
	[tilespmem:s0+$0xF800] =	vst v0  }
0x182: {  	v0 =	vld [tilespmem:s4+$0x0];
	_ =	sdelay $0x4  }
0x183: {  	v57 =	vshll.u32 v0, $0x3  }
0x184: {  	v0 =	vand.u32 $0x7F, v0;
	v1 =	vand.u32 $0xFFFFFC00, v57  }
0x185: {  	v0 =	vor.u32 v0, v1;
	_ =	sdelay $0x4  }
0x186: {  	v1 =	vld.idx.msk [tilespmem:v0+s31+$0x0], $0xffff  }
0x187: {  	v58 =	vor.u32 $0x80, v0;
	_ =	sdelay $0x2  }
0x188: {  	s12 =	sor.u32 s24, s20  }
0x189: {  	[tilespmem:s12+$0x0] =	vst v1  }
0x18a: {  	v1 =	vld.idx.msk [tilespmem:v58+s31+$0x0], $0xffff  }
0x18b: {  	v59 =	vor.u32 $0x100, v0;
	_ =	sdelay $0x3  }
0x18c: {  	[tilespmem:s12+$0x80] =	vst v1  }
0x18d: {  	v1 =	vld.idx.msk [tilespmem:v59+s31+$0x0], $0xffff  }
0x18e: {  	v60 =	vor.u32 $0x180, v0;
	_ =	sdelay $0x3  }
0x18f: {  	[tilespmem:s12+$0x100] =	vst v1  }
0x190: {  	v1 =	vld.idx.msk [tilespmem:v60+s31+$0x0], $0xffff  }
0x191: {  	v61 =	vor.u32 $0x200, v0;
	_ =	sdelay $0x3  }
0x192: {  	[tilespmem:s12+$0x180] =	vst v1  }
0x193: {  	v1 =	vld.idx.msk [tilespmem:v61+s31+$0x0], $0xffff  }
0x194: {  	v62 =	vor.u32 $0x280, v0;
	_ =	sdelay $0x3  }
0x195: {  	[tilespmem:s12+$0x200] =	vst v1  }
0x196: {  	v1 =	vld.idx.msk [tilespmem:v62+s31+$0x0], $0xffff  }
0x197: {  	v63 =	vor.u32 $0x300, v0;
	_ =	sdelay $0x3  }
0x198: {  	[tilespmem:s12+$0x280] =	vst v1  }
0x199: {  	v1 =	vld.idx.msk [tilespmem:v63+s31+$0x0], $0xffff  }
0x19a: {  	v0 =	vor.u32 $0x380, v0;
	_ =	sdelay $0x1  }
0x19b: {  	s13 =	sadd.s32 $0x10, s2  }
0x19c: {  	s20 =	sor.u32 $0x300, s13  }
0x19d: {  	[tilespmem:s20+$0xF800] =	vst v1  }
0x19e: {  	v0 =	vld.idx.msk [tilespmem:v0+s31+$0x0], $0xffff;
	_ =	sdelay $0x1  }
0x19f: {  	s21 =	sshll.u32 s7, $0x14  }
0x1a0: {  	s15 =	sshll.u32 s15, $0xD;
	s1 =	ssub.s32 s21, s6  }
0x1a1: {  	s1 =	sadd.s32 s15, s1;
	s0 =	sor.u32 $0x380, s13  }
0x1a2: {  	s24 =	smov.u32 s26;
	s22 =	sshrl.u32 s1, $0x3;
	[tilespmem:s0+$0xF800] =	vst v0  }
0x1a3: {  	s0 =	sadd.s32 s26, s22;
	s26 =	simm.s32 $0xF800;
	[bflag:$0x0] =	sbarrier.arrive $0xFFFF  }
0x1a4: {  	[hbm4b:s0+s10] =	stream.linear.scatter [tilespmem:s26], [sflag:$0x7], $0x2000, $0x38;
	[tilespmem:$0x1B800] =	vst v63  }
0x1a5: {  	s0 =	simm.s32 @!p0 $0x4  }
0x1a6: {  	_ =	swait.ge @!p0 [sflag:s0], $0x2000  }
0x1a7: {  	[sflag:s0] =	ssyncset.done @!p0 $0x0  }
0x1a8: {  	[sflag:s0] =	ssyncadd.s32 @!p0 $0xFFFFE000  }
0x1a9: {  	_ =	swait.ge @!p0 [sflag:s0], $0x2000  }
0x1aa: {  	[sflag:s0] =	ssyncset.done @!p0 $0x0  }
0x1ab: {  	s21 =	simm.s32 $0x15800;
	s1 =	sshll.u32 s16, $0x6;
	[sflag:s0] =	ssyncadd.s32 @!p0 $0xFFFFE000  }
0x1ac: {  	s2 =	sadd.s32 $0x2000, s1;
	s13 =	simm.s32 $0x40;
	s4 =	rddreg [dreg:$0x0]  }
0x1ad: {  	[tilespmem:s21], [sflag:$0x2] =	stream.indirect.gather [hbm4b:s4+s13], $0x80, s2, s13, $0xb8;
	[tilespmem:$0x1B800] =	vst v63  }
0x1ae: {  	s22 =	simm.s32 $0x19800;
	s6 =	rddreg [dreg:$0x1]  }
0x1af: {  	[tilespmem:s22], [sflag:$0x2] =	stream.indirect.gather [hbm4b:s6+s13], $0x80, s2, s13, $0xb8;
	[tilespmem:$0x1B800] =	vst v63  }
0x1b0: {  	_ =	swait.ge [sflag:s25], $0x2000  }
0x1b1: {  	[sflag:s25] =	ssyncset.done $0x0  }
0x1b2: {  	[sflag:s25] =	ssyncadd.s32 $0xFFFFE000  }
0x1b3: {  	_ =	swait.ge [sflag:s25], $0x2000  }
0x1b4: {  	[sflag:s25] =	ssyncset.done $0x0  }
0x1b5: {  	s12 =	sshll.u32 s7, $0xB;
	s16 =	rddreg [dreg:$0x18];
	[sflag:s25] =	ssyncadd.s32 $0xFFFFE000  }
0x1b6: {  	s0 =	sadd.s32 s16, s12;
	s12 =	rddreg [dreg:$0x9]  }
0x1b7: {  	s16 =	simm.s32 $0x13800;
	s2 =	sadd.s32 s12, s0  }
0x1b8: {  	[hbm4b:s2+s10] =	stream.linear.scatter [tilespmem:s16], [sflag:$0x3], $0x2000, $0x38;
	[tilespmem:$0x1B800] =	vst v63  }
0x1b9: {  	s2 =	rddreg [dreg:$0xa]  }
0x1ba: {  	s20 =	simm.s32 $0x17800;
	s26 =	simm.s32 $0x3;
	s0 =	sadd.s32 s2, s0  }
0x1bb: {  	[hbm4b:s0+s10] =	stream.linear.scatter [tilespmem:s20], [sflag:$0x3], $0x2000, $0x38;
	[tilespmem:$0x1B800] =	vst v63  }
0x1bc: {  	_ =	swait.ge [sflag:s26], $0x2000  }
0x1bd: {  	[sflag:s26] =	ssyncset.done $0x0  }
0x1be: {  	[sflag:s26] =	ssyncadd.s32 $0xFFFFE000  }
0x1bf: {  	s0 =	sshll.u32 s7, $0x7;
	_ =	swait.ge [sflag:s26], $0x2000  }
0x1c0: {  	s0 =	sand.u32 $0x3FFFFF80, s0;
	[sflag:s26] =	ssyncset.done $0x0  }
0x1c1: {  	s0 =	sadd.s32 $0x2080, s0;
	[sflag:s26] =	ssyncadd.s32 $0xFFFFE000  }
0x1c2: {  	[tilespmem:s16], [sflag:$0x1] =	stream.indirect.gather [hbm4b:s4+s13], $0x80, s0, s13, $0xb8;
	[tilespmem:$0x1B800] =	vst v63  }
0x1c3: {  	_ = 	snop  }
0x1c4: {  	[tilespmem:s20], [sflag:$0x1] =	stream.indirect.gather [hbm4b:s6+s13], $0x80, s0, s13, $0xb8;
	[tilespmem:$0x1B800] =	vst v63  }
0x1c5: {  	_ =	swait.ge [sflag:s28], $0x2000  }
0x1c6: {  	[sflag:s28] =	ssyncset.done $0x0  }
0x1c7: {  	[sflag:s28] =	ssyncadd.s32 $0xFFFFE000  }
0x1c8: {  	_ =	swait.ge [sflag:s28], $0x2000  }
0x1c9: {  	s20 =	rddreg [dreg:$0xf]  }
0x1ca: {  	p1 =	sne.s32 s7, $0x3;
	s0 =	sor.u32 s20, s1  }
.Ltmp3:
0x1cb: {  	[sflag:s28] =	ssyncset.done $0x0;
	s0 =	sshll.u32 s0, $0x4;
	(pc) =	sbr.rel @p1 .LBB3_10-.Ltmp3, $4  }
0x1cc: {  	[sflag:s28] =	ssyncadd.s32 $0xFFFFE000;
	s26 =	sadd.s32 s12, s0  }
0x1cd: {  	[hbm4b:s26+s10] =	stream.linear.scatter [tilespmem:s21], [sflag:$0x4], $0x2000, $0x38;
	[tilespmem:$0x1B800] =	vst v63  }
0x1ce: {  	s0 =	sadd.s32 s2, s0  }
0x1cf: {  	[hbm4b:s0+s10] =	stream.linear.scatter [tilespmem:s22], [sflag:$0x4], $0x2000, $0x38;
	[tilespmem:$0x1B800] =	vst v63  }
.Ltmp4:
0x1d0: {  	(pc) =	sbr.rel .LBB3_11-.Ltmp4, $4  }
0x1d1: {  	_ = 	snop  }
0x1d2: {  	_ =	swait.ge [sflag:s14], $0x4000  }
0x1d3: {  	[sflag:s14] =	ssyncset.done $0x0  }
0x1d4: {  	s26 =	smov.u32 s30;
	[sflag:s14] =	ssyncadd.s32 $0xFFFFC000  }
.LBB3_10:
0x1d5: {  	s0 =	sadd.s32 $0x2, s5  }
0x1d6: {  	s1 =	sshrl.u32 s0, $0x2  }
0x1d7: {  	s0 =	sshll.u32 s0, $0xE;
	s2 =	sadd.s32 s17, s1;
	s1 =	sshll.u32 s1, $0x10  }
0x1d8: {  	s2 =	sshll.u32 s2, $0x10;
	s0 =	ssub.s32 s0, s1  }
0x1d9: {  	s0 =	sadd.s32 s2, s0  }
0x1da: {  	s26 =	rddreg [dreg:$0x2];
	s0 =	sshrl.u32 s0, $0x3  }
.Ltmp5:
0x1db: {  	s0 =	sadd.s32 s26, s0;
	(pc) =	sbr.rel @p0 .LBB3_12-.Ltmp5, $4  }
0x1dc: {  	[tilespmem:s31], [sflag:$0x5] =	stream.linear.gather [hbm4b:s0+s10], $0x4000, $0x38;
	[tilespmem:$0x1B800] =	vst v63  }
0x1dd: {  	_ =	swait.ge [sflag:s14], $0x4000  }
0x1de: {  	[sflag:s14] =	ssyncset.done $0x0  }
0x1df: {  	s26 =	smov.u32 s30;
	[sflag:s14] =	ssyncadd.s32 $0xFFFFC000  }
.LBB3_11:
0x1e0: {  	s0 =	simm.s32 $0x8  }
0x1e1: {  	_ =	swait.ge [sflag:s0], $0x2000  }
0x1e2: {  	[sflag:s0] =	ssyncset.done $0x0  }
0x1e3: {  	[sflag:s0] =	ssyncadd.s32 $0xFFFFE000  }
.LBB3_12:
0x1e4: {  	s5 =	simm.s32 $0x0  }
0x1e5: {  	s0 =	sand.u32 $0x1C00, s5  }
0x1e6: {  	s1 =	sand.u32 $0x60, s5;
	s2 =	sadd.s32 s0, s9  }
0x1e7: {  	s4 =	sadd.s32 s1, s2  }
0x1e8: {  	v0 =	vld [tilespmem:s4+$0x0];
	_ =	sdelay $0x4  }
0x1e9: {  	v1 =	vshll.u32 v0, $0x3  }
0x1ea: {  	v0 =	vand.u32 $0x7F, v0;
	v1 =	vand.u32 $0xFFFFFC00, v1  }
0x1eb: {  	v0 =	vor.u32 v0, v1;
	_ =	sdelay $0x4  }
0x1ec: {  	v1 =	vld.idx.msk [tilespmem:v0+s18+$0x0], $0xffff  }
0x1ed: {  	v2 =	vor.u32 $0x80, v0;
	_ =	sdelay $0x1  }
0x1ee: {  	s0 =	sadd.s32 $0x11800, s0  }
0x1ef: {  	s13 =	sor.u32 s1, s0  }
0x1f0: {  	[tilespmem:s13+$0x0] =	vst v1  }
0x1f1: {  	v1 =	vld.idx.msk [tilespmem:v2+s18+$0x0], $0xffff  }
0x1f2: {  	v2 =	vor.u32 $0x100, v0;
	_ =	sdelay $0x3  }
0x1f3: {  	[tilespmem:s13+$0x80] =	vst v1  }
0x1f4: {  	v1 =	vld.idx.msk [tilespmem:v2+s18+$0x0], $0xffff  }
0x1f5: {  	v2 =	vor.u32 $0x180, v0;
	_ =	sdelay $0x3  }
0x1f6: {  	[tilespmem:s13+$0x100] =	vst v1  }
0x1f7: {  	v1 =	vld.idx.msk [tilespmem:v2+s18+$0x0], $0xffff  }
0x1f8: {  	v2 =	vor.u32 $0x200, v0;
	_ =	sdelay $0x3  }
0x1f9: {  	[tilespmem:s13+$0x180] =	vst v1  }
0x1fa: {  	v1 =	vld.idx.msk [tilespmem:v2+s18+$0x0], $0xffff  }
0x1fb: {  	v2 =	vor.u32 $0x280, v0;
	_ =	sdelay $0x3  }
0x1fc: {  	[tilespmem:s13+$0x200] =	vst v1  }
0x1fd: {  	v1 =	vld.idx.msk [tilespmem:v2+s18+$0x0], $0xffff  }
0x1fe: {  	v2 =	vor.u32 $0x300, v0;
	_ =	sdelay $0x3  }
0x1ff: {  	[tilespmem:s13+$0x280] =	vst v1  }
0x200: {  	v1 =	vld.idx.msk [tilespmem:v2+s18+$0x0], $0xffff  }
0x201: {  	s16 =	sand.u32 $0x3, s5;
	v0 =	vor.u32 $0x380, v0  }
0x202: {  	s4 =	sshll.u32 s16, $0x5  }
0x203: {  	s4 =	sadd.s32 $0x0, s4  }
0x204: {  	s6 =	sor.u32 $0x300, s4  }
0x205: {  	[tilespmem:s6+$0x11800] =	vst v1  }
0x206: {  	v0 =	vld.idx.msk [tilespmem:v0+s18+$0x0], $0xffff;
	_ =	sdelay $0x2  }
0x207: {  	s20 =	sor.u32 s5, s5  }
0x208: {  	s1 =	sor.u32 $0x10, s1;
	s6 =	sor.u32 $0x380, s20  }
0x209: {  	s2 =	sadd.s32 s1, s2;
	[tilespmem:s6+$0x11800] =	vst v0  }
0x20a: {  	v0 =	vld [tilespmem:s2+$0x0];
	_ =	sdelay $0x4  }
0x20b: {  	v1 =	vshll.u32 v0, $0x3  }
0x20c: {  	v0 =	vand.u32 $0x7F, v0;
	v1 =	vand.u32 $0xFFFFFC00, v1  }
0x20d: {  	v0 =	vor.u32 v0, v1;
	_ =	sdelay $0x4  }
0x20e: {  	v1 =	vld.idx.msk [tilespmem:v0+s18+$0x0], $0xffff  }
0x20f: {  	v2 =	vor.u32 $0x80, v0;
	_ =	sdelay $0x2  }
0x210: {  	s0 =	sor.u32 s1, s0  }
0x211: {  	[tilespmem:s0+$0x0] =	vst v1  }
0x212: {  	v1 =	vld.idx.msk [tilespmem:v2+s18+$0x0], $0xffff  }
0x213: {  	v2 =	vor.u32 $0x100, v0;
	_ =	sdelay $0x3  }
0x214: {  	[tilespmem:s0+$0x80] =	vst v1  }
0x215: {  	v1 =	vld.idx.msk [tilespmem:v2+s18+$0x0], $0xffff  }
0x216: {  	v2 =	vor.u32 $0x180, v0;
	_ =	sdelay $0x3  }
0x217: {  	[tilespmem:s0+$0x100] =	vst v1  }
0x218: {  	v1 =	vld.idx.msk [tilespmem:v2+s18+$0x0], $0xffff  }
0x219: {  	v2 =	vor.u32 $0x200, v0;
	_ =	sdelay $0x3  }
0x21a: {  	[tilespmem:s0+$0x180] =	vst v1  }
0x21b: {  	v1 =	vld.idx.msk [tilespmem:v2+s18+$0x0], $0xffff  }
0x21c: {  	v2 =	vor.u32 $0x280, v0;
	_ =	sdelay $0x3  }
0x21d: {  	[tilespmem:s0+$0x200] =	vst v1  }
0x21e: {  	v1 =	vld.idx.msk [tilespmem:v2+s18+$0x0], $0xffff  }
0x21f: {  	v2 =	vor.u32 $0x300, v0;
	_ =	sdelay $0x3  }
0x220: {  	[tilespmem:s0+$0x280] =	vst v1  }
0x221: {  	v1 =	vld.idx.msk [tilespmem:v2+s18+$0x0], $0xffff  }
0x222: {  	v0 =	vor.u32 $0x380, v0;
	_ =	sdelay $0x1  }
0x223: {  	s4 =	sadd.s32 $0x10, s4  }
0x224: {  	s21 =	sor.u32 $0x300, s4  }
0x225: {  	[tilespmem:s21+$0x11800] =	vst v1  }
0x226: {  	s1 =	simm.s32 $0x100;
	v0 =	vld.idx.msk [tilespmem:v0+s18+$0x0], $0xffff  }
0x227: {  	s30 =	smov.u32 s19;
	s22 =	sand.u32 $0x1C00, s1  }
0x228: {  	s16 =	sadd.s32 s22, s9;
	s4 =	sor.u32 $0x380, s4;
	s0 =	simm.s32 $0x20  }
0x229: {  	s13 =	sadd.s32 $0x11800, s22;
	s2 =	simm.s32 $0x40;
	s20 =	sand.u32 $0x60, s0  }
.LBB3_13:
0x22a: {  	s12 =	sadd.s32 s20, s16  }
0x22b: {  	[tilespmem:s4+$0x11800] =	vst v0;
	s5 =	sadd.s32 $0x1, s5;
	s4 =	smov.u32 s2;
	s6 =	sadd.s32 $0x20, s2  }
0x22c: {  	p0 =	sne.s32 s2, $0x3E0;
	v0 =	vld [tilespmem:s12+$0x0];
	_ =	sdelay $0x4  }
0x22d: {  	v1 =	vshll.u32 v0, $0x3  }
0x22e: {  	v0 =	vand.u32 $0x7F, v0;
	v1 =	vand.u32 $0xFFFFFC00, v1  }
0x22f: {  	v0 =	vor.u32 v0, v1;
	_ =	sdelay $0x4  }
0x230: {  	v1 =	vld.idx.msk [tilespmem:v0+s18+$0x0], $0xffff;
	_ =	sdelay $0x1  }
0x231: {  	v2 =	vor.u32 $0x80, v0;
	_ =	sdelay $0x2  }
0x232: {  	s2 =	sor.u32 s20, s13  }
0x233: {  	[tilespmem:s2+$0x0] =	vst v1  }
0x234: {  	v1 =	vld.idx.msk [tilespmem:v2+s18+$0x0], $0xffff;
	_ =	sdelay $0x1  }
0x235: {  	v2 =	vor.u32 $0x100, v0;
	_ =	sdelay $0x3  }
0x236: {  	[tilespmem:s2+$0x80] =	vst v1  }
0x237: {  	v1 =	vld.idx.msk [tilespmem:v2+s18+$0x0], $0xffff;
	_ =	sdelay $0x1  }
0x238: {  	v2 =	vor.u32 $0x180, v0;
	_ =	sdelay $0x3  }
0x239: {  	[tilespmem:s2+$0x100] =	vst v1  }
0x23a: {  	v1 =	vld.idx.msk [tilespmem:v2+s18+$0x0], $0xffff;
	_ =	sdelay $0x1  }
0x23b: {  	v2 =	vor.u32 $0x200, v0;
	_ =	sdelay $0x3  }
0x23c: {  	[tilespmem:s2+$0x180] =	vst v1  }
0x23d: {  	v1 =	vld.idx.msk [tilespmem:v2+s18+$0x0], $0xffff;
	_ =	sdelay $0x1  }
0x23e: {  	v2 =	vor.u32 $0x280, v0;
	_ =	sdelay $0x3  }
0x23f: {  	[tilespmem:s2+$0x200] =	vst v1  }
0x240: {  	v1 =	vld.idx.msk [tilespmem:v2+s18+$0x0], $0xffff;
	_ =	sdelay $0x1  }
0x241: {  	v2 =	vor.u32 $0x300, v0;
	_ =	sdelay $0x3  }
0x242: {  	[tilespmem:s2+$0x280] =	vst v1  }
0x243: {  	v1 =	vld.idx.msk [tilespmem:v2+s18+$0x0], $0xffff;
	_ =	sdelay $0x1  }
0x244: {  	v0 =	vor.u32 $0x380, v0;
	s2 =	sand.u32 $0x3, s5  }
0x245: {  	s2 =	sshll.u32 s2, $0x5  }
0x246: {  	s2 =	sadd.s32 s2, s1  }
0x247: {  	s12 =	sor.u32 $0x300, s2;
	s2 =	sadd.s32 $0x10, s2  }
0x248: {  	[tilespmem:s12+$0x11800] =	vst v1  }
0x249: {  	v0 =	vld.idx.msk [tilespmem:v0+s18+$0x0], $0xffff;
	_ =	sdelay $0x3  }
0x24a: {  	s12 =	sor.u32 s1, s0;
	s0 =	smov.u32 s4  }
0x24b: {  	s4 =	sor.u32 $0x380, s12;
	s12 =	sor.u32 $0x10, s20  }
0x24c: {  	[tilespmem:s4+$0x11800] =	vst v0;
	s4 =	sadd.s32 s12, s16  }
0x24d: {  	v0 =	vld [tilespmem:s4+$0x0];
	_ =	sdelay $0x4  }
0x24e: {  	v1 =	vshll.u32 v0, $0x3  }
0x24f: {  	v0 =	vand.u32 $0x7F, v0;
	v1 =	vand.u32 $0xFFFFFC00, v1  }
0x250: {  	v0 =	vor.u32 v0, v1;
	_ =	sdelay $0x4  }
0x251: {  	v1 =	vld.idx.msk [tilespmem:v0+s18+$0x0], $0xffff;
	_ =	sdelay $0x1  }
0x252: {  	v2 =	vor.u32 $0x80, v0;
	_ =	sdelay $0x2  }
0x253: {  	s4 =	sor.u32 s12, s13  }
0x254: {  	[tilespmem:s4+$0x0] =	vst v1  }
0x255: {  	v1 =	vld.idx.msk [tilespmem:v2+s18+$0x0], $0xffff;
	_ =	sdelay $0x1  }
0x256: {  	v2 =	vor.u32 $0x100, v0;
	_ =	sdelay $0x3  }
0x257: {  	[tilespmem:s4+$0x80] =	vst v1  }
0x258: {  	v1 =	vld.idx.msk [tilespmem:v2+s18+$0x0], $0xffff;
	_ =	sdelay $0x1  }
0x259: {  	v2 =	vor.u32 $0x180, v0;
	_ =	sdelay $0x3  }
0x25a: {  	[tilespmem:s4+$0x100] =	vst v1  }
0x25b: {  	v1 =	vld.idx.msk [tilespmem:v2+s18+$0x0], $0xffff;
	_ =	sdelay $0x1  }
0x25c: {  	v2 =	vor.u32 $0x200, v0;
	_ =	sdelay $0x3  }
0x25d: {  	[tilespmem:s4+$0x180] =	vst v1  }
0x25e: {  	v1 =	vld.idx.msk [tilespmem:v2+s18+$0x0], $0xffff;
	_ =	sdelay $0x1  }
0x25f: {  	v2 =	vor.u32 $0x280, v0;
	_ =	sdelay $0x3  }
0x260: {  	[tilespmem:s4+$0x200] =	vst v1  }
0x261: {  	v1 =	vld.idx.msk [tilespmem:v2+s18+$0x0], $0xffff;
	_ =	sdelay $0x1  }
0x262: {  	v2 =	vor.u32 $0x300, v0;
	_ =	sdelay $0x3  }
0x263: {  	[tilespmem:s4+$0x280] =	vst v1  }
0x264: {  	v1 =	vld.idx.msk [tilespmem:v2+s18+$0x0], $0xffff;
	_ =	sdelay $0x1  }
0x265: {  	v0 =	vor.u32 $0x380, v0;
	_ =	sdelay $0x2  }
0x266: {  	s4 =	sor.u32 $0x300, s2  }
0x267: {  	[tilespmem:s4+$0x11800] =	vst v1  }
0x268: {  	v0 =	vld.idx.msk [tilespmem:v0+s18+$0x0], $0xffff  }
.Ltmp6:
0x269: {  	(pc) =	sbr.rel @p0 .LBB3_13-.Ltmp6, $4  }
0x26a: {  	_ = 	snop  }
0x26b: {  	s1 =	sadd.s32 $0x100, s1  }
0x26c: {  	s20 =	sand.u32 $0x60, s0;
	s12 =	sand.u32 $0x1C00, s1;
	s4 =	sor.u32 $0x380, s2  }
0x26d: {  	s16 =	sadd.s32 s12, s9;
	s13 =	sadd.s32 $0x11800, s12;
	s2 =	smov.u32 s6  }
0x26e: {  	s2 =	sadd.s32 s20, s16;
	[tilespmem:s4+$0x11800] =	vst v0  }
0x26f: {  	v0 =	vld [tilespmem:s2+$0x0];
	_ =	sdelay $0x4  }
0x270: {  	v1 =	vshll.u32 v0, $0x3  }
0x271: {  	v0 =	vand.u32 $0x7F, v0;
	v1 =	vand.u32 $0xFFFFFC00, v1  }
0x272: {  	v0 =	vor.u32 v0, v1;
	_ =	sdelay $0x4  }
0x273: {  	v1 =	vld.idx.msk [tilespmem:v0+s18+$0x0], $0xffff  }
0x274: {  	v2 =	vor.u32 $0x80, v0;
	_ =	sdelay $0x2  }
0x275: {  	s4 =	sor.u32 s20, s13  }
0x276: {  	[tilespmem:s4+$0x0] =	vst v1  }
0x277: {  	v1 =	vld.idx.msk [tilespmem:v2+s18+$0x0], $0xffff  }
0x278: {  	v52 =	vor.u32 $0x100, v0;
	_ =	sdelay $0x3  }
0x279: {  	[tilespmem:s4+$0x80] =	vst v1  }
0x27a: {  	v1 =	vld.idx.msk [tilespmem:v52+s18+$0x0], $0xffff  }
0x27b: {  	v53 =	vor.u32 $0x180, v0;
	_ =	sdelay $0x3  }
0x27c: {  	[tilespmem:s4+$0x100] =	vst v1  }
0x27d: {  	v1 =	vld.idx.msk [tilespmem:v53+s18+$0x0], $0xffff  }
0x27e: {  	v54 =	vor.u32 $0x200, v0;
	_ =	sdelay $0x3  }
0x27f: {  	[tilespmem:s4+$0x180] =	vst v1  }
0x280: {  	v1 =	vld.idx.msk [tilespmem:v54+s18+$0x0], $0xffff  }
0x281: {  	v55 =	vor.u32 $0x280, v0;
	_ =	sdelay $0x3  }
0x282: {  	[tilespmem:s4+$0x200] =	vst v1  }
0x283: {  	v1 =	vld.idx.msk [tilespmem:v55+s18+$0x0], $0xffff  }
0x284: {  	v56 =	vor.u32 $0x300, v0;
	_ =	sdelay $0x3  }
0x285: {  	[tilespmem:s4+$0x280] =	vst v1  }
0x286: {  	s5 =	sadd.s32 $0x1, s5;
	v1 =	vld.idx.msk [tilespmem:v56+s18+$0x0], $0xffff  }
0x287: {  	s2 =	sand.u32 $0x3, s5;
	v0 =	vor.u32 $0x380, v0  }
0x288: {  	s2 =	sshll.u32 s2, $0x5  }
0x289: {  	s2 =	sadd.s32 s2, s1  }
0x28a: {  	s6 =	sor.u32 $0x300, s2  }
0x28b: {  	[tilespmem:s6+$0x11800] =	vst v1  }
0x28c: {  	v0 =	vld.idx.msk [tilespmem:v0+s18+$0x0], $0xffff;
	_ =	sdelay $0x2  }
0x28d: {  	s0 =	sor.u32 s1, s0  }
0x28e: {  	s9 =	sor.u32 $0x10, s20;
	s0 =	sor.u32 $0x380, s0  }
0x28f: {  	s12 =	sadd.s32 s9, s16;
	[tilespmem:s0+$0x11800] =	vst v0  }
0x290: {  	v0 =	vld [tilespmem:s12+$0x0];
	_ =	sdelay $0x4  }
0x291: {  	v57 =	vshll.u32 v0, $0x3  }
0x292: {  	v0 =	vand.u32 $0x7F, v0;
	v1 =	vand.u32 $0xFFFFFC00, v57  }
0x293: {  	v0 =	vor.u32 v0, v1;
	_ =	sdelay $0x4  }
0x294: {  	v1 =	vld.idx.msk [tilespmem:v0+s18+$0x0], $0xffff  }
0x295: {  	v58 =	vor.u32 $0x80, v0;
	_ =	sdelay $0x2  }
0x296: {  	s13 =	sor.u32 s9, s13  }
0x297: {  	[tilespmem:s13+$0x0] =	vst v1  }
0x298: {  	v1 =	vld.idx.msk [tilespmem:v58+s18+$0x0], $0xffff  }
0x299: {  	v59 =	vor.u32 $0x100, v0;
	_ =	sdelay $0x3  }
0x29a: {  	[tilespmem:s13+$0x80] =	vst v1  }
0x29b: {  	v1 =	vld.idx.msk [tilespmem:v59+s18+$0x0], $0xffff  }
0x29c: {  	v60 =	vor.u32 $0x180, v0;
	_ =	sdelay $0x3  }
0x29d: {  	[tilespmem:s13+$0x100] =	vst v1  }
0x29e: {  	v1 =	vld.idx.msk [tilespmem:v60+s18+$0x0], $0xffff  }
0x29f: {  	v61 =	vor.u32 $0x200, v0;
	_ =	sdelay $0x3  }
0x2a0: {  	[tilespmem:s13+$0x180] =	vst v1  }
0x2a1: {  	v1 =	vld.idx.msk [tilespmem:v61+s18+$0x0], $0xffff  }
0x2a2: {  	v62 =	vor.u32 $0x280, v0;
	_ =	sdelay $0x3  }
0x2a3: {  	[tilespmem:s13+$0x200] =	vst v1  }
0x2a4: {  	v1 =	vld.idx.msk [tilespmem:v62+s18+$0x0], $0xffff  }
0x2a5: {  	v63 =	vor.u32 $0x300, v0;
	_ =	sdelay $0x3  }
0x2a6: {  	[tilespmem:s13+$0x280] =	vst v1  }
0x2a7: {  	v1 =	vld.idx.msk [tilespmem:v63+s18+$0x0], $0xffff  }
0x2a8: {  	v0 =	vor.u32 $0x380, v0;
	_ =	sdelay $0x1  }
0x2a9: {  	s16 =	sadd.s32 $0x10, s2  }
0x2aa: {  	s19 =	sor.u32 $0x300, s16  }
0x2ab: {  	[tilespmem:s19+$0x11800] =	vst v1  }
0x2ac: {  	v0 =	vld.idx.msk [tilespmem:v0+s18+$0x0], $0xffff  }
0x2ad: {  	s7 =	sadd.s32 $0x1, s7  }
0x2ae: {  	p0 =	sne.s32 s7, $0x4  }
.Ltmp7:
0x2af: {  	s20 =	sshll.u32 s8, $0x10;
	(pc) =	sbr.rel @p0 .LBB3_6-.Ltmp7, $4  }
0x2b0: {  	s1 =	sadd.s32 s15, s20;
	s0 =	sor.u32 $0x380, s16  }
0x2b1: {  	s21 =	sshrl.u32 s1, $0x3;
	[tilespmem:s0+$0x11800] =	vst v0  }
0x2b2: {  	s22 =	simm.s32 $0x11800;
	s0 =	sadd.s32 s24, s21;
	[bflag:$0x0] =	sbarrier.arrive $0xFFFF  }
0x2b3: {  	[hbm4b:s0+s10] =	stream.linear.scatter [tilespmem:s22], [sflag:$0x8], $0x2000, $0x38;
	[tilespmem:$0x1B800] =	vst v63  }
0x2b4: {  	s0 =	simm.s32 $0x7  }
0x2b5: {  	_ =	swait.ge [sflag:s0], $0x2000  }
0x2b6: {  	[sflag:s0] =	ssyncset.done $0x0  }
0x2b7: {  	s21 =	simm.s32 $0x8;
	[sflag:s0] =	ssyncadd.s32 $0xFFFFE000  }
0x2b8: {  	_ =	swait.ge [sflag:s21], $0x2000  }
0x2b9: {  	s3 =	simm.s32 $0x0;
	s7 =	simm.s32 $0x0;
	[sflag:s21] =	ssyncset.done $0x0  }
0x2ba: {  	s19 =	simm.s32 $0x5;
	s22 =	rddreg [dreg:$0x19];
	[sflag:s21] =	ssyncadd.s32 $0xFFFFE000  }
0x2bb: {  	[tilespmem:s31], [sflag:$0x5] =	stream.linear.gather [hbm4b:s22+s3], $0x4000, $0x38;
	[tilespmem:$0x1B800] =	vst v63  }
.LBB3_16:
0x2bc: {  	p1 =	sgt.u32 s7, $0x9;
	s0 =	simm.s32 $0x1  }
0x2bd: {  	s1 =	simm.s32 $0x1FFFFFEC;
	s0 =	simm.s32 @!p1 $0x0  }
0x2be: {  	s16 =	sshll.u32 s7, $0x1;
	s1 =	simm.s32 @!p1 $0x0;
	s15 =	sor.u32 s0, s17  }
0x2bf: {  	s1 =	sadd.s32 s16, s1;
	s2 =	smul.u32 $0xA000, s15  }
0x2c0: {  	s4 =	rddreg [dreg:$0x3];
	s8 =	sor.u32 $0x1, s1  }
0x2c1: {  	s1 =	sshll.u32 s8, $0xB;
	s2 =	sadd.s32 s4, s2  }
0x2c2: {  	s1 =	sadd.s32 s1, s2  }
0x2c3: {  	[tilespmem:s18], [sflag:$0x6] =	stream.linear.gather [hbm4b:s1+s10], $0x4000, $0x38;
	[tilespmem:$0x1B800] =	vst v63  }
0x2c4: {  	_ =	swait.ge [sflag:s19], $0x4000  }
0x2c5: {  	p0 =	seq.s32 s7, $0x0;
	[sflag:s19] =	ssyncset.done $0x0  }
0x2c6: {  	s0 =	sor.u32 s0, s29;
	s1 =	simm.s32 @!p0 $0x7;
	[sflag:s19] =	ssyncadd.s32 $0xFFFFC000  }
0x2c7: {  	s13 =	sand.u32 $0x1C00, s3;
	s9 =	sshll.u32 s0, $0x7;
	_ =	swait.ge @!p0 [sflag:s1], $0x2000  }
0x2c8: {  	s20 =	sand.u32 $0x60, s3;
	s21 =	sor.u32 s13, s9;
	[sflag:s1] =	ssyncset.done @!p0 $0x0  }
0x2c9: {  	s22 =	sadd.s32 s20, s21;
	[sflag:s1] =	ssyncadd.s32 @!p0 $0xFFFFE000  }
0x2ca: {  	v0 =	vld [tilespmem:s22+$0x0];
	_ =	sdelay $0x4  }
0x2cb: {  	v1 =	vshll.u32 v0, $0x3  }
0x2cc: {  	v0 =	vand.u32 $0x7F, v0;
	v1 =	vand.u32 $0xFFFFFC00, v1  }
0x2cd: {  	v0 =	vor.u32 v0, v1;
	_ =	sdelay $0x4  }
0x2ce: {  	v1 =	vld.idx.msk [tilespmem:v0+s31+$0x0], $0xffff  }
0x2cf: {  	v2 =	vor.u32 $0x80, v0;
	_ =	sdelay $0x1  }
0x2d0: {  	s0 =	sadd.s32 $0xF800, s13  }
0x2d1: {  	s5 =	sor.u32 s20, s0  }
0x2d2: {  	[tilespmem:s5+$0x0] =	vst v1  }
0x2d3: {  	v1 =	vld.idx.msk [tilespmem:v2+s31+$0x0], $0xffff  }
0x2d4: {  	v2 =	vor.u32 $0x100, v0;
	_ =	sdelay $0x3  }
0x2d5: {  	[tilespmem:s5+$0x80] =	vst v1  }
0x2d6: {  	v1 =	vld.idx.msk [tilespmem:v2+s31+$0x0], $0xffff  }
0x2d7: {  	v2 =	vor.u32 $0x180, v0;
	_ =	sdelay $0x3  }
0x2d8: {  	[tilespmem:s5+$0x100] =	vst v1  }
0x2d9: {  	v1 =	vld.idx.msk [tilespmem:v2+s31+$0x0], $0xffff  }
0x2da: {  	v2 =	vor.u32 $0x200, v0;
	_ =	sdelay $0x3  }
0x2db: {  	[tilespmem:s5+$0x180] =	vst v1  }
0x2dc: {  	v1 =	vld.idx.msk [tilespmem:v2+s31+$0x0], $0xffff  }
0x2dd: {  	v2 =	vor.u32 $0x280, v0;
	_ =	sdelay $0x3  }
0x2de: {  	[tilespmem:s5+$0x200] =	vst v1  }
0x2df: {  	v1 =	vld.idx.msk [tilespmem:v2+s31+$0x0], $0xffff  }
0x2e0: {  	v2 =	vor.u32 $0x300, v0;
	_ =	sdelay $0x3  }
0x2e1: {  	[tilespmem:s5+$0x280] =	vst v1  }
0x2e2: {  	v1 =	vld.idx.msk [tilespmem:v2+s31+$0x0], $0xffff  }
0x2e3: {  	s6 =	sand.u32 $0x3, s3;
	v0 =	vor.u32 $0x380, v0  }
0x2e4: {  	s1 =	sshll.u32 s6, $0x5  }
0x2e5: {  	s1 =	sadd.s32 $0x0, s1  }
0x2e6: {  	s5 =	sor.u32 $0x300, s1  }
0x2e7: {  	[tilespmem:s5+$0xF800] =	vst v1  }
0x2e8: {  	v0 =	vld.idx.msk [tilespmem:v0+s31+$0x0], $0xffff;
	_ =	sdelay $0x2  }
0x2e9: {  	s12 =	sor.u32 s3, s3  }
0x2ea: {  	s2 =	sor.u32 $0x10, s20;
	s5 =	sor.u32 $0x380, s12  }
0x2eb: {  	s4 =	sadd.s32 s2, s21;
	[tilespmem:s5+$0xF800] =	vst v0  }
0x2ec: {  	v0 =	vld [tilespmem:s4+$0x0];
	_ =	sdelay $0x4  }
0x2ed: {  	v1 =	vshll.u32 v0, $0x3  }
0x2ee: {  	v0 =	vand.u32 $0x7F, v0;
	v1 =	vand.u32 $0xFFFFFC00, v1  }
0x2ef: {  	v0 =	vor.u32 v0, v1;
	_ =	sdelay $0x4  }
0x2f0: {  	v1 =	vld.idx.msk [tilespmem:v0+s31+$0x0], $0xffff  }
0x2f1: {  	v2 =	vor.u32 $0x80, v0;
	_ =	sdelay $0x2  }
0x2f2: {  	s0 =	sor.u32 s2, s0  }
0x2f3: {  	[tilespmem:s0+$0x0] =	vst v1  }
0x2f4: {  	v1 =	vld.idx.msk [tilespmem:v2+s31+$0x0], $0xffff  }
0x2f5: {  	v2 =	vor.u32 $0x100, v0;
	_ =	sdelay $0x3  }
0x2f6: {  	[tilespmem:s0+$0x80] =	vst v1  }
0x2f7: {  	v1 =	vld.idx.msk [tilespmem:v2+s31+$0x0], $0xffff  }
0x2f8: {  	v2 =	vor.u32 $0x180, v0;
	_ =	sdelay $0x3  }
0x2f9: {  	[tilespmem:s0+$0x100] =	vst v1  }
0x2fa: {  	v1 =	vld.idx.msk [tilespmem:v2+s31+$0x0], $0xffff  }
0x2fb: {  	v2 =	vor.u32 $0x200, v0;
	_ =	sdelay $0x3  }
0x2fc: {  	[tilespmem:s0+$0x180] =	vst v1  }
0x2fd: {  	v1 =	vld.idx.msk [tilespmem:v2+s31+$0x0], $0xffff  }
0x2fe: {  	v2 =	vor.u32 $0x280, v0;
	_ =	sdelay $0x3  }
0x2ff: {  	[tilespmem:s0+$0x200] =	vst v1  }
0x300: {  	v1 =	vld.idx.msk [tilespmem:v2+s31+$0x0], $0xffff  }
0x301: {  	v2 =	vor.u32 $0x300, v0;
	_ =	sdelay $0x3  }
0x302: {  	[tilespmem:s0+$0x280] =	vst v1  }
0x303: {  	v1 =	vld.idx.msk [tilespmem:v2+s31+$0x0], $0xffff  }
0x304: {  	v0 =	vor.u32 $0x380, v0;
	_ =	sdelay $0x1  }
0x305: {  	s13 =	sadd.s32 $0x10, s1  }
0x306: {  	s6 =	sor.u32 $0x300, s13  }
0x307: {  	s1 =	simm.s32 $0x100;
	[tilespmem:s6+$0xF800] =	vst v1  }
0x308: {  	s20 =	sand.u32 $0x1C00, s1;
	s0 =	simm.s32 $0x1FEC;
	v0 =	vld.idx.msk [tilespmem:v0+s31+$0x0], $0xffff  }
0x309: {  	s2 =	simm.s32 $0x40;
	s21 =	sor.u32 s20, s9;
	s0 =	simm.s32 @!p1 $0x0  }
0x30a: {  	s20 =	sadd.s32 $0xF800, s20;
	s5 =	sadd.s32 s16, s0;
	s0 =	simm.s32 $0x20  }
0x30b: {  	s4 =	sor.u32 $0x380, s13;
	s22 =	sand.u32 $0x60, s0;
	s6 =	simm.s32 $0x0  }
.LBB3_17:
0x30c: {  	s12 =	sadd.s32 s22, s21  }
0x30d: {  	[tilespmem:s4+$0xF800] =	vst v0;
	s6 =	sadd.s32 $0x1, s6;
	s4 =	smov.u32 s2;
	s13 =	sadd.s32 $0x20, s2  }
0x30e: {  	p1 =	sne.s32 s2, $0x3E0;
	v0 =	vld [tilespmem:s12+$0x0];
	_ =	sdelay $0x4  }
0x30f: {  	v1 =	vshll.u32 v0, $0x3  }
0x310: {  	v0 =	vand.u32 $0x7F, v0;
	v1 =	vand.u32 $0xFFFFFC00, v1  }
0x311: {  	v0 =	vor.u32 v0, v1;
	_ =	sdelay $0x4  }
0x312: {  	v1 =	vld.idx.msk [tilespmem:v0+s31+$0x0], $0xffff;
	_ =	sdelay $0x1  }
0x313: {  	v2 =	vor.u32 $0x80, v0;
	_ =	sdelay $0x2  }
0x314: {  	s2 =	sor.u32 s22, s20  }
0x315: {  	[tilespmem:s2+$0x0] =	vst v1  }
0x316: {  	v1 =	vld.idx.msk [tilespmem:v2+s31+$0x0], $0xffff;
	_ =	sdelay $0x1  }
0x317: {  	v2 =	vor.u32 $0x100, v0;
	_ =	sdelay $0x3  }
0x318: {  	[tilespmem:s2+$0x80] =	vst v1  }
0x319: {  	v1 =	vld.idx.msk [tilespmem:v2+s31+$0x0], $0xffff;
	_ =	sdelay $0x1  }
0x31a: {  	v2 =	vor.u32 $0x180, v0;
	_ =	sdelay $0x3  }
0x31b: {  	[tilespmem:s2+$0x100] =	vst v1  }
0x31c: {  	v1 =	vld.idx.msk [tilespmem:v2+s31+$0x0], $0xffff;
	_ =	sdelay $0x1  }
0x31d: {  	v2 =	vor.u32 $0x200, v0;
	_ =	sdelay $0x3  }
0x31e: {  	[tilespmem:s2+$0x180] =	vst v1  }
0x31f: {  	v1 =	vld.idx.msk [tilespmem:v2+s31+$0x0], $0xffff;
	_ =	sdelay $0x1  }
0x320: {  	v2 =	vor.u32 $0x280, v0;
	_ =	sdelay $0x3  }
0x321: {  	[tilespmem:s2+$0x200] =	vst v1  }
0x322: {  	v1 =	vld.idx.msk [tilespmem:v2+s31+$0x0], $0xffff;
	_ =	sdelay $0x1  }
0x323: {  	v2 =	vor.u32 $0x300, v0;
	_ =	sdelay $0x3  }
0x324: {  	[tilespmem:s2+$0x280] =	vst v1  }
0x325: {  	v1 =	vld.idx.msk [tilespmem:v2+s31+$0x0], $0xffff;
	_ =	sdelay $0x1  }
0x326: {  	v0 =	vor.u32 $0x380, v0;
	s2 =	sand.u32 $0x3, s6  }
0x327: {  	s2 =	sshll.u32 s2, $0x5  }
0x328: {  	s2 =	sadd.s32 s2, s1  }
0x329: {  	s12 =	sor.u32 $0x300, s2;
	s2 =	sadd.s32 $0x10, s2  }
0x32a: {  	[tilespmem:s12+$0xF800] =	vst v1  }
0x32b: {  	v0 =	vld.idx.msk [tilespmem:v0+s31+$0x0], $0xffff;
	_ =	sdelay $0x3  }
0x32c: {  	s12 =	sor.u32 s1, s0;
	s0 =	smov.u32 s4  }
0x32d: {  	s4 =	sor.u32 $0x380, s12;
	s12 =	sor.u32 $0x10, s22  }
0x32e: {  	[tilespmem:s4+$0xF800] =	vst v0;
	s4 =	sadd.s32 s12, s21  }
0x32f: {  	v0 =	vld [tilespmem:s4+$0x0];
	_ =	sdelay $0x4  }
0x330: {  	v1 =	vshll.u32 v0, $0x3  }
0x331: {  	v0 =	vand.u32 $0x7F, v0;
	v1 =	vand.u32 $0xFFFFFC00, v1  }
0x332: {  	v0 =	vor.u32 v0, v1;
	_ =	sdelay $0x4  }
0x333: {  	v1 =	vld.idx.msk [tilespmem:v0+s31+$0x0], $0xffff;
	_ =	sdelay $0x1  }
0x334: {  	v2 =	vor.u32 $0x80, v0;
	_ =	sdelay $0x2  }
0x335: {  	s4 =	sor.u32 s12, s20  }
0x336: {  	[tilespmem:s4+$0x0] =	vst v1  }
0x337: {  	v1 =	vld.idx.msk [tilespmem:v2+s31+$0x0], $0xffff;
	_ =	sdelay $0x1  }
0x338: {  	v2 =	vor.u32 $0x100, v0;
	_ =	sdelay $0x3  }
0x339: {  	[tilespmem:s4+$0x80] =	vst v1  }
0x33a: {  	v1 =	vld.idx.msk [tilespmem:v2+s31+$0x0], $0xffff;
	_ =	sdelay $0x1  }
0x33b: {  	v2 =	vor.u32 $0x180, v0;
	_ =	sdelay $0x3  }
0x33c: {  	[tilespmem:s4+$0x100] =	vst v1  }
0x33d: {  	v1 =	vld.idx.msk [tilespmem:v2+s31+$0x0], $0xffff;
	_ =	sdelay $0x1  }
0x33e: {  	v2 =	vor.u32 $0x200, v0;
	_ =	sdelay $0x3  }
0x33f: {  	[tilespmem:s4+$0x180] =	vst v1  }
0x340: {  	v1 =	vld.idx.msk [tilespmem:v2+s31+$0x0], $0xffff;
	_ =	sdelay $0x1  }
0x341: {  	v2 =	vor.u32 $0x280, v0;
	_ =	sdelay $0x3  }
0x342: {  	[tilespmem:s4+$0x200] =	vst v1  }
0x343: {  	v1 =	vld.idx.msk [tilespmem:v2+s31+$0x0], $0xffff;
	_ =	sdelay $0x1  }
0x344: {  	v2 =	vor.u32 $0x300, v0;
	_ =	sdelay $0x3  }
0x345: {  	[tilespmem:s4+$0x280] =	vst v1  }
0x346: {  	v1 =	vld.idx.msk [tilespmem:v2+s31+$0x0], $0xffff;
	_ =	sdelay $0x1  }
0x347: {  	v0 =	vor.u32 $0x380, v0;
	_ =	sdelay $0x2  }
0x348: {  	s4 =	sor.u32 $0x300, s2  }
0x349: {  	[tilespmem:s4+$0xF800] =	vst v1  }
0x34a: {  	v0 =	vld.idx.msk [tilespmem:v0+s31+$0x0], $0xffff  }
.Ltmp8:
0x34b: {  	(pc) =	sbr.rel @p1 .LBB3_17-.Ltmp8, $4  }
0x34c: {  	_ = 	snop  }
0x34d: {  	s1 =	sadd.s32 $0x100, s1  }
0x34e: {  	s22 =	sand.u32 $0x60, s0;
	s12 =	sand.u32 $0x1C00, s1;
	s4 =	sor.u32 $0x380, s2  }
0x34f: {  	s21 =	sor.u32 s12, s9;
	s20 =	sadd.s32 $0xF800, s12;
	s2 =	smov.u32 s13  }
0x350: {  	s2 =	sadd.s32 s22, s21;
	[tilespmem:s4+$0xF800] =	vst v0  }
0x351: {  	v0 =	vld [tilespmem:s2+$0x0];
	_ =	sdelay $0x4  }
0x352: {  	v1 =	vshll.u32 v0, $0x3  }
0x353: {  	v0 =	vand.u32 $0x7F, v0;
	v1 =	vand.u32 $0xFFFFFC00, v1  }
0x354: {  	v0 =	vor.u32 v0, v1;
	_ =	sdelay $0x4  }
0x355: {  	v1 =	vld.idx.msk [tilespmem:v0+s31+$0x0], $0xffff  }
0x356: {  	v2 =	vor.u32 $0x80, v0;
	_ =	sdelay $0x2  }
0x357: {  	s4 =	sor.u32 s22, s20  }
0x358: {  	[tilespmem:s4+$0x0] =	vst v1  }
0x359: {  	v1 =	vld.idx.msk [tilespmem:v2+s31+$0x0], $0xffff  }
0x35a: {  	v52 =	vor.u32 $0x100, v0;
	_ =	sdelay $0x3  }
0x35b: {  	[tilespmem:s4+$0x80] =	vst v1  }
0x35c: {  	v1 =	vld.idx.msk [tilespmem:v52+s31+$0x0], $0xffff  }
0x35d: {  	v53 =	vor.u32 $0x180, v0;
	_ =	sdelay $0x3  }
0x35e: {  	[tilespmem:s4+$0x100] =	vst v1  }
0x35f: {  	v1 =	vld.idx.msk [tilespmem:v53+s31+$0x0], $0xffff  }
0x360: {  	v54 =	vor.u32 $0x200, v0;
	_ =	sdelay $0x3  }
0x361: {  	[tilespmem:s4+$0x180] =	vst v1  }
0x362: {  	v1 =	vld.idx.msk [tilespmem:v54+s31+$0x0], $0xffff  }
0x363: {  	v55 =	vor.u32 $0x280, v0;
	_ =	sdelay $0x3  }
0x364: {  	[tilespmem:s4+$0x200] =	vst v1  }
0x365: {  	v1 =	vld.idx.msk [tilespmem:v55+s31+$0x0], $0xffff  }
0x366: {  	v56 =	vor.u32 $0x300, v0;
	_ =	sdelay $0x3  }
0x367: {  	[tilespmem:s4+$0x280] =	vst v1  }
0x368: {  	s12 =	sadd.s32 $0x1, s6;
	v1 =	vld.idx.msk [tilespmem:v56+s31+$0x0], $0xffff  }
0x369: {  	s2 =	sand.u32 $0x3, s12;
	v0 =	vor.u32 $0x380, v0  }
0x36a: {  	s2 =	sshll.u32 s2, $0x5  }
0x36b: {  	s2 =	sadd.s32 s2, s1  }
0x36c: {  	s13 =	sor.u32 $0x300, s2  }
0x36d: {  	[tilespmem:s13+$0xF800] =	vst v1  }
0x36e: {  	v0 =	vld.idx.msk [tilespmem:v0+s31+$0x0], $0xffff;
	_ =	sdelay $0x2  }
0x36f: {  	s0 =	sor.u32 s1, s0  }
0x370: {  	s22 =	sor.u32 $0x10, s22;
	s0 =	sor.u32 $0x380, s0  }
0x371: {  	s4 =	sadd.s32 s22, s21;
	[tilespmem:s0+$0xF800] =	vst v0  }
0x372: {  	v0 =	vld [tilespmem:s4+$0x0];
	_ =	sdelay $0x4  }
0x373: {  	v57 =	vshll.u32 v0, $0x3  }
0x374: {  	v0 =	vand.u32 $0x7F, v0;
	v1 =	vand.u32 $0xFFFFFC00, v57  }
0x375: {  	v0 =	vor.u32 v0, v1;
	_ =	sdelay $0x4  }
0x376: {  	v1 =	vld.idx.msk [tilespmem:v0+s31+$0x0], $0xffff  }
0x377: {  	v58 =	vor.u32 $0x80, v0;
	_ =	sdelay $0x2  }
0x378: {  	s6 =	sor.u32 s22, s20  }
0x379: {  	[tilespmem:s6+$0x0] =	vst v1  }
0x37a: {  	v1 =	vld.idx.msk [tilespmem:v58+s31+$0x0], $0xffff  }
0x37b: {  	v59 =	vor.u32 $0x100, v0;
	_ =	sdelay $0x3  }
0x37c: {  	[tilespmem:s6+$0x80] =	vst v1  }
0x37d: {  	v1 =	vld.idx.msk [tilespmem:v59+s31+$0x0], $0xffff  }
0x37e: {  	v60 =	vor.u32 $0x180, v0;
	_ =	sdelay $0x3  }
0x37f: {  	[tilespmem:s6+$0x100] =	vst v1  }
0x380: {  	v1 =	vld.idx.msk [tilespmem:v60+s31+$0x0], $0xffff  }
0x381: {  	v61 =	vor.u32 $0x200, v0;
	_ =	sdelay $0x3  }
0x382: {  	[tilespmem:s6+$0x180] =	vst v1  }
0x383: {  	v1 =	vld.idx.msk [tilespmem:v61+s31+$0x0], $0xffff  }
0x384: {  	v62 =	vor.u32 $0x280, v0;
	_ =	sdelay $0x3  }
0x385: {  	[tilespmem:s6+$0x200] =	vst v1  }
0x386: {  	v1 =	vld.idx.msk [tilespmem:v62+s31+$0x0], $0xffff  }
0x387: {  	v63 =	vor.u32 $0x300, v0;
	_ =	sdelay $0x3  }
0x388: {  	[tilespmem:s6+$0x280] =	vst v1  }
0x389: {  	v1 =	vld.idx.msk [tilespmem:v63+s31+$0x0], $0xffff  }
0x38a: {  	v0 =	vor.u32 $0x380, v0;
	_ =	sdelay $0x1  }
0x38b: {  	s12 =	sadd.s32 $0x10, s2  }
0x38c: {  	s13 =	sor.u32 $0x300, s12  }
0x38d: {  	[tilespmem:s13+$0xF800] =	vst v1  }
0x38e: {  	v0 =	vld.idx.msk [tilespmem:v0+s31+$0x0], $0xffff;
	_ =	sdelay $0x1  }
0x38f: {  	p1 =	sgt.u32 s7, $0xB  }
.Ltmp9:
0x390: {  	s15 =	sshll.u32 s15, $0xD;
	s20 =	sshll.u32 s5, $0x13;
	(pc) =	sbr.rel @p1 .LBB3_21-.Ltmp9, $4  }
0x391: {  	s1 =	sor.u32 s15, s20;
	s0 =	sor.u32 $0x380, s12  }
0x392: {  	s21 =	sshrl.u32 s1, $0x3;
	[tilespmem:s0+$0xF800] =	vst v0  }
0x393: {  	s22 =	simm.s32 $0xF800;
	s0 =	sadd.s32 s26, s21;
	[bflag:$0x0] =	sbarrier.arrive $0xFFFF  }
0x394: {  	[hbm4b:s0+s10] =	stream.linear.scatter [tilespmem:s22], [sflag:$0x7], $0x2000, $0x38;
	[tilespmem:$0x1B800] =	vst v63  }
0x395: {  	s2 =	simm.s32 $0x4  }
0x396: {  	_ =	swait.ge [sflag:s2], $0x2000  }
0x397: {  	[sflag:s2] =	ssyncset.done $0x0  }
0x398: {  	[sflag:s2] =	ssyncadd.s32 $0xFFFFE000  }
0x399: {  	_ =	swait.ge [sflag:s2], $0x2000  }
0x39a: {  	s0 =	sadd.s32 $0x4, s7;
	[sflag:s2] =	ssyncset.done $0x0  }
0x39b: {  	s12 =	simm.s32 $0x40;
	s1 =	sshll.u32 s0, $0x7;
	[sflag:s2] =	ssyncadd.s32 $0xFFFFE000  }
0x39c: {  	s20 =	simm.s32 $0x15800;
	s4 =	sadd.s32 $0x2040, s1;
	s5 =	rddreg [dreg:$0x0]  }
0x39d: {  	[tilespmem:s20], [sflag:$0x2] =	stream.indirect.gather [hbm4b:s5+s12], $0x80, s4, s12, $0xb8;
	[tilespmem:$0x1B800] =	vst v63  }
0x39e: {  	s21 =	simm.s32 $0x19800;
	s6 =	rddreg [dreg:$0x1]  }
0x39f: {  	[tilespmem:s21], [sflag:$0x2] =	stream.indirect.gather [hbm4b:s6+s12], $0x80, s4, s12, $0xb8;
	[tilespmem:$0x1B800] =	vst v63  }
0x3a0: {  	_ =	swait.ge [sflag:s25], $0x2000  }
0x3a1: {  	[sflag:s25] =	ssyncset.done $0x0  }
0x3a2: {  	[sflag:s25] =	ssyncadd.s32 $0xFFFFE000  }
0x3a3: {  	_ =	swait.ge [sflag:s25], $0x2000  }
0x3a4: {  	[sflag:s25] =	ssyncset.done $0x0  }
0x3a5: {  	s13 =	sshll.u32 s0, $0xB;
	s4 =	rddreg [dreg:$0x18];
	[sflag:s25] =	ssyncadd.s32 $0xFFFFE000  }
0x3a6: {  	s2 =	sadd.s32 s4, s13;
	s12 =	rddreg [dreg:$0x9]  }
0x3a7: {  	s13 =	simm.s32 $0x13800;
	s4 =	sadd.s32 s12, s2  }
0x3a8: {  	[hbm4b:s4+s10] =	stream.linear.scatter [tilespmem:s13], [sflag:$0x3], $0x2000, $0x38;
	[tilespmem:$0x1B800] =	vst v63  }
0x3a9: {  	s13 =	rddreg [dreg:$0xa]  }
0x3aa: {  	s22 =	simm.s32 $0x17800;
	p1 =	seq.s32 s7, $0xB;
	s2 =	sadd.s32 s13, s2  }
0x3ab: {  	[hbm4b:s2+s10] =	stream.linear.scatter [tilespmem:s22], [sflag:$0x3], $0x2000, $0x38;
	[tilespmem:$0x1B800] =	vst v63  }
0x3ac: {  	s2 =	simm.s32 @!p1 $0x3  }
0x3ad: {  	_ =	swait.ge @!p1 [sflag:s2], $0x2000  }
0x3ae: {  	[sflag:s2] =	ssyncset.done @!p1 $0x0  }
0x3af: {  	s0 =	sshll.u32 @!p1 s0, $0x7;
	[sflag:s2] =	ssyncadd.s32 @!p1 $0xFFFFE000  }
0x3b0: {  	s0 =	sand.u32 @!p1 $0x3FFFFF80, s0;
	_ =	swait.ge @!p1 [sflag:s2], $0x2000  }
0x3b1: {  	s0 =	sadd.s32 @!p1 $0x2080, s0;
	[sflag:s2] =	ssyncset.done @!p1 $0x0  }
0x3b2: {  	s4 =	simm.s32 @!p1 $0x13800;
	[sflag:s2] =	ssyncadd.s32 @!p1 $0xFFFFE000;
	s2 =	simm.s32 @!p1 $0x40  }
0x3b3: {  	[tilespmem:s4], [sflag:$0x1] =	stream.indirect.gather @!p1 [hbm4b:s5+s2], $0x80, s0, s2, $0xb8;
	[tilespmem:$0x1B800] =	vst v63  }
0x3b4: {  	s4 =	simm.s32 @!p1 $0x17800  }
0x3b5: {  	[tilespmem:s4], [sflag:$0x1] =	stream.indirect.gather @!p1 [hbm4b:s6+s2], $0x80, s0, s2, $0xb8;
	[tilespmem:$0x1B800] =	vst v63  }
0x3b6: {  	_ =	swait.ge [sflag:s28], $0x2000  }
0x3b7: {  	[sflag:s28] =	ssyncset.done $0x0  }
0x3b8: {  	[sflag:s28] =	ssyncadd.s32 $0xFFFFE000  }
0x3b9: {  	_ =	swait.ge [sflag:s28], $0x2000  }
0x3ba: {  	s5 =	sor.u32 $0x40, s1;
	s6 =	rddreg [dreg:$0xf]  }
0x3bb: {  	s0 =	sadd.s32 s6, s5  }
.Ltmp10:
0x3bc: {  	[sflag:s28] =	ssyncset.done $0x0;
	s0 =	sshll.u32 s0, $0x4;
	(pc) =	sbr.rel .LBB3_20-.Ltmp10, $4  }
0x3bd: {  	[sflag:s28] =	ssyncadd.s32 $0xFFFFE000;
	s22 =	sadd.s32 s12, s0  }
0x3be: {  	[hbm4b:s22+s10] =	stream.linear.scatter [tilespmem:s20], [sflag:$0x4], $0x2000, $0x38;
	[tilespmem:$0x1B800] =	vst v63  }
0x3bf: {  	s0 =	sadd.s32 s13, s0  }
0x3c0: {  	[hbm4b:s0+s10] =	stream.linear.scatter [tilespmem:s21], [sflag:$0x4], $0x2000, $0x38;
	[tilespmem:$0x1B800] =	vst v63  }
.LBB3_21:
0x3c1: {  	p1 =	sne.s32 s7, $0x13  }
.Ltmp11:
0x3c2: {  	_ = 	snop;
	(pc) =	sbr.rel @p1 .LBB3_20-.Ltmp11, $1  }
0x3c3: {  	_ =	sdelay $0x3  }
.Ltmp12:
0x3c4: {  	(pc) =	sbr.rel .LBB3_23-.Ltmp12, $4  }
0x3c5: {  	_ = 	snop  }
0x3c6: {  	_ =	swait.ge [sflag:s14], $0x4000  }
0x3c7: {  	[sflag:s14] =	ssyncset.done $0x0  }
0x3c8: {  	[sflag:s14] =	ssyncadd.s32 $0xFFFFC000  }
.LBB3_20:
0x3c9: {  	s0 =	sadd.s32 $0x2, s16  }
0x3ca: {  	s1 =	smulhi.u32 $0x66666667, s0;
	_ =	sdelay $0x1  }
0x3cb: {  	s1 =	sshrl.u32 s1, $0x3  }
0x3cc: {  	s2 =	sadd.s32 s17, s1;
	s1 =	smul.u32 $0x3FFEC, s1  }
0x3cd: {  	s2 =	smul.u32 $0x14, s2  }
0x3ce: {  	s0 =	sadd.s32 s0, s1  }
0x3cf: {  	s0 =	sadd.s32 s2, s0  }
0x3d0: {  	s0 =	sshll.u32 s0, $0xB  }
0x3d1: {  	s22 =	rddreg [dreg:$0x3];
	s0 =	sand.u32 $0x1FFFF000, s0  }
.Ltmp13:
0x3d2: {  	s0 =	sadd.s32 s22, s0;
	(pc) =	sbr.rel @p0 .LBB3_24-.Ltmp13, $4  }
0x3d3: {  	[tilespmem:s31], [sflag:$0x5] =	stream.linear.gather [hbm4b:s0+s10], $0x4000, $0x38;
	[tilespmem:$0x1B800] =	vst v63  }
0x3d4: {  	_ =	swait.ge [sflag:s14], $0x4000  }
0x3d5: {  	[sflag:s14] =	ssyncset.done $0x0  }
0x3d6: {  	[sflag:s14] =	ssyncadd.s32 $0xFFFFC000  }
.LBB3_23:
0x3d7: {  	s0 =	simm.s32 $0x8  }
0x3d8: {  	_ =	swait.ge [sflag:s0], $0x2000  }
0x3d9: {  	[sflag:s0] =	ssyncset.done $0x0  }
0x3da: {  	[sflag:s0] =	ssyncadd.s32 $0xFFFFE000  }
.LBB3_24:
0x3db: {  	s5 =	simm.s32 $0x0  }
0x3dc: {  	s0 =	sand.u32 $0x1C00, s5  }
0x3dd: {  	s1 =	sand.u32 $0x60, s5;
	s2 =	sor.u32 s0, s9  }
0x3de: {  	s4 =	sadd.s32 s1, s2  }
0x3df: {  	v0 =	vld [tilespmem:s4+$0x0];
	_ =	sdelay $0x4  }
0x3e0: {  	v1 =	vshll.u32 v0, $0x3  }
0x3e1: {  	v0 =	vand.u32 $0x7F, v0;
	v1 =	vand.u32 $0xFFFFFC00, v1  }
0x3e2: {  	v0 =	vor.u32 v0, v1;
	_ =	sdelay $0x4  }
0x3e3: {  	v1 =	vld.idx.msk [tilespmem:v0+s18+$0x0], $0xffff  }
0x3e4: {  	v2 =	vor.u32 $0x80, v0;
	_ =	sdelay $0x1  }
0x3e5: {  	s0 =	sadd.s32 $0x11800, s0  }
0x3e6: {  	s13 =	sor.u32 s1, s0  }
0x3e7: {  	[tilespmem:s13+$0x0] =	vst v1  }
0x3e8: {  	v1 =	vld.idx.msk [tilespmem:v2+s18+$0x0], $0xffff  }
0x3e9: {  	v2 =	vor.u32 $0x100, v0;
	_ =	sdelay $0x3  }
0x3ea: {  	[tilespmem:s13+$0x80] =	vst v1  }
0x3eb: {  	v1 =	vld.idx.msk [tilespmem:v2+s18+$0x0], $0xffff  }
0x3ec: {  	v2 =	vor.u32 $0x180, v0;
	_ =	sdelay $0x3  }
0x3ed: {  	[tilespmem:s13+$0x100] =	vst v1  }
0x3ee: {  	v1 =	vld.idx.msk [tilespmem:v2+s18+$0x0], $0xffff  }
0x3ef: {  	v2 =	vor.u32 $0x200, v0;
	_ =	sdelay $0x3  }
0x3f0: {  	[tilespmem:s13+$0x180] =	vst v1  }
0x3f1: {  	v1 =	vld.idx.msk [tilespmem:v2+s18+$0x0], $0xffff  }
0x3f2: {  	v2 =	vor.u32 $0x280, v0;
	_ =	sdelay $0x3  }
0x3f3: {  	[tilespmem:s13+$0x200] =	vst v1  }
0x3f4: {  	v1 =	vld.idx.msk [tilespmem:v2+s18+$0x0], $0xffff  }
0x3f5: {  	v2 =	vor.u32 $0x300, v0;
	_ =	sdelay $0x3  }
0x3f6: {  	[tilespmem:s13+$0x280] =	vst v1  }
0x3f7: {  	v1 =	vld.idx.msk [tilespmem:v2+s18+$0x0], $0xffff  }
0x3f8: {  	s16 =	sand.u32 $0x3, s5;
	v0 =	vor.u32 $0x380, v0  }
0x3f9: {  	s4 =	sshll.u32 s16, $0x5  }
0x3fa: {  	s4 =	sadd.s32 $0x0, s4  }
0x3fb: {  	s6 =	sor.u32 $0x300, s4  }
0x3fc: {  	[tilespmem:s6+$0x11800] =	vst v1  }
0x3fd: {  	v0 =	vld.idx.msk [tilespmem:v0+s18+$0x0], $0xffff;
	_ =	sdelay $0x2  }
0x3fe: {  	s20 =	sor.u32 s5, s5  }
0x3ff: {  	s1 =	sor.u32 $0x10, s1;
	s6 =	sor.u32 $0x380, s20  }
0x400: {  	s2 =	sadd.s32 s1, s2;
	[tilespmem:s6+$0x11800] =	vst v0  }
0x401: {  	v0 =	vld [tilespmem:s2+$0x0];
	_ =	sdelay $0x4  }
0x402: {  	v1 =	vshll.u32 v0, $0x3  }
0x403: {  	v0 =	vand.u32 $0x7F, v0;
	v1 =	vand.u32 $0xFFFFFC00, v1  }
0x404: {  	v0 =	vor.u32 v0, v1;
	_ =	sdelay $0x4  }
0x405: {  	v1 =	vld.idx.msk [tilespmem:v0+s18+$0x0], $0xffff  }
0x406: {  	v2 =	vor.u32 $0x80, v0;
	_ =	sdelay $0x2  }
0x407: {  	s0 =	sor.u32 s1, s0  }
0x408: {  	[tilespmem:s0+$0x0] =	vst v1  }
0x409: {  	v1 =	vld.idx.msk [tilespmem:v2+s18+$0x0], $0xffff  }
0x40a: {  	v2 =	vor.u32 $0x100, v0;
	_ =	sdelay $0x3  }
0x40b: {  	[tilespmem:s0+$0x80] =	vst v1  }
0x40c: {  	v1 =	vld.idx.msk [tilespmem:v2+s18+$0x0], $0xffff  }
0x40d: {  	v2 =	vor.u32 $0x180, v0;
	_ =	sdelay $0x3  }
0x40e: {  	[tilespmem:s0+$0x100] =	vst v1  }
0x40f: {  	v1 =	vld.idx.msk [tilespmem:v2+s18+$0x0], $0xffff  }
0x410: {  	v2 =	vor.u32 $0x200, v0;
	_ =	sdelay $0x3  }
0x411: {  	[tilespmem:s0+$0x180] =	vst v1  }
0x412: {  	v1 =	vld.idx.msk [tilespmem:v2+s18+$0x0], $0xffff  }
0x413: {  	v2 =	vor.u32 $0x280, v0;
	_ =	sdelay $0x3  }
0x414: {  	[tilespmem:s0+$0x200] =	vst v1  }
0x415: {  	v1 =	vld.idx.msk [tilespmem:v2+s18+$0x0], $0xffff  }
0x416: {  	v2 =	vor.u32 $0x300, v0;
	_ =	sdelay $0x3  }
0x417: {  	[tilespmem:s0+$0x280] =	vst v1  }
0x418: {  	v1 =	vld.idx.msk [tilespmem:v2+s18+$0x0], $0xffff  }
0x419: {  	v0 =	vor.u32 $0x380, v0;
	_ =	sdelay $0x1  }
0x41a: {  	s4 =	sadd.s32 $0x10, s4  }
0x41b: {  	s21 =	sor.u32 $0x300, s4  }
0x41c: {  	[tilespmem:s21+$0x11800] =	vst v1  }
0x41d: {  	s1 =	simm.s32 $0x100;
	v0 =	vld.idx.msk [tilespmem:v0+s18+$0x0], $0xffff  }
0x41e: {  	s22 =	sand.u32 $0x1C00, s1  }
0x41f: {  	s16 =	sor.u32 s22, s9;
	s4 =	sor.u32 $0x380, s4;
	s0 =	simm.s32 $0x20  }
0x420: {  	s13 =	sadd.s32 $0x11800, s22;
	s2 =	simm.s32 $0x40;
	s20 =	sand.u32 $0x60, s0  }
.LBB3_25:
0x421: {  	s12 =	sadd.s32 s20, s16  }
0x422: {  	[tilespmem:s4+$0x11800] =	vst v0;
	s5 =	sadd.s32 $0x1, s5;
	s4 =	smov.u32 s2;
	s6 =	sadd.s32 $0x20, s2  }
0x423: {  	p0 =	sne.s32 s2, $0x3E0;
	v0 =	vld [tilespmem:s12+$0x0];
	_ =	sdelay $0x4  }
0x424: {  	v1 =	vshll.u32 v0, $0x3  }
0x425: {  	v0 =	vand.u32 $0x7F, v0;
	v1 =	vand.u32 $0xFFFFFC00, v1  }
0x426: {  	v0 =	vor.u32 v0, v1;
	_ =	sdelay $0x4  }
0x427: {  	v1 =	vld.idx.msk [tilespmem:v0+s18+$0x0], $0xffff;
	_ =	sdelay $0x1  }
0x428: {  	v2 =	vor.u32 $0x80, v0;
	_ =	sdelay $0x2  }
0x429: {  	s2 =	sor.u32 s20, s13  }
0x42a: {  	[tilespmem:s2+$0x0] =	vst v1  }
0x42b: {  	v1 =	vld.idx.msk [tilespmem:v2+s18+$0x0], $0xffff;
	_ =	sdelay $0x1  }
0x42c: {  	v2 =	vor.u32 $0x100, v0;
	_ =	sdelay $0x3  }
0x42d: {  	[tilespmem:s2+$0x80] =	vst v1  }
0x42e: {  	v1 =	vld.idx.msk [tilespmem:v2+s18+$0x0], $0xffff;
	_ =	sdelay $0x1  }
0x42f: {  	v2 =	vor.u32 $0x180, v0;
	_ =	sdelay $0x3  }
0x430: {  	[tilespmem:s2+$0x100] =	vst v1  }
0x431: {  	v1 =	vld.idx.msk [tilespmem:v2+s18+$0x0], $0xffff;
	_ =	sdelay $0x1  }
0x432: {  	v2 =	vor.u32 $0x200, v0;
	_ =	sdelay $0x3  }
0x433: {  	[tilespmem:s2+$0x180] =	vst v1  }
0x434: {  	v1 =	vld.idx.msk [tilespmem:v2+s18+$0x0], $0xffff;
	_ =	sdelay $0x1  }
0x435: {  	v2 =	vor.u32 $0x280, v0;
	_ =	sdelay $0x3  }
0x436: {  	[tilespmem:s2+$0x200] =	vst v1  }
0x437: {  	v1 =	vld.idx.msk [tilespmem:v2+s18+$0x0], $0xffff;
	_ =	sdelay $0x1  }
0x438: {  	v2 =	vor.u32 $0x300, v0;
	_ =	sdelay $0x3  }
0x439: {  	[tilespmem:s2+$0x280] =	vst v1  }
0x43a: {  	v1 =	vld.idx.msk [tilespmem:v2+s18+$0x0], $0xffff;
	_ =	sdelay $0x1  }
0x43b: {  	v0 =	vor.u32 $0x380, v0;
	s2 =	sand.u32 $0x3, s5  }
0x43c: {  	s2 =	sshll.u32 s2, $0x5  }
0x43d: {  	s2 =	sadd.s32 s2, s1  }
0x43e: {  	s12 =	sor.u32 $0x300, s2;
	s2 =	sadd.s32 $0x10, s2  }
0x43f: {  	[tilespmem:s12+$0x11800] =	vst v1  }
0x440: {  	v0 =	vld.idx.msk [tilespmem:v0+s18+$0x0], $0xffff;
	_ =	sdelay $0x3  }
0x441: {  	s12 =	sor.u32 s1, s0;
	s0 =	smov.u32 s4  }
0x442: {  	s4 =	sor.u32 $0x380, s12;
	s12 =	sor.u32 $0x10, s20  }
0x443: {  	[tilespmem:s4+$0x11800] =	vst v0;
	s4 =	sadd.s32 s12, s16  }
0x444: {  	v0 =	vld [tilespmem:s4+$0x0];
	_ =	sdelay $0x4  }
0x445: {  	v1 =	vshll.u32 v0, $0x3  }
0x446: {  	v0 =	vand.u32 $0x7F, v0;
	v1 =	vand.u32 $0xFFFFFC00, v1  }
0x447: {  	v0 =	vor.u32 v0, v1;
	_ =	sdelay $0x4  }
0x448: {  	v1 =	vld.idx.msk [tilespmem:v0+s18+$0x0], $0xffff;
	_ =	sdelay $0x1  }
0x449: {  	v2 =	vor.u32 $0x80, v0;
	_ =	sdelay $0x2  }
0x44a: {  	s4 =	sor.u32 s12, s13  }
0x44b: {  	[tilespmem:s4+$0x0] =	vst v1  }
0x44c: {  	v1 =	vld.idx.msk [tilespmem:v2+s18+$0x0], $0xffff;
	_ =	sdelay $0x1  }
0x44d: {  	v2 =	vor.u32 $0x100, v0;
	_ =	sdelay $0x3  }
0x44e: {  	[tilespmem:s4+$0x80] =	vst v1  }
0x44f: {  	v1 =	vld.idx.msk [tilespmem:v2+s18+$0x0], $0xffff;
	_ =	sdelay $0x1  }
0x450: {  	v2 =	vor.u32 $0x180, v0;
	_ =	sdelay $0x3  }
0x451: {  	[tilespmem:s4+$0x100] =	vst v1  }
0x452: {  	v1 =	vld.idx.msk [tilespmem:v2+s18+$0x0], $0xffff;
	_ =	sdelay $0x1  }
0x453: {  	v2 =	vor.u32 $0x200, v0;
	_ =	sdelay $0x3  }
0x454: {  	[tilespmem:s4+$0x180] =	vst v1  }
0x455: {  	v1 =	vld.idx.msk [tilespmem:v2+s18+$0x0], $0xffff;
	_ =	sdelay $0x1  }
0x456: {  	v2 =	vor.u32 $0x280, v0;
	_ =	sdelay $0x3  }
0x457: {  	[tilespmem:s4+$0x200] =	vst v1  }
0x458: {  	v1 =	vld.idx.msk [tilespmem:v2+s18+$0x0], $0xffff;
	_ =	sdelay $0x1  }
0x459: {  	v2 =	vor.u32 $0x300, v0;
	_ =	sdelay $0x3  }
0x45a: {  	[tilespmem:s4+$0x280] =	vst v1  }
0x45b: {  	v1 =	vld.idx.msk [tilespmem:v2+s18+$0x0], $0xffff;
	_ =	sdelay $0x1  }
0x45c: {  	v0 =	vor.u32 $0x380, v0;
	_ =	sdelay $0x2  }
0x45d: {  	s4 =	sor.u32 $0x300, s2  }
0x45e: {  	[tilespmem:s4+$0x11800] =	vst v1  }
0x45f: {  	v0 =	vld.idx.msk [tilespmem:v0+s18+$0x0], $0xffff  }
.Ltmp14:
0x460: {  	(pc) =	sbr.rel @p0 .LBB3_25-.Ltmp14, $4  }
0x461: {  	_ = 	snop  }
0x462: {  	s1 =	sadd.s32 $0x100, s1  }
0x463: {  	s20 =	sand.u32 $0x60, s0;
	s12 =	sand.u32 $0x1C00, s1;
	s4 =	sor.u32 $0x380, s2  }
0x464: {  	s16 =	sor.u32 s12, s9;
	s13 =	sadd.s32 $0x11800, s12;
	s2 =	smov.u32 s6  }
0x465: {  	s2 =	sadd.s32 s20, s16;
	[tilespmem:s4+$0x11800] =	vst v0  }
0x466: {  	v0 =	vld [tilespmem:s2+$0x0];
	_ =	sdelay $0x4  }
0x467: {  	v1 =	vshll.u32 v0, $0x3  }
0x468: {  	v0 =	vand.u32 $0x7F, v0;
	v1 =	vand.u32 $0xFFFFFC00, v1  }
0x469: {  	v0 =	vor.u32 v0, v1;
	_ =	sdelay $0x4  }
0x46a: {  	v1 =	vld.idx.msk [tilespmem:v0+s18+$0x0], $0xffff  }
0x46b: {  	v2 =	vor.u32 $0x80, v0;
	_ =	sdelay $0x2  }
0x46c: {  	s22 =	sor.u32 s20, s13  }
0x46d: {  	[tilespmem:s22+$0x0] =	vst v1  }
0x46e: {  	v1 =	vld.idx.msk [tilespmem:v2+s18+$0x0], $0xffff  }
0x46f: {  	v52 =	vor.u32 $0x100, v0;
	_ =	sdelay $0x3  }
0x470: {  	[tilespmem:s22+$0x80] =	vst v1  }
0x471: {  	v1 =	vld.idx.msk [tilespmem:v52+s18+$0x0], $0xffff  }
0x472: {  	v53 =	vor.u32 $0x180, v0;
	_ =	sdelay $0x3  }
0x473: {  	[tilespmem:s22+$0x100] =	vst v1  }
0x474: {  	v1 =	vld.idx.msk [tilespmem:v53+s18+$0x0], $0xffff  }
0x475: {  	v54 =	vor.u32 $0x200, v0;
	_ =	sdelay $0x3  }
0x476: {  	[tilespmem:s22+$0x180] =	vst v1  }
0x477: {  	v1 =	vld.idx.msk [tilespmem:v54+s18+$0x0], $0xffff  }
0x478: {  	v55 =	vor.u32 $0x280, v0;
	_ =	sdelay $0x3  }
0x479: {  	[tilespmem:s22+$0x200] =	vst v1  }
0x47a: {  	v1 =	vld.idx.msk [tilespmem:v55+s18+$0x0], $0xffff  }
0x47b: {  	v56 =	vor.u32 $0x300, v0;
	_ =	sdelay $0x3  }
0x47c: {  	[tilespmem:s22+$0x280] =	vst v1  }
0x47d: {  	s4 =	sadd.s32 $0x1, s5;
	v1 =	vld.idx.msk [tilespmem:v56+s18+$0x0], $0xffff  }
0x47e: {  	s2 =	sand.u32 $0x3, s4;
	v0 =	vor.u32 $0x380, v0  }
0x47f: {  	s2 =	sshll.u32 s2, $0x5  }
0x480: {  	s2 =	sadd.s32 s2, s1  }
0x481: {  	s5 =	sor.u32 $0x300, s2  }
0x482: {  	[tilespmem:s5+$0x11800] =	vst v1  }
0x483: {  	v0 =	vld.idx.msk [tilespmem:v0+s18+$0x0], $0xffff;
	_ =	sdelay $0x2  }
0x484: {  	s0 =	sor.u32 s1, s0  }
0x485: {  	s6 =	sor.u32 $0x10, s20;
	s0 =	sor.u32 $0x380, s0  }
0x486: {  	s9 =	sadd.s32 s6, s16;
	[tilespmem:s0+$0x11800] =	vst v0  }
0x487: {  	v0 =	vld [tilespmem:s9+$0x0];
	_ =	sdelay $0x4  }
0x488: {  	v57 =	vshll.u32 v0, $0x3  }
0x489: {  	v0 =	vand.u32 $0x7F, v0;
	v1 =	vand.u32 $0xFFFFFC00, v57  }
0x48a: {  	v0 =	vor.u32 v0, v1;
	_ =	sdelay $0x4  }
0x48b: {  	v1 =	vld.idx.msk [tilespmem:v0+s18+$0x0], $0xffff  }
0x48c: {  	v58 =	vor.u32 $0x80, v0;
	_ =	sdelay $0x2  }
0x48d: {  	s12 =	sor.u32 s6, s13  }
0x48e: {  	[tilespmem:s12+$0x0] =	vst v1  }
0x48f: {  	v1 =	vld.idx.msk [tilespmem:v58+s18+$0x0], $0xffff  }
0x490: {  	v59 =	vor.u32 $0x100, v0;
	_ =	sdelay $0x3  }
0x491: {  	[tilespmem:s12+$0x80] =	vst v1  }
0x492: {  	v1 =	vld.idx.msk [tilespmem:v59+s18+$0x0], $0xffff  }
0x493: {  	v60 =	vor.u32 $0x180, v0;
	_ =	sdelay $0x3  }
0x494: {  	[tilespmem:s12+$0x100] =	vst v1  }
0x495: {  	v1 =	vld.idx.msk [tilespmem:v60+s18+$0x0], $0xffff  }
0x496: {  	v61 =	vor.u32 $0x200, v0;
	_ =	sdelay $0x3  }
0x497: {  	[tilespmem:s12+$0x180] =	vst v1  }
0x498: {  	v1 =	vld.idx.msk [tilespmem:v61+s18+$0x0], $0xffff  }
0x499: {  	v62 =	vor.u32 $0x280, v0;
	_ =	sdelay $0x3  }
0x49a: {  	[tilespmem:s12+$0x200] =	vst v1  }
0x49b: {  	v1 =	vld.idx.msk [tilespmem:v62+s18+$0x0], $0xffff  }
0x49c: {  	v63 =	vor.u32 $0x300, v0;
	_ =	sdelay $0x3  }
0x49d: {  	[tilespmem:s12+$0x280] =	vst v1  }
0x49e: {  	v1 =	vld.idx.msk [tilespmem:v63+s18+$0x0], $0xffff  }
0x49f: {  	v0 =	vor.u32 $0x380, v0;
	_ =	sdelay $0x1  }
0x4a0: {  	s13 =	sadd.s32 $0x10, s2  }
0x4a1: {  	s16 =	sor.u32 $0x300, s13  }
0x4a2: {  	[tilespmem:s16+$0x11800] =	vst v1  }
0x4a3: {  	v0 =	vld.idx.msk [tilespmem:v0+s18+$0x0], $0xffff  }
0x4a4: {  	s7 =	sadd.s32 $0x1, s7  }
0x4a5: {  	p0 =	sne.s32 s7, $0x14  }
.Ltmp15:
0x4a6: {  	s20 =	sshll.u32 s8, $0x13;
	(pc) =	sbr.rel @p0 .LBB3_16-.Ltmp15, $4  }
0x4a7: {  	s1 =	sor.u32 s15, s20;
	s0 =	sor.u32 $0x380, s13  }
0x4a8: {  	s21 =	sshrl.u32 s1, $0x3;
	[tilespmem:s0+$0x11800] =	vst v0  }
0x4a9: {  	s22 =	simm.s32 $0x11800;
	s0 =	sadd.s32 s26, s21;
	[bflag:$0x0] =	sbarrier.arrive $0xFFFF  }
0x4aa: {  	[hbm4b:s0+s10] =	stream.linear.scatter [tilespmem:s22], [sflag:$0x8], $0x2000, $0x38;
	[tilespmem:$0x1B800] =	vst v63  }
0x4ab: {  	s0 =	simm.s32 $0x7  }
0x4ac: {  	_ =	swait.ge [sflag:s0], $0x2000  }
0x4ad: {  	[sflag:s0] =	ssyncset.done $0x0  }
0x4ae: {  	s21 =	simm.s32 $0x8;
	[sflag:s0] =	ssyncadd.s32 $0xFFFFE000  }
0x4af: {  	_ =	swait.ge [sflag:s21], $0x2000  }
0x4b0: {  	s3 =	simm.s32 $0x0;
	[sflag:s21] =	ssyncset.done $0x0  }
0x4b1: {  	s7 =	simm.s32 $0x0;
	s22 =	rddreg [dreg:$0x1a];
	[sflag:s21] =	ssyncadd.s32 $0xFFFFE000  }
0x4b2: {  	[tilespmem:s31], [sflag:$0x5] =	stream.linear.gather [hbm4b:s22+s3], $0x4000, $0x38;
	[tilespmem:$0x1B800] =	vst v63  }
.LBB3_28:
0x4b3: {  	p1 =	sgt.u32 s7, $0x9;
	s0 =	simm.s32 $0x1  }
0x4b4: {  	s1 =	simm.s32 $0x1FFFFFEC;
	s0 =	simm.s32 @!p1 $0x0  }
0x4b5: {  	s16 =	sshll.u32 s7, $0x1;
	s1 =	simm.s32 @!p1 $0x0;
	s15 =	sor.u32 s0, s17  }
0x4b6: {  	s1 =	sadd.s32 s16, s1;
	s2 =	smul.u32 $0xA000, s15  }
0x4b7: {  	s4 =	rddreg [dreg:$0x4];
	s8 =	sor.u32 $0x1, s1  }
0x4b8: {  	s1 =	sshll.u32 s8, $0xB;
	s2 =	sadd.s32 s4, s2  }
0x4b9: {  	s1 =	sadd.s32 s1, s2  }
0x4ba: {  	[tilespmem:s18], [sflag:$0x6] =	stream.linear.gather [hbm4b:s1+s10], $0x4000, $0x38;
	[tilespmem:$0x1B800] =	vst v63  }
0x4bb: {  	_ =	swait.ge [sflag:s19], $0x4000  }
0x4bc: {  	p0 =	seq.s32 s7, $0x0;
	[sflag:s19] =	ssyncset.done $0x0  }
0x4bd: {  	s0 =	sor.u32 s0, s29;
	s1 =	simm.s32 @!p0 $0x7;
	[sflag:s19] =	ssyncadd.s32 $0xFFFFC000  }
0x4be: {  	s13 =	sand.u32 $0x1C00, s3;
	s9 =	sshll.u32 s0, $0x7;
	_ =	swait.ge @!p0 [sflag:s1], $0x2000  }
0x4bf: {  	s20 =	sand.u32 $0x60, s3;
	s21 =	sor.u32 s13, s9;
	[sflag:s1] =	ssyncset.done @!p0 $0x0  }
0x4c0: {  	s22 =	sadd.s32 s20, s21;
	[sflag:s1] =	ssyncadd.s32 @!p0 $0xFFFFE000  }
0x4c1: {  	v0 =	vld [tilespmem:s22+$0x0];
	_ =	sdelay $0x4  }
0x4c2: {  	v1 =	vshll.u32 v0, $0x3  }
0x4c3: {  	v0 =	vand.u32 $0x7F, v0;
	v1 =	vand.u32 $0xFFFFFC00, v1  }
0x4c4: {  	v0 =	vor.u32 v0, v1;
	_ =	sdelay $0x4  }
0x4c5: {  	v1 =	vld.idx.msk [tilespmem:v0+s31+$0x0], $0xffff  }
0x4c6: {  	v2 =	vor.u32 $0x80, v0;
	_ =	sdelay $0x1  }
0x4c7: {  	s0 =	sadd.s32 $0xF800, s13  }
0x4c8: {  	s5 =	sor.u32 s20, s0  }
0x4c9: {  	[tilespmem:s5+$0x0] =	vst v1  }
0x4ca: {  	v1 =	vld.idx.msk [tilespmem:v2+s31+$0x0], $0xffff  }
0x4cb: {  	v2 =	vor.u32 $0x100, v0;
	_ =	sdelay $0x3  }
0x4cc: {  	[tilespmem:s5+$0x80] =	vst v1  }
0x4cd: {  	v1 =	vld.idx.msk [tilespmem:v2+s31+$0x0], $0xffff  }
0x4ce: {  	v2 =	vor.u32 $0x180, v0;
	_ =	sdelay $0x3  }
0x4cf: {  	[tilespmem:s5+$0x100] =	vst v1  }
0x4d0: {  	v1 =	vld.idx.msk [tilespmem:v2+s31+$0x0], $0xffff  }
0x4d1: {  	v2 =	vor.u32 $0x200, v0;
	_ =	sdelay $0x3  }
0x4d2: {  	[tilespmem:s5+$0x180] =	vst v1  }
0x4d3: {  	v1 =	vld.idx.msk [tilespmem:v2+s31+$0x0], $0xffff  }
0x4d4: {  	v2 =	vor.u32 $0x280, v0;
	_ =	sdelay $0x3  }
0x4d5: {  	[tilespmem:s5+$0x200] =	vst v1  }
0x4d6: {  	v1 =	vld.idx.msk [tilespmem:v2+s31+$0x0], $0xffff  }
0x4d7: {  	v2 =	vor.u32 $0x300, v0;
	_ =	sdelay $0x3  }
0x4d8: {  	[tilespmem:s5+$0x280] =	vst v1  }
0x4d9: {  	v1 =	vld.idx.msk [tilespmem:v2+s31+$0x0], $0xffff  }
0x4da: {  	s6 =	sand.u32 $0x3, s3;
	v0 =	vor.u32 $0x380, v0  }
0x4db: {  	s1 =	sshll.u32 s6, $0x5  }
0x4dc: {  	s1 =	sadd.s32 $0x0, s1  }
0x4dd: {  	s5 =	sor.u32 $0x300, s1  }
0x4de: {  	[tilespmem:s5+$0xF800] =	vst v1  }
0x4df: {  	v0 =	vld.idx.msk [tilespmem:v0+s31+$0x0], $0xffff;
	_ =	sdelay $0x2  }
0x4e0: {  	s12 =	sor.u32 s3, s3  }
0x4e1: {  	s2 =	sor.u32 $0x10, s20;
	s5 =	sor.u32 $0x380, s12  }
0x4e2: {  	s4 =	sadd.s32 s2, s21;
	[tilespmem:s5+$0xF800] =	vst v0  }
0x4e3: {  	v0 =	vld [tilespmem:s4+$0x0];
	_ =	sdelay $0x4  }
0x4e4: {  	v1 =	vshll.u32 v0, $0x3  }
0x4e5: {  	v0 =	vand.u32 $0x7F, v0;
	v1 =	vand.u32 $0xFFFFFC00, v1  }
0x4e6: {  	v0 =	vor.u32 v0, v1;
	_ =	sdelay $0x4  }
0x4e7: {  	v1 =	vld.idx.msk [tilespmem:v0+s31+$0x0], $0xffff  }
0x4e8: {  	v2 =	vor.u32 $0x80, v0;
	_ =	sdelay $0x2  }
0x4e9: {  	s0 =	sor.u32 s2, s0  }
0x4ea: {  	[tilespmem:s0+$0x0] =	vst v1  }
0x4eb: {  	v1 =	vld.idx.msk [tilespmem:v2+s31+$0x0], $0xffff  }
0x4ec: {  	v2 =	vor.u32 $0x100, v0;
	_ =	sdelay $0x3  }
0x4ed: {  	[tilespmem:s0+$0x80] =	vst v1  }
0x4ee: {  	v1 =	vld.idx.msk [tilespmem:v2+s31+$0x0], $0xffff  }
0x4ef: {  	v2 =	vor.u32 $0x180, v0;
	_ =	sdelay $0x3  }
0x4f0: {  	[tilespmem:s0+$0x100] =	vst v1  }
0x4f1: {  	v1 =	vld.idx.msk [tilespmem:v2+s31+$0x0], $0xffff  }
0x4f2: {  	v2 =	vor.u32 $0x200, v0;
	_ =	sdelay $0x3  }
0x4f3: {  	[tilespmem:s0+$0x180] =	vst v1  }
0x4f4: {  	v1 =	vld.idx.msk [tilespmem:v2+s31+$0x0], $0xffff  }
0x4f5: {  	v2 =	vor.u32 $0x280, v0;
	_ =	sdelay $0x3  }
0x4f6: {  	[tilespmem:s0+$0x200] =	vst v1  }
0x4f7: {  	v1 =	vld.idx.msk [tilespmem:v2+s31+$0x0], $0xffff  }
0x4f8: {  	v2 =	vor.u32 $0x300, v0;
	_ =	sdelay $0x3  }
0x4f9: {  	[tilespmem:s0+$0x280] =	vst v1  }
0x4fa: {  	v1 =	vld.idx.msk [tilespmem:v2+s31+$0x0], $0xffff  }
0x4fb: {  	v0 =	vor.u32 $0x380, v0;
	_ =	sdelay $0x1  }
0x4fc: {  	s13 =	sadd.s32 $0x10, s1  }
0x4fd: {  	s6 =	sor.u32 $0x300, s13  }
0x4fe: {  	s1 =	simm.s32 $0x100;
	[tilespmem:s6+$0xF800] =	vst v1  }
0x4ff: {  	s20 =	sand.u32 $0x1C00, s1;
	s0 =	simm.s32 $0x1FEC;
	v0 =	vld.idx.msk [tilespmem:v0+s31+$0x0], $0xffff  }
0x500: {  	s2 =	simm.s32 $0x40;
	s21 =	sor.u32 s20, s9;
	s0 =	simm.s32 @!p1 $0x0  }
0x501: {  	s20 =	sadd.s32 $0xF800, s20;
	s5 =	sadd.s32 s16, s0;
	s0 =	simm.s32 $0x20  }
0x502: {  	s4 =	sor.u32 $0x380, s13;
	s22 =	sand.u32 $0x60, s0;
	s6 =	simm.s32 $0x0  }
.LBB3_29:
0x503: {  	s12 =	sadd.s32 s22, s21  }
0x504: {  	[tilespmem:s4+$0xF800] =	vst v0;
	s6 =	sadd.s32 $0x1, s6;
	s4 =	smov.u32 s2;
	s13 =	sadd.s32 $0x20, s2  }
0x505: {  	p1 =	sne.s32 s2, $0x3E0;
	v0 =	vld [tilespmem:s12+$0x0];
	_ =	sdelay $0x4  }
0x506: {  	v1 =	vshll.u32 v0, $0x3  }
0x507: {  	v0 =	vand.u32 $0x7F, v0;
	v1 =	vand.u32 $0xFFFFFC00, v1  }
0x508: {  	v0 =	vor.u32 v0, v1;
	_ =	sdelay $0x4  }
0x509: {  	v1 =	vld.idx.msk [tilespmem:v0+s31+$0x0], $0xffff;
	_ =	sdelay $0x1  }
0x50a: {  	v2 =	vor.u32 $0x80, v0;
	_ =	sdelay $0x2  }
0x50b: {  	s2 =	sor.u32 s22, s20  }
0x50c: {  	[tilespmem:s2+$0x0] =	vst v1  }
0x50d: {  	v1 =	vld.idx.msk [tilespmem:v2+s31+$0x0], $0xffff;
	_ =	sdelay $0x1  }
0x50e: {  	v2 =	vor.u32 $0x100, v0;
	_ =	sdelay $0x3  }
0x50f: {  	[tilespmem:s2+$0x80] =	vst v1  }
0x510: {  	v1 =	vld.idx.msk [tilespmem:v2+s31+$0x0], $0xffff;
	_ =	sdelay $0x1  }
0x511: {  	v2 =	vor.u32 $0x180, v0;
	_ =	sdelay $0x3  }
0x512: {  	[tilespmem:s2+$0x100] =	vst v1  }
0x513: {  	v1 =	vld.idx.msk [tilespmem:v2+s31+$0x0], $0xffff;
	_ =	sdelay $0x1  }
0x514: {  	v2 =	vor.u32 $0x200, v0;
	_ =	sdelay $0x3  }
0x515: {  	[tilespmem:s2+$0x180] =	vst v1  }
0x516: {  	v1 =	vld.idx.msk [tilespmem:v2+s31+$0x0], $0xffff;
	_ =	sdelay $0x1  }
0x517: {  	v2 =	vor.u32 $0x280, v0;
	_ =	sdelay $0x3  }
0x518: {  	[tilespmem:s2+$0x200] =	vst v1  }
0x519: {  	v1 =	vld.idx.msk [tilespmem:v2+s31+$0x0], $0xffff;
	_ =	sdelay $0x1  }
0x51a: {  	v2 =	vor.u32 $0x300, v0;
	_ =	sdelay $0x3  }
0x51b: {  	[tilespmem:s2+$0x280] =	vst v1  }
0x51c: {  	v1 =	vld.idx.msk [tilespmem:v2+s31+$0x0], $0xffff;
	_ =	sdelay $0x1  }
0x51d: {  	v0 =	vor.u32 $0x380, v0;
	s2 =	sand.u32 $0x3, s6  }
0x51e: {  	s2 =	sshll.u32 s2, $0x5  }
0x51f: {  	s2 =	sadd.s32 s2, s1  }
0x520: {  	s12 =	sor.u32 $0x300, s2;
	s2 =	sadd.s32 $0x10, s2  }
0x521: {  	[tilespmem:s12+$0xF800] =	vst v1  }
0x522: {  	v0 =	vld.idx.msk [tilespmem:v0+s31+$0x0], $0xffff;
	_ =	sdelay $0x3  }
0x523: {  	s12 =	sor.u32 s1, s0;
	s0 =	smov.u32 s4  }
0x524: {  	s4 =	sor.u32 $0x380, s12;
	s12 =	sor.u32 $0x10, s22  }
0x525: {  	[tilespmem:s4+$0xF800] =	vst v0;
	s4 =	sadd.s32 s12, s21  }
0x526: {  	v0 =	vld [tilespmem:s4+$0x0];
	_ =	sdelay $0x4  }
0x527: {  	v1 =	vshll.u32 v0, $0x3  }
0x528: {  	v0 =	vand.u32 $0x7F, v0;
	v1 =	vand.u32 $0xFFFFFC00, v1  }
0x529: {  	v0 =	vor.u32 v0, v1;
	_ =	sdelay $0x4  }
0x52a: {  	v1 =	vld.idx.msk [tilespmem:v0+s31+$0x0], $0xffff;
	_ =	sdelay $0x1  }
0x52b: {  	v2 =	vor.u32 $0x80, v0;
	_ =	sdelay $0x2  }
0x52c: {  	s4 =	sor.u32 s12, s20  }
0x52d: {  	[tilespmem:s4+$0x0] =	vst v1  }
0x52e: {  	v1 =	vld.idx.msk [tilespmem:v2+s31+$0x0], $0xffff;
	_ =	sdelay $0x1  }
0x52f: {  	v2 =	vor.u32 $0x100, v0;
	_ =	sdelay $0x3  }
0x530: {  	[tilespmem:s4+$0x80] =	vst v1  }
0x531: {  	v1 =	vld.idx.msk [tilespmem:v2+s31+$0x0], $0xffff;
	_ =	sdelay $0x1  }
0x532: {  	v2 =	vor.u32 $0x180, v0;
	_ =	sdelay $0x3  }
0x533: {  	[tilespmem:s4+$0x100] =	vst v1  }
0x534: {  	v1 =	vld.idx.msk [tilespmem:v2+s31+$0x0], $0xffff;
	_ =	sdelay $0x1  }
0x535: {  	v2 =	vor.u32 $0x200, v0;
	_ =	sdelay $0x3  }
0x536: {  	[tilespmem:s4+$0x180] =	vst v1  }
0x537: {  	v1 =	vld.idx.msk [tilespmem:v2+s31+$0x0], $0xffff;
	_ =	sdelay $0x1  }
0x538: {  	v2 =	vor.u32 $0x280, v0;
	_ =	sdelay $0x3  }
0x539: {  	[tilespmem:s4+$0x200] =	vst v1  }
0x53a: {  	v1 =	vld.idx.msk [tilespmem:v2+s31+$0x0], $0xffff;
	_ =	sdelay $0x1  }
0x53b: {  	v2 =	vor.u32 $0x300, v0;
	_ =	sdelay $0x3  }
0x53c: {  	[tilespmem:s4+$0x280] =	vst v1  }
0x53d: {  	v1 =	vld.idx.msk [tilespmem:v2+s31+$0x0], $0xffff;
	_ =	sdelay $0x1  }
0x53e: {  	v0 =	vor.u32 $0x380, v0;
	_ =	sdelay $0x2  }
0x53f: {  	s4 =	sor.u32 $0x300, s2  }
0x540: {  	[tilespmem:s4+$0xF800] =	vst v1  }
0x541: {  	v0 =	vld.idx.msk [tilespmem:v0+s31+$0x0], $0xffff  }
.Ltmp16:
0x542: {  	(pc) =	sbr.rel @p1 .LBB3_29-.Ltmp16, $4  }
0x543: {  	_ = 	snop  }
0x544: {  	s1 =	sadd.s32 $0x100, s1  }
0x545: {  	s22 =	sand.u32 $0x60, s0;
	s12 =	sand.u32 $0x1C00, s1;
	s4 =	sor.u32 $0x380, s2  }
0x546: {  	s21 =	sor.u32 s12, s9;
	s20 =	sadd.s32 $0xF800, s12;
	s2 =	smov.u32 s13  }
0x547: {  	s2 =	sadd.s32 s22, s21;
	[tilespmem:s4+$0xF800] =	vst v0  }
0x548: {  	v0 =	vld [tilespmem:s2+$0x0];
	_ =	sdelay $0x4  }
0x549: {  	v1 =	vshll.u32 v0, $0x3  }
0x54a: {  	v0 =	vand.u32 $0x7F, v0;
	v1 =	vand.u32 $0xFFFFFC00, v1  }
0x54b: {  	v0 =	vor.u32 v0, v1;
	_ =	sdelay $0x4  }
0x54c: {  	v1 =	vld.idx.msk [tilespmem:v0+s31+$0x0], $0xffff  }
0x54d: {  	v2 =	vor.u32 $0x80, v0;
	_ =	sdelay $0x2  }
0x54e: {  	s4 =	sor.u32 s22, s20  }
0x54f: {  	[tilespmem:s4+$0x0] =	vst v1  }
0x550: {  	v1 =	vld.idx.msk [tilespmem:v2+s31+$0x0], $0xffff  }
0x551: {  	v52 =	vor.u32 $0x100, v0;
	_ =	sdelay $0x3  }
0x552: {  	[tilespmem:s4+$0x80] =	vst v1  }
0x553: {  	v1 =	vld.idx.msk [tilespmem:v52+s31+$0x0], $0xffff  }
0x554: {  	v53 =	vor.u32 $0x180, v0;
	_ =	sdelay $0x3  }
0x555: {  	[tilespmem:s4+$0x100] =	vst v1  }
0x556: {  	v1 =	vld.idx.msk [tilespmem:v53+s31+$0x0], $0xffff  }
0x557: {  	v54 =	vor.u32 $0x200, v0;
	_ =	sdelay $0x3  }
0x558: {  	[tilespmem:s4+$0x180] =	vst v1  }
0x559: {  	v1 =	vld.idx.msk [tilespmem:v54+s31+$0x0], $0xffff  }
0x55a: {  	v55 =	vor.u32 $0x280, v0;
	_ =	sdelay $0x3  }
0x55b: {  	[tilespmem:s4+$0x200] =	vst v1  }
0x55c: {  	v1 =	vld.idx.msk [tilespmem:v55+s31+$0x0], $0xffff  }
0x55d: {  	v56 =	vor.u32 $0x300, v0;
	_ =	sdelay $0x3  }
0x55e: {  	[tilespmem:s4+$0x280] =	vst v1  }
0x55f: {  	s12 =	sadd.s32 $0x1, s6;
	v1 =	vld.idx.msk [tilespmem:v56+s31+$0x0], $0xffff  }
0x560: {  	s2 =	sand.u32 $0x3, s12;
	v0 =	vor.u32 $0x380, v0  }
0x561: {  	s2 =	sshll.u32 s2, $0x5  }
0x562: {  	s2 =	sadd.s32 s2, s1  }
0x563: {  	s13 =	sor.u32 $0x300, s2  }
0x564: {  	[tilespmem:s13+$0xF800] =	vst v1  }
0x565: {  	v0 =	vld.idx.msk [tilespmem:v0+s31+$0x0], $0xffff;
	_ =	sdelay $0x2  }
0x566: {  	s0 =	sor.u32 s1, s0  }
0x567: {  	s22 =	sor.u32 $0x10, s22;
	s0 =	sor.u32 $0x380, s0  }
0x568: {  	s4 =	sadd.s32 s22, s21;
	[tilespmem:s0+$0xF800] =	vst v0  }
0x569: {  	v0 =	vld [tilespmem:s4+$0x0];
	_ =	sdelay $0x4  }
0x56a: {  	v57 =	vshll.u32 v0, $0x3  }
0x56b: {  	v0 =	vand.u32 $0x7F, v0;
	v1 =	vand.u32 $0xFFFFFC00, v57  }
0x56c: {  	v0 =	vor.u32 v0, v1;
	_ =	sdelay $0x4  }
0x56d: {  	v1 =	vld.idx.msk [tilespmem:v0+s31+$0x0], $0xffff  }
0x56e: {  	v58 =	vor.u32 $0x80, v0;
	_ =	sdelay $0x2  }
0x56f: {  	s6 =	sor.u32 s22, s20  }
0x570: {  	[tilespmem:s6+$0x0] =	vst v1  }
0x571: {  	v1 =	vld.idx.msk [tilespmem:v58+s31+$0x0], $0xffff  }
0x572: {  	v59 =	vor.u32 $0x100, v0;
	_ =	sdelay $0x3  }
0x573: {  	[tilespmem:s6+$0x80] =	vst v1  }
0x574: {  	v1 =	vld.idx.msk [tilespmem:v59+s31+$0x0], $0xffff  }
0x575: {  	v60 =	vor.u32 $0x180, v0;
	_ =	sdelay $0x3  }
0x576: {  	[tilespmem:s6+$0x100] =	vst v1  }
0x577: {  	v1 =	vld.idx.msk [tilespmem:v60+s31+$0x0], $0xffff  }
0x578: {  	v61 =	vor.u32 $0x200, v0;
	_ =	sdelay $0x3  }
0x579: {  	[tilespmem:s6+$0x180] =	vst v1  }
0x57a: {  	v1 =	vld.idx.msk [tilespmem:v61+s31+$0x0], $0xffff  }
0x57b: {  	v62 =	vor.u32 $0x280, v0;
	_ =	sdelay $0x3  }
0x57c: {  	[tilespmem:s6+$0x200] =	vst v1  }
0x57d: {  	v1 =	vld.idx.msk [tilespmem:v62+s31+$0x0], $0xffff  }
0x57e: {  	v63 =	vor.u32 $0x300, v0;
	_ =	sdelay $0x3  }
0x57f: {  	[tilespmem:s6+$0x280] =	vst v1  }
0x580: {  	v1 =	vld.idx.msk [tilespmem:v63+s31+$0x0], $0xffff  }
0x581: {  	v0 =	vor.u32 $0x380, v0;
	_ =	sdelay $0x1  }
0x582: {  	s12 =	sadd.s32 $0x10, s2  }
0x583: {  	s13 =	sor.u32 $0x300, s12  }
0x584: {  	[tilespmem:s13+$0xF800] =	vst v1  }
0x585: {  	v0 =	vld.idx.msk [tilespmem:v0+s31+$0x0], $0xffff;
	_ =	sdelay $0x1  }
0x586: {  	p1 =	sne.s32 s7, $0x13  }
.Ltmp17:
0x587: {  	s15 =	sshll.u32 s15, $0xD;
	s20 =	sshll.u32 s5, $0x13;
	(pc) =	sbr.rel @p1 .LBB3_32-.Ltmp17, $4  }
0x588: {  	s1 =	sor.u32 s15, s20;
	s0 =	sor.u32 $0x380, s12  }
0x589: {  	s21 =	sshrl.u32 s1, $0x3;
	[tilespmem:s0+$0xF800] =	vst v0  }
0x58a: {  	s22 =	simm.s32 $0xF800;
	s0 =	sadd.s32 s30, s21;
	[bflag:$0x0] =	sbarrier.arrive $0xFFFF  }
0x58b: {  	[hbm4b:s0+s10] =	stream.linear.scatter [tilespmem:s22], [sflag:$0x7], $0x2000, $0x38;
	[tilespmem:$0x1B800] =	vst v63  }
.Ltmp18:
0x58c: {  	(pc) =	sbr.rel .LBB3_33-.Ltmp18, $4  }
0x58d: {  	_ = 	snop  }
0x58e: {  	_ =	swait.ge [sflag:s14], $0x4000  }
0x58f: {  	[sflag:s14] =	ssyncset.done $0x0  }
0x590: {  	[sflag:s14] =	ssyncadd.s32 $0xFFFFC000  }
.LBB3_32:
0x591: {  	s0 =	sadd.s32 $0x2, s16  }
0x592: {  	s1 =	smulhi.u32 $0x66666667, s0;
	_ =	sdelay $0x1  }
0x593: {  	s1 =	sshrl.u32 s1, $0x3  }
0x594: {  	s2 =	sadd.s32 s17, s1;
	s1 =	smul.u32 $0x3FFEC, s1  }
0x595: {  	s2 =	smul.u32 $0x14, s2  }
0x596: {  	s0 =	sadd.s32 s0, s1  }
0x597: {  	s0 =	sadd.s32 s2, s0  }
0x598: {  	s0 =	sshll.u32 s0, $0xB  }
0x599: {  	s22 =	rddreg [dreg:$0x4];
	s0 =	sand.u32 $0x1FFFF000, s0  }
.Ltmp19:
0x59a: {  	s0 =	sadd.s32 s22, s0;
	(pc) =	sbr.rel @p0 .LBB3_34-.Ltmp19, $4  }
0x59b: {  	[tilespmem:s31], [sflag:$0x5] =	stream.linear.gather [hbm4b:s0+s10], $0x4000, $0x38;
	[tilespmem:$0x1B800] =	vst v63  }
0x59c: {  	_ =	swait.ge [sflag:s14], $0x4000  }
0x59d: {  	[sflag:s14] =	ssyncset.done $0x0  }
0x59e: {  	[sflag:s14] =	ssyncadd.s32 $0xFFFFC000  }
.LBB3_33:
0x59f: {  	s0 =	simm.s32 $0x8  }
0x5a0: {  	_ =	swait.ge [sflag:s0], $0x2000  }
0x5a1: {  	[sflag:s0] =	ssyncset.done $0x0  }
0x5a2: {  	[sflag:s0] =	ssyncadd.s32 $0xFFFFE000  }
.LBB3_34:
0x5a3: {  	s5 =	simm.s32 $0x0  }
0x5a4: {  	s0 =	sand.u32 $0x1C00, s5  }
0x5a5: {  	s1 =	sand.u32 $0x60, s5;
	s2 =	sor.u32 s0, s9  }
0x5a6: {  	s4 =	sadd.s32 s1, s2  }
0x5a7: {  	v0 =	vld [tilespmem:s4+$0x0];
	_ =	sdelay $0x4  }
0x5a8: {  	v1 =	vshll.u32 v0, $0x3  }
0x5a9: {  	v0 =	vand.u32 $0x7F, v0;
	v1 =	vand.u32 $0xFFFFFC00, v1  }
0x5aa: {  	v0 =	vor.u32 v0, v1;
	_ =	sdelay $0x4  }
0x5ab: {  	v1 =	vld.idx.msk [tilespmem:v0+s18+$0x0], $0xffff  }
0x5ac: {  	v2 =	vor.u32 $0x80, v0;
	_ =	sdelay $0x1  }
0x5ad: {  	s0 =	sadd.s32 $0x11800, s0  }
0x5ae: {  	s13 =	sor.u32 s1, s0  }
0x5af: {  	[tilespmem:s13+$0x0] =	vst v1  }
0x5b0: {  	v1 =	vld.idx.msk [tilespmem:v2+s18+$0x0], $0xffff  }
0x5b1: {  	v2 =	vor.u32 $0x100, v0;
	_ =	sdelay $0x3  }
0x5b2: {  	[tilespmem:s13+$0x80] =	vst v1  }
0x5b3: {  	v1 =	vld.idx.msk [tilespmem:v2+s18+$0x0], $0xffff  }
0x5b4: {  	v2 =	vor.u32 $0x180, v0;
	_ =	sdelay $0x3  }
0x5b5: {  	[tilespmem:s13+$0x100] =	vst v1  }
0x5b6: {  	v1 =	vld.idx.msk [tilespmem:v2+s18+$0x0], $0xffff  }
0x5b7: {  	v2 =	vor.u32 $0x200, v0;
	_ =	sdelay $0x3  }
0x5b8: {  	[tilespmem:s13+$0x180] =	vst v1  }
0x5b9: {  	v1 =	vld.idx.msk [tilespmem:v2+s18+$0x0], $0xffff  }
0x5ba: {  	v2 =	vor.u32 $0x280, v0;
	_ =	sdelay $0x3  }
0x5bb: {  	[tilespmem:s13+$0x200] =	vst v1  }
0x5bc: {  	v1 =	vld.idx.msk [tilespmem:v2+s18+$0x0], $0xffff  }
0x5bd: {  	v2 =	vor.u32 $0x300, v0;
	_ =	sdelay $0x3  }
0x5be: {  	[tilespmem:s13+$0x280] =	vst v1  }
0x5bf: {  	v1 =	vld.idx.msk [tilespmem:v2+s18+$0x0], $0xffff  }
0x5c0: {  	s16 =	sand.u32 $0x3, s5;
	v0 =	vor.u32 $0x380, v0  }
0x5c1: {  	s4 =	sshll.u32 s16, $0x5  }
0x5c2: {  	s4 =	sadd.s32 $0x0, s4  }
0x5c3: {  	s6 =	sor.u32 $0x300, s4  }
0x5c4: {  	[tilespmem:s6+$0x11800] =	vst v1  }
0x5c5: {  	v0 =	vld.idx.msk [tilespmem:v0+s18+$0x0], $0xffff;
	_ =	sdelay $0x2  }
0x5c6: {  	s20 =	sor.u32 s5, s5  }
0x5c7: {  	s1 =	sor.u32 $0x10, s1;
	s6 =	sor.u32 $0x380, s20  }
0x5c8: {  	s2 =	sadd.s32 s1, s2;
	[tilespmem:s6+$0x11800] =	vst v0  }
0x5c9: {  	v0 =	vld [tilespmem:s2+$0x0];
	_ =	sdelay $0x4  }
0x5ca: {  	v1 =	vshll.u32 v0, $0x3  }
0x5cb: {  	v0 =	vand.u32 $0x7F, v0;
	v1 =	vand.u32 $0xFFFFFC00, v1  }
0x5cc: {  	v0 =	vor.u32 v0, v1;
	_ =	sdelay $0x4  }
0x5cd: {  	v1 =	vld.idx.msk [tilespmem:v0+s18+$0x0], $0xffff  }
0x5ce: {  	v2 =	vor.u32 $0x80, v0;
	_ =	sdelay $0x2  }
0x5cf: {  	s0 =	sor.u32 s1, s0  }
0x5d0: {  	[tilespmem:s0+$0x0] =	vst v1  }
0x5d1: {  	v1 =	vld.idx.msk [tilespmem:v2+s18+$0x0], $0xffff  }
0x5d2: {  	v2 =	vor.u32 $0x100, v0;
	_ =	sdelay $0x3  }
0x5d3: {  	[tilespmem:s0+$0x80] =	vst v1  }
0x5d4: {  	v1 =	vld.idx.msk [tilespmem:v2+s18+$0x0], $0xffff  }
0x5d5: {  	v2 =	vor.u32 $0x180, v0;
	_ =	sdelay $0x3  }
0x5d6: {  	[tilespmem:s0+$0x100] =	vst v1  }
0x5d7: {  	v1 =	vld.idx.msk [tilespmem:v2+s18+$0x0], $0xffff  }
0x5d8: {  	v2 =	vor.u32 $0x200, v0;
	_ =	sdelay $0x3  }
0x5d9: {  	[tilespmem:s0+$0x180] =	vst v1  }
0x5da: {  	v1 =	vld.idx.msk [tilespmem:v2+s18+$0x0], $0xffff  }
0x5db: {  	v2 =	vor.u32 $0x280, v0;
	_ =	sdelay $0x3  }
0x5dc: {  	[tilespmem:s0+$0x200] =	vst v1  }
0x5dd: {  	v1 =	vld.idx.msk [tilespmem:v2+s18+$0x0], $0xffff  }
0x5de: {  	v2 =	vor.u32 $0x300, v0;
	_ =	sdelay $0x3  }
0x5df: {  	[tilespmem:s0+$0x280] =	vst v1  }
0x5e0: {  	v1 =	vld.idx.msk [tilespmem:v2+s18+$0x0], $0xffff  }
0x5e1: {  	v0 =	vor.u32 $0x380, v0;
	_ =	sdelay $0x1  }
0x5e2: {  	s4 =	sadd.s32 $0x10, s4  }
0x5e3: {  	s21 =	sor.u32 $0x300, s4  }
0x5e4: {  	[tilespmem:s21+$0x11800] =	vst v1  }
0x5e5: {  	s1 =	simm.s32 $0x100;
	v0 =	vld.idx.msk [tilespmem:v0+s18+$0x0], $0xffff  }
0x5e6: {  	s22 =	sand.u32 $0x1C00, s1  }
0x5e7: {  	s16 =	sor.u32 s22, s9;
	s4 =	sor.u32 $0x380, s4;
	s0 =	simm.s32 $0x20  }
0x5e8: {  	s13 =	sadd.s32 $0x11800, s22;
	s2 =	simm.s32 $0x40;
	s20 =	sand.u32 $0x60, s0  }
.LBB3_35:
0x5e9: {  	s12 =	sadd.s32 s20, s16  }
0x5ea: {  	[tilespmem:s4+$0x11800] =	vst v0;
	s5 =	sadd.s32 $0x1, s5;
	s4 =	smov.u32 s2;
	s6 =	sadd.s32 $0x20, s2  }
0x5eb: {  	p0 =	sne.s32 s2, $0x3E0;
	v0 =	vld [tilespmem:s12+$0x0];
	_ =	sdelay $0x4  }
0x5ec: {  	v1 =	vshll.u32 v0, $0x3  }
0x5ed: {  	v0 =	vand.u32 $0x7F, v0;
	v1 =	vand.u32 $0xFFFFFC00, v1  }
0x5ee: {  	v0 =	vor.u32 v0, v1;
	_ =	sdelay $0x4  }
0x5ef: {  	v1 =	vld.idx.msk [tilespmem:v0+s18+$0x0], $0xffff;
	_ =	sdelay $0x1  }
0x5f0: {  	v2 =	vor.u32 $0x80, v0;
	_ =	sdelay $0x2  }
0x5f1: {  	s2 =	sor.u32 s20, s13  }
0x5f2: {  	[tilespmem:s2+$0x0] =	vst v1  }
0x5f3: {  	v1 =	vld.idx.msk [tilespmem:v2+s18+$0x0], $0xffff;
	_ =	sdelay $0x1  }
0x5f4: {  	v2 =	vor.u32 $0x100, v0;
	_ =	sdelay $0x3  }
0x5f5: {  	[tilespmem:s2+$0x80] =	vst v1  }
0x5f6: {  	v1 =	vld.idx.msk [tilespmem:v2+s18+$0x0], $0xffff;
	_ =	sdelay $0x1  }
0x5f7: {  	v2 =	vor.u32 $0x180, v0;
	_ =	sdelay $0x3  }
0x5f8: {  	[tilespmem:s2+$0x100] =	vst v1  }
0x5f9: {  	v1 =	vld.idx.msk [tilespmem:v2+s18+$0x0], $0xffff;
	_ =	sdelay $0x1  }
0x5fa: {  	v2 =	vor.u32 $0x200, v0;
	_ =	sdelay $0x3  }
0x5fb: {  	[tilespmem:s2+$0x180] =	vst v1  }
0x5fc: {  	v1 =	vld.idx.msk [tilespmem:v2+s18+$0x0], $0xffff;
	_ =	sdelay $0x1  }
0x5fd: {  	v2 =	vor.u32 $0x280, v0;
	_ =	sdelay $0x3  }
0x5fe: {  	[tilespmem:s2+$0x200] =	vst v1  }
0x5ff: {  	v1 =	vld.idx.msk [tilespmem:v2+s18+$0x0], $0xffff;
	_ =	sdelay $0x1  }
0x600: {  	v2 =	vor.u32 $0x300, v0;
	_ =	sdelay $0x3  }
0x601: {  	[tilespmem:s2+$0x280] =	vst v1  }
0x602: {  	v1 =	vld.idx.msk [tilespmem:v2+s18+$0x0], $0xffff;
	_ =	sdelay $0x1  }
0x603: {  	v0 =	vor.u32 $0x380, v0;
	s2 =	sand.u32 $0x3, s5  }
0x604: {  	s2 =	sshll.u32 s2, $0x5  }
0x605: {  	s2 =	sadd.s32 s2, s1  }
0x606: {  	s12 =	sor.u32 $0x300, s2;
	s2 =	sadd.s32 $0x10, s2  }
0x607: {  	[tilespmem:s12+$0x11800] =	vst v1  }
0x608: {  	v0 =	vld.idx.msk [tilespmem:v0+s18+$0x0], $0xffff;
	_ =	sdelay $0x3  }
0x609: {  	s12 =	sor.u32 s1, s0;
	s0 =	smov.u32 s4  }
0x60a: {  	s4 =	sor.u32 $0x380, s12;
	s12 =	sor.u32 $0x10, s20  }
0x60b: {  	[tilespmem:s4+$0x11800] =	vst v0;
	s4 =	sadd.s32 s12, s16  }
0x60c: {  	v0 =	vld [tilespmem:s4+$0x0];
	_ =	sdelay $0x4  }
0x60d: {  	v1 =	vshll.u32 v0, $0x3  }
0x60e: {  	v0 =	vand.u32 $0x7F, v0;
	v1 =	vand.u32 $0xFFFFFC00, v1  }
0x60f: {  	v0 =	vor.u32 v0, v1;
	_ =	sdelay $0x4  }
0x610: {  	v1 =	vld.idx.msk [tilespmem:v0+s18+$0x0], $0xffff;
	_ =	sdelay $0x1  }
0x611: {  	v2 =	vor.u32 $0x80, v0;
	_ =	sdelay $0x2  }
0x612: {  	s4 =	sor.u32 s12, s13  }
0x613: {  	[tilespmem:s4+$0x0] =	vst v1  }
0x614: {  	v1 =	vld.idx.msk [tilespmem:v2+s18+$0x0], $0xffff;
	_ =	sdelay $0x1  }
0x615: {  	v2 =	vor.u32 $0x100, v0;
	_ =	sdelay $0x3  }
0x616: {  	[tilespmem:s4+$0x80] =	vst v1  }
0x617: {  	v1 =	vld.idx.msk [tilespmem:v2+s18+$0x0], $0xffff;
	_ =	sdelay $0x1  }
0x618: {  	v2 =	vor.u32 $0x180, v0;
	_ =	sdelay $0x3  }
0x619: {  	[tilespmem:s4+$0x100] =	vst v1  }
0x61a: {  	v1 =	vld.idx.msk [tilespmem:v2+s18+$0x0], $0xffff;
	_ =	sdelay $0x1  }
0x61b: {  	v2 =	vor.u32 $0x200, v0;
	_ =	sdelay $0x3  }
0x61c: {  	[tilespmem:s4+$0x180] =	vst v1  }
0x61d: {  	v1 =	vld.idx.msk [tilespmem:v2+s18+$0x0], $0xffff;
	_ =	sdelay $0x1  }
0x61e: {  	v2 =	vor.u32 $0x280, v0;
	_ =	sdelay $0x3  }
0x61f: {  	[tilespmem:s4+$0x200] =	vst v1  }
0x620: {  	v1 =	vld.idx.msk [tilespmem:v2+s18+$0x0], $0xffff;
	_ =	sdelay $0x1  }
0x621: {  	v2 =	vor.u32 $0x300, v0;
	_ =	sdelay $0x3  }
0x622: {  	[tilespmem:s4+$0x280] =	vst v1  }
0x623: {  	v1 =	vld.idx.msk [tilespmem:v2+s18+$0x0], $0xffff;
	_ =	sdelay $0x1  }
0x624: {  	v0 =	vor.u32 $0x380, v0;
	_ =	sdelay $0x2  }
0x625: {  	s4 =	sor.u32 $0x300, s2  }
0x626: {  	[tilespmem:s4+$0x11800] =	vst v1  }
0x627: {  	v0 =	vld.idx.msk [tilespmem:v0+s18+$0x0], $0xffff  }
.Ltmp20:
0x628: {  	(pc) =	sbr.rel @p0 .LBB3_35-.Ltmp20, $4  }
0x629: {  	_ = 	snop  }
0x62a: {  	s1 =	sadd.s32 $0x100, s1  }
0x62b: {  	s20 =	sand.u32 $0x60, s0;
	s12 =	sand.u32 $0x1C00, s1;
	s4 =	sor.u32 $0x380, s2  }
0x62c: {  	s16 =	sor.u32 s12, s9;
	s13 =	sadd.s32 $0x11800, s12;
	s2 =	smov.u32 s6  }
0x62d: {  	s2 =	sadd.s32 s20, s16;
	[tilespmem:s4+$0x11800] =	vst v0  }
0x62e: {  	v0 =	vld [tilespmem:s2+$0x0];
	_ =	sdelay $0x4  }
0x62f: {  	v1 =	vshll.u32 v0, $0x3  }
0x630: {  	v0 =	vand.u32 $0x7F, v0;
	v1 =	vand.u32 $0xFFFFFC00, v1  }
0x631: {  	v0 =	vor.u32 v0, v1;
	_ =	sdelay $0x4  }
0x632: {  	v1 =	vld.idx.msk [tilespmem:v0+s18+$0x0], $0xffff  }
0x633: {  	v2 =	vor.u32 $0x80, v0;
	_ =	sdelay $0x2  }
0x634: {  	s22 =	sor.u32 s20, s13  }
0x635: {  	[tilespmem:s22+$0x0] =	vst v1  }
0x636: {  	v1 =	vld.idx.msk [tilespmem:v2+s18+$0x0], $0xffff  }
0x637: {  	v52 =	vor.u32 $0x100, v0;
	_ =	sdelay $0x3  }
0x638: {  	[tilespmem:s22+$0x80] =	vst v1  }
0x639: {  	v1 =	vld.idx.msk [tilespmem:v52+s18+$0x0], $0xffff  }
0x63a: {  	v53 =	vor.u32 $0x180, v0;
	_ =	sdelay $0x3  }
0x63b: {  	[tilespmem:s22+$0x100] =	vst v1  }
0x63c: {  	v1 =	vld.idx.msk [tilespmem:v53+s18+$0x0], $0xffff  }
0x63d: {  	v54 =	vor.u32 $0x200, v0;
	_ =	sdelay $0x3  }
0x63e: {  	[tilespmem:s22+$0x180] =	vst v1  }
0x63f: {  	v1 =	vld.idx.msk [tilespmem:v54+s18+$0x0], $0xffff  }
0x640: {  	v55 =	vor.u32 $0x280, v0;
	_ =	sdelay $0x3  }
0x641: {  	[tilespmem:s22+$0x200] =	vst v1  }
0x642: {  	v1 =	vld.idx.msk [tilespmem:v55+s18+$0x0], $0xffff  }
0x643: {  	v56 =	vor.u32 $0x300, v0;
	_ =	sdelay $0x3  }
0x644: {  	[tilespmem:s22+$0x280] =	vst v1  }
0x645: {  	s4 =	sadd.s32 $0x1, s5;
	v1 =	vld.idx.msk [tilespmem:v56+s18+$0x0], $0xffff  }
0x646: {  	s2 =	sand.u32 $0x3, s4;
	v0 =	vor.u32 $0x380, v0  }
0x647: {  	s2 =	sshll.u32 s2, $0x5  }
0x648: {  	s2 =	sadd.s32 s2, s1  }
0x649: {  	s5 =	sor.u32 $0x300, s2  }
0x64a: {  	[tilespmem:s5+$0x11800] =	vst v1  }
0x64b: {  	v0 =	vld.idx.msk [tilespmem:v0+s18+$0x0], $0xffff;
	_ =	sdelay $0x2  }
0x64c: {  	s0 =	sor.u32 s1, s0  }
0x64d: {  	s6 =	sor.u32 $0x10, s20;
	s0 =	sor.u32 $0x380, s0  }
0x64e: {  	s9 =	sadd.s32 s6, s16;
	[tilespmem:s0+$0x11800] =	vst v0  }
0x64f: {  	v0 =	vld [tilespmem:s9+$0x0];
	_ =	sdelay $0x4  }
0x650: {  	v57 =	vshll.u32 v0, $0x3  }
0x651: {  	v0 =	vand.u32 $0x7F, v0;
	v1 =	vand.u32 $0xFFFFFC00, v57  }
0x652: {  	v0 =	vor.u32 v0, v1;
	_ =	sdelay $0x4  }
0x653: {  	v1 =	vld.idx.msk [tilespmem:v0+s18+$0x0], $0xffff  }
0x654: {  	v58 =	vor.u32 $0x80, v0;
	_ =	sdelay $0x2  }
0x655: {  	s12 =	sor.u32 s6, s13  }
0x656: {  	[tilespmem:s12+$0x0] =	vst v1  }
0x657: {  	v1 =	vld.idx.msk [tilespmem:v58+s18+$0x0], $0xffff  }
0x658: {  	v59 =	vor.u32 $0x100, v0;
	_ =	sdelay $0x3  }
0x659: {  	[tilespmem:s12+$0x80] =	vst v1  }
0x65a: {  	v1 =	vld.idx.msk [tilespmem:v59+s18+$0x0], $0xffff  }
0x65b: {  	v60 =	vor.u32 $0x180, v0;
	_ =	sdelay $0x3  }
0x65c: {  	[tilespmem:s12+$0x100] =	vst v1  }
0x65d: {  	v1 =	vld.idx.msk [tilespmem:v60+s18+$0x0], $0xffff  }
0x65e: {  	v61 =	vor.u32 $0x200, v0;
	_ =	sdelay $0x3  }
0x65f: {  	[tilespmem:s12+$0x180] =	vst v1  }
0x660: {  	v1 =	vld.idx.msk [tilespmem:v61+s18+$0x0], $0xffff  }
0x661: {  	v62 =	vor.u32 $0x280, v0;
	_ =	sdelay $0x3  }
0x662: {  	[tilespmem:s12+$0x200] =	vst v1  }
0x663: {  	v1 =	vld.idx.msk [tilespmem:v62+s18+$0x0], $0xffff  }
0x664: {  	v63 =	vor.u32 $0x300, v0;
	_ =	sdelay $0x3  }
0x665: {  	[tilespmem:s12+$0x280] =	vst v1  }
0x666: {  	v1 =	vld.idx.msk [tilespmem:v63+s18+$0x0], $0xffff  }
0x667: {  	v0 =	vor.u32 $0x380, v0;
	_ =	sdelay $0x1  }
0x668: {  	s13 =	sadd.s32 $0x10, s2  }
0x669: {  	s16 =	sor.u32 $0x300, s13  }
0x66a: {  	[tilespmem:s16+$0x11800] =	vst v1  }
0x66b: {  	v0 =	vld.idx.msk [tilespmem:v0+s18+$0x0], $0xffff  }
0x66c: {  	s7 =	sadd.s32 $0x1, s7  }
0x66d: {  	p0 =	sne.s32 s7, $0x14  }
.Ltmp21:
0x66e: {  	s20 =	sshll.u32 s8, $0x13;
	(pc) =	sbr.rel @p0 .LBB3_28-.Ltmp21, $4  }
0x66f: {  	s1 =	sor.u32 s15, s20;
	s0 =	sor.u32 $0x380, s13  }
0x670: {  	s21 =	sshrl.u32 s1, $0x3;
	[tilespmem:s0+$0x11800] =	vst v0  }
0x671: {  	s22 =	simm.s32 $0x11800;
	s0 =	sadd.s32 s30, s21;
	[bflag:$0x0] =	sbarrier.arrive $0xFFFF  }
0x672: {  	[hbm4b:s0+s10] =	stream.linear.scatter [tilespmem:s22], [sflag:$0x8], $0x2000, $0x38;
	[tilespmem:$0x1B800] =	vst v63  }
0x673: {  	s0 =	simm.s32 $0x7  }
0x674: {  	_ =	swait.ge [sflag:s0], $0x2000  }
0x675: {  	[sflag:s0] =	ssyncset.done $0x0  }
0x676: {  	s20 =	simm.s32 $0x8;
	[sflag:s0] =	ssyncadd.s32 $0xFFFFE000  }
0x677: {  	_ =	swait.ge [sflag:s20], $0x2000  }
0x678: {  	[sflag:s20] =	ssyncset.done $0x0  }
0x679: {  	s21 =	simm.s32 $0x3;
	[sflag:s20] =	ssyncadd.s32 $0xFFFFE000  }
0x67a: {  	_ =	swait.ge [sflag:s21], $0x2000  }
0x67b: {  	[sflag:s21] =	ssyncset.done $0x0  }
0x67c: {  	[sflag:s21] =	ssyncadd.s32 $0xFFFFE000  }
0x67d: {  	_ =	swait.ge [sflag:s21], $0x2000  }
0x67e: {  	[sflag:s21] =	ssyncset.done $0x0  }
0x67f: {  	s1 =	simm.s32 $0x4;
	[sflag:s21] =	ssyncadd.s32 $0xFFFFE000  }
0x680: {  	_ =	swait.ge [sflag:s1], $0x2000  }
0x681: {  	[sflag:s1] =	ssyncset.done $0x0  }
0x682: {  	[sflag:s1] =	ssyncadd.s32 $0xFFFFE000  }
0x683: {  	_ =	swait.ge [sflag:s1], $0x2000  }
0x684: {  	s2 =	rddreg [dreg:$0x1c]  }
0x685: {  	s22 =	rddreg [dreg:$0x1b];
	s2 =	sadd.s32 $0x1, s2  }
0x686: {  	p0 =	sne.s32 s2, s22  }
.Ltmp22:
0x687: {  	_ = 	snop;
	(pc) =	sbr.rel @p0 .LBB3_1-.Ltmp22, $3  }
0x688: {  	_ =	sdelay $0x1  }
0x689: {  	s12 =	simm.s32 $0x9;
	[sflag:s1] =	ssyncset.done $0x0  }
0x68a: {  	s13 =	simm.s32 $0x6800;
	s15 =	simm.s32 $0x2000;
	[sflag:s1] =	ssyncadd.s32 $0xFFFFE000  }
0x68b: {  	_ =	sfence.sel $0x180000  }
0x68c: {  	[bflag:$0x0] =	sbarrier.arrive $0xFFFF  }
0x68d: {  	_ =	strace $0x90000047  }
0x68e: {  	s0 =	stileid.u32;
	[bflag:$0x2] =	sbarrier.arrive $0xFFFF  }
0x68f: {  	p0 =	sne.s32 s0, $0x0;
	s0 =	rddreg [dreg:$0xe]  }
0x690: {  	s0 =	sadd.s32 @!p0 $0x100000, s0  }
0x691: {  	[sflag:s0] =	ssyncadd.tile.s32 @!p0 $0x1;
	_ =	shalt  }
.Lfunc_end3:
_tile_overlayer_lowered:
.L_overlay_start_3:
0x692: {  	(tag) =	ssettag $0x3  }
0x693: {  	s0 =	rddreg [dreg:$0x0];
	s2 =	stileid.u32  }
0x694: {  	s1 =	rddreg [dreg:$0x1];
	p0 =	sne.s32 s2, $0x0  }
0x695: {  	s3 =	rddreg [dreg:$0x2];
	[bflag:$0x3] =	sbarrier.arrive $0xFFFF;
	s2 =	simm.s32 @!p0 $0x1C09  }
0x696: {  	[timem:s3], [sflag:s2] =	dma.local @!p0 [hbm:s0], s1  }
0x697: {  	s0 =	simm.s32 @!p0 $0x9  }
0x698: {  	_ =	swait.ge @!p0 [sflag:s0], s1  }
0x699: {  	s1 =	ssub.s32 @!p0 $0x0, s1;
	[sflag:s0] =	ssyncset.done @!p0 $0x0  }
0x69a: {  	[sflag:s0] =	ssyncadd.s32 @!p0 s1  }
0x69b: {  	[bflag:$0x3] =	sbarrier.arrive $0xFFFF  }
0x69c: {  	_ =	shalt  }

</sc_bundles>
